<compile_context>
chip_gen: v7x
topology: tpu7x:2x2x1
jax: 0.10.2.dev20260603
libtpu: 0.0.44.dev20260713+nightly
codegen_flags: <defaults>
</compile_context>

<pallas_src>
import jax
import jax.numpy as jnp
from jax import lax
from jax.experimental import pallas as pl
from jax.experimental.pallas import tpu as pltpu
from jax.experimental.pallas import tpu_sc as plsc

NC = 2
NS = 16
L = 16
NW = NC * NS

B = 16384
D = 64
BPW = B // NW
PE = 16
NP = BPW // PE


def _mf_body(uidx_hbm, iidx_hbm, utab_hbm, itab_hbm, out_hbm,
             uidx_v, iidx_v, ua_v, ia_v, ub_v, ib_v, out_v, sema, semb):
    wid = lax.axis_index("s") * NC + lax.axis_index("c")
    base = wid * BPW

    pltpu.sync_copy(uidx_hbm.at[wid], uidx_v)
    pltpu.sync_copy(iidx_hbm.at[wid], iidx_v)

    lane = lax.broadcasted_iota(jnp.int32, (L,), 0)

    def issue(p, ubuf, ibuf, sem):
        vecu = uidx_v[0, pl.ds(p * PE, L)]
        veci = iidx_v[0, pl.ds(p * PE, L)]
        for r in range(L):
            ub = pl.multiple_of((vecu[r] >> 3) * 8, 8)
            ib = pl.multiple_of((veci[r] >> 3) * 8, 8)
            pltpu.make_async_copy(
                utab_hbm.at[pl.ds(ub, 8), :],
                ubuf.at[pl.ds(r * 8, 8), :], sem).start()
            pltpu.make_async_copy(
                itab_hbm.at[pl.ds(ib, 8), :],
                ibuf.at[pl.ds(r * 8, 8), :], sem).start()

    def drain(ubuf, ibuf, sem):
        pltpu.make_async_copy(
            utab_hbm.at[pl.ds(0, PE * 8), :], ubuf, sem).wait()
        pltpu.make_async_copy(
            itab_hbm.at[pl.ds(0, PE * 8), :], ibuf, sem).wait()

    def compute(p, ubuf, ibuf):
        vecu = uidx_v[0, pl.ds(p * PE, L)]
        veci = iidx_v[0, pl.ds(p * PE, L)]
        vec = jnp.zeros((L,), jnp.float32)
        for r in range(L):
            su = r * 8 + (vecu[r] & 7)
            si = r * 8 + (veci[r] & 7)
            acc = ubuf[su, pl.ds(0, L)] * ibuf[si, pl.ds(0, L)]
            for k in range(1, D // L):
                acc = acc + (ubuf[su, pl.ds(k * L, L)]
                             * ibuf[si, pl.ds(k * L, L)])
            vec = jnp.where(lane == r, jnp.sum(acc), vec)
        out_v[pl.ds(p * PE, L)] = vec

    issue(0, ua_v, ia_v, sema)

    def pipe_body(k, carry):
        p = k * 2
        issue(p + 1, ub_v, ib_v, semb)
        drain(ua_v, ia_v, sema)
        compute(p, ua_v, ia_v)

        @pl.when(k < NP // 2 - 1)
        def _():
            issue(p + 2, ua_v, ia_v, sema)

        drain(ub_v, ib_v, semb)
        compute(p + 1, ub_v, ib_v)
        return carry

    lax.fori_loop(0, NP // 2, pipe_body, 0)

    pltpu.sync_copy(out_v, out_hbm.at[pl.ds(base, BPW)])


_mf_call = pl.kernel(
    _mf_body,
    out_type=jax.ShapeDtypeStruct((B,), jnp.float32),
    mesh=plsc.VectorSubcoreMesh(core_axis_name="c", subcore_axis_name="s"),
    compiler_params=pltpu.CompilerParams(
        needs_layout_passes=False, use_tc_tiling_on_sc=True),
    scratch_types=[
        pltpu.VMEM((1, BPW), jnp.int32),
        pltpu.VMEM((1, BPW), jnp.int32),
        pltpu.VMEM((PE * 8, D), jnp.float32),
        pltpu.VMEM((PE * 8, D), jnp.float32),
        pltpu.VMEM((PE * 8, D), jnp.float32),
        pltpu.VMEM((PE * 8, D), jnp.float32),
        pltpu.VMEM((BPW,), jnp.float32),
        pltpu.SemaphoreType.DMA,
        pltpu.SemaphoreType.DMA,
    ],
)


@jax.jit
def kernel(user_indices, item_indices, user_table, item_table):
    uidx = user_indices.astype(jnp.int32).reshape(NW, 1, BPW)
    iidx = item_indices.astype(jnp.int32).reshape(NW, 1, BPW)
    return _mf_call(uidx, iidx, user_table, item_table)

# --- scband reference (transcript-rebuilt; emitter-appended) ---
"""Pipeline reference for scband-mf-23467701305692 (READ-ONLY COPY).

The authoritative reference and input builder live on the scoring server;
editing this copy changes nothing except your own understanding.
"""

import jax, jax.numpy as jnp
import numpy as np

NUM_USERS = 100000
NUM_ITEMS = 1000000
LATENT_DIM = 64
BATCH = 16384

def setup_inputs(seed: int = 0) -> dict:
    key = jax.random.key(seed)
    k1, k2, k3, k4 = jax.random.split(key, 4)
    user_indices = jax.random.randint(k1, (BATCH,), 0, NUM_USERS, dtype=jnp.int64) if jax.config.jax_enable_x64 else jax.random.randint(k1, (BATCH,), 0, NUM_USERS).astype(jnp.int32)
    item_indices = jax.random.randint(k2, (BATCH,), 0, NUM_ITEMS, dtype=jnp.int64) if jax.config.jax_enable_x64 else jax.random.randint(k2, (BATCH,), 0, NUM_ITEMS).astype(jnp.int32)
    user_table = jax.random.normal(k3, (NUM_USERS + 1, LATENT_DIM), dtype=jnp.float32)
    item_table = jax.random.normal(k4, (NUM_ITEMS + 1, LATENT_DIM), dtype=jnp.float32)
    return {"user_indices": user_indices, "item_indices": item_indices, "user_table": user_table, "item_table": item_table}

def reference(user_indices, item_indices, user_table, item_table):
    user_embedding = jnp.take(user_table, user_indices, axis=0)
    item_embedding = jnp.take(item_table, item_indices, axis=0)
    output = (user_embedding * item_embedding).sum(axis=1)
    return output

if __name__ == "__main__":
    import jax
    _d = setup_inputs()
    print(jax.jit(kernel)(*tuple(_d.values())))

</pallas_src>

<mosaic_0001>
#map = affine_map<(d0, d1) -> (0, 0, 0)>
#map1 = affine_map<(d0, d1) -> (0, 0)>
#map2 = affine_map<(d0, d1) -> (0)>
module attributes {stable_mosaic.version = 14 : i64} {
  func.func @_mf_body(%arg0: i32, %arg1: i32, %arg2: memref<32x1x512xi32, #tpu.memory_space<hbm>>, %arg3: memref<32x1x512xi32, #tpu.memory_space<hbm>>, %arg4: memref<100001x64xf32, #tpu.memory_space<hbm>>, %arg5: memref<1000001x64xf32, #tpu.memory_space<hbm>>, %arg6: memref<16384xf32, #tpu.memory_space<hbm>>, %arg7: memref<1x512xi32, #tpu.memory_space<vmem>>, %arg8: memref<1x512xi32, #tpu.memory_space<vmem>>, %arg9: memref<128x64xf32, #tpu.memory_space<vmem>>, %arg10: memref<128x64xf32, #tpu.memory_space<vmem>>, %arg11: memref<128x64xf32, #tpu.memory_space<vmem>>, %arg12: memref<128x64xf32, #tpu.memory_space<vmem>>, %arg13: memref<512xf32, #tpu.memory_space<vmem>>, %arg14: memref<!tpu.dma_semaphore, #tpu.memory_space<semaphore_mem>>, %arg15: memref<!tpu.dma_semaphore, #tpu.memory_space<semaphore_mem>>) attributes {dimension_semantics = [#tpu.dimension_semantics<core_parallel>, #tpu.dimension_semantics<subcore_parallel>], iteration_bounds = array<i64: 2, 16>, scalar_prefetch = 0 : i64, scratch_operands = 9 : i64, tpu.core_type = #tpu.core_type<sc_vector_subcore>, window_params = [{transform_indices = #map}, {transform_indices = #map}, {transform_indices = #map1}, {transform_indices = #map1}, {transform_indices = #map2}]} {
    %mul3A = arith.constant 2 : i32
    %mul3A_0 = arith.muli %arg1, %mul3A : i32
    %add3A = arith.addi %mul3A_0, %arg0 : i32
    %mul3A_1 = arith.constant 512 : i32
    %mul3A_2 = arith.muli %add3A, %mul3A_1 : i32
    "tpu.region"() ({
      %run_scoped3A = tpu.sem_alloc : memref<!tpu.dma_semaphore, #tpu.memory_space<semaphore_mem>>
      %dma_start3A_554 = arith.constant 0 : i32
      %dma_start3A_555 = arith.constant 0 : i32
      %dma_start3A_556 = tpu.memref_slice %arg2[%add3A, %dma_start3A_554, %dma_start3A_555] : memref<32x1x512xi32, #tpu.memory_space<hbm>> -> memref<1x1x512xi32, #tpu.memory_space<hbm>>
      %dma_start3A_557 = tpu.memref_squeeze %dma_start3A_556 : memref<1x1x512xi32, #tpu.memory_space<hbm>> -> memref<1x512xi32, #tpu.memory_space<hbm>>
      %dma_start3A_558 = arith.constant 0 : i32
      %dma_start3A_559 = arith.constant 0 : i32
      %dma_start3A_560 = tpu.memref_slice %arg2[%add3A, %dma_start3A_558, %dma_start3A_559] : memref<32x1x512xi32, #tpu.memory_space<hbm>> -> memref<1x1x512xi32, #tpu.memory_space<hbm>>
      %dma_start3A_561 = tpu.memref_squeeze %dma_start3A_560 : memref<1x1x512xi32, #tpu.memory_space<hbm>> -> memref<1x512xi32, #tpu.memory_space<hbm>>
      tpu.enqueue_dma source(%dma_start3A_561 : memref<1x512xi32, #tpu.memory_space<hbm>>) target(%arg7 : memref<1x512xi32, #tpu.memory_space<vmem>>) target_semaphore(%run_scoped3A : memref<!tpu.dma_semaphore, #tpu.memory_space<semaphore_mem>>)
      %dma_wait3A = arith.constant 0 : i32
      %dma_wait3A_562 = arith.constant 0 : i32
      %dma_wait3A_563 = tpu.memref_slice %arg2[%add3A, %dma_wait3A, %dma_wait3A_562] : memref<32x1x512xi32, #tpu.memory_space<hbm>> -> memref<1x1x512xi32, #tpu.memory_space<hbm>>
      %dma_wait3A_564 = tpu.memref_squeeze %dma_wait3A_563 : memref<1x1x512xi32, #tpu.memory_space<hbm>> -> memref<1x512xi32, #tpu.memory_space<hbm>>
      %dma_wait3A_565 = arith.constant 0 : i32
      %dma_wait3A_566 = arith.constant 0 : i32
      %dma_wait3A_567 = tpu.memref_slice %arg2[%add3A, %dma_wait3A_565, %dma_wait3A_566] : memref<32x1x512xi32, #tpu.memory_space<hbm>> -> memref<1x1x512xi32, #tpu.memory_space<hbm>>
      %dma_wait3A_568 = tpu.memref_squeeze %dma_wait3A_567 : memref<1x1x512xi32, #tpu.memory_space<hbm>> -> memref<1x512xi32, #tpu.memory_space<hbm>>
      tpu.wait_dma2 semaphore(%run_scoped3A : memref<!tpu.dma_semaphore, #tpu.memory_space<semaphore_mem>>) src(%dma_wait3A_568 : memref<1x512xi32, #tpu.memory_space<hbm>>) dst(%arg7 : memref<1x512xi32, #tpu.memory_space<vmem>>)
      tpu.yield
    }) : () -> ()
    "tpu.region"() ({
      %run_scoped3A = tpu.sem_alloc : memref<!tpu.dma_semaphore, #tpu.memory_space<semaphore_mem>>
      %dma_start3A_554 = arith.constant 0 : i32
      %dma_start3A_555 = arith.constant 0 : i32
      %dma_start3A_556 = tpu.memref_slice %arg3[%add3A, %dma_start3A_554, %dma_start3A_555] : memref<32x1x512xi32, #tpu.memory_space<hbm>> -> memref<1x1x512xi32, #tpu.memory_space<hbm>>
      %dma_start3A_557 = tpu.memref_squeeze %dma_start3A_556 : memref<1x1x512xi32, #tpu.memory_space<hbm>> -> memref<1x512xi32, #tpu.memory_space<hbm>>
      %dma_start3A_558 = arith.constant 0 : i32
      %dma_start3A_559 = arith.constant 0 : i32
      %dma_start3A_560 = tpu.memref_slice %arg3[%add3A, %dma_start3A_558, %dma_start3A_559] : memref<32x1x512xi32, #tpu.memory_space<hbm>> -> memref<1x1x512xi32, #tpu.memory_space<hbm>>
      %dma_start3A_561 = tpu.memref_squeeze %dma_start3A_560 : memref<1x1x512xi32, #tpu.memory_space<hbm>> -> memref<1x512xi32, #tpu.memory_space<hbm>>
      tpu.enqueue_dma source(%dma_start3A_561 : memref<1x512xi32, #tpu.memory_space<hbm>>) target(%arg8 : memref<1x512xi32, #tpu.memory_space<vmem>>) target_semaphore(%run_scoped3A : memref<!tpu.dma_semaphore, #tpu.memory_space<semaphore_mem>>)
      %dma_wait3A = arith.constant 0 : i32
      %dma_wait3A_562 = arith.constant 0 : i32
      %dma_wait3A_563 = tpu.memref_slice %arg3[%add3A, %dma_wait3A, %dma_wait3A_562] : memref<32x1x512xi32, #tpu.memory_space<hbm>> -> memref<1x1x512xi32, #tpu.memory_space<hbm>>
      %dma_wait3A_564 = tpu.memref_squeeze %dma_wait3A_563 : memref<1x1x512xi32, #tpu.memory_space<hbm>> -> memref<1x512xi32, #tpu.memory_space<hbm>>
      %dma_wait3A_565 = arith.constant 0 : i32
      %dma_wait3A_566 = arith.constant 0 : i32
      %dma_wait3A_567 = tpu.memref_slice %arg3[%add3A, %dma_wait3A_565, %dma_wait3A_566] : memref<32x1x512xi32, #tpu.memory_space<hbm>> -> memref<1x1x512xi32, #tpu.memory_space<hbm>>
      %dma_wait3A_568 = tpu.memref_squeeze %dma_wait3A_567 : memref<1x1x512xi32, #tpu.memory_space<hbm>> -> memref<1x512xi32, #tpu.memory_space<hbm>>
      tpu.wait_dma2 semaphore(%run_scoped3A : memref<!tpu.dma_semaphore, #tpu.memory_space<semaphore_mem>>) src(%dma_wait3A_568 : memref<1x512xi32, #tpu.memory_space<hbm>>) dst(%arg8 : memref<1x512xi32, #tpu.memory_space<vmem>>)
      tpu.yield
    }) : () -> ()
    %iota3A = tpu.iota {dimensions = array<i32: 0>} : vector<16xi32>
    %get3A = arith.constant 0 : i32
    %get3A_3 = arith.index_cast %get3A : i32 to index
    %get3A_4 = arith.constant 0 : index
    %get3A_5 = tpu.vector_load %arg7[%get3A_3, %get3A_4] {strides = array<i32>} : memref<1x512xi32, #tpu.memory_space<vmem>>, vector<16xi32>,
    %get3A_6 = arith.constant 0 : i32
    %get3A_7 = arith.index_cast %get3A_6 : i32 to index
    %get3A_8 = arith.constant 0 : index
    %get3A_9 = tpu.vector_load %arg8[%get3A_7, %get3A_8] {strides = array<i32>} : memref<1x512xi32, #tpu.memory_space<vmem>>, vector<16xi32>,
    %slice3A = vector.extract_strided_slice %get3A_5 {offsets = [0], sizes = [1], strides = [1]} : vector<16xi32> to vector<1xi32>
    %squeeze3A = vector.extract %slice3A[0] : i32 from vector<1xi32>
    %shift_right_arithmetic3A = arith.constant 3 : i32
    %shift_right_arithmetic3A_10 = arith.shrsi %squeeze3A, %shift_right_arithmetic3A : i32
    %mul3A_11 = arith.constant 8 : i32
    %mul3A_12 = arith.muli %shift_right_arithmetic3A_10, %mul3A_11 : i32
    %multiple_of3A = tpu.assume_multiple %mul3A_12, 8 : i32
    %slice3A_13 = vector.extract_strided_slice %get3A_9 {offsets = [0], sizes = [1], strides = [1]} : vector<16xi32> to vector<1xi32>
    %squeeze3A_14 = vector.extract %slice3A_13[0] : i32 from vector<1xi32>
    %shift_right_arithmetic3A_15 = arith.constant 3 : i32
    %shift_right_arithmetic3A_16 = arith.shrsi %squeeze3A_14, %shift_right_arithmetic3A_15 : i32
    %mul3A_17 = arith.constant 8 : i32
    %mul3A_18 = arith.muli %shift_right_arithmetic3A_16, %mul3A_17 : i32
    %multiple_of3A_19 = tpu.assume_multiple %mul3A_18, 8 : i32
    %dma_start3A = arith.constant 0 : i32
    %dma_start3A_20 = arith.constant 0 : i32
    %dma_start3A_21 = tpu.memref_slice %arg9[%dma_start3A, %dma_start3A_20] : memref<128x64xf32, #tpu.memory_space<vmem>> -> memref<8x64xf32, #tpu.memory_space<vmem>>
    %dma_start3A_22 = arith.constant 0 : i32
    %dma_start3A_23 = tpu.memref_slice %arg4[%multiple_of3A, %dma_start3A_22] : memref<100001x64xf32, #tpu.memory_space<hbm>> -> memref<8x64xf32, #tpu.memory_space<hbm>>
    %dma_start3A_24 = arith.constant 0 : i32
    %dma_start3A_25 = arith.constant 0 : i32
    %dma_start3A_26 = tpu.memref_slice %arg9[%dma_start3A_24, %dma_start3A_25] : memref<128x64xf32, #tpu.memory_space<vmem>> -> memref<8x64xf32, #tpu.memory_space<vmem>>
    %dma_start3A_27 = arith.constant 0 : i32
    %dma_start3A_28 = tpu.memref_slice %arg4[%multiple_of3A, %dma_start3A_27] : memref<100001x64xf32, #tpu.memory_space<hbm>> -> memref<8x64xf32, #tpu.memory_space<hbm>>
    tpu.enqueue_dma source(%dma_start3A_28 : memref<8x64xf32, #tpu.memory_space<hbm>>) target(%dma_start3A_26 : memref<8x64xf32, #tpu.memory_space<vmem>>) target_semaphore(%arg14 : memref<!tpu.dma_semaphore, #tpu.memory_space<semaphore_mem>>)
    %dma_start3A_29 = arith.constant 0 : i32
    %dma_start3A_30 = arith.constant 0 : i32
    %dma_start3A_31 = tpu.memref_slice %arg10[%dma_start3A_29, %dma_start3A_30] : memref<128x64xf32, #tpu.memory_space<vmem>> -> memref<8x64xf32, #tpu.memory_space<vmem>>
    %dma_start3A_32 = arith.constant 0 : i32
    %dma_start3A_33 = tpu.memref_slice %arg5[%multiple_of3A_19, %dma_start3A_32] : memref<1000001x64xf32, #tpu.memory_space<hbm>> -> memref<8x64xf32, #tpu.memory_space<hbm>>
    %dma_start3A_34 = arith.constant 0 : i32
    %dma_start3A_35 = arith.constant 0 : i32
    %dma_start3A_36 = tpu.memref_slice %arg10[%dma_start3A_34, %dma_start3A_35] : memref<128x64xf32, #tpu.memory_space<vmem>> -> memref<8x64xf32, #tpu.memory_space<vmem>>
    %dma_start3A_37 = arith.constant 0 : i32
    %dma_start3A_38 = tpu.memref_slice %arg5[%multiple_of3A_19, %dma_start3A_37] : memref<1000001x64xf32, #tpu.memory_space<hbm>> -> memref<8x64xf32, #tpu.memory_space<hbm>>
    tpu.enqueue_dma source(%dma_start3A_38 : memref<8x64xf32, #tpu.memory_space<hbm>>) target(%dma_start3A_36 : memref<8x64xf32, #tpu.memory_space<vmem>>) target_semaphore(%arg14 : memref<!tpu.dma_semaphore, #tpu.memory_space<semaphore_mem>>)
    %slice3A_39 = vector.extract_strided_slice %get3A_5 {offsets = [1], sizes = [1], strides = [1]} : vector<16xi32> to vector<1xi32>
    %squeeze3A_40 = vector.extract %slice3A_39[0] : i32 from vector<1xi32>
    %shift_right_arithmetic3A_41 = arith.constant 3 : i32
    %shift_right_arithmetic3A_42 = arith.shrsi %squeeze3A_40, %shift_right_arithmetic3A_41 : i32
    %mul3A_43 = arith.constant 8 : i32
    %mul3A_44 = arith.muli %shift_right_arithmetic3A_42, %mul3A_43 : i32
    %multiple_of3A_45 = tpu.assume_multiple %mul3A_44, 8 : i32
    %slice3A_46 = vector.extract_strided_slice %get3A_9 {offsets = [1], sizes = [1], strides = [1]} : vector<16xi32> to vector<1xi32>
    %squeeze3A_47 = vector.extract %slice3A_46[0] : i32 from vector<1xi32>
    %shift_right_arithmetic3A_48 = arith.constant 3 : i32
    %shift_right_arithmetic3A_49 = arith.shrsi %squeeze3A_47, %shift_right_arithmetic3A_48 : i32
    %mul3A_50 = arith.constant 8 : i32
    %mul3A_51 = arith.muli %shift_right_arithmetic3A_49, %mul3A_50 : i32
    %multiple_of3A_52 = tpu.assume_multiple %mul3A_51, 8 : i32
    %dma_start3A_53 = arith.constant 8 : i32
    %dma_start3A_54 = arith.constant 0 : i32
    %dma_start3A_55 = tpu.memref_slice %arg9[%dma_start3A_53, %dma_start3A_54] : memref<128x64xf32, #tpu.memory_space<vmem>> -> memref<8x64xf32, #tpu.memory_space<vmem>>
    %dma_start3A_56 = arith.constant 0 : i32
    %dma_start3A_57 = tpu.memref_slice %arg4[%multiple_of3A_45, %dma_start3A_56] : memref<100001x64xf32, #tpu.memory_space<hbm>> -> memref<8x64xf32, #tpu.memory_space<hbm>>
    %dma_start3A_58 = arith.constant 8 : i32
    %dma_start3A_59 = arith.constant 0 : i32
    %dma_start3A_60 = tpu.memref_slice %arg9[%dma_start3A_58, %dma_start3A_59] : memref<128x64xf32, #tpu.memory_space<vmem>> -> memref<8x64xf32, #tpu.memory_space<vmem>>
    %dma_start3A_61 = arith.constant 0 : i32
    %dma_start3A_62 = tpu.memref_slice %arg4[%multiple_of3A_45, %dma_start3A_61] : memref<100001x64xf32, #tpu.memory_space<hbm>> -> memref<8x64xf32, #tpu.memory_space<hbm>>
    tpu.enqueue_dma source(%dma_start3A_62 : memref<8x64xf32, #tpu.memory_space<hbm>>) target(%dma_start3A_60 : memref<8x64xf32, #tpu.memory_space<vmem>>) target_semaphore(%arg14 : memref<!tpu.dma_semaphore, #tpu.memory_space<semaphore_mem>>)
    %dma_start3A_63 = arith.constant 8 : i32
    %dma_start3A_64 = arith.constant 0 : i32
    %dma_start3A_65 = tpu.memref_slice %arg10[%dma_start3A_63, %dma_start3A_64] : memref<128x64xf32, #tpu.memory_space<vmem>> -> memref<8x64xf32, #tpu.memory_space<vmem>>
    %dma_start3A_66 = arith.constant 0 : i32
    %dma_start3A_67 = tpu.memref_slice %arg5[%multiple_of3A_52, %dma_start3A_66] : memref<1000001x64xf32, #tpu.memory_space<hbm>> -> memref<8x64xf32, #tpu.memory_space<hbm>>
    %dma_start3A_68 = arith.constant 8 : i32
    %dma_start3A_69 = arith.constant 0 : i32
    %dma_start3A_70 = tpu.memref_slice %arg10[%dma_start3A_68, %dma_start3A_69] : memref<128x64xf32, #tpu.memory_space<vmem>> -> memref<8x64xf32, #tpu.memory_space<vmem>>
    %dma_start3A_71 = arith.constant 0 : i32
    %dma_start3A_72 = tpu.memref_slice %arg5[%multiple_of3A_52, %dma_start3A_71] : memref<1000001x64xf32, #tpu.memory_space<hbm>> -> memref<8x64xf32, #tpu.memory_space<hbm>>
    tpu.enqueue_dma source(%dma_start3A_72 : memref<8x64xf32, #tpu.memory_space<hbm>>) target(%dma_start3A_70 : memref<8x64xf32, #tpu.memory_space<vmem>>) target_semaphore(%arg14 : memref<!tpu.dma_semaphore, #tpu.memory_space<semaphore_mem>>)
    %slice3A_73 = vector.extract_strided_slice %get3A_5 {offsets = [2], sizes = [1], strides = [1]} : vector<16xi32> to vector<1xi32>
    %squeeze3A_74 = vector.extract %slice3A_73[0] : i32 from vector<1xi32>
    %shift_right_arithmetic3A_75 = arith.constant 3 : i32
    %shift_right_arithmetic3A_76 = arith.shrsi %squeeze3A_74, %shift_right_arithmetic3A_75 : i32
    %mul3A_77 = arith.constant 8 : i32
    %mul3A_78 = arith.muli %shift_right_arithmetic3A_76, %mul3A_77 : i32
    %multiple_of3A_79 = tpu.assume_multiple %mul3A_78, 8 : i32
    %slice3A_80 = vector.extract_strided_slice %get3A_9 {offsets = [2], sizes = [1], strides = [1]} : vector<16xi32> to vector<1xi32>
    %squeeze3A_81 = vector.extract %slice3A_80[0] : i32 from vector<1xi32>
    %shift_right_arithmetic3A_82 = arith.constant 3 : i32
    %shift_right_arithmetic3A_83 = arith.shrsi %squeeze3A_81, %shift_right_arithmetic3A_82 : i32
    %mul3A_84 = arith.constant 8 : i32
    %mul3A_85 = arith.muli %shift_right_arithmetic3A_83, %mul3A_84 : i32
    %multiple_of3A_86 = tpu.assume_multiple %mul3A_85, 8 : i32
    %dma_start3A_87 = arith.constant 16 : i32
    %dma_start3A_88 = arith.constant 0 : i32
    %dma_start3A_89 = tpu.memref_slice %arg9[%dma_start3A_87, %dma_start3A_88] : memref<128x64xf32, #tpu.memory_space<vmem>> -> memref<8x64xf32, #tpu.memory_space<vmem>>
    %dma_start3A_90 = arith.constant 0 : i32
    %dma_start3A_91 = tpu.memref_slice %arg4[%multiple_of3A_79, %dma_start3A_90] : memref<100001x64xf32, #tpu.memory_space<hbm>> -> memref<8x64xf32, #tpu.memory_space<hbm>>
    %dma_start3A_92 = arith.constant 16 : i32
    %dma_start3A_93 = arith.constant 0 : i32
    %dma_start3A_94 = tpu.memref_slice %arg9[%dma_start3A_92, %dma_start3A_93] : memref<128x64xf32, #tpu.memory_space<vmem>> -> memref<8x64xf32, #tpu.memory_space<vmem>>
    %dma_start3A_95 = arith.constant 0 : i32
    %dma_start3A_96 = tpu.memref_slice %arg4[%multiple_of3A_79, %dma_start3A_95] : memref<100001x64xf32, #tpu.memory_space<hbm>> -> memref<8x64xf32, #tpu.memory_space<hbm>>
    tpu.enqueue_dma source(%dma_start3A_96 : memref<8x64xf32, #tpu.memory_space<hbm>>) target(%dma_start3A_94 : memref<8x64xf32, #tpu.memory_space<vmem>>) target_semaphore(%arg14 : memref<!tpu.dma_semaphore, #tpu.memory_space<semaphore_mem>>)
    %dma_start3A_97 = arith.constant 16 : i32
    %dma_start3A_98 = arith.constant 0 : i32
    %dma_start3A_99 = tpu.memref_slice %arg10[%dma_start3A_97, %dma_start3A_98] : memref<128x64xf32, #tpu.memory_space<vmem>> -> memref<8x64xf32, #tpu.memory_space<vmem>>
    %dma_start3A_100 = arith.constant 0 : i32
    %dma_start3A_101 = tpu.memref_slice %arg5[%multiple_of3A_86, %dma_start3A_100] : memref<1000001x64xf32, #tpu.memory_space<hbm>> -> memref<8x64xf32, #tpu.memory_space<hbm>>
    %dma_start3A_102 = arith.constant 16 : i32
    %dma_start3A_103 = arith.constant 0 : i32
    %dma_start3A_104 = tpu.memref_slice %arg10[%dma_start3A_102, %dma_start3A_103] : memref<128x64xf32, #tpu.memory_space<vmem>> -> memref<8x64xf32, #tpu.memory_space<vmem>>
    %dma_start3A_105 = arith.constant 0 : i32
    %dma_start3A_106 = tpu.memref_slice %arg5[%multiple_of3A_86, %dma_start3A_105] : memref<1000001x64xf32, #tpu.memory_space<hbm>> -> memref<8x64xf32, #tpu.memory_space<hbm>>
    tpu.enqueue_dma source(%dma_start3A_106 : memref<8x64xf32, #tpu.memory_space<hbm>>) target(%dma_start3A_104 : memref<8x64xf32, #tpu.memory_space<vmem>>) target_semaphore(%arg14 : memref<!tpu.dma_semaphore, #tpu.memory_space<semaphore_mem>>)
    %slice3A_107 = vector.extract_strided_slice %get3A_5 {offsets = [3], sizes = [1], strides = [1]} : vector<16xi32> to vector<1xi32>
    %squeeze3A_108 = vector.extract %slice3A_107[0] : i32 from vector<1xi32>
    %shift_right_arithmetic3A_109 = arith.constant 3 : i32
    %shift_right_arithmetic3A_110 = arith.shrsi %squeeze3A_108, %shift_right_arithmetic3A_109 : i32
    %mul3A_111 = arith.constant 8 : i32
    %mul3A_112 = arith.muli %shift_right_arithmetic3A_110, %mul3A_111 : i32
    %multiple_of3A_113 = tpu.assume_multiple %mul3A_112, 8 : i32
    %slice3A_114 = vector.extract_strided_slice %get3A_9 {offsets = [3], sizes = [1], strides = [1]} : vector<16xi32> to vector<1xi32>
    %squeeze3A_115 = vector.extract %slice3A_114[0] : i32 from vector<1xi32>
    %shift_right_arithmetic3A_116 = arith.constant 3 : i32
    %shift_right_arithmetic3A_117 = arith.shrsi %squeeze3A_115, %shift_right_arithmetic3A_116 : i32
    %mul3A_118 = arith.constant 8 : i32
    %mul3A_119 = arith.muli %shift_right_arithmetic3A_117, %mul3A_118 : i32
    %multiple_of3A_120 = tpu.assume_multiple %mul3A_119, 8 : i32
    %dma_start3A_121 = arith.constant 24 : i32
    %dma_start3A_122 = arith.constant 0 : i32
    %dma_start3A_123 = tpu.memref_slice %arg9[%dma_start3A_121, %dma_start3A_122] : memref<128x64xf32, #tpu.memory_space<vmem>> -> memref<8x64xf32, #tpu.memory_space<vmem>>
    %dma_start3A_124 = arith.constant 0 : i32
    %dma_start3A_125 = tpu.memref_slice %arg4[%multiple_of3A_113, %dma_start3A_124] : memref<100001x64xf32, #tpu.memory_space<hbm>> -> memref<8x64xf32, #tpu.memory_space<hbm>>
    %dma_start3A_126 = arith.constant 24 : i32
    %dma_start3A_127 = arith.constant 0 : i32
    %dma_start3A_128 = tpu.memref_slice %arg9[%dma_start3A_126, %dma_start3A_127] : memref<128x64xf32, #tpu.memory_space<vmem>> -> memref<8x64xf32, #tpu.memory_space<vmem>>
    %dma_start3A_129 = arith.constant 0 : i32
    %dma_start3A_130 = tpu.memref_slice %arg4[%multiple_of3A_113, %dma_start3A_129] : memref<100001x64xf32, #tpu.memory_space<hbm>> -> memref<8x64xf32, #tpu.memory_space<hbm>>
    tpu.enqueue_dma source(%dma_start3A_130 : memref<8x64xf32, #tpu.memory_space<hbm>>) target(%dma_start3A_128 : memref<8x64xf32, #tpu.memory_space<vmem>>) target_semaphore(%arg14 : memref<!tpu.dma_semaphore, #tpu.memory_space<semaphore_mem>>)
    %dma_start3A_131 = arith.constant 24 : i32
    %dma_start3A_132 = arith.constant 0 : i32
    %dma_start3A_133 = tpu.memref_slice %arg10[%dma_start3A_131, %dma_start3A_132] : memref<128x64xf32, #tpu.memory_space<vmem>> -> memref<8x64xf32, #tpu.memory_space<vmem>>
    %dma_start3A_134 = arith.constant 0 : i32
    %dma_start3A_135 = tpu.memref_slice %arg5[%multiple_of3A_120, %dma_start3A_134] : memref<1000001x64xf32, #tpu.memory_space<hbm>> -> memref<8x64xf32, #tpu.memory_space<hbm>>
    %dma_start3A_136 = arith.constant 24 : i32
    %dma_start3A_137 = arith.constant 0 : i32
    %dma_start3A_138 = tpu.memref_slice %arg10[%dma_start3A_136, %dma_start3A_137] : memref<128x64xf32, #tpu.memory_space<vmem>> -> memref<8x64xf32, #tpu.memory_space<vmem>>
    %dma_start3A_139 = arith.constant 0 : i32
    %dma_start3A_140 = tpu.memref_slice %arg5[%multiple_of3A_120, %dma_start3A_139] : memref<1000001x64xf32, #tpu.memory_space<hbm>> -> memref<8x64xf32, #tpu.memory_space<hbm>>
    tpu.enqueue_dma source(%dma_start3A_140 : memref<8x64xf32, #tpu.memory_space<hbm>>) target(%dma_start3A_138 : memref<8x64xf32, #tpu.memory_space<vmem>>) target_semaphore(%arg14 : memref<!tpu.dma_semaphore, #tpu.memory_space<semaphore_mem>>)
    %slice3A_141 = vector.extract_strided_slice %get3A_5 {offsets = [4], sizes = [1], strides = [1]} : vector<16xi32> to vector<1xi32>
    %squeeze3A_142 = vector.extract %slice3A_141[0] : i32 from vector<1xi32>
    %shift_right_arithmetic3A_143 = arith.constant 3 : i32
    %shift_right_arithmetic3A_144 = arith.shrsi %squeeze3A_142, %shift_right_arithmetic3A_143 : i32
    %mul3A_145 = arith.constant 8 : i32
    %mul3A_146 = arith.muli %shift_right_arithmetic3A_144, %mul3A_145 : i32
    %multiple_of3A_147 = tpu.assume_multiple %mul3A_146, 8 : i32
    %slice3A_148 = vector.extract_strided_slice %get3A_9 {offsets = [4], sizes = [1], strides = [1]} : vector<16xi32> to vector<1xi32>
    %squeeze3A_149 = vector.extract %slice3A_148[0] : i32 from vector<1xi32>
    %shift_right_arithmetic3A_150 = arith.constant 3 : i32
    %shift_right_arithmetic3A_151 = arith.shrsi %squeeze3A_149, %shift_right_arithmetic3A_150 : i32
    %mul3A_152 = arith.constant 8 : i32
    %mul3A_153 = arith.muli %shift_right_arithmetic3A_151, %mul3A_152 : i32
    %multiple_of3A_154 = tpu.assume_multiple %mul3A_153, 8 : i32
    %dma_start3A_155 = arith.constant 32 : i32
    %dma_start3A_156 = arith.constant 0 : i32
    %dma_start3A_157 = tpu.memref_slice %arg9[%dma_start3A_155, %dma_start3A_156] : memref<128x64xf32, #tpu.memory_space<vmem>> -> memref<8x64xf32, #tpu.memory_space<vmem>>
    %dma_start3A_158 = arith.constant 0 : i32
    %dma_start3A_159 = tpu.memref_slice %arg4[%multiple_of3A_147, %dma_start3A_158] : memref<100001x64xf32, #tpu.memory_space<hbm>> -> memref<8x64xf32, #tpu.memory_space<hbm>>
    %dma_start3A_160 = arith.constant 32 : i32
    %dma_start3A_161 = arith.constant 0 : i32
    %dma_start3A_162 = tpu.memref_slice %arg9[%dma_start3A_160, %dma_start3A_161] : memref<128x64xf32, #tpu.memory_space<vmem>> -> memref<8x64xf32, #tpu.memory_space<vmem>>
    %dma_start3A_163 = arith.constant 0 : i32
    %dma_start3A_164 = tpu.memref_slice %arg4[%multiple_of3A_147, %dma_start3A_163] : memref<100001x64xf32, #tpu.memory_space<hbm>> -> memref<8x64xf32, #tpu.memory_space<hbm>>
    tpu.enqueue_dma source(%dma_start3A_164 : memref<8x64xf32, #tpu.memory_space<hbm>>) target(%dma_start3A_162 : memref<8x64xf32, #tpu.memory_space<vmem>>) target_semaphore(%arg14 : memref<!tpu.dma_semaphore, #tpu.memory_space<semaphore_mem>>)
    %dma_start3A_165 = arith.constant 32 : i32
    %dma_start3A_166 = arith.constant 0 : i32
    %dma_start3A_167 = tpu.memref_slice %arg10[%dma_start3A_165, %dma_start3A_166] : memref<128x64xf32, #tpu.memory_space<vmem>> -> memref<8x64xf32, #tpu.memory_space<vmem>>
    %dma_start3A_168 = arith.constant 0 : i32
    %dma_start3A_169 = tpu.memref_slice %arg5[%multiple_of3A_154, %dma_start3A_168] : memref<1000001x64xf32, #tpu.memory_space<hbm>> -> memref<8x64xf32, #tpu.memory_space<hbm>>
    %dma_start3A_170 = arith.constant 32 : i32
    %dma_start3A_171 = arith.constant 0 : i32
    %dma_start3A_172 = tpu.memref_slice %arg10[%dma_start3A_170, %dma_start3A_171] : memref<128x64xf32, #tpu.memory_space<vmem>> -> memref<8x64xf32, #tpu.memory_space<vmem>>
    %dma_start3A_173 = arith.constant 0 : i32
    %dma_start3A_174 = tpu.memref_slice %arg5[%multiple_of3A_154, %dma_start3A_173] : memref<1000001x64xf32, #tpu.memory_space<hbm>> -> memref<8x64xf32, #tpu.memory_space<hbm>>
    tpu.enqueue_dma source(%dma_start3A_174 : memref<8x64xf32, #tpu.memory_space<hbm>>) target(%dma_start3A_172 : memref<8x64xf32, #tpu.memory_space<vmem>>) target_semaphore(%arg14 : memref<!tpu.dma_semaphore, #tpu.memory_space<semaphore_mem>>)
    %slice3A_175 = vector.extract_strided_slice %get3A_5 {offsets = [5], sizes = [1], strides = [1]} : vector<16xi32> to vector<1xi32>
    %squeeze3A_176 = vector.extract %slice3A_175[0] : i32 from vector<1xi32>
    %shift_right_arithmetic3A_177 = arith.constant 3 : i32
    %shift_right_arithmetic3A_178 = arith.shrsi %squeeze3A_176, %shift_right_arithmetic3A_177 : i32
    %mul3A_179 = arith.constant 8 : i32
    %mul3A_180 = arith.muli %shift_right_arithmetic3A_178, %mul3A_179 : i32
    %multiple_of3A_181 = tpu.assume_multiple %mul3A_180, 8 : i32
    %slice3A_182 = vector.extract_strided_slice %get3A_9 {offsets = [5], sizes = [1], strides = [1]} : vector<16xi32> to vector<1xi32>
    %squeeze3A_183 = vector.extract %slice3A_182[0] : i32 from vector<1xi32>
    %shift_right_arithmetic3A_184 = arith.constant 3 : i32
    %shift_right_arithmetic3A_185 = arith.shrsi %squeeze3A_183, %shift_right_arithmetic3A_184 : i32
    %mul3A_186 = arith.constant 8 : i32
    %mul3A_187 = arith.muli %shift_right_arithmetic3A_185, %mul3A_186 : i32
    %multiple_of3A_188 = tpu.assume_multiple %mul3A_187, 8 : i32
    %dma_start3A_189 = arith.constant 40 : i32
    %dma_start3A_190 = arith.constant 0 : i32
    %dma_start3A_191 = tpu.memref_slice %arg9[%dma_start3A_189, %dma_start3A_190] : memref<128x64xf32, #tpu.memory_space<vmem>> -> memref<8x64xf32, #tpu.memory_space<vmem>>
    %dma_start3A_192 = arith.constant 0 : i32
    %dma_start3A_193 = tpu.memref_slice %arg4[%multiple_of3A_181, %dma_start3A_192] : memref<100001x64xf32, #tpu.memory_space<hbm>> -> memref<8x64xf32, #tpu.memory_space<hbm>>
    %dma_start3A_194 = arith.constant 40 : i32
    %dma_start3A_195 = arith.constant 0 : i32
    %dma_start3A_196 = tpu.memref_slice %arg9[%dma_start3A_194, %dma_start3A_195] : memref<128x64xf32, #tpu.memory_space<vmem>> -> memref<8x64xf32, #tpu.memory_space<vmem>>
    %dma_start3A_197 = arith.constant 0 : i32
    %dma_start3A_198 = tpu.memref_slice %arg4[%multiple_of3A_181, %dma_start3A_197] : memref<100001x64xf32, #tpu.memory_space<hbm>> -> memref<8x64xf32, #tpu.memory_space<hbm>>
    tpu.enqueue_dma source(%dma_start3A_198 : memref<8x64xf32, #tpu.memory_space<hbm>>) target(%dma_start3A_196 : memref<8x64xf32, #tpu.memory_space<vmem>>) target_semaphore(%arg14 : memref<!tpu.dma_semaphore, #tpu.memory_space<semaphore_mem>>)
    %dma_start3A_199 = arith.constant 40 : i32
    %dma_start3A_200 = arith.constant 0 : i32
    %dma_start3A_201 = tpu.memref_slice %arg10[%dma_start3A_199, %dma_start3A_200] : memref<128x64xf32, #tpu.memory_space<vmem>> -> memref<8x64xf32, #tpu.memory_space<vmem>>
    %dma_start3A_202 = arith.constant 0 : i32
    %dma_start3A_203 = tpu.memref_slice %arg5[%multiple_of3A_188, %dma_start3A_202] : memref<1000001x64xf32, #tpu.memory_space<hbm>> -> memref<8x64xf32, #tpu.memory_space<hbm>>
    %dma_start3A_204 = arith.constant 40 : i32
    %dma_start3A_205 = arith.constant 0 : i32
    %dma_start3A_206 = tpu.memref_slice %arg10[%dma_start3A_204, %dma_start3A_205] : memref<128x64xf32, #tpu.memory_space<vmem>> -> memref<8x64xf32, #tpu.memory_space<vmem>>
    %dma_start3A_207 = arith.constant 0 : i32
    %dma_start3A_208 = tpu.memref_slice %arg5[%multiple_of3A_188, %dma_start3A_207] : memref<1000001x64xf32, #tpu.memory_space<hbm>> -> memref<8x64xf32, #tpu.memory_space<hbm>>
    tpu.enqueue_dma source(%dma_start3A_208 : memref<8x64xf32, #tpu.memory_space<hbm>>) target(%dma_start3A_206 : memref<8x64xf32, #tpu.memory_space<vmem>>) target_semaphore(%arg14 : memref<!tpu.dma_semaphore, #tpu.memory_space<semaphore_mem>>)
    %slice3A_209 = vector.extract_strided_slice %get3A_5 {offsets = [6], sizes = [1], strides = [1]} : vector<16xi32> to vector<1xi32>
    %squeeze3A_210 = vector.extract %slice3A_209[0] : i32 from vector<1xi32>
    %shift_right_arithmetic3A_211 = arith.constant 3 : i32
    %shift_right_arithmetic3A_212 = arith.shrsi %squeeze3A_210, %shift_right_arithmetic3A_211 : i32
    %mul3A_213 = arith.constant 8 : i32
    %mul3A_214 = arith.muli %shift_right_arithmetic3A_212, %mul3A_213 : i32
    %multiple_of3A_215 = tpu.assume_multiple %mul3A_214, 8 : i32
    %slice3A_216 = vector.extract_strided_slice %get3A_9 {offsets = [6], sizes = [1], strides = [1]} : vector<16xi32> to vector<1xi32>
    %squeeze3A_217 = vector.extract %slice3A_216[0] : i32 from vector<1xi32>
    %shift_right_arithmetic3A_218 = arith.constant 3 : i32
    %shift_right_arithmetic3A_219 = arith.shrsi %squeeze3A_217, %shift_right_arithmetic3A_218 : i32
    %mul3A_220 = arith.constant 8 : i32
    %mul3A_221 = arith.muli %shift_right_arithmetic3A_219, %mul3A_220 : i32
    %multiple_of3A_222 = tpu.assume_multiple %mul3A_221, 8 : i32
    %dma_start3A_223 = arith.constant 48 : i32
    %dma_start3A_224 = arith.constant 0 : i32
    %dma_start3A_225 = tpu.memref_slice %arg9[%dma_start3A_223, %dma_start3A_224] : memref<128x64xf32, #tpu.memory_space<vmem>> -> memref<8x64xf32, #tpu.memory_space<vmem>>
    %dma_start3A_226 = arith.constant 0 : i32
    %dma_start3A_227 = tpu.memref_slice %arg4[%multiple_of3A_215, %dma_start3A_226] : memref<100001x64xf32, #tpu.memory_space<hbm>> -> memref<8x64xf32, #tpu.memory_space<hbm>>
    %dma_start3A_228 = arith.constant 48 : i32
    %dma_start3A_229 = arith.constant 0 : i32
    %dma_start3A_230 = tpu.memref_slice %arg9[%dma_start3A_228, %dma_start3A_229] : memref<128x64xf32, #tpu.memory_space<vmem>> -> memref<8x64xf32, #tpu.memory_space<vmem>>
    %dma_start3A_231 = arith.constant 0 : i32
    %dma_start3A_232 = tpu.memref_slice %arg4[%multiple_of3A_215, %dma_start3A_231] : memref<100001x64xf32, #tpu.memory_space<hbm>> -> memref<8x64xf32, #tpu.memory_space<hbm>>
    tpu.enqueue_dma source(%dma_start3A_232 : memref<8x64xf32, #tpu.memory_space<hbm>>) target(%dma_start3A_230 : memref<8x64xf32, #tpu.memory_space<vmem>>) target_semaphore(%arg14 : memref<!tpu.dma_semaphore, #tpu.memory_space<semaphore_mem>>)
    %dma_start3A_233 = arith.constant 48 : i32
    %dma_start3A_234 = arith.constant 0 : i32
    %dma_start3A_235 = tpu.memref_slice %arg10[%dma_start3A_233, %dma_start3A_234] : memref<128x64xf32, #tpu.memory_space<vmem>> -> memref<8x64xf32, #tpu.memory_space<vmem>>
    %dma_start3A_236 = arith.constant 0 : i32
    %dma_start3A_237 = tpu.memref_slice %arg5[%multiple_of3A_222, %dma_start3A_236] : memref<1000001x64xf32, #tpu.memory_space<hbm>> -> memref<8x64xf32, #tpu.memory_space<hbm>>
    %dma_start3A_238 = arith.constant 48 : i32
    %dma_start3A_239 = arith.constant 0 : i32
    %dma_start3A_240 = tpu.memref_slice %arg10[%dma_start3A_238, %dma_start3A_239] : memref<128x64xf32, #tpu.memory_space<vmem>> -> memref<8x64xf32, #tpu.memory_space<vmem>>
    %dma_start3A_241 = arith.constant 0 : i32
    %dma_start3A_242 = tpu.memref_slice %arg5[%multiple_of3A_222, %dma_start3A_241] : memref<1000001x64xf32, #tpu.memory_space<hbm>> -> memref<8x64xf32, #tpu.memory_space<hbm>>
    tpu.enqueue_dma source(%dma_start3A_242 : memref<8x64xf32, #tpu.memory_space<hbm>>) target(%dma_start3A_240 : memref<8x64xf32, #tpu.memory_space<vmem>>) target_semaphore(%arg14 : memref<!tpu.dma_semaphore, #tpu.memory_space<semaphore_mem>>)
    %slice3A_243 = vector.extract_strided_slice %get3A_5 {offsets = [7], sizes = [1], strides = [1]} : vector<16xi32> to vector<1xi32>
    %squeeze3A_244 = vector.extract %slice3A_243[0] : i32 from vector<1xi32>
    %shift_right_arithmetic3A_245 = arith.constant 3 : i32
    %shift_right_arithmetic3A_246 = arith.shrsi %squeeze3A_244, %shift_right_arithmetic3A_245 : i32
    %mul3A_247 = arith.constant 8 : i32
    %mul3A_248 = arith.muli %shift_right_arithmetic3A_246, %mul3A_247 : i32
    %multiple_of3A_249 = tpu.assume_multiple %mul3A_248, 8 : i32
    %slice3A_250 = vector.extract_strided_slice %get3A_9 {offsets = [7], sizes = [1], strides = [1]} : vector<16xi32> to vector<1xi32>
    %squeeze3A_251 = vector.extract %slice3A_250[0] : i32 from vector<1xi32>
    %shift_right_arithmetic3A_252 = arith.constant 3 : i32
    %shift_right_arithmetic3A_253 = arith.shrsi %squeeze3A_251, %shift_right_arithmetic3A_252 : i32
    %mul3A_254 = arith.constant 8 : i32
    %mul3A_255 = arith.muli %shift_right_arithmetic3A_253, %mul3A_254 : i32
    %multiple_of3A_256 = tpu.assume_multiple %mul3A_255, 8 : i32
    %dma_start3A_257 = arith.constant 56 : i32
    %dma_start3A_258 = arith.constant 0 : i32
    %dma_start3A_259 = tpu.memref_slice %arg9[%dma_start3A_257, %dma_start3A_258] : memref<128x64xf32, #tpu.memory_space<vmem>> -> memref<8x64xf32, #tpu.memory_space<vmem>>
    %dma_start3A_260 = arith.constant 0 : i32
    %dma_start3A_261 = tpu.memref_slice %arg4[%multiple_of3A_249, %dma_start3A_260] : memref<100001x64xf32, #tpu.memory_space<hbm>> -> memref<8x64xf32, #tpu.memory_space<hbm>>
    %dma_start3A_262 = arith.constant 56 : i32
    %dma_start3A_263 = arith.constant 0 : i32
    %dma_start3A_264 = tpu.memref_slice %arg9[%dma_start3A_262, %dma_start3A_263] : memref<128x64xf32, #tpu.memory_space<vmem>> -> memref<8x64xf32, #tpu.memory_space<vmem>>
    %dma_start3A_265 = arith.constant 0 : i32
    %dma_start3A_266 = tpu.memref_slice %arg4[%multiple_of3A_249, %dma_start3A_265] : memref<100001x64xf32, #tpu.memory_space<hbm>> -> memref<8x64xf32, #tpu.memory_space<hbm>>
    tpu.enqueue_dma source(%dma_start3A_266 : memref<8x64xf32, #tpu.memory_space<hbm>>) target(%dma_start3A_264 : memref<8x64xf32, #tpu.memory_space<vmem>>) target_semaphore(%arg14 : memref<!tpu.dma_semaphore, #tpu.memory_space<semaphore_mem>>)
    %dma_start3A_267 = arith.constant 56 : i32
    %dma_start3A_268 = arith.constant 0 : i32
    %dma_start3A_269 = tpu.memref_slice %arg10[%dma_start3A_267, %dma_start3A_268] : memref<128x64xf32, #tpu.memory_space<vmem>> -> memref<8x64xf32, #tpu.memory_space<vmem>>
    %dma_start3A_270 = arith.constant 0 : i32
    %dma_start3A_271 = tpu.memref_slice %arg5[%multiple_of3A_256, %dma_start3A_270] : memref<1000001x64xf32, #tpu.memory_space<hbm>> -> memref<8x64xf32, #tpu.memory_space<hbm>>
    %dma_start3A_272 = arith.constant 56 : i32
    %dma_start3A_273 = arith.constant 0 : i32
    %dma_start3A_274 = tpu.memref_slice %arg10[%dma_start3A_272, %dma_start3A_273] : memref<128x64xf32, #tpu.memory_space<vmem>> -> memref<8x64xf32, #tpu.memory_space<vmem>>
    %dma_start3A_275 = arith.constant 0 : i32
    %dma_start3A_276 = tpu.memref_slice %arg5[%multiple_of3A_256, %dma_start3A_275] : memref<1000001x64xf32, #tpu.memory_space<hbm>> -> memref<8x64xf32, #tpu.memory_space<hbm>>
    tpu.enqueue_dma source(%dma_start3A_276 : memref<8x64xf32, #tpu.memory_space<hbm>>) target(%dma_start3A_274 : memref<8x64xf32, #tpu.memory_space<vmem>>) target_semaphore(%arg14 : memref<!tpu.dma_semaphore, #tpu.memory_space<semaphore_mem>>)
    %slice3A_277 = vector.extract_strided_slice %get3A_5 {offsets = [8], sizes = [1], strides = [1]} : vector<16xi32> to vector<1xi32>
    %squeeze3A_278 = vector.extract %slice3A_277[0] : i32 from vector<1xi32>
    %shift_right_arithmetic3A_279 = arith.constant 3 : i32
    %shift_right_arithmetic3A_280 = arith.shrsi %squeeze3A_278, %shift_right_arithmetic3A_279 : i32
    %mul3A_281 = arith.constant 8 : i32
    %mul3A_282 = arith.muli %shift_right_arithmetic3A_280, %mul3A_281 : i32
    %multiple_of3A_283 = tpu.assume_multiple %mul3A_282, 8 : i32
    %slice3A_284 = vector.extract_strided_slice %get3A_9 {offsets = [8], sizes = [1], strides = [1]} : vector<16xi32> to vector<1xi32>
    %squeeze3A_285 = vector.extract %slice3A_284[0] : i32 from vector<1xi32>
    %shift_right_arithmetic3A_286 = arith.constant 3 : i32
    %shift_right_arithmetic3A_287 = arith.shrsi %squeeze3A_285, %shift_right_arithmetic3A_286 : i32
    %mul3A_288 = arith.constant 8 : i32
    %mul3A_289 = arith.muli %shift_right_arithmetic3A_287, %mul3A_288 : i32
    %multiple_of3A_290 = tpu.assume_multiple %mul3A_289, 8 : i32
    %dma_start3A_291 = arith.constant 64 : i32
    %dma_start3A_292 = arith.constant 0 : i32
    %dma_start3A_293 = tpu.memref_slice %arg9[%dma_start3A_291, %dma_start3A_292] : memref<128x64xf32, #tpu.memory_space<vmem>> -> memref<8x64xf32, #tpu.memory_space<vmem>>
    %dma_start3A_294 = arith.constant 0 : i32
    %dma_start3A_295 = tpu.memref_slice %arg4[%multiple_of3A_283, %dma_start3A_294] : memref<100001x64xf32, #tpu.memory_space<hbm>> -> memref<8x64xf32, #tpu.memory_space<hbm>>
    %dma_start3A_296 = arith.constant 64 : i32
    %dma_start3A_297 = arith.constant 0 : i32
    %dma_start3A_298 = tpu.memref_slice %arg9[%dma_start3A_296, %dma_start3A_297] : memref<128x64xf32, #tpu.memory_space<vmem>> -> memref<8x64xf32, #tpu.memory_space<vmem>>
    %dma_start3A_299 = arith.constant 0 : i32
    %dma_start3A_300 = tpu.memref_slice %arg4[%multiple_of3A_283, %dma_start3A_299] : memref<100001x64xf32, #tpu.memory_space<hbm>> -> memref<8x64xf32, #tpu.memory_space<hbm>>
    tpu.enqueue_dma source(%dma_start3A_300 : memref<8x64xf32, #tpu.memory_space<hbm>>) target(%dma_start3A_298 : memref<8x64xf32, #tpu.memory_space<vmem>>) target_semaphore(%arg14 : memref<!tpu.dma_semaphore, #tpu.memory_space<semaphore_mem>>)
    %dma_start3A_301 = arith.constant 64 : i32
    %dma_start3A_302 = arith.constant 0 : i32
    %dma_start3A_303 = tpu.memref_slice %arg10[%dma_start3A_301, %dma_start3A_302] : memref<128x64xf32, #tpu.memory_space<vmem>> -> memref<8x64xf32, #tpu.memory_space<vmem>>
    %dma_start3A_304 = arith.constant 0 : i32
    %dma_start3A_305 = tpu.memref_slice %arg5[%multiple_of3A_290, %dma_start3A_304] : memref<1000001x64xf32, #tpu.memory_space<hbm>> -> memref<8x64xf32, #tpu.memory_space<hbm>>
    %dma_start3A_306 = arith.constant 64 : i32
    %dma_start3A_307 = arith.constant 0 : i32
    %dma_start3A_308 = tpu.memref_slice %arg10[%dma_start3A_306, %dma_start3A_307] : memref<128x64xf32, #tpu.memory_space<vmem>> -> memref<8x64xf32, #tpu.memory_space<vmem>>
    %dma_start3A_309 = arith.constant 0 : i32
    %dma_start3A_310 = tpu.memref_slice %arg5[%multiple_of3A_290, %dma_start3A_309] : memref<1000001x64xf32, #tpu.memory_space<hbm>> -> memref<8x64xf32, #tpu.memory_space<hbm>>
    tpu.enqueue_dma source(%dma_start3A_310 : memref<8x64xf32, #tpu.memory_space<hbm>>) target(%dma_start3A_308 : memref<8x64xf32, #tpu.memory_space<vmem>>) target_semaphore(%arg14 : memref<!tpu.dma_semaphore, #tpu.memory_space<semaphore_mem>>)
    %slice3A_311 = vector.extract_strided_slice %get3A_5 {offsets = [9], sizes = [1], strides = [1]} : vector<16xi32> to vector<1xi32>
    %squeeze3A_312 = vector.extract %slice3A_311[0] : i32 from vector<1xi32>
    %shift_right_arithmetic3A_313 = arith.constant 3 : i32
    %shift_right_arithmetic3A_314 = arith.shrsi %squeeze3A_312, %shift_right_arithmetic3A_313 : i32
    %mul3A_315 = arith.constant 8 : i32
    %mul3A_316 = arith.muli %shift_right_arithmetic3A_314, %mul3A_315 : i32
    %multiple_of3A_317 = tpu.assume_multiple %mul3A_316, 8 : i32
    %slice3A_318 = vector.extract_strided_slice %get3A_9 {offsets = [9], sizes = [1], strides = [1]} : vector<16xi32> to vector<1xi32>
    %squeeze3A_319 = vector.extract %slice3A_318[0] : i32 from vector<1xi32>
    %shift_right_arithmetic3A_320 = arith.constant 3 : i32
    %shift_right_arithmetic3A_321 = arith.shrsi %squeeze3A_319, %shift_right_arithmetic3A_320 : i32
    %mul3A_322 = arith.constant 8 : i32
    %mul3A_323 = arith.muli %shift_right_arithmetic3A_321, %mul3A_322 : i32
    %multiple_of3A_324 = tpu.assume_multiple %mul3A_323, 8 : i32
    %dma_start3A_325 = arith.constant 72 : i32
    %dma_start3A_326 = arith.constant 0 : i32
    %dma_start3A_327 = tpu.memref_slice %arg9[%dma_start3A_325, %dma_start3A_326] : memref<128x64xf32, #tpu.memory_space<vmem>> -> memref<8x64xf32, #tpu.memory_space<vmem>>
    %dma_start3A_328 = arith.constant 0 : i32
    %dma_start3A_329 = tpu.memref_slice %arg4[%multiple_of3A_317, %dma_start3A_328] : memref<100001x64xf32, #tpu.memory_space<hbm>> -> memref<8x64xf32, #tpu.memory_space<hbm>>
    %dma_start3A_330 = arith.constant 72 : i32
    %dma_start3A_331 = arith.constant 0 : i32
    %dma_start3A_332 = tpu.memref_slice %arg9[%dma_start3A_330, %dma_start3A_331] : memref<128x64xf32, #tpu.memory_space<vmem>> -> memref<8x64xf32, #tpu.memory_space<vmem>>
    %dma_start3A_333 = arith.constant 0 : i32
    %dma_start3A_334 = tpu.memref_slice %arg4[%multiple_of3A_317, %dma_start3A_333] : memref<100001x64xf32, #tpu.memory_space<hbm>> -> memref<8x64xf32, #tpu.memory_space<hbm>>
    tpu.enqueue_dma source(%dma_start3A_334 : memref<8x64xf32, #tpu.memory_space<hbm>>) target(%dma_start3A_332 : memref<8x64xf32, #tpu.memory_space<vmem>>) target_semaphore(%arg14 : memref<!tpu.dma_semaphore, #tpu.memory_space<semaphore_mem>>)
    %dma_start3A_335 = arith.constant 72 : i32
    %dma_start3A_336 = arith.constant 0 : i32
    %dma_start3A_337 = tpu.memref_slice %arg10[%dma_start3A_335, %dma_start3A_336] : memref<128x64xf32, #tpu.memory_space<vmem>> -> memref<8x64xf32, #tpu.memory_space<vmem>>
    %dma_start3A_338 = arith.constant 0 : i32
    %dma_start3A_339 = tpu.memref_slice %arg5[%multiple_of3A_324, %dma_start3A_338] : memref<1000001x64xf32, #tpu.memory_space<hbm>> -> memref<8x64xf32, #tpu.memory_space<hbm>>
    %dma_start3A_340 = arith.constant 72 : i32
    %dma_start3A_341 = arith.constant 0 : i32
    %dma_start3A_342 = tpu.memref_slice %arg10[%dma_start3A_340, %dma_start3A_341] : memref<128x64xf32, #tpu.memory_space<vmem>> -> memref<8x64xf32, #tpu.memory_space<vmem>>
    %dma_start3A_343 = arith.constant 0 : i32
    %dma_start3A_344 = tpu.memref_slice %arg5[%multiple_of3A_324, %dma_start3A_343] : memref<1000001x64xf32, #tpu.memory_space<hbm>> -> memref<8x64xf32, #tpu.memory_space<hbm>>
    tpu.enqueue_dma source(%dma_start3A_344 : memref<8x64xf32, #tpu.memory_space<hbm>>) target(%dma_start3A_342 : memref<8x64xf32, #tpu.memory_space<vmem>>) target_semaphore(%arg14 : memref<!tpu.dma_semaphore, #tpu.memory_space<semaphore_mem>>)
    %slice3A_345 = vector.extract_strided_slice %get3A_5 {offsets = [10], sizes = [1], strides = [1]} : vector<16xi32> to vector<1xi32>
    %squeeze3A_346 = vector.extract %slice3A_345[0] : i32 from vector<1xi32>
    %shift_right_arithmetic3A_347 = arith.constant 3 : i32
    %shift_right_arithmetic3A_348 = arith.shrsi %squeeze3A_346, %shift_right_arithmetic3A_347 : i32
    %mul3A_349 = arith.constant 8 : i32
    %mul3A_350 = arith.muli %shift_right_arithmetic3A_348, %mul3A_349 : i32
    %multiple_of3A_351 = tpu.assume_multiple %mul3A_350, 8 : i32
    %slice3A_352 = vector.extract_strided_slice %get3A_9 {offsets = [10], sizes = [1], strides = [1]} : vector<16xi32> to vector<1xi32>
    %squeeze3A_353 = vector.extract %slice3A_352[0] : i32 from vector<1xi32>
    %shift_right_arithmetic3A_354 = arith.constant 3 : i32
    %shift_right_arithmetic3A_355 = arith.shrsi %squeeze3A_353, %shift_right_arithmetic3A_354 : i32
    %mul3A_356 = arith.constant 8 : i32
    %mul3A_357 = arith.muli %shift_right_arithmetic3A_355, %mul3A_356 : i32
    %multiple_of3A_358 = tpu.assume_multiple %mul3A_357, 8 : i32
    %dma_start3A_359 = arith.constant 80 : i32
    %dma_start3A_360 = arith.constant 0 : i32
    %dma_start3A_361 = tpu.memref_slice %arg9[%dma_start3A_359, %dma_start3A_360] : memref<128x64xf32, #tpu.memory_space<vmem>> -> memref<8x64xf32, #tpu.memory_space<vmem>>
    %dma_start3A_362 = arith.constant 0 : i32
    %dma_start3A_363 = tpu.memref_slice %arg4[%multiple_of3A_351, %dma_start3A_362] : memref<100001x64xf32, #tpu.memory_space<hbm>> -> memref<8x64xf32, #tpu.memory_space<hbm>>
    %dma_start3A_364 = arith.constant 80 : i32
    %dma_start3A_365 = arith.constant 0 : i32
    %dma_start3A_366 = tpu.memref_slice %arg9[%dma_start3A_364, %dma_start3A_365] : memref<128x64xf32, #tpu.memory_space<vmem>> -> memref<8x64xf32, #tpu.memory_space<vmem>>
    %dma_start3A_367 = arith.constant 0 : i32
    %dma_start3A_368 = tpu.memref_slice %arg4[%multiple_of3A_351, %dma_start3A_367] : memref<100001x64xf32, #tpu.memory_space<hbm>> -> memref<8x64xf32, #tpu.memory_space<hbm>>
    tpu.enqueue_dma source(%dma_start3A_368 : memref<8x64xf32, #tpu.memory_space<hbm>>) target(%dma_start3A_366 : memref<8x64xf32, #tpu.memory_space<vmem>>) target_semaphore(%arg14 : memref<!tpu.dma_semaphore, #tpu.memory_space<semaphore_mem>>)
    %dma_start3A_369 = arith.constant 80 : i32
    %dma_start3A_370 = arith.constant 0 : i32
    %dma_start3A_371 = tpu.memref_slice %arg10[%dma_start3A_369, %dma_start3A_370] : memref<128x64xf32, #tpu.memory_space<vmem>> -> memref<8x64xf32, #tpu.memory_space<vmem>>
    %dma_start3A_372 = arith.constant 0 : i32
    %dma_start3A_373 = tpu.memref_slice %arg5[%multiple_of3A_358, %dma_start3A_372] : memref<1000001x64xf32, #tpu.memory_space<hbm>> -> memref<8x64xf32, #tpu.memory_space<hbm>>
    %dma_start3A_374 = arith.constant 80 : i32
    %dma_start3A_375 = arith.constant 0 : i32
    %dma_start3A_376 = tpu.memref_slice %arg10[%dma_start3A_374, %dma_start3A_375] : memref<128x64xf32, #tpu.memory_space<vmem>> -> memref<8x64xf32, #tpu.memory_space<vmem>>
    %dma_start3A_377 = arith.constant 0 : i32
    %dma_start3A_378 = tpu.memref_slice %arg5[%multiple_of3A_358, %dma_start3A_377] : memref<1000001x64xf32, #tpu.memory_space<hbm>> -> memref<8x64xf32, #tpu.memory_space<hbm>>
    tpu.enqueue_dma source(%dma_start3A_378 : memref<8x64xf32, #tpu.memory_space<hbm>>) target(%dma_start3A_376 : memref<8x64xf32, #tpu.memory_space<vmem>>) target_semaphore(%arg14 : memref<!tpu.dma_semaphore, #tpu.memory_space<semaphore_mem>>)
    %slice3A_379 = vector.extract_strided_slice %get3A_5 {offsets = [11], sizes = [1], strides = [1]} : vector<16xi32> to vector<1xi32>
    %squeeze3A_380 = vector.extract %slice3A_379[0] : i32 from vector<1xi32>
    %shift_right_arithmetic3A_381 = arith.constant 3 : i32
    %shift_right_arithmetic3A_382 = arith.shrsi %squeeze3A_380, %shift_right_arithmetic3A_381 : i32
    %mul3A_383 = arith.constant 8 : i32
    %mul3A_384 = arith.muli %shift_right_arithmetic3A_382, %mul3A_383 : i32
    %multiple_of3A_385 = tpu.assume_multiple %mul3A_384, 8 : i32
    %slice3A_386 = vector.extract_strided_slice %get3A_9 {offsets = [11], sizes = [1], strides = [1]} : vector<16xi32> to vector<1xi32>
    %squeeze3A_387 = vector.extract %slice3A_386[0] : i32 from vector<1xi32>
    %shift_right_arithmetic3A_388 = arith.constant 3 : i32
    %shift_right_arithmetic3A_389 = arith.shrsi %squeeze3A_387, %shift_right_arithmetic3A_388 : i32
    %mul3A_390 = arith.constant 8 : i32
    %mul3A_391 = arith.muli %shift_right_arithmetic3A_389, %mul3A_390 : i32
    %multiple_of3A_392 = tpu.assume_multiple %mul3A_391, 8 : i32
    %dma_start3A_393 = arith.constant 88 : i32
    %dma_start3A_394 = arith.constant 0 : i32
    %dma_start3A_395 = tpu.memref_slice %arg9[%dma_start3A_393, %dma_start3A_394] : memref<128x64xf32, #tpu.memory_space<vmem>> -> memref<8x64xf32, #tpu.memory_space<vmem>>
    %dma_start3A_396 = arith.constant 0 : i32
    %dma_start3A_397 = tpu.memref_slice %arg4[%multiple_of3A_385, %dma_start3A_396] : memref<100001x64xf32, #tpu.memory_space<hbm>> -> memref<8x64xf32, #tpu.memory_space<hbm>>
    %dma_start3A_398 = arith.constant 88 : i32
    %dma_start3A_399 = arith.constant 0 : i32
    %dma_start3A_400 = tpu.memref_slice %arg9[%dma_start3A_398, %dma_start3A_399] : memref<128x64xf32, #tpu.memory_space<vmem>> -> memref<8x64xf32, #tpu.memory_space<vmem>>
    %dma_start3A_401 = arith.constant 0 : i32
    %dma_start3A_402 = tpu.memref_slice %arg4[%multiple_of3A_385, %dma_start3A_401] : memref<100001x64xf32, #tpu.memory_space<hbm>> -> memref<8x64xf32, #tpu.memory_space<hbm>>
    tpu.enqueue_dma source(%dma_start3A_402 : memref<8x64xf32, #tpu.memory_space<hbm>>) target(%dma_start3A_400 : memref<8x64xf32, #tpu.memory_space<vmem>>) target_semaphore(%arg14 : memref<!tpu.dma_semaphore, #tpu.memory_space<semaphore_mem>>)
    %dma_start3A_403 = arith.constant 88 : i32
    %dma_start3A_404 = arith.constant 0 : i32
    %dma_start3A_405 = tpu.memref_slice %arg10[%dma_start3A_403, %dma_start3A_404] : memref<128x64xf32, #tpu.memory_space<vmem>> -> memref<8x64xf32, #tpu.memory_space<vmem>>
    %dma_start3A_406 = arith.constant 0 : i32
    %dma_start3A_407 = tpu.memref_slice %arg5[%multiple_of3A_392, %dma_start3A_406] : memref<1000001x64xf32, #tpu.memory_space<hbm>> -> memref<8x64xf32, #tpu.memory_space<hbm>>
    %dma_start3A_408 = arith.constant 88 : i32
    %dma_start3A_409 = arith.constant 0 : i32
    %dma_start3A_410 = tpu.memref_slice %arg10[%dma_start3A_408, %dma_start3A_409] : memref<128x64xf32, #tpu.memory_space<vmem>> -> memref<8x64xf32, #tpu.memory_space<vmem>>
    %dma_start3A_411 = arith.constant 0 : i32
    %dma_start3A_412 = tpu.memref_slice %arg5[%multiple_of3A_392, %dma_start3A_411] : memref<1000001x64xf32, #tpu.memory_space<hbm>> -> memref<8x64xf32, #tpu.memory_space<hbm>>
    tpu.enqueue_dma source(%dma_start3A_412 : memref<8x64xf32, #tpu.memory_space<hbm>>) target(%dma_start3A_410 : memref<8x64xf32, #tpu.memory_space<vmem>>) target_semaphore(%arg14 : memref<!tpu.dma_semaphore, #tpu.memory_space<semaphore_mem>>)
    %slice3A_413 = vector.extract_strided_slice %get3A_5 {offsets = [12], sizes = [1], strides = [1]} : vector<16xi32> to vector<1xi32>
    %squeeze3A_414 = vector.extract %slice3A_413[0] : i32 from vector<1xi32>
    %shift_right_arithmetic3A_415 = arith.constant 3 : i32
    %shift_right_arithmetic3A_416 = arith.shrsi %squeeze3A_414, %shift_right_arithmetic3A_415 : i32
    %mul3A_417 = arith.constant 8 : i32
    %mul3A_418 = arith.muli %shift_right_arithmetic3A_416, %mul3A_417 : i32
    %multiple_of3A_419 = tpu.assume_multiple %mul3A_418, 8 : i32
    %slice3A_420 = vector.extract_strided_slice %get3A_9 {offsets = [12], sizes = [1], strides = [1]} : vector<16xi32> to vector<1xi32>
    %squeeze3A_421 = vector.extract %slice3A_420[0] : i32 from vector<1xi32>
    %shift_right_arithmetic3A_422 = arith.constant 3 : i32
    %shift_right_arithmetic3A_423 = arith.shrsi %squeeze3A_421, %shift_right_arithmetic3A_422 : i32
    %mul3A_424 = arith.constant 8 : i32
    %mul3A_425 = arith.muli %shift_right_arithmetic3A_423, %mul3A_424 : i32
    %multiple_of3A_426 = tpu.assume_multiple %mul3A_425, 8 : i32
    %dma_start3A_427 = arith.constant 96 : i32
    %dma_start3A_428 = arith.constant 0 : i32
    %dma_start3A_429 = tpu.memref_slice %arg9[%dma_start3A_427, %dma_start3A_428] : memref<128x64xf32, #tpu.memory_space<vmem>> -> memref<8x64xf32, #tpu.memory_space<vmem>>
    %dma_start3A_430 = arith.constant 0 : i32
    %dma_start3A_431 = tpu.memref_slice %arg4[%multiple_of3A_419, %dma_start3A_430] : memref<100001x64xf32, #tpu.memory_space<hbm>> -> memref<8x64xf32, #tpu.memory_space<hbm>>
    %dma_start3A_432 = arith.constant 96 : i32
    %dma_start3A_433 = arith.constant 0 : i32
    %dma_start3A_434 = tpu.memref_slice %arg9[%dma_start3A_432, %dma_start3A_433] : memref<128x64xf32, #tpu.memory_space<vmem>> -> memref<8x64xf32, #tpu.memory_space<vmem>>
    %dma_start3A_435 = arith.constant 0 : i32
    %dma_start3A_436 = tpu.memref_slice %arg4[%multiple_of3A_419, %dma_start3A_435] : memref<100001x64xf32, #tpu.memory_space<hbm>> -> memref<8x64xf32, #tpu.memory_space<hbm>>
    tpu.enqueue_dma source(%dma_start3A_436 : memref<8x64xf32, #tpu.memory_space<hbm>>) target(%dma_start3A_434 : memref<8x64xf32, #tpu.memory_space<vmem>>) target_semaphore(%arg14 : memref<!tpu.dma_semaphore, #tpu.memory_space<semaphore_mem>>)
    %dma_start3A_437 = arith.constant 96 : i32
    %dma_start3A_438 = arith.constant 0 : i32
    %dma_start3A_439 = tpu.memref_slice %arg10[%dma_start3A_437, %dma_start3A_438] : memref<128x64xf32, #tpu.memory_space<vmem>> -> memref<8x64xf32, #tpu.memory_space<vmem>>
    %dma_start3A_440 = arith.constant 0 : i32
    %dma_start3A_441 = tpu.memref_slice %arg5[%multiple_of3A_426, %dma_start3A_440] : memref<1000001x64xf32, #tpu.memory_space<hbm>> -> memref<8x64xf32, #tpu.memory_space<hbm>>
    %dma_start3A_442 = arith.constant 96 : i32
    %dma_start3A_443 = arith.constant 0 : i32
    %dma_start3A_444 = tpu.memref_slice %arg10[%dma_start3A_442, %dma_start3A_443] : memref<128x64xf32, #tpu.memory_space<vmem>> -> memref<8x64xf32, #tpu.memory_space<vmem>>
    %dma_start3A_445 = arith.constant 0 : i32
    %dma_start3A_446 = tpu.memref_slice %arg5[%multiple_of3A_426, %dma_start3A_445] : memref<1000001x64xf32, #tpu.memory_space<hbm>> -> memref<8x64xf32, #tpu.memory_space<hbm>>
    tpu.enqueue_dma source(%dma_start3A_446 : memref<8x64xf32, #tpu.memory_space<hbm>>) target(%dma_start3A_444 : memref<8x64xf32, #tpu.memory_space<vmem>>) target_semaphore(%arg14 : memref<!tpu.dma_semaphore, #tpu.memory_space<semaphore_mem>>)
    %slice3A_447 = vector.extract_strided_slice %get3A_5 {offsets = [13], sizes = [1], strides = [1]} : vector<16xi32> to vector<1xi32>
    %squeeze3A_448 = vector.extract %slice3A_447[0] : i32 from vector<1xi32>
    %shift_right_arithmetic3A_449 = arith.constant 3 : i32
    %shift_right_arithmetic3A_450 = arith.shrsi %squeeze3A_448, %shift_right_arithmetic3A_449 : i32
    %mul3A_451 = arith.constant 8 : i32
    %mul3A_452 = arith.muli %shift_right_arithmetic3A_450, %mul3A_451 : i32
    %multiple_of3A_453 = tpu.assume_multiple %mul3A_452, 8 : i32
    %slice3A_454 = vector.extract_strided_slice %get3A_9 {offsets = [13], sizes = [1], strides = [1]} : vector<16xi32> to vector<1xi32>
    %squeeze3A_455 = vector.extract %slice3A_454[0] : i32 from vector<1xi32>
    %shift_right_arithmetic3A_456 = arith.constant 3 : i32
    %shift_right_arithmetic3A_457 = arith.shrsi %squeeze3A_455, %shift_right_arithmetic3A_456 : i32
    %mul3A_458 = arith.constant 8 : i32
    %mul3A_459 = arith.muli %shift_right_arithmetic3A_457, %mul3A_458 : i32
    %multiple_of3A_460 = tpu.assume_multiple %mul3A_459, 8 : i32
    %dma_start3A_461 = arith.constant 104 : i32
    %dma_start3A_462 = arith.constant 0 : i32
    %dma_start3A_463 = tpu.memref_slice %arg9[%dma_start3A_461, %dma_start3A_462] : memref<128x64xf32, #tpu.memory_space<vmem>> -> memref<8x64xf32, #tpu.memory_space<vmem>>
    %dma_start3A_464 = arith.constant 0 : i32
    %dma_start3A_465 = tpu.memref_slice %arg4[%multiple_of3A_453, %dma_start3A_464] : memref<100001x64xf32, #tpu.memory_space<hbm>> -> memref<8x64xf32, #tpu.memory_space<hbm>>
    %dma_start3A_466 = arith.constant 104 : i32
    %dma_start3A_467 = arith.constant 0 : i32
    %dma_start3A_468 = tpu.memref_slice %arg9[%dma_start3A_466, %dma_start3A_467] : memref<128x64xf32, #tpu.memory_space<vmem>> -> memref<8x64xf32, #tpu.memory_space<vmem>>
    %dma_start3A_469 = arith.constant 0 : i32
    %dma_start3A_470 = tpu.memref_slice %arg4[%multiple_of3A_453, %dma_start3A_469] : memref<100001x64xf32, #tpu.memory_space<hbm>> -> memref<8x64xf32, #tpu.memory_space<hbm>>
    tpu.enqueue_dma source(%dma_start3A_470 : memref<8x64xf32, #tpu.memory_space<hbm>>) target(%dma_start3A_468 : memref<8x64xf32, #tpu.memory_space<vmem>>) target_semaphore(%arg14 : memref<!tpu.dma_semaphore, #tpu.memory_space<semaphore_mem>>)
    %dma_start3A_471 = arith.constant 104 : i32
    %dma_start3A_472 = arith.constant 0 : i32
    %dma_start3A_473 = tpu.memref_slice %arg10[%dma_start3A_471, %dma_start3A_472] : memref<128x64xf32, #tpu.memory_space<vmem>> -> memref<8x64xf32, #tpu.memory_space<vmem>>
    %dma_start3A_474 = arith.constant 0 : i32
    %dma_start3A_475 = tpu.memref_slice %arg5[%multiple_of3A_460, %dma_start3A_474] : memref<1000001x64xf32, #tpu.memory_space<hbm>> -> memref<8x64xf32, #tpu.memory_space<hbm>>
    %dma_start3A_476 = arith.constant 104 : i32
    %dma_start3A_477 = arith.constant 0 : i32
    %dma_start3A_478 = tpu.memref_slice %arg10[%dma_start3A_476, %dma_start3A_477] : memref<128x64xf32, #tpu.memory_space<vmem>> -> memref<8x64xf32, #tpu.memory_space<vmem>>
    %dma_start3A_479 = arith.constant 0 : i32
    %dma_start3A_480 = tpu.memref_slice %arg5[%multiple_of3A_460, %dma_start3A_479] : memref<1000001x64xf32, #tpu.memory_space<hbm>> -> memref<8x64xf32, #tpu.memory_space<hbm>>
    tpu.enqueue_dma source(%dma_start3A_480 : memref<8x64xf32, #tpu.memory_space<hbm>>) target(%dma_start3A_478 : memref<8x64xf32, #tpu.memory_space<vmem>>) target_semaphore(%arg14 : memref<!tpu.dma_semaphore, #tpu.memory_space<semaphore_mem>>)
    %slice3A_481 = vector.extract_strided_slice %get3A_5 {offsets = [14], sizes = [1], strides = [1]} : vector<16xi32> to vector<1xi32>
    %squeeze3A_482 = vector.extract %slice3A_481[0] : i32 from vector<1xi32>
    %shift_right_arithmetic3A_483 = arith.constant 3 : i32
    %shift_right_arithmetic3A_484 = arith.shrsi %squeeze3A_482, %shift_right_arithmetic3A_483 : i32
    %mul3A_485 = arith.constant 8 : i32
    %mul3A_486 = arith.muli %shift_right_arithmetic3A_484, %mul3A_485 : i32
    %multiple_of3A_487 = tpu.assume_multiple %mul3A_486, 8 : i32
    %slice3A_488 = vector.extract_strided_slice %get3A_9 {offsets = [14], sizes = [1], strides = [1]} : vector<16xi32> to vector<1xi32>
    %squeeze3A_489 = vector.extract %slice3A_488[0] : i32 from vector<1xi32>
    %shift_right_arithmetic3A_490 = arith.constant 3 : i32
    %shift_right_arithmetic3A_491 = arith.shrsi %squeeze3A_489, %shift_right_arithmetic3A_490 : i32
    %mul3A_492 = arith.constant 8 : i32
    %mul3A_493 = arith.muli %shift_right_arithmetic3A_491, %mul3A_492 : i32
    %multiple_of3A_494 = tpu.assume_multiple %mul3A_493, 8 : i32
    %dma_start3A_495 = arith.constant 112 : i32
    %dma_start3A_496 = arith.constant 0 : i32
    %dma_start3A_497 = tpu.memref_slice %arg9[%dma_start3A_495, %dma_start3A_496] : memref<128x64xf32, #tpu.memory_space<vmem>> -> memref<8x64xf32, #tpu.memory_space<vmem>>
    %dma_start3A_498 = arith.constant 0 : i32
    %dma_start3A_499 = tpu.memref_slice %arg4[%multiple_of3A_487, %dma_start3A_498] : memref<100001x64xf32, #tpu.memory_space<hbm>> -> memref<8x64xf32, #tpu.memory_space<hbm>>
    %dma_start3A_500 = arith.constant 112 : i32
    %dma_start3A_501 = arith.constant 0 : i32
    %dma_start3A_502 = tpu.memref_slice %arg9[%dma_start3A_500, %dma_start3A_501] : memref<128x64xf32, #tpu.memory_space<vmem>> -> memref<8x64xf32, #tpu.memory_space<vmem>>
    %dma_start3A_503 = arith.constant 0 : i32
    %dma_start3A_504 = tpu.memref_slice %arg4[%multiple_of3A_487, %dma_start3A_503] : memref<100001x64xf32, #tpu.memory_space<hbm>> -> memref<8x64xf32, #tpu.memory_space<hbm>>
    tpu.enqueue_dma source(%dma_start3A_504 : memref<8x64xf32, #tpu.memory_space<hbm>>) target(%dma_start3A_502 : memref<8x64xf32, #tpu.memory_space<vmem>>) target_semaphore(%arg14 : memref<!tpu.dma_semaphore, #tpu.memory_space<semaphore_mem>>)
    %dma_start3A_505 = arith.constant 112 : i32
    %dma_start3A_506 = arith.constant 0 : i32
    %dma_start3A_507 = tpu.memref_slice %arg10[%dma_start3A_505, %dma_start3A_506] : memref<128x64xf32, #tpu.memory_space<vmem>> -> memref<8x64xf32, #tpu.memory_space<vmem>>
    %dma_start3A_508 = arith.constant 0 : i32
    %dma_start3A_509 = tpu.memref_slice %arg5[%multiple_of3A_494, %dma_start3A_508] : memref<1000001x64xf32, #tpu.memory_space<hbm>> -> memref<8x64xf32, #tpu.memory_space<hbm>>
    %dma_start3A_510 = arith.constant 112 : i32
    %dma_start3A_511 = arith.constant 0 : i32
    %dma_start3A_512 = tpu.memref_slice %arg10[%dma_start3A_510, %dma_start3A_511] : memref<128x64xf32, #tpu.memory_space<vmem>> -> memref<8x64xf32, #tpu.memory_space<vmem>>
    %dma_start3A_513 = arith.constant 0 : i32
    %dma_start3A_514 = tpu.memref_slice %arg5[%multiple_of3A_494, %dma_start3A_513] : memref<1000001x64xf32, #tpu.memory_space<hbm>> -> memref<8x64xf32, #tpu.memory_space<hbm>>
    tpu.enqueue_dma source(%dma_start3A_514 : memref<8x64xf32, #tpu.memory_space<hbm>>) target(%dma_start3A_512 : memref<8x64xf32, #tpu.memory_space<vmem>>) target_semaphore(%arg14 : memref<!tpu.dma_semaphore, #tpu.memory_space<semaphore_mem>>)
    %slice3A_515 = vector.extract_strided_slice %get3A_5 {offsets = [15], sizes = [1], strides = [1]} : vector<16xi32> to vector<1xi32>
    %squeeze3A_516 = vector.extract %slice3A_515[0] : i32 from vector<1xi32>
    %shift_right_arithmetic3A_517 = arith.constant 3 : i32
    %shift_right_arithmetic3A_518 = arith.shrsi %squeeze3A_516, %shift_right_arithmetic3A_517 : i32
    %mul3A_519 = arith.constant 8 : i32
    %mul3A_520 = arith.muli %shift_right_arithmetic3A_518, %mul3A_519 : i32
    %multiple_of3A_521 = tpu.assume_multiple %mul3A_520, 8 : i32
    %slice3A_522 = vector.extract_strided_slice %get3A_9 {offsets = [15], sizes = [1], strides = [1]} : vector<16xi32> to vector<1xi32>
    %squeeze3A_523 = vector.extract %slice3A_522[0] : i32 from vector<1xi32>
    %shift_right_arithmetic3A_524 = arith.constant 3 : i32
    %shift_right_arithmetic3A_525 = arith.shrsi %squeeze3A_523, %shift_right_arithmetic3A_524 : i32
    %mul3A_526 = arith.constant 8 : i32
    %mul3A_527 = arith.muli %shift_right_arithmetic3A_525, %mul3A_526 : i32
    %multiple_of3A_528 = tpu.assume_multiple %mul3A_527, 8 : i32
    %dma_start3A_529 = arith.constant 120 : i32
    %dma_start3A_530 = arith.constant 0 : i32
    %dma_start3A_531 = tpu.memref_slice %arg9[%dma_start3A_529, %dma_start3A_530] : memref<128x64xf32, #tpu.memory_space<vmem>> -> memref<8x64xf32, #tpu.memory_space<vmem>>
    %dma_start3A_532 = arith.constant 0 : i32
    %dma_start3A_533 = tpu.memref_slice %arg4[%multiple_of3A_521, %dma_start3A_532] : memref<100001x64xf32, #tpu.memory_space<hbm>> -> memref<8x64xf32, #tpu.memory_space<hbm>>
    %dma_start3A_534 = arith.constant 120 : i32
    %dma_start3A_535 = arith.constant 0 : i32
    %dma_start3A_536 = tpu.memref_slice %arg9[%dma_start3A_534, %dma_start3A_535] : memref<128x64xf32, #tpu.memory_space<vmem>> -> memref<8x64xf32, #tpu.memory_space<vmem>>
    %dma_start3A_537 = arith.constant 0 : i32
    %dma_start3A_538 = tpu.memref_slice %arg4[%multiple_of3A_521, %dma_start3A_537] : memref<100001x64xf32, #tpu.memory_space<hbm>> -> memref<8x64xf32, #tpu.memory_space<hbm>>
    tpu.enqueue_dma source(%dma_start3A_538 : memref<8x64xf32, #tpu.memory_space<hbm>>) target(%dma_start3A_536 : memref<8x64xf32, #tpu.memory_space<vmem>>) target_semaphore(%arg14 : memref<!tpu.dma_semaphore, #tpu.memory_space<semaphore_mem>>)
    %dma_start3A_539 = arith.constant 120 : i32
    %dma_start3A_540 = arith.constant 0 : i32
    %dma_start3A_541 = tpu.memref_slice %arg10[%dma_start3A_539, %dma_start3A_540] : memref<128x64xf32, #tpu.memory_space<vmem>> -> memref<8x64xf32, #tpu.memory_space<vmem>>
    %dma_start3A_542 = arith.constant 0 : i32
    %dma_start3A_543 = tpu.memref_slice %arg5[%multiple_of3A_528, %dma_start3A_542] : memref<1000001x64xf32, #tpu.memory_space<hbm>> -> memref<8x64xf32, #tpu.memory_space<hbm>>
    %dma_start3A_544 = arith.constant 120 : i32
    %dma_start3A_545 = arith.constant 0 : i32
    %dma_start3A_546 = tpu.memref_slice %arg10[%dma_start3A_544, %dma_start3A_545] : memref<128x64xf32, #tpu.memory_space<vmem>> -> memref<8x64xf32, #tpu.memory_space<vmem>>
    %dma_start3A_547 = arith.constant 0 : i32
    %dma_start3A_548 = tpu.memref_slice %arg5[%multiple_of3A_528, %dma_start3A_547] : memref<1000001x64xf32, #tpu.memory_space<hbm>> -> memref<8x64xf32, #tpu.memory_space<hbm>>
    tpu.enqueue_dma source(%dma_start3A_548 : memref<8x64xf32, #tpu.memory_space<hbm>>) target(%dma_start3A_546 : memref<8x64xf32, #tpu.memory_space<vmem>>) target_semaphore(%arg14 : memref<!tpu.dma_semaphore, #tpu.memory_space<semaphore_mem>>)
    %scan3A = arith.constant 0 : i32
    %scan3A_549 = arith.constant 0 : i32
    %scan3A_550 = arith.constant 16 : i32
    %scan3A_551 = arith.addi %scan3A_549, %scan3A_550 : i32
    %scan3A_552 = arith.constant 1 : i32
    scf.for %scan3A_554 = %scan3A_549 to %scan3A_551 step %scan3A_552  : i32 {
      %mul3A_555 = arith.constant 2 : i32
      %mul3A_556 = arith.muli %scan3A_554, %mul3A_555 : i32
      %add3A_557 = arith.constant 1 : i32
      %add3A_558 = arith.addi %mul3A_556, %add3A_557 : i32
      %mul3A_559 = arith.constant 16 : i32
      %mul3A_560 = arith.muli %add3A_558, %mul3A_559 : i32
      %get3A_561 = arith.constant 0 : i32
      %get3A_562 = arith.index_cast %get3A_561 : i32 to index
      %get3A_563 = arith.index_cast %mul3A_560 : i32 to index
      %get3A_564 = tpu.vector_load %arg7[%get3A_562, %get3A_563] {strides = array<i32>} : memref<1x512xi32, #tpu.memory_space<vmem>>, vector<16xi32>,
      %mul3A_565 = arith.constant 16 : i32
      %mul3A_566 = arith.muli %add3A_558, %mul3A_565 : i32
      %get3A_567 = arith.constant 0 : i32
      %get3A_568 = arith.index_cast %get3A_567 : i32 to index
      %get3A_569 = arith.index_cast %mul3A_566 : i32 to index
      %get3A_570 = tpu.vector_load %arg8[%get3A_568, %get3A_569] {strides = array<i32>} : memref<1x512xi32, #tpu.memory_space<vmem>>, vector<16xi32>,
      %slice3A_571 = vector.extract_strided_slice %get3A_564 {offsets = [0], sizes = [1], strides = [1]} : vector<16xi32> to vector<1xi32>
      %squeeze3A_572 = vector.extract %slice3A_571[0] : i32 from vector<1xi32>
      %shift_right_arithmetic3A_573 = arith.constant 3 : i32
      %shift_right_arithmetic3A_574 = arith.shrsi %squeeze3A_572, %shift_right_arithmetic3A_573 : i32
      %mul3A_575 = arith.constant 8 : i32
      %mul3A_576 = arith.muli %shift_right_arithmetic3A_574, %mul3A_575 : i32
      %multiple_of3A_577 = tpu.assume_multiple %mul3A_576, 8 : i32
      %slice3A_578 = vector.extract_strided_slice %get3A_570 {offsets = [0], sizes = [1], strides = [1]} : vector<16xi32> to vector<1xi32>
      %squeeze3A_579 = vector.extract %slice3A_578[0] : i32 from vector<1xi32>
      %shift_right_arithmetic3A_580 = arith.constant 3 : i32
      %shift_right_arithmetic3A_581 = arith.shrsi %squeeze3A_579, %shift_right_arithmetic3A_580 : i32
      %mul3A_582 = arith.constant 8 : i32
      %mul3A_583 = arith.muli %shift_right_arithmetic3A_581, %mul3A_582 : i32
      %multiple_of3A_584 = tpu.assume_multiple %mul3A_583, 8 : i32
      %dma_start3A_585 = arith.constant 0 : i32
      %dma_start3A_586 = arith.constant 0 : i32
      %dma_start3A_587 = tpu.memref_slice %arg11[%dma_start3A_585, %dma_start3A_586] : memref<128x64xf32, #tpu.memory_space<vmem>> -> memref<8x64xf32, #tpu.memory_space<vmem>>
      %dma_start3A_588 = arith.constant 0 : i32
      %dma_start3A_589 = tpu.memref_slice %arg4[%multiple_of3A_577, %dma_start3A_588] : memref<100001x64xf32, #tpu.memory_space<hbm>> -> memref<8x64xf32, #tpu.memory_space<hbm>>
      %dma_start3A_590 = arith.constant 0 : i32
      %dma_start3A_591 = arith.constant 0 : i32
      %dma_start3A_592 = tpu.memref_slice %arg11[%dma_start3A_590, %dma_start3A_591] : memref<128x64xf32, #tpu.memory_space<vmem>> -> memref<8x64xf32, #tpu.memory_space<vmem>>
      %dma_start3A_593 = arith.constant 0 : i32
      %dma_start3A_594 = tpu.memref_slice %arg4[%multiple_of3A_577, %dma_start3A_593] : memref<100001x64xf32, #tpu.memory_space<hbm>> -> memref<8x64xf32, #tpu.memory_space<hbm>>
      tpu.enqueue_dma source(%dma_start3A_594 : memref<8x64xf32, #tpu.memory_space<hbm>>) target(%dma_start3A_592 : memref<8x64xf32, #tpu.memory_space<vmem>>) target_semaphore(%arg15 : memref<!tpu.dma_semaphore, #tpu.memory_space<semaphore_mem>>)
      %dma_start3A_595 = arith.constant 0 : i32
      %dma_start3A_596 = arith.constant 0 : i32
      %dma_start3A_597 = tpu.memref_slice %arg12[%dma_start3A_595, %dma_start3A_596] : memref<128x64xf32, #tpu.memory_space<vmem>> -> memref<8x64xf32, #tpu.memory_space<vmem>>
      %dma_start3A_598 = arith.constant 0 : i32
      %dma_start3A_599 = tpu.memref_slice %arg5[%multiple_of3A_584, %dma_start3A_598] : memref<1000001x64xf32, #tpu.memory_space<hbm>> -> memref<8x64xf32, #tpu.memory_space<hbm>>
      %dma_start3A_600 = arith.constant 0 : i32
      %dma_start3A_601 = arith.constant 0 : i32
      %dma_start3A_602 = tpu.memref_slice %arg12[%dma_start3A_600, %dma_start3A_601] : memref<128x64xf32, #tpu.memory_space<vmem>> -> memref<8x64xf32, #tpu.memory_space<vmem>>
      %dma_start3A_603 = arith.constant 0 : i32
      %dma_start3A_604 = tpu.memref_slice %arg5[%multiple_of3A_584, %dma_start3A_603] : memref<1000001x64xf32, #tpu.memory_space<hbm>> -> memref<8x64xf32, #tpu.memory_space<hbm>>
      tpu.enqueue_dma source(%dma_start3A_604 : memref<8x64xf32, #tpu.memory_space<hbm>>) target(%dma_start3A_602 : memref<8x64xf32, #tpu.memory_space<vmem>>) target_semaphore(%arg15 : memref<!tpu.dma_semaphore, #tpu.memory_space<semaphore_mem>>)
      %slice3A_605 = vector.extract_strided_slice %get3A_564 {offsets = [1], sizes = [1], strides = [1]} : vector<16xi32> to vector<1xi32>
      %squeeze3A_606 = vector.extract %slice3A_605[0] : i32 from vector<1xi32>
      %shift_right_arithmetic3A_607 = arith.constant 3 : i32
      %shift_right_arithmetic3A_608 = arith.shrsi %squeeze3A_606, %shift_right_arithmetic3A_607 : i32
      %mul3A_609 = arith.constant 8 : i32
      %mul3A_610 = arith.muli %shift_right_arithmetic3A_608, %mul3A_609 : i32
      %multiple_of3A_611 = tpu.assume_multiple %mul3A_610, 8 : i32
      %slice3A_612 = vector.extract_strided_slice %get3A_570 {offsets = [1], sizes = [1], strides = [1]} : vector<16xi32> to vector<1xi32>
      %squeeze3A_613 = vector.extract %slice3A_612[0] : i32 from vector<1xi32>
      %shift_right_arithmetic3A_614 = arith.constant 3 : i32
      %shift_right_arithmetic3A_615 = arith.shrsi %squeeze3A_613, %shift_right_arithmetic3A_614 : i32
      %mul3A_616 = arith.constant 8 : i32
      %mul3A_617 = arith.muli %shift_right_arithmetic3A_615, %mul3A_616 : i32
      %multiple_of3A_618 = tpu.assume_multiple %mul3A_617, 8 : i32
      %dma_start3A_619 = arith.constant 8 : i32
      %dma_start3A_620 = arith.constant 0 : i32
      %dma_start3A_621 = tpu.memref_slice %arg11[%dma_start3A_619, %dma_start3A_620] : memref<128x64xf32, #tpu.memory_space<vmem>> -> memref<8x64xf32, #tpu.memory_space<vmem>>
      %dma_start3A_622 = arith.constant 0 : i32
      %dma_start3A_623 = tpu.memref_slice %arg4[%multiple_of3A_611, %dma_start3A_622] : memref<100001x64xf32, #tpu.memory_space<hbm>> -> memref<8x64xf32, #tpu.memory_space<hbm>>
      %dma_start3A_624 = arith.constant 8 : i32
      %dma_start3A_625 = arith.constant 0 : i32
      %dma_start3A_626 = tpu.memref_slice %arg11[%dma_start3A_624, %dma_start3A_625] : memref<128x64xf32, #tpu.memory_space<vmem>> -> memref<8x64xf32, #tpu.memory_space<vmem>>
      %dma_start3A_627 = arith.constant 0 : i32
      %dma_start3A_628 = tpu.memref_slice %arg4[%multiple_of3A_611, %dma_start3A_627] : memref<100001x64xf32, #tpu.memory_space<hbm>> -> memref<8x64xf32, #tpu.memory_space<hbm>>
      tpu.enqueue_dma source(%dma_start3A_628 : memref<8x64xf32, #tpu.memory_space<hbm>>) target(%dma_start3A_626 : memref<8x64xf32, #tpu.memory_space<vmem>>) target_semaphore(%arg15 : memref<!tpu.dma_semaphore, #tpu.memory_space<semaphore_mem>>)
      %dma_start3A_629 = arith.constant 8 : i32
      %dma_start3A_630 = arith.constant 0 : i32
      %dma_start3A_631 = tpu.memref_slice %arg12[%dma_start3A_629, %dma_start3A_630] : memref<128x64xf32, #tpu.memory_space<vmem>> -> memref<8x64xf32, #tpu.memory_space<vmem>>
      %dma_start3A_632 = arith.constant 0 : i32
      %dma_start3A_633 = tpu.memref_slice %arg5[%multiple_of3A_618, %dma_start3A_632] : memref<1000001x64xf32, #tpu.memory_space<hbm>> -> memref<8x64xf32, #tpu.memory_space<hbm>>
      %dma_start3A_634 = arith.constant 8 : i32
      %dma_start3A_635 = arith.constant 0 : i32
      %dma_start3A_636 = tpu.memref_slice %arg12[%dma_start3A_634, %dma_start3A_635] : memref<128x64xf32, #tpu.memory_space<vmem>> -> memref<8x64xf32, #tpu.memory_space<vmem>>
      %dma_start3A_637 = arith.constant 0 : i32
      %dma_start3A_638 = tpu.memref_slice %arg5[%multiple_of3A_618, %dma_start3A_637] : memref<1000001x64xf32, #tpu.memory_space<hbm>> -> memref<8x64xf32, #tpu.memory_space<hbm>>
      tpu.enqueue_dma source(%dma_start3A_638 : memref<8x64xf32, #tpu.memory_space<hbm>>) target(%dma_start3A_636 : memref<8x64xf32, #tpu.memory_space<vmem>>) target_semaphore(%arg15 : memref<!tpu.dma_semaphore, #tpu.memory_space<semaphore_mem>>)
      %slice3A_639 = vector.extract_strided_slice %get3A_564 {offsets = [2], sizes = [1], strides = [1]} : vector<16xi32> to vector<1xi32>
      %squeeze3A_640 = vector.extract %slice3A_639[0] : i32 from vector<1xi32>
      %shift_right_arithmetic3A_641 = arith.constant 3 : i32
      %shift_right_arithmetic3A_642 = arith.shrsi %squeeze3A_640, %shift_right_arithmetic3A_641 : i32
      %mul3A_643 = arith.constant 8 : i32
      %mul3A_644 = arith.muli %shift_right_arithmetic3A_642, %mul3A_643 : i32
      %multiple_of3A_645 = tpu.assume_multiple %mul3A_644, 8 : i32
      %slice3A_646 = vector.extract_strided_slice %get3A_570 {offsets = [2], sizes = [1], strides = [1]} : vector<16xi32> to vector<1xi32>
      %squeeze3A_647 = vector.extract %slice3A_646[0] : i32 from vector<1xi32>
      %shift_right_arithmetic3A_648 = arith.constant 3 : i32
      %shift_right_arithmetic3A_649 = arith.shrsi %squeeze3A_647, %shift_right_arithmetic3A_648 : i32
      %mul3A_650 = arith.constant 8 : i32
      %mul3A_651 = arith.muli %shift_right_arithmetic3A_649, %mul3A_650 : i32
      %multiple_of3A_652 = tpu.assume_multiple %mul3A_651, 8 : i32
      %dma_start3A_653 = arith.constant 16 : i32
      %dma_start3A_654 = arith.constant 0 : i32
      %dma_start3A_655 = tpu.memref_slice %arg11[%dma_start3A_653, %dma_start3A_654] : memref<128x64xf32, #tpu.memory_space<vmem>> -> memref<8x64xf32, #tpu.memory_space<vmem>>
      %dma_start3A_656 = arith.constant 0 : i32
      %dma_start3A_657 = tpu.memref_slice %arg4[%multiple_of3A_645, %dma_start3A_656] : memref<100001x64xf32, #tpu.memory_space<hbm>> -> memref<8x64xf32, #tpu.memory_space<hbm>>
      %dma_start3A_658 = arith.constant 16 : i32
      %dma_start3A_659 = arith.constant 0 : i32
      %dma_start3A_660 = tpu.memref_slice %arg11[%dma_start3A_658, %dma_start3A_659] : memref<128x64xf32, #tpu.memory_space<vmem>> -> memref<8x64xf32, #tpu.memory_space<vmem>>
      %dma_start3A_661 = arith.constant 0 : i32
      %dma_start3A_662 = tpu.memref_slice %arg4[%multiple_of3A_645, %dma_start3A_661] : memref<100001x64xf32, #tpu.memory_space<hbm>> -> memref<8x64xf32, #tpu.memory_space<hbm>>
      tpu.enqueue_dma source(%dma_start3A_662 : memref<8x64xf32, #tpu.memory_space<hbm>>) target(%dma_start3A_660 : memref<8x64xf32, #tpu.memory_space<vmem>>) target_semaphore(%arg15 : memref<!tpu.dma_semaphore, #tpu.memory_space<semaphore_mem>>)
      %dma_start3A_663 = arith.constant 16 : i32
      %dma_start3A_664 = arith.constant 0 : i32
      %dma_start3A_665 = tpu.memref_slice %arg12[%dma_start3A_663, %dma_start3A_664] : memref<128x64xf32, #tpu.memory_space<vmem>> -> memref<8x64xf32, #tpu.memory_space<vmem>>
      %dma_start3A_666 = arith.constant 0 : i32
      %dma_start3A_667 = tpu.memref_slice %arg5[%multiple_of3A_652, %dma_start3A_666] : memref<1000001x64xf32, #tpu.memory_space<hbm>> -> memref<8x64xf32, #tpu.memory_space<hbm>>
      %dma_start3A_668 = arith.constant 16 : i32
      %dma_start3A_669 = arith.constant 0 : i32
      %dma_start3A_670 = tpu.memref_slice %arg12[%dma_start3A_668, %dma_start3A_669] : memref<128x64xf32, #tpu.memory_space<vmem>> -> memref<8x64xf32, #tpu.memory_space<vmem>>
      %dma_start3A_671 = arith.constant 0 : i32
      %dma_start3A_672 = tpu.memref_slice %arg5[%multiple_of3A_652, %dma_start3A_671] : memref<1000001x64xf32, #tpu.memory_space<hbm>> -> memref<8x64xf32, #tpu.memory_space<hbm>>
      tpu.enqueue_dma source(%dma_start3A_672 : memref<8x64xf32, #tpu.memory_space<hbm>>) target(%dma_start3A_670 : memref<8x64xf32, #tpu.memory_space<vmem>>) target_semaphore(%arg15 : memref<!tpu.dma_semaphore, #tpu.memory_space<semaphore_mem>>)
      %slice3A_673 = vector.extract_strided_slice %get3A_564 {offsets = [3], sizes = [1], strides = [1]} : vector<16xi32> to vector<1xi32>
      %squeeze3A_674 = vector.extract %slice3A_673[0] : i32 from vector<1xi32>
      %shift_right_arithmetic3A_675 = arith.constant 3 : i32
      %shift_right_arithmetic3A_676 = arith.shrsi %squeeze3A_674, %shift_right_arithmetic3A_675 : i32
      %mul3A_677 = arith.constant 8 : i32
      %mul3A_678 = arith.muli %shift_right_arithmetic3A_676, %mul3A_677 : i32
      %multiple_of3A_679 = tpu.assume_multiple %mul3A_678, 8 : i32
      %slice3A_680 = vector.extract_strided_slice %get3A_570 {offsets = [3], sizes = [1], strides = [1]} : vector<16xi32> to vector<1xi32>
      %squeeze3A_681 = vector.extract %slice3A_680[0] : i32 from vector<1xi32>
      %shift_right_arithmetic3A_682 = arith.constant 3 : i32
      %shift_right_arithmetic3A_683 = arith.shrsi %squeeze3A_681, %shift_right_arithmetic3A_682 : i32
      %mul3A_684 = arith.constant 8 : i32
      %mul3A_685 = arith.muli %shift_right_arithmetic3A_683, %mul3A_684 : i32
      %multiple_of3A_686 = tpu.assume_multiple %mul3A_685, 8 : i32
      %dma_start3A_687 = arith.constant 24 : i32
      %dma_start3A_688 = arith.constant 0 : i32
      %dma_start3A_689 = tpu.memref_slice %arg11[%dma_start3A_687, %dma_start3A_688] : memref<128x64xf32, #tpu.memory_space<vmem>> -> memref<8x64xf32, #tpu.memory_space<vmem>>
      %dma_start3A_690 = arith.constant 0 : i32
      %dma_start3A_691 = tpu.memref_slice %arg4[%multiple_of3A_679, %dma_start3A_690] : memref<100001x64xf32, #tpu.memory_space<hbm>> -> memref<8x64xf32, #tpu.memory_space<hbm>>
      %dma_start3A_692 = arith.constant 24 : i32
      %dma_start3A_693 = arith.constant 0 : i32
      %dma_start3A_694 = tpu.memref_slice %arg11[%dma_start3A_692, %dma_start3A_693] : memref<128x64xf32, #tpu.memory_space<vmem>> -> memref<8x64xf32, #tpu.memory_space<vmem>>
      %dma_start3A_695 = arith.constant 0 : i32
      %dma_start3A_696 = tpu.memref_slice %arg4[%multiple_of3A_679, %dma_start3A_695] : memref<100001x64xf32, #tpu.memory_space<hbm>> -> memref<8x64xf32, #tpu.memory_space<hbm>>
      tpu.enqueue_dma source(%dma_start3A_696 : memref<8x64xf32, #tpu.memory_space<hbm>>) target(%dma_start3A_694 : memref<8x64xf32, #tpu.memory_space<vmem>>) target_semaphore(%arg15 : memref<!tpu.dma_semaphore, #tpu.memory_space<semaphore_mem>>)
      %dma_start3A_697 = arith.constant 24 : i32
      %dma_start3A_698 = arith.constant 0 : i32
      %dma_start3A_699 = tpu.memref_slice %arg12[%dma_start3A_697, %dma_start3A_698] : memref<128x64xf32, #tpu.memory_space<vmem>> -> memref<8x64xf32, #tpu.memory_space<vmem>>
      %dma_start3A_700 = arith.constant 0 : i32
      %dma_start3A_701 = tpu.memref_slice %arg5[%multiple_of3A_686, %dma_start3A_700] : memref<1000001x64xf32, #tpu.memory_space<hbm>> -> memref<8x64xf32, #tpu.memory_space<hbm>>
      %dma_start3A_702 = arith.constant 24 : i32
      %dma_start3A_703 = arith.constant 0 : i32
      %dma_start3A_704 = tpu.memref_slice %arg12[%dma_start3A_702, %dma_start3A_703] : memref<128x64xf32, #tpu.memory_space<vmem>> -> memref<8x64xf32, #tpu.memory_space<vmem>>
      %dma_start3A_705 = arith.constant 0 : i32
      %dma_start3A_706 = tpu.memref_slice %arg5[%multiple_of3A_686, %dma_start3A_705] : memref<1000001x64xf32, #tpu.memory_space<hbm>> -> memref<8x64xf32, #tpu.memory_space<hbm>>
      tpu.enqueue_dma source(%dma_start3A_706 : memref<8x64xf32, #tpu.memory_space<hbm>>) target(%dma_start3A_704 : memref<8x64xf32, #tpu.memory_space<vmem>>) target_semaphore(%arg15 : memref<!tpu.dma_semaphore, #tpu.memory_space<semaphore_mem>>)
      %slice3A_707 = vector.extract_strided_slice %get3A_564 {offsets = [4], sizes = [1], strides = [1]} : vector<16xi32> to vector<1xi32>
      %squeeze3A_708 = vector.extract %slice3A_707[0] : i32 from vector<1xi32>
      %shift_right_arithmetic3A_709 = arith.constant 3 : i32
      %shift_right_arithmetic3A_710 = arith.shrsi %squeeze3A_708, %shift_right_arithmetic3A_709 : i32
      %mul3A_711 = arith.constant 8 : i32
      %mul3A_712 = arith.muli %shift_right_arithmetic3A_710, %mul3A_711 : i32
      %multiple_of3A_713 = tpu.assume_multiple %mul3A_712, 8 : i32
      %slice3A_714 = vector.extract_strided_slice %get3A_570 {offsets = [4], sizes = [1], strides = [1]} : vector<16xi32> to vector<1xi32>
      %squeeze3A_715 = vector.extract %slice3A_714[0] : i32 from vector<1xi32>
      %shift_right_arithmetic3A_716 = arith.constant 3 : i32
      %shift_right_arithmetic3A_717 = arith.shrsi %squeeze3A_715, %shift_right_arithmetic3A_716 : i32
      %mul3A_718 = arith.constant 8 : i32
      %mul3A_719 = arith.muli %shift_right_arithmetic3A_717, %mul3A_718 : i32
      %multiple_of3A_720 = tpu.assume_multiple %mul3A_719, 8 : i32
      %dma_start3A_721 = arith.constant 32 : i32
      %dma_start3A_722 = arith.constant 0 : i32
      %dma_start3A_723 = tpu.memref_slice %arg11[%dma_start3A_721, %dma_start3A_722] : memref<128x64xf32, #tpu.memory_space<vmem>> -> memref<8x64xf32, #tpu.memory_space<vmem>>
      %dma_start3A_724 = arith.constant 0 : i32
      %dma_start3A_725 = tpu.memref_slice %arg4[%multiple_of3A_713, %dma_start3A_724] : memref<100001x64xf32, #tpu.memory_space<hbm>> -> memref<8x64xf32, #tpu.memory_space<hbm>>
      %dma_start3A_726 = arith.constant 32 : i32
      %dma_start3A_727 = arith.constant 0 : i32
      %dma_start3A_728 = tpu.memref_slice %arg11[%dma_start3A_726, %dma_start3A_727] : memref<128x64xf32, #tpu.memory_space<vmem>> -> memref<8x64xf32, #tpu.memory_space<vmem>>
      %dma_start3A_729 = arith.constant 0 : i32
      %dma_start3A_730 = tpu.memref_slice %arg4[%multiple_of3A_713, %dma_start3A_729] : memref<100001x64xf32, #tpu.memory_space<hbm>> -> memref<8x64xf32, #tpu.memory_space<hbm>>
      tpu.enqueue_dma source(%dma_start3A_730 : memref<8x64xf32, #tpu.memory_space<hbm>>) target(%dma_start3A_728 : memref<8x64xf32, #tpu.memory_space<vmem>>) target_semaphore(%arg15 : memref<!tpu.dma_semaphore, #tpu.memory_space<semaphore_mem>>)
      %dma_start3A_731 = arith.constant 32 : i32
      %dma_start3A_732 = arith.constant 0 : i32
      %dma_start3A_733 = tpu.memref_slice %arg12[%dma_start3A_731, %dma_start3A_732] : memref<128x64xf32, #tpu.memory_space<vmem>> -> memref<8x64xf32, #tpu.memory_space<vmem>>
      %dma_start3A_734 = arith.constant 0 : i32
      %dma_start3A_735 = tpu.memref_slice %arg5[%multiple_of3A_720, %dma_start3A_734] : memref<1000001x64xf32, #tpu.memory_space<hbm>> -> memref<8x64xf32, #tpu.memory_space<hbm>>
      %dma_start3A_736 = arith.constant 32 : i32
      %dma_start3A_737 = arith.constant 0 : i32
      %dma_start3A_738 = tpu.memref_slice %arg12[%dma_start3A_736, %dma_start3A_737] : memref<128x64xf32, #tpu.memory_space<vmem>> -> memref<8x64xf32, #tpu.memory_space<vmem>>
      %dma_start3A_739 = arith.constant 0 : i32
      %dma_start3A_740 = tpu.memref_slice %arg5[%multiple_of3A_720, %dma_start3A_739] : memref<1000001x64xf32, #tpu.memory_space<hbm>> -> memref<8x64xf32, #tpu.memory_space<hbm>>
      tpu.enqueue_dma source(%dma_start3A_740 : memref<8x64xf32, #tpu.memory_space<hbm>>) target(%dma_start3A_738 : memref<8x64xf32, #tpu.memory_space<vmem>>) target_semaphore(%arg15 : memref<!tpu.dma_semaphore, #tpu.memory_space<semaphore_mem>>)
      %slice3A_741 = vector.extract_strided_slice %get3A_564 {offsets = [5], sizes = [1], strides = [1]} : vector<16xi32> to vector<1xi32>
      %squeeze3A_742 = vector.extract %slice3A_741[0] : i32 from vector<1xi32>
      %shift_right_arithmetic3A_743 = arith.constant 3 : i32
      %shift_right_arithmetic3A_744 = arith.shrsi %squeeze3A_742, %shift_right_arithmetic3A_743 : i32
      %mul3A_745 = arith.constant 8 : i32
      %mul3A_746 = arith.muli %shift_right_arithmetic3A_744, %mul3A_745 : i32
      %multiple_of3A_747 = tpu.assume_multiple %mul3A_746, 8 : i32
      %slice3A_748 = vector.extract_strided_slice %get3A_570 {offsets = [5], sizes = [1], strides = [1]} : vector<16xi32> to vector<1xi32>
      %squeeze3A_749 = vector.extract %slice3A_748[0] : i32 from vector<1xi32>
      %shift_right_arithmetic3A_750 = arith.constant 3 : i32
      %shift_right_arithmetic3A_751 = arith.shrsi %squeeze3A_749, %shift_right_arithmetic3A_750 : i32
      %mul3A_752 = arith.constant 8 : i32
      %mul3A_753 = arith.muli %shift_right_arithmetic3A_751, %mul3A_752 : i32
      %multiple_of3A_754 = tpu.assume_multiple %mul3A_753, 8 : i32
      %dma_start3A_755 = arith.constant 40 : i32
      %dma_start3A_756 = arith.constant 0 : i32
      %dma_start3A_757 = tpu.memref_slice %arg11[%dma_start3A_755, %dma_start3A_756] : memref<128x64xf32, #tpu.memory_space<vmem>> -> memref<8x64xf32, #tpu.memory_space<vmem>>
      %dma_start3A_758 = arith.constant 0 : i32
      %dma_start3A_759 = tpu.memref_slice %arg4[%multiple_of3A_747, %dma_start3A_758] : memref<100001x64xf32, #tpu.memory_space<hbm>> -> memref<8x64xf32, #tpu.memory_space<hbm>>
      %dma_start3A_760 = arith.constant 40 : i32
      %dma_start3A_761 = arith.constant 0 : i32
      %dma_start3A_762 = tpu.memref_slice %arg11[%dma_start3A_760, %dma_start3A_761] : memref<128x64xf32, #tpu.memory_space<vmem>> -> memref<8x64xf32, #tpu.memory_space<vmem>>
      %dma_start3A_763 = arith.constant 0 : i32
      %dma_start3A_764 = tpu.memref_slice %arg4[%multiple_of3A_747, %dma_start3A_763] : memref<100001x64xf32, #tpu.memory_space<hbm>> -> memref<8x64xf32, #tpu.memory_space<hbm>>
      tpu.enqueue_dma source(%dma_start3A_764 : memref<8x64xf32, #tpu.memory_space<hbm>>) target(%dma_start3A_762 : memref<8x64xf32, #tpu.memory_space<vmem>>) target_semaphore(%arg15 : memref<!tpu.dma_semaphore, #tpu.memory_space<semaphore_mem>>)
      %dma_start3A_765 = arith.constant 40 : i32
      %dma_start3A_766 = arith.constant 0 : i32
      %dma_start3A_767 = tpu.memref_slice %arg12[%dma_start3A_765, %dma_start3A_766] : memref<128x64xf32, #tpu.memory_space<vmem>> -> memref<8x64xf32, #tpu.memory_space<vmem>>
      %dma_start3A_768 = arith.constant 0 : i32
      %dma_start3A_769 = tpu.memref_slice %arg5[%multiple_of3A_754, %dma_start3A_768] : memref<1000001x64xf32, #tpu.memory_space<hbm>> -> memref<8x64xf32, #tpu.memory_space<hbm>>
      %dma_start3A_770 = arith.constant 40 : i32
      %dma_start3A_771 = arith.constant 0 : i32
      %dma_start3A_772 = tpu.memref_slice %arg12[%dma_start3A_770, %dma_start3A_771] : memref<128x64xf32, #tpu.memory_space<vmem>> -> memref<8x64xf32, #tpu.memory_space<vmem>>
      %dma_start3A_773 = arith.constant 0 : i32
      %dma_start3A_774 = tpu.memref_slice %arg5[%multiple_of3A_754, %dma_start3A_773] : memref<1000001x64xf32, #tpu.memory_space<hbm>> -> memref<8x64xf32, #tpu.memory_space<hbm>>
      tpu.enqueue_dma source(%dma_start3A_774 : memref<8x64xf32, #tpu.memory_space<hbm>>) target(%dma_start3A_772 : memref<8x64xf32, #tpu.memory_space<vmem>>) target_semaphore(%arg15 : memref<!tpu.dma_semaphore, #tpu.memory_space<semaphore_mem>>)
      %slice3A_775 = vector.extract_strided_slice %get3A_564 {offsets = [6], sizes = [1], strides = [1]} : vector<16xi32> to vector<1xi32>
      %squeeze3A_776 = vector.extract %slice3A_775[0] : i32 from vector<1xi32>
      %shift_right_arithmetic3A_777 = arith.constant 3 : i32
      %shift_right_arithmetic3A_778 = arith.shrsi %squeeze3A_776, %shift_right_arithmetic3A_777 : i32
      %mul3A_779 = arith.constant 8 : i32
      %mul3A_780 = arith.muli %shift_right_arithmetic3A_778, %mul3A_779 : i32
      %multiple_of3A_781 = tpu.assume_multiple %mul3A_780, 8 : i32
      %slice3A_782 = vector.extract_strided_slice %get3A_570 {offsets = [6], sizes = [1], strides = [1]} : vector<16xi32> to vector<1xi32>
      %squeeze3A_783 = vector.extract %slice3A_782[0] : i32 from vector<1xi32>
      %shift_right_arithmetic3A_784 = arith.constant 3 : i32
      %shift_right_arithmetic3A_785 = arith.shrsi %squeeze3A_783, %shift_right_arithmetic3A_784 : i32
      %mul3A_786 = arith.constant 8 : i32
      %mul3A_787 = arith.muli %shift_right_arithmetic3A_785, %mul3A_786 : i32
      %multiple_of3A_788 = tpu.assume_multiple %mul3A_787, 8 : i32
      %dma_start3A_789 = arith.constant 48 : i32
      %dma_start3A_790 = arith.constant 0 : i32
      %dma_start3A_791 = tpu.memref_slice %arg11[%dma_start3A_789, %dma_start3A_790] : memref<128x64xf32, #tpu.memory_space<vmem>> -> memref<8x64xf32, #tpu.memory_space<vmem>>
      %dma_start3A_792 = arith.constant 0 : i32
      %dma_start3A_793 = tpu.memref_slice %arg4[%multiple_of3A_781, %dma_start3A_792] : memref<100001x64xf32, #tpu.memory_space<hbm>> -> memref<8x64xf32, #tpu.memory_space<hbm>>
      %dma_start3A_794 = arith.constant 48 : i32
      %dma_start3A_795 = arith.constant 0 : i32
      %dma_start3A_796 = tpu.memref_slice %arg11[%dma_start3A_794, %dma_start3A_795] : memref<128x64xf32, #tpu.memory_space<vmem>> -> memref<8x64xf32, #tpu.memory_space<vmem>>
      %dma_start3A_797 = arith.constant 0 : i32
      %dma_start3A_798 = tpu.memref_slice %arg4[%multiple_of3A_781, %dma_start3A_797] : memref<100001x64xf32, #tpu.memory_space<hbm>> -> memref<8x64xf32, #tpu.memory_space<hbm>>
      tpu.enqueue_dma source(%dma_start3A_798 : memref<8x64xf32, #tpu.memory_space<hbm>>) target(%dma_start3A_796 : memref<8x64xf32, #tpu.memory_space<vmem>>) target_semaphore(%arg15 : memref<!tpu.dma_semaphore, #tpu.memory_space<semaphore_mem>>)
      %dma_start3A_799 = arith.constant 48 : i32
      %dma_start3A_800 = arith.constant 0 : i32
      %dma_start3A_801 = tpu.memref_slice %arg12[%dma_start3A_799, %dma_start3A_800] : memref<128x64xf32, #tpu.memory_space<vmem>> -> memref<8x64xf32, #tpu.memory_space<vmem>>
      %dma_start3A_802 = arith.constant 0 : i32
      %dma_start3A_803 = tpu.memref_slice %arg5[%multiple_of3A_788, %dma_start3A_802] : memref<1000001x64xf32, #tpu.memory_space<hbm>> -> memref<8x64xf32, #tpu.memory_space<hbm>>
      %dma_start3A_804 = arith.constant 48 : i32
      %dma_start3A_805 = arith.constant 0 : i32
      %dma_start3A_806 = tpu.memref_slice %arg12[%dma_start3A_804, %dma_start3A_805] : memref<128x64xf32, #tpu.memory_space<vmem>> -> memref<8x64xf32, #tpu.memory_space<vmem>>
      %dma_start3A_807 = arith.constant 0 : i32
      %dma_start3A_808 = tpu.memref_slice %arg5[%multiple_of3A_788, %dma_start3A_807] : memref<1000001x64xf32, #tpu.memory_space<hbm>> -> memref<8x64xf32, #tpu.memory_space<hbm>>
      tpu.enqueue_dma source(%dma_start3A_808 : memref<8x64xf32, #tpu.memory_space<hbm>>) target(%dma_start3A_806 : memref<8x64xf32, #tpu.memory_space<vmem>>) target_semaphore(%arg15 : memref<!tpu.dma_semaphore, #tpu.memory_space<semaphore_mem>>)
      %slice3A_809 = vector.extract_strided_slice %get3A_564 {offsets = [7], sizes = [1], strides = [1]} : vector<16xi32> to vector<1xi32>
      %squeeze3A_810 = vector.extract %slice3A_809[0] : i32 from vector<1xi32>
      %shift_right_arithmetic3A_811 = arith.constant 3 : i32
      %shift_right_arithmetic3A_812 = arith.shrsi %squeeze3A_810, %shift_right_arithmetic3A_811 : i32
      %mul3A_813 = arith.constant 8 : i32
      %mul3A_814 = arith.muli %shift_right_arithmetic3A_812, %mul3A_813 : i32
      %multiple_of3A_815 = tpu.assume_multiple %mul3A_814, 8 : i32
      %slice3A_816 = vector.extract_strided_slice %get3A_570 {offsets = [7], sizes = [1], strides = [1]} : vector<16xi32> to vector<1xi32>
      %squeeze3A_817 = vector.extract %slice3A_816[0] : i32 from vector<1xi32>
      %shift_right_arithmetic3A_818 = arith.constant 3 : i32
      %shift_right_arithmetic3A_819 = arith.shrsi %squeeze3A_817, %shift_right_arithmetic3A_818 : i32
      %mul3A_820 = arith.constant 8 : i32
      %mul3A_821 = arith.muli %shift_right_arithmetic3A_819, %mul3A_820 : i32
      %multiple_of3A_822 = tpu.assume_multiple %mul3A_821, 8 : i32
      %dma_start3A_823 = arith.constant 56 : i32
      %dma_start3A_824 = arith.constant 0 : i32
      %dma_start3A_825 = tpu.memref_slice %arg11[%dma_start3A_823, %dma_start3A_824] : memref<128x64xf32, #tpu.memory_space<vmem>> -> memref<8x64xf32, #tpu.memory_space<vmem>>
      %dma_start3A_826 = arith.constant 0 : i32
      %dma_start3A_827 = tpu.memref_slice %arg4[%multiple_of3A_815, %dma_start3A_826] : memref<100001x64xf32, #tpu.memory_space<hbm>> -> memref<8x64xf32, #tpu.memory_space<hbm>>
      %dma_start3A_828 = arith.constant 56 : i32
      %dma_start3A_829 = arith.constant 0 : i32
      %dma_start3A_830 = tpu.memref_slice %arg11[%dma_start3A_828, %dma_start3A_829] : memref<128x64xf32, #tpu.memory_space<vmem>> -> memref<8x64xf32, #tpu.memory_space<vmem>>
      %dma_start3A_831 = arith.constant 0 : i32
      %dma_start3A_832 = tpu.memref_slice %arg4[%multiple_of3A_815, %dma_start3A_831] : memref<100001x64xf32, #tpu.memory_space<hbm>> -> memref<8x64xf32, #tpu.memory_space<hbm>>
      tpu.enqueue_dma source(%dma_start3A_832 : memref<8x64xf32, #tpu.memory_space<hbm>>) target(%dma_start3A_830 : memref<8x64xf32, #tpu.memory_space<vmem>>) target_semaphore(%arg15 : memref<!tpu.dma_semaphore, #tpu.memory_space<semaphore_mem>>)
      %dma_start3A_833 = arith.constant 56 : i32
      %dma_start3A_834 = arith.constant 0 : i32
      %dma_start3A_835 = tpu.memref_slice %arg12[%dma_start3A_833, %dma_start3A_834] : memref<128x64xf32, #tpu.memory_space<vmem>> -> memref<8x64xf32, #tpu.memory_space<vmem>>
      %dma_start3A_836 = arith.constant 0 : i32
      %dma_start3A_837 = tpu.memref_slice %arg5[%multiple_of3A_822, %dma_start3A_836] : memref<1000001x64xf32, #tpu.memory_space<hbm>> -> memref<8x64xf32, #tpu.memory_space<hbm>>
      %dma_start3A_838 = arith.constant 56 : i32
      %dma_start3A_839 = arith.constant 0 : i32
      %dma_start3A_840 = tpu.memref_slice %arg12[%dma_start3A_838, %dma_start3A_839] : memref<128x64xf32, #tpu.memory_space<vmem>> -> memref<8x64xf32, #tpu.memory_space<vmem>>
      %dma_start3A_841 = arith.constant 0 : i32
      %dma_start3A_842 = tpu.memref_slice %arg5[%multiple_of3A_822, %dma_start3A_841] : memref<1000001x64xf32, #tpu.memory_space<hbm>> -> memref<8x64xf32, #tpu.memory_space<hbm>>
      tpu.enqueue_dma source(%dma_start3A_842 : memref<8x64xf32, #tpu.memory_space<hbm>>) target(%dma_start3A_840 : memref<8x64xf32, #tpu.memory_space<vmem>>) target_semaphore(%arg15 : memref<!tpu.dma_semaphore, #tpu.memory_space<semaphore_mem>>)
      %slice3A_843 = vector.extract_strided_slice %get3A_564 {offsets = [8], sizes = [1], strides = [1]} : vector<16xi32> to vector<1xi32>
      %squeeze3A_844 = vector.extract %slice3A_843[0] : i32 from vector<1xi32>
      %shift_right_arithmetic3A_845 = arith.constant 3 : i32
      %shift_right_arithmetic3A_846 = arith.shrsi %squeeze3A_844, %shift_right_arithmetic3A_845 : i32
      %mul3A_847 = arith.constant 8 : i32
      %mul3A_848 = arith.muli %shift_right_arithmetic3A_846, %mul3A_847 : i32
      %multiple_of3A_849 = tpu.assume_multiple %mul3A_848, 8 : i32
      %slice3A_850 = vector.extract_strided_slice %get3A_570 {offsets = [8], sizes = [1], strides = [1]} : vector<16xi32> to vector<1xi32>
      %squeeze3A_851 = vector.extract %slice3A_850[0] : i32 from vector<1xi32>
      %shift_right_arithmetic3A_852 = arith.constant 3 : i32
      %shift_right_arithmetic3A_853 = arith.shrsi %squeeze3A_851, %shift_right_arithmetic3A_852 : i32
      %mul3A_854 = arith.constant 8 : i32
      %mul3A_855 = arith.muli %shift_right_arithmetic3A_853, %mul3A_854 : i32
      %multiple_of3A_856 = tpu.assume_multiple %mul3A_855, 8 : i32
      %dma_start3A_857 = arith.constant 64 : i32
      %dma_start3A_858 = arith.constant 0 : i32
      %dma_start3A_859 = tpu.memref_slice %arg11[%dma_start3A_857, %dma_start3A_858] : memref<128x64xf32, #tpu.memory_space<vmem>> -> memref<8x64xf32, #tpu.memory_space<vmem>>
      %dma_start3A_860 = arith.constant 0 : i32
      %dma_start3A_861 = tpu.memref_slice %arg4[%multiple_of3A_849, %dma_start3A_860] : memref<100001x64xf32, #tpu.memory_space<hbm>> -> memref<8x64xf32, #tpu.memory_space<hbm>>
      %dma_start3A_862 = arith.constant 64 : i32
      %dma_start3A_863 = arith.constant 0 : i32
      %dma_start3A_864 = tpu.memref_slice %arg11[%dma_start3A_862, %dma_start3A_863] : memref<128x64xf32, #tpu.memory_space<vmem>> -> memref<8x64xf32, #tpu.memory_space<vmem>>
      %dma_start3A_865 = arith.constant 0 : i32
      %dma_start3A_866 = tpu.memref_slice %arg4[%multiple_of3A_849, %dma_start3A_865] : memref<100001x64xf32, #tpu.memory_space<hbm>> -> memref<8x64xf32, #tpu.memory_space<hbm>>
      tpu.enqueue_dma source(%dma_start3A_866 : memref<8x64xf32, #tpu.memory_space<hbm>>) target(%dma_start3A_864 : memref<8x64xf32, #tpu.memory_space<vmem>>) target_semaphore(%arg15 : memref<!tpu.dma_semaphore, #tpu.memory_space<semaphore_mem>>)
      %dma_start3A_867 = arith.constant 64 : i32
      %dma_start3A_868 = arith.constant 0 : i32
      %dma_start3A_869 = tpu.memref_slice %arg12[%dma_start3A_867, %dma_start3A_868] : memref<128x64xf32, #tpu.memory_space<vmem>> -> memref<8x64xf32, #tpu.memory_space<vmem>>
      %dma_start3A_870 = arith.constant 0 : i32
      %dma_start3A_871 = tpu.memref_slice %arg5[%multiple_of3A_856, %dma_start3A_870] : memref<1000001x64xf32, #tpu.memory_space<hbm>> -> memref<8x64xf32, #tpu.memory_space<hbm>>
      %dma_start3A_872 = arith.constant 64 : i32
      %dma_start3A_873 = arith.constant 0 : i32
      %dma_start3A_874 = tpu.memref_slice %arg12[%dma_start3A_872, %dma_start3A_873] : memref<128x64xf32, #tpu.memory_space<vmem>> -> memref<8x64xf32, #tpu.memory_space<vmem>>
      %dma_start3A_875 = arith.constant 0 : i32
      %dma_start3A_876 = tpu.memref_slice %arg5[%multiple_of3A_856, %dma_start3A_875] : memref<1000001x64xf32, #tpu.memory_space<hbm>> -> memref<8x64xf32, #tpu.memory_space<hbm>>
      tpu.enqueue_dma source(%dma_start3A_876 : memref<8x64xf32, #tpu.memory_space<hbm>>) target(%dma_start3A_874 : memref<8x64xf32, #tpu.memory_space<vmem>>) target_semaphore(%arg15 : memref<!tpu.dma_semaphore, #tpu.memory_space<semaphore_mem>>)
      %slice3A_877 = vector.extract_strided_slice %get3A_564 {offsets = [9], sizes = [1], strides = [1]} : vector<16xi32> to vector<1xi32>
      %squeeze3A_878 = vector.extract %slice3A_877[0] : i32 from vector<1xi32>
      %shift_right_arithmetic3A_879 = arith.constant 3 : i32
      %shift_right_arithmetic3A_880 = arith.shrsi %squeeze3A_878, %shift_right_arithmetic3A_879 : i32
      %mul3A_881 = arith.constant 8 : i32
      %mul3A_882 = arith.muli %shift_right_arithmetic3A_880, %mul3A_881 : i32
      %multiple_of3A_883 = tpu.assume_multiple %mul3A_882, 8 : i32
      %slice3A_884 = vector.extract_strided_slice %get3A_570 {offsets = [9], sizes = [1], strides = [1]} : vector<16xi32> to vector<1xi32>
      %squeeze3A_885 = vector.extract %slice3A_884[0] : i32 from vector<1xi32>
      %shift_right_arithmetic3A_886 = arith.constant 3 : i32
      %shift_right_arithmetic3A_887 = arith.shrsi %squeeze3A_885, %shift_right_arithmetic3A_886 : i32
      %mul3A_888 = arith.constant 8 : i32
      %mul3A_889 = arith.muli %shift_right_arithmetic3A_887, %mul3A_888 : i32
      %multiple_of3A_890 = tpu.assume_multiple %mul3A_889, 8 : i32
      %dma_start3A_891 = arith.constant 72 : i32
      %dma_start3A_892 = arith.constant 0 : i32
      %dma_start3A_893 = tpu.memref_slice %arg11[%dma_start3A_891, %dma_start3A_892] : memref<128x64xf32, #tpu.memory_space<vmem>> -> memref<8x64xf32, #tpu.memory_space<vmem>>
      %dma_start3A_894 = arith.constant 0 : i32
      %dma_start3A_895 = tpu.memref_slice %arg4[%multiple_of3A_883, %dma_start3A_894] : memref<100001x64xf32, #tpu.memory_space<hbm>> -> memref<8x64xf32, #tpu.memory_space<hbm>>
      %dma_start3A_896 = arith.constant 72 : i32
      %dma_start3A_897 = arith.constant 0 : i32
      %dma_start3A_898 = tpu.memref_slice %arg11[%dma_start3A_896, %dma_start3A_897] : memref<128x64xf32, #tpu.memory_space<vmem>> -> memref<8x64xf32, #tpu.memory_space<vmem>>
      %dma_start3A_899 = arith.constant 0 : i32
      %dma_start3A_900 = tpu.memref_slice %arg4[%multiple_of3A_883, %dma_start3A_899] : memref<100001x64xf32, #tpu.memory_space<hbm>> -> memref<8x64xf32, #tpu.memory_space<hbm>>
      tpu.enqueue_dma source(%dma_start3A_900 : memref<8x64xf32, #tpu.memory_space<hbm>>) target(%dma_start3A_898 : memref<8x64xf32, #tpu.memory_space<vmem>>) target_semaphore(%arg15 : memref<!tpu.dma_semaphore, #tpu.memory_space<semaphore_mem>>)
      %dma_start3A_901 = arith.constant 72 : i32
      %dma_start3A_902 = arith.constant 0 : i32
      %dma_start3A_903 = tpu.memref_slice %arg12[%dma_start3A_901, %dma_start3A_902] : memref<128x64xf32, #tpu.memory_space<vmem>> -> memref<8x64xf32, #tpu.memory_space<vmem>>
      %dma_start3A_904 = arith.constant 0 : i32
      %dma_start3A_905 = tpu.memref_slice %arg5[%multiple_of3A_890, %dma_start3A_904] : memref<1000001x64xf32, #tpu.memory_space<hbm>> -> memref<8x64xf32, #tpu.memory_space<hbm>>
      %dma_start3A_906 = arith.constant 72 : i32
      %dma_start3A_907 = arith.constant 0 : i32
      %dma_start3A_908 = tpu.memref_slice %arg12[%dma_start3A_906, %dma_start3A_907] : memref<128x64xf32, #tpu.memory_space<vmem>> -> memref<8x64xf32, #tpu.memory_space<vmem>>
      %dma_start3A_909 = arith.constant 0 : i32
      %dma_start3A_910 = tpu.memref_slice %arg5[%multiple_of3A_890, %dma_start3A_909] : memref<1000001x64xf32, #tpu.memory_space<hbm>> -> memref<8x64xf32, #tpu.memory_space<hbm>>
      tpu.enqueue_dma source(%dma_start3A_910 : memref<8x64xf32, #tpu.memory_space<hbm>>) target(%dma_start3A_908 : memref<8x64xf32, #tpu.memory_space<vmem>>) target_semaphore(%arg15 : memref<!tpu.dma_semaphore, #tpu.memory_space<semaphore_mem>>)
      %slice3A_911 = vector.extract_strided_slice %get3A_564 {offsets = [10], sizes = [1], strides = [1]} : vector<16xi32> to vector<1xi32>
      %squeeze3A_912 = vector.extract %slice3A_911[0] : i32 from vector<1xi32>
      %shift_right_arithmetic3A_913 = arith.constant 3 : i32
      %shift_right_arithmetic3A_914 = arith.shrsi %squeeze3A_912, %shift_right_arithmetic3A_913 : i32
      %mul3A_915 = arith.constant 8 : i32
      %mul3A_916 = arith.muli %shift_right_arithmetic3A_914, %mul3A_915 : i32
      %multiple_of3A_917 = tpu.assume_multiple %mul3A_916, 8 : i32
      %slice3A_918 = vector.extract_strided_slice %get3A_570 {offsets = [10], sizes = [1], strides = [1]} : vector<16xi32> to vector<1xi32>
      %squeeze3A_919 = vector.extract %slice3A_918[0] : i32 from vector<1xi32>
      %shift_right_arithmetic3A_920 = arith.constant 3 : i32
      %shift_right_arithmetic3A_921 = arith.shrsi %squeeze3A_919, %shift_right_arithmetic3A_920 : i32
      %mul3A_922 = arith.constant 8 : i32
      %mul3A_923 = arith.muli %shift_right_arithmetic3A_921, %mul3A_922 : i32
      %multiple_of3A_924 = tpu.assume_multiple %mul3A_923, 8 : i32
      %dma_start3A_925 = arith.constant 80 : i32
      %dma_start3A_926 = arith.constant 0 : i32
      %dma_start3A_927 = tpu.memref_slice %arg11[%dma_start3A_925, %dma_start3A_926] : memref<128x64xf32, #tpu.memory_space<vmem>> -> memref<8x64xf32, #tpu.memory_space<vmem>>
      %dma_start3A_928 = arith.constant 0 : i32
      %dma_start3A_929 = tpu.memref_slice %arg4[%multiple_of3A_917, %dma_start3A_928] : memref<100001x64xf32, #tpu.memory_space<hbm>> -> memref<8x64xf32, #tpu.memory_space<hbm>>
      %dma_start3A_930 = arith.constant 80 : i32
      %dma_start3A_931 = arith.constant 0 : i32
      %dma_start3A_932 = tpu.memref_slice %arg11[%dma_start3A_930, %dma_start3A_931] : memref<128x64xf32, #tpu.memory_space<vmem>> -> memref<8x64xf32, #tpu.memory_space<vmem>>
      %dma_start3A_933 = arith.constant 0 : i32
      %dma_start3A_934 = tpu.memref_slice %arg4[%multiple_of3A_917, %dma_start3A_933] : memref<100001x64xf32, #tpu.memory_space<hbm>> -> memref<8x64xf32, #tpu.memory_space<hbm>>
      tpu.enqueue_dma source(%dma_start3A_934 : memref<8x64xf32, #tpu.memory_space<hbm>>) target(%dma_start3A_932 : memref<8x64xf32, #tpu.memory_space<vmem>>) target_semaphore(%arg15 : memref<!tpu.dma_semaphore, #tpu.memory_space<semaphore_mem>>)
      %dma_start3A_935 = arith.constant 80 : i32
      %dma_start3A_936 = arith.constant 0 : i32
      %dma_start3A_937 = tpu.memref_slice %arg12[%dma_start3A_935, %dma_start3A_936] : memref<128x64xf32, #tpu.memory_space<vmem>> -> memref<8x64xf32, #tpu.memory_space<vmem>>
      %dma_start3A_938 = arith.constant 0 : i32
      %dma_start3A_939 = tpu.memref_slice %arg5[%multiple_of3A_924, %dma_start3A_938] : memref<1000001x64xf32, #tpu.memory_space<hbm>> -> memref<8x64xf32, #tpu.memory_space<hbm>>
      %dma_start3A_940 = arith.constant 80 : i32
      %dma_start3A_941 = arith.constant 0 : i32
      %dma_start3A_942 = tpu.memref_slice %arg12[%dma_start3A_940, %dma_start3A_941] : memref<128x64xf32, #tpu.memory_space<vmem>> -> memref<8x64xf32, #tpu.memory_space<vmem>>
      %dma_start3A_943 = arith.constant 0 : i32
      %dma_start3A_944 = tpu.memref_slice %arg5[%multiple_of3A_924, %dma_start3A_943] : memref<1000001x64xf32, #tpu.memory_space<hbm>> -> memref<8x64xf32, #tpu.memory_space<hbm>>
      tpu.enqueue_dma source(%dma_start3A_944 : memref<8x64xf32, #tpu.memory_space<hbm>>) target(%dma_start3A_942 : memref<8x64xf32, #tpu.memory_space<vmem>>) target_semaphore(%arg15 : memref<!tpu.dma_semaphore, #tpu.memory_space<semaphore_mem>>)
      %slice3A_945 = vector.extract_strided_slice %get3A_564 {offsets = [11], sizes = [1], strides = [1]} : vector<16xi32> to vector<1xi32>
      %squeeze3A_946 = vector.extract %slice3A_945[0] : i32 from vector<1xi32>
      %shift_right_arithmetic3A_947 = arith.constant 3 : i32
      %shift_right_arithmetic3A_948 = arith.shrsi %squeeze3A_946, %shift_right_arithmetic3A_947 : i32
      %mul3A_949 = arith.constant 8 : i32
      %mul3A_950 = arith.muli %shift_right_arithmetic3A_948, %mul3A_949 : i32
      %multiple_of3A_951 = tpu.assume_multiple %mul3A_950, 8 : i32
      %slice3A_952 = vector.extract_strided_slice %get3A_570 {offsets = [11], sizes = [1], strides = [1]} : vector<16xi32> to vector<1xi32>
      %squeeze3A_953 = vector.extract %slice3A_952[0] : i32 from vector<1xi32>
      %shift_right_arithmetic3A_954 = arith.constant 3 : i32
      %shift_right_arithmetic3A_955 = arith.shrsi %squeeze3A_953, %shift_right_arithmetic3A_954 : i32
      %mul3A_956 = arith.constant 8 : i32
      %mul3A_957 = arith.muli %shift_right_arithmetic3A_955, %mul3A_956 : i32
      %multiple_of3A_958 = tpu.assume_multiple %mul3A_957, 8 : i32
      %dma_start3A_959 = arith.constant 88 : i32
      %dma_start3A_960 = arith.constant 0 : i32
      %dma_start3A_961 = tpu.memref_slice %arg11[%dma_start3A_959, %dma_start3A_960] : memref<128x64xf32, #tpu.memory_space<vmem>> -> memref<8x64xf32, #tpu.memory_space<vmem>>
      %dma_start3A_962 = arith.constant 0 : i32
      %dma_start3A_963 = tpu.memref_slice %arg4[%multiple_of3A_951, %dma_start3A_962] : memref<100001x64xf32, #tpu.memory_space<hbm>> -> memref<8x64xf32, #tpu.memory_space<hbm>>
      %dma_start3A_964 = arith.constant 88 : i32
      %dma_start3A_965 = arith.constant 0 : i32
      %dma_start3A_966 = tpu.memref_slice %arg11[%dma_start3A_964, %dma_start3A_965] : memref<128x64xf32, #tpu.memory_space<vmem>> -> memref<8x64xf32, #tpu.memory_space<vmem>>
      %dma_start3A_967 = arith.constant 0 : i32
      %dma_start3A_968 = tpu.memref_slice %arg4[%multiple_of3A_951, %dma_start3A_967] : memref<100001x64xf32, #tpu.memory_space<hbm>> -> memref<8x64xf32, #tpu.memory_space<hbm>>
      tpu.enqueue_dma source(%dma_start3A_968 : memref<8x64xf32, #tpu.memory_space<hbm>>) target(%dma_start3A_966 : memref<8x64xf32, #tpu.memory_space<vmem>>) target_semaphore(%arg15 : memref<!tpu.dma_semaphore, #tpu.memory_space<semaphore_mem>>)
      %dma_start3A_969 = arith.constant 88 : i32
      %dma_start3A_970 = arith.constant 0 : i32
      %dma_start3A_971 = tpu.memref_slice %arg12[%dma_start3A_969, %dma_start3A_970] : memref<128x64xf32, #tpu.memory_space<vmem>> -> memref<8x64xf32, #tpu.memory_space<vmem>>
      %dma_start3A_972 = arith.constant 0 : i32
      %dma_start3A_973 = tpu.memref_slice %arg5[%multiple_of3A_958, %dma_start3A_972] : memref<1000001x64xf32, #tpu.memory_space<hbm>> -> memref<8x64xf32, #tpu.memory_space<hbm>>
      %dma_start3A_974 = arith.constant 88 : i32
      %dma_start3A_975 = arith.constant 0 : i32
      %dma_start3A_976 = tpu.memref_slice %arg12[%dma_start3A_974, %dma_start3A_975] : memref<128x64xf32, #tpu.memory_space<vmem>> -> memref<8x64xf32, #tpu.memory_space<vmem>>
      %dma_start3A_977 = arith.constant 0 : i32
      %dma_start3A_978 = tpu.memref_slice %arg5[%multiple_of3A_958, %dma_start3A_977] : memref<1000001x64xf32, #tpu.memory_space<hbm>> -> memref<8x64xf32, #tpu.memory_space<hbm>>
      tpu.enqueue_dma source(%dma_start3A_978 : memref<8x64xf32, #tpu.memory_space<hbm>>) target(%dma_start3A_976 : memref<8x64xf32, #tpu.memory_space<vmem>>) target_semaphore(%arg15 : memref<!tpu.dma_semaphore, #tpu.memory_space<semaphore_mem>>)
      %slice3A_979 = vector.extract_strided_slice %get3A_564 {offsets = [12], sizes = [1], strides = [1]} : vector<16xi32> to vector<1xi32>
      %squeeze3A_980 = vector.extract %slice3A_979[0] : i32 from vector<1xi32>
      %shift_right_arithmetic3A_981 = arith.constant 3 : i32
      %shift_right_arithmetic3A_982 = arith.shrsi %squeeze3A_980, %shift_right_arithmetic3A_981 : i32
      %mul3A_983 = arith.constant 8 : i32
      %mul3A_984 = arith.muli %shift_right_arithmetic3A_982, %mul3A_983 : i32
      %multiple_of3A_985 = tpu.assume_multiple %mul3A_984, 8 : i32
      %slice3A_986 = vector.extract_strided_slice %get3A_570 {offsets = [12], sizes = [1], strides = [1]} : vector<16xi32> to vector<1xi32>
      %squeeze3A_987 = vector.extract %slice3A_986[0] : i32 from vector<1xi32>
      %shift_right_arithmetic3A_988 = arith.constant 3 : i32
      %shift_right_arithmetic3A_989 = arith.shrsi %squeeze3A_987, %shift_right_arithmetic3A_988 : i32
      %mul3A_990 = arith.constant 8 : i32
      %mul3A_991 = arith.muli %shift_right_arithmetic3A_989, %mul3A_990 : i32
      %multiple_of3A_992 = tpu.assume_multiple %mul3A_991, 8 : i32
      %dma_start3A_993 = arith.constant 96 : i32
      %dma_start3A_994 = arith.constant 0 : i32
      %dma_start3A_995 = tpu.memref_slice %arg11[%dma_start3A_993, %dma_start3A_994] : memref<128x64xf32, #tpu.memory_space<vmem>> -> memref<8x64xf32, #tpu.memory_space<vmem>>
      %dma_start3A_996 = arith.constant 0 : i32
      %dma_start3A_997 = tpu.memref_slice %arg4[%multiple_of3A_985, %dma_start3A_996] : memref<100001x64xf32, #tpu.memory_space<hbm>> -> memref<8x64xf32, #tpu.memory_space<hbm>>
      %dma_start3A_998 = arith.constant 96 : i32
      %dma_start3A_999 = arith.constant 0 : i32
      %dma_start3A_1000 = tpu.memref_slice %arg11[%dma_start3A_998, %dma_start3A_999] : memref<128x64xf32, #tpu.memory_space<vmem>> -> memref<8x64xf32, #tpu.memory_space<vmem>>
      %dma_start3A_1001 = arith.constant 0 : i32
      %dma_start3A_1002 = tpu.memref_slice %arg4[%multiple_of3A_985, %dma_start3A_1001] : memref<100001x64xf32, #tpu.memory_space<hbm>> -> memref<8x64xf32, #tpu.memory_space<hbm>>
      tpu.enqueue_dma source(%dma_start3A_1002 : memref<8x64xf32, #tpu.memory_space<hbm>>) target(%dma_start3A_1000 : memref<8x64xf32, #tpu.memory_space<vmem>>) target_semaphore(%arg15 : memref<!tpu.dma_semaphore, #tpu.memory_space<semaphore_mem>>)
      %dma_start3A_1003 = arith.constant 96 : i32
      %dma_start3A_1004 = arith.constant 0 : i32
      %dma_start3A_1005 = tpu.memref_slice %arg12[%dma_start3A_1003, %dma_start3A_1004] : memref<128x64xf32, #tpu.memory_space<vmem>> -> memref<8x64xf32, #tpu.memory_space<vmem>>
      %dma_start3A_1006 = arith.constant 0 : i32
      %dma_start3A_1007 = tpu.memref_slice %arg5[%multiple_of3A_992, %dma_start3A_1006] : memref<1000001x64xf32, #tpu.memory_space<hbm>> -> memref<8x64xf32, #tpu.memory_space<hbm>>
      %dma_start3A_1008 = arith.constant 96 : i32
      %dma_start3A_1009 = arith.constant 0 : i32
      %dma_start3A_1010 = tpu.memref_slice %arg12[%dma_start3A_1008, %dma_start3A_1009] : memref<128x64xf32, #tpu.memory_space<vmem>> -> memref<8x64xf32, #tpu.memory_space<vmem>>
      %dma_start3A_1011 = arith.constant 0 : i32
      %dma_start3A_1012 = tpu.memref_slice %arg5[%multiple_of3A_992, %dma_start3A_1011] : memref<1000001x64xf32, #tpu.memory_space<hbm>> -> memref<8x64xf32, #tpu.memory_space<hbm>>
      tpu.enqueue_dma source(%dma_start3A_1012 : memref<8x64xf32, #tpu.memory_space<hbm>>) target(%dma_start3A_1010 : memref<8x64xf32, #tpu.memory_space<vmem>>) target_semaphore(%arg15 : memref<!tpu.dma_semaphore, #tpu.memory_space<semaphore_mem>>)
      %slice3A_1013 = vector.extract_strided_slice %get3A_564 {offsets = [13], sizes = [1], strides = [1]} : vector<16xi32> to vector<1xi32>
      %squeeze3A_1014 = vector.extract %slice3A_1013[0] : i32 from vector<1xi32>
      %shift_right_arithmetic3A_1015 = arith.constant 3 : i32
      %shift_right_arithmetic3A_1016 = arith.shrsi %squeeze3A_1014, %shift_right_arithmetic3A_1015 : i32
      %mul3A_1017 = arith.constant 8 : i32
      %mul3A_1018 = arith.muli %shift_right_arithmetic3A_1016, %mul3A_1017 : i32
      %multiple_of3A_1019 = tpu.assume_multiple %mul3A_1018, 8 : i32
      %slice3A_1020 = vector.extract_strided_slice %get3A_570 {offsets = [13], sizes = [1], strides = [1]} : vector<16xi32> to vector<1xi32>
      %squeeze3A_1021 = vector.extract %slice3A_1020[0] : i32 from vector<1xi32>
      %shift_right_arithmetic3A_1022 = arith.constant 3 : i32
      %shift_right_arithmetic3A_1023 = arith.shrsi %squeeze3A_1021, %shift_right_arithmetic3A_1022 : i32
      %mul3A_1024 = arith.constant 8 : i32
      %mul3A_1025 = arith.muli %shift_right_arithmetic3A_1023, %mul3A_1024 : i32
      %multiple_of3A_1026 = tpu.assume_multiple %mul3A_1025, 8 : i32
      %dma_start3A_1027 = arith.constant 104 : i32
      %dma_start3A_1028 = arith.constant 0 : i32
      %dma_start3A_1029 = tpu.memref_slice %arg11[%dma_start3A_1027, %dma_start3A_1028] : memref<128x64xf32, #tpu.memory_space<vmem>> -> memref<8x64xf32, #tpu.memory_space<vmem>>
      %dma_start3A_1030 = arith.constant 0 : i32
      %dma_start3A_1031 = tpu.memref_slice %arg4[%multiple_of3A_1019, %dma_start3A_1030] : memref<100001x64xf32, #tpu.memory_space<hbm>> -> memref<8x64xf32, #tpu.memory_space<hbm>>
      %dma_start3A_1032 = arith.constant 104 : i32
      %dma_start3A_1033 = arith.constant 0 : i32
      %dma_start3A_1034 = tpu.memref_slice %arg11[%dma_start3A_1032, %dma_start3A_1033] : memref<128x64xf32, #tpu.memory_space<vmem>> -> memref<8x64xf32, #tpu.memory_space<vmem>>
      %dma_start3A_1035 = arith.constant 0 : i32
      %dma_start3A_1036 = tpu.memref_slice %arg4[%multiple_of3A_1019, %dma_start3A_1035] : memref<100001x64xf32, #tpu.memory_space<hbm>> -> memref<8x64xf32, #tpu.memory_space<hbm>>
      tpu.enqueue_dma source(%dma_start3A_1036 : memref<8x64xf32, #tpu.memory_space<hbm>>) target(%dma_start3A_1034 : memref<8x64xf32, #tpu.memory_space<vmem>>) target_semaphore(%arg15 : memref<!tpu.dma_semaphore, #tpu.memory_space<semaphore_mem>>)
      %dma_start3A_1037 = arith.constant 104 : i32
      %dma_start3A_1038 = arith.constant 0 : i32
      %dma_start3A_1039 = tpu.memref_slice %arg12[%dma_start3A_1037, %dma_start3A_1038] : memref<128x64xf32, #tpu.memory_space<vmem>> -> memref<8x64xf32, #tpu.memory_space<vmem>>
      %dma_start3A_1040 = arith.constant 0 : i32
      %dma_start3A_1041 = tpu.memref_slice %arg5[%multiple_of3A_1026, %dma_start3A_1040] : memref<1000001x64xf32, #tpu.memory_space<hbm>> -> memref<8x64xf32, #tpu.memory_space<hbm>>
      %dma_start3A_1042 = arith.constant 104 : i32
      %dma_start3A_1043 = arith.constant 0 : i32
      %dma_start3A_1044 = tpu.memref_slice %arg12[%dma_start3A_1042, %dma_start3A_1043] : memref<128x64xf32, #tpu.memory_space<vmem>> -> memref<8x64xf32, #tpu.memory_space<vmem>>
      %dma_start3A_1045 = arith.constant 0 : i32
      %dma_start3A_1046 = tpu.memref_slice %arg5[%multiple_of3A_1026, %dma_start3A_1045] : memref<1000001x64xf32, #tpu.memory_space<hbm>> -> memref<8x64xf32, #tpu.memory_space<hbm>>
      tpu.enqueue_dma source(%dma_start3A_1046 : memref<8x64xf32, #tpu.memory_space<hbm>>) target(%dma_start3A_1044 : memref<8x64xf32, #tpu.memory_space<vmem>>) target_semaphore(%arg15 : memref<!tpu.dma_semaphore, #tpu.memory_space<semaphore_mem>>)
      %slice3A_1047 = vector.extract_strided_slice %get3A_564 {offsets = [14], sizes = [1], strides = [1]} : vector<16xi32> to vector<1xi32>
      %squeeze3A_1048 = vector.extract %slice3A_1047[0] : i32 from vector<1xi32>
      %shift_right_arithmetic3A_1049 = arith.constant 3 : i32
      %shift_right_arithmetic3A_1050 = arith.shrsi %squeeze3A_1048, %shift_right_arithmetic3A_1049 : i32
      %mul3A_1051 = arith.constant 8 : i32
      %mul3A_1052 = arith.muli %shift_right_arithmetic3A_1050, %mul3A_1051 : i32
      %multiple_of3A_1053 = tpu.assume_multiple %mul3A_1052, 8 : i32
      %slice3A_1054 = vector.extract_strided_slice %get3A_570 {offsets = [14], sizes = [1], strides = [1]} : vector<16xi32> to vector<1xi32>
      %squeeze3A_1055 = vector.extract %slice3A_1054[0] : i32 from vector<1xi32>
      %shift_right_arithmetic3A_1056 = arith.constant 3 : i32
      %shift_right_arithmetic3A_1057 = arith.shrsi %squeeze3A_1055, %shift_right_arithmetic3A_1056 : i32
      %mul3A_1058 = arith.constant 8 : i32
      %mul3A_1059 = arith.muli %shift_right_arithmetic3A_1057, %mul3A_1058 : i32
      %multiple_of3A_1060 = tpu.assume_multiple %mul3A_1059, 8 : i32
      %dma_start3A_1061 = arith.constant 112 : i32
      %dma_start3A_1062 = arith.constant 0 : i32
      %dma_start3A_1063 = tpu.memref_slice %arg11[%dma_start3A_1061, %dma_start3A_1062] : memref<128x64xf32, #tpu.memory_space<vmem>> -> memref<8x64xf32, #tpu.memory_space<vmem>>
      %dma_start3A_1064 = arith.constant 0 : i32
      %dma_start3A_1065 = tpu.memref_slice %arg4[%multiple_of3A_1053, %dma_start3A_1064] : memref<100001x64xf32, #tpu.memory_space<hbm>> -> memref<8x64xf32, #tpu.memory_space<hbm>>
      %dma_start3A_1066 = arith.constant 112 : i32
      %dma_start3A_1067 = arith.constant 0 : i32
      %dma_start3A_1068 = tpu.memref_slice %arg11[%dma_start3A_1066, %dma_start3A_1067] : memref<128x64xf32, #tpu.memory_space<vmem>> -> memref<8x64xf32, #tpu.memory_space<vmem>>
      %dma_start3A_1069 = arith.constant 0 : i32
      %dma_start3A_1070 = tpu.memref_slice %arg4[%multiple_of3A_1053, %dma_start3A_1069] : memref<100001x64xf32, #tpu.memory_space<hbm>> -> memref<8x64xf32, #tpu.memory_space<hbm>>
      tpu.enqueue_dma source(%dma_start3A_1070 : memref<8x64xf32, #tpu.memory_space<hbm>>) target(%dma_start3A_1068 : memref<8x64xf32, #tpu.memory_space<vmem>>) target_semaphore(%arg15 : memref<!tpu.dma_semaphore, #tpu.memory_space<semaphore_mem>>)
      %dma_start3A_1071 = arith.constant 112 : i32
      %dma_start3A_1072 = arith.constant 0 : i32
      %dma_start3A_1073 = tpu.memref_slice %arg12[%dma_start3A_1071, %dma_start3A_1072] : memref<128x64xf32, #tpu.memory_space<vmem>> -> memref<8x64xf32, #tpu.memory_space<vmem>>
      %dma_start3A_1074 = arith.constant 0 : i32
      %dma_start3A_1075 = tpu.memref_slice %arg5[%multiple_of3A_1060, %dma_start3A_1074] : memref<1000001x64xf32, #tpu.memory_space<hbm>> -> memref<8x64xf32, #tpu.memory_space<hbm>>
      %dma_start3A_1076 = arith.constant 112 : i32
      %dma_start3A_1077 = arith.constant 0 : i32
      %dma_start3A_1078 = tpu.memref_slice %arg12[%dma_start3A_1076, %dma_start3A_1077] : memref<128x64xf32, #tpu.memory_space<vmem>> -> memref<8x64xf32, #tpu.memory_space<vmem>>
      %dma_start3A_1079 = arith.constant 0 : i32
      %dma_start3A_1080 = tpu.memref_slice %arg5[%multiple_of3A_1060, %dma_start3A_1079] : memref<1000001x64xf32, #tpu.memory_space<hbm>> -> memref<8x64xf32, #tpu.memory_space<hbm>>
      tpu.enqueue_dma source(%dma_start3A_1080 : memref<8x64xf32, #tpu.memory_space<hbm>>) target(%dma_start3A_1078 : memref<8x64xf32, #tpu.memory_space<vmem>>) target_semaphore(%arg15 : memref<!tpu.dma_semaphore, #tpu.memory_space<semaphore_mem>>)
      %slice3A_1081 = vector.extract_strided_slice %get3A_564 {offsets = [15], sizes = [1], strides = [1]} : vector<16xi32> to vector<1xi32>
      %squeeze3A_1082 = vector.extract %slice3A_1081[0] : i32 from vector<1xi32>
      %shift_right_arithmetic3A_1083 = arith.constant 3 : i32
      %shift_right_arithmetic3A_1084 = arith.shrsi %squeeze3A_1082, %shift_right_arithmetic3A_1083 : i32
      %mul3A_1085 = arith.constant 8 : i32
      %mul3A_1086 = arith.muli %shift_right_arithmetic3A_1084, %mul3A_1085 : i32
      %multiple_of3A_1087 = tpu.assume_multiple %mul3A_1086, 8 : i32
      %slice3A_1088 = vector.extract_strided_slice %get3A_570 {offsets = [15], sizes = [1], strides = [1]} : vector<16xi32> to vector<1xi32>
      %squeeze3A_1089 = vector.extract %slice3A_1088[0] : i32 from vector<1xi32>
      %shift_right_arithmetic3A_1090 = arith.constant 3 : i32
      %shift_right_arithmetic3A_1091 = arith.shrsi %squeeze3A_1089, %shift_right_arithmetic3A_1090 : i32
      %mul3A_1092 = arith.constant 8 : i32
      %mul3A_1093 = arith.muli %shift_right_arithmetic3A_1091, %mul3A_1092 : i32
      %multiple_of3A_1094 = tpu.assume_multiple %mul3A_1093, 8 : i32
      %dma_start3A_1095 = arith.constant 120 : i32
      %dma_start3A_1096 = arith.constant 0 : i32
      %dma_start3A_1097 = tpu.memref_slice %arg11[%dma_start3A_1095, %dma_start3A_1096] : memref<128x64xf32, #tpu.memory_space<vmem>> -> memref<8x64xf32, #tpu.memory_space<vmem>>
      %dma_start3A_1098 = arith.constant 0 : i32
      %dma_start3A_1099 = tpu.memref_slice %arg4[%multiple_of3A_1087, %dma_start3A_1098] : memref<100001x64xf32, #tpu.memory_space<hbm>> -> memref<8x64xf32, #tpu.memory_space<hbm>>
      %dma_start3A_1100 = arith.constant 120 : i32
      %dma_start3A_1101 = arith.constant 0 : i32
      %dma_start3A_1102 = tpu.memref_slice %arg11[%dma_start3A_1100, %dma_start3A_1101] : memref<128x64xf32, #tpu.memory_space<vmem>> -> memref<8x64xf32, #tpu.memory_space<vmem>>
      %dma_start3A_1103 = arith.constant 0 : i32
      %dma_start3A_1104 = tpu.memref_slice %arg4[%multiple_of3A_1087, %dma_start3A_1103] : memref<100001x64xf32, #tpu.memory_space<hbm>> -> memref<8x64xf32, #tpu.memory_space<hbm>>
      tpu.enqueue_dma source(%dma_start3A_1104 : memref<8x64xf32, #tpu.memory_space<hbm>>) target(%dma_start3A_1102 : memref<8x64xf32, #tpu.memory_space<vmem>>) target_semaphore(%arg15 : memref<!tpu.dma_semaphore, #tpu.memory_space<semaphore_mem>>)
      %dma_start3A_1105 = arith.constant 120 : i32
      %dma_start3A_1106 = arith.constant 0 : i32
      %dma_start3A_1107 = tpu.memref_slice %arg12[%dma_start3A_1105, %dma_start3A_1106] : memref<128x64xf32, #tpu.memory_space<vmem>> -> memref<8x64xf32, #tpu.memory_space<vmem>>
      %dma_start3A_1108 = arith.constant 0 : i32
      %dma_start3A_1109 = tpu.memref_slice %arg5[%multiple_of3A_1094, %dma_start3A_1108] : memref<1000001x64xf32, #tpu.memory_space<hbm>> -> memref<8x64xf32, #tpu.memory_space<hbm>>
      %dma_start3A_1110 = arith.constant 120 : i32
      %dma_start3A_1111 = arith.constant 0 : i32
      %dma_start3A_1112 = tpu.memref_slice %arg12[%dma_start3A_1110, %dma_start3A_1111] : memref<128x64xf32, #tpu.memory_space<vmem>> -> memref<8x64xf32, #tpu.memory_space<vmem>>
      %dma_start3A_1113 = arith.constant 0 : i32
      %dma_start3A_1114 = tpu.memref_slice %arg5[%multiple_of3A_1094, %dma_start3A_1113] : memref<1000001x64xf32, #tpu.memory_space<hbm>> -> memref<8x64xf32, #tpu.memory_space<hbm>>
      tpu.enqueue_dma source(%dma_start3A_1114 : memref<8x64xf32, #tpu.memory_space<hbm>>) target(%dma_start3A_1112 : memref<8x64xf32, #tpu.memory_space<vmem>>) target_semaphore(%arg15 : memref<!tpu.dma_semaphore, #tpu.memory_space<semaphore_mem>>)
      %dma_wait3A = arith.constant 0 : i32
      %dma_wait3A_1115 = arith.constant 0 : i32
      %dma_wait3A_1116 = tpu.memref_slice %arg4[%dma_wait3A, %dma_wait3A_1115] : memref<100001x64xf32, #tpu.memory_space<hbm>> -> memref<128x64xf32, #tpu.memory_space<hbm>>
      %dma_wait3A_1117 = arith.constant 0 : i32
      %dma_wait3A_1118 = arith.constant 0 : i32
      %dma_wait3A_1119 = tpu.memref_slice %arg4[%dma_wait3A_1117, %dma_wait3A_1118] : memref<100001x64xf32, #tpu.memory_space<hbm>> -> memref<128x64xf32, #tpu.memory_space<hbm>>
      tpu.wait_dma2 semaphore(%arg14 : memref<!tpu.dma_semaphore, #tpu.memory_space<semaphore_mem>>) src(%dma_wait3A_1119 : memref<128x64xf32, #tpu.memory_space<hbm>>) dst(%arg9 : memref<128x64xf32, #tpu.memory_space<vmem>>)
      %dma_wait3A_1120 = arith.constant 0 : i32
      %dma_wait3A_1121 = arith.constant 0 : i32
      %dma_wait3A_1122 = tpu.memref_slice %arg5[%dma_wait3A_1120, %dma_wait3A_1121] : memref<1000001x64xf32, #tpu.memory_space<hbm>> -> memref<128x64xf32, #tpu.memory_space<hbm>>
      %dma_wait3A_1123 = arith.constant 0 : i32
      %dma_wait3A_1124 = arith.constant 0 : i32
      %dma_wait3A_1125 = tpu.memref_slice %arg5[%dma_wait3A_1123, %dma_wait3A_1124] : memref<1000001x64xf32, #tpu.memory_space<hbm>> -> memref<128x64xf32, #tpu.memory_space<hbm>>
      tpu.wait_dma2 semaphore(%arg14 : memref<!tpu.dma_semaphore, #tpu.memory_space<semaphore_mem>>) src(%dma_wait3A_1125 : memref<128x64xf32, #tpu.memory_space<hbm>>) dst(%arg10 : memref<128x64xf32, #tpu.memory_space<vmem>>)
      %mul3A_1126 = arith.constant 16 : i32
      %mul3A_1127 = arith.muli %mul3A_556, %mul3A_1126 : i32
      %get3A_1128 = arith.constant 0 : i32
      %get3A_1129 = arith.index_cast %get3A_1128 : i32 to index
      %get3A_1130 = arith.index_cast %mul3A_1127 : i32 to index
      %get3A_1131 = tpu.vector_load %arg7[%get3A_1129, %get3A_1130] {strides = array<i32>} : memref<1x512xi32, #tpu.memory_space<vmem>>, vector<16xi32>,
      %mul3A_1132 = arith.constant 16 : i32
      %mul3A_1133 = arith.muli %mul3A_556, %mul3A_1132 : i32
      %get3A_1134 = arith.constant 0 : i32
      %get3A_1135 = arith.index_cast %get3A_1134 : i32 to index
      %get3A_1136 = arith.index_cast %mul3A_1133 : i32 to index
      %get3A_1137 = tpu.vector_load %arg8[%get3A_1135, %get3A_1136] {strides = array<i32>} : memref<1x512xi32, #tpu.memory_space<vmem>>, vector<16xi32>,
      %broadcast_in_dim3A = arith.constant 0.000000e+00 : f32
      %broadcast_in_dim3A_1138 = vector.broadcast %broadcast_in_dim3A : f32 to vector<16xf32>
      %slice3A_1139 = vector.extract_strided_slice %get3A_1131 {offsets = [0], sizes = [1], strides = [1]} : vector<16xi32> to vector<1xi32>
      %squeeze3A_1140 = vector.extract %slice3A_1139[0] : i32 from vector<1xi32>
      %and3A = arith.constant 7 : i32
      %and3A_1141 = arith.andi %squeeze3A_1140, %and3A : i32
      %add3A_1142 = arith.constant 0 : i32
      %add3A_1143 = arith.addi %add3A_1142, %and3A_1141 : i32
      %slice3A_1144 = vector.extract_strided_slice %get3A_1137 {offsets = [0], sizes = [1], strides = [1]} : vector<16xi32> to vector<1xi32>
      %squeeze3A_1145 = vector.extract %slice3A_1144[0] : i32 from vector<1xi32>
      %and3A_1146 = arith.constant 7 : i32
      %and3A_1147 = arith.andi %squeeze3A_1145, %and3A_1146 : i32
      %add3A_1148 = arith.constant 0 : i32
      %add3A_1149 = arith.addi %add3A_1148, %and3A_1147 : i32
      %get3A_1150 = arith.index_cast %add3A_1143 : i32 to index
      %get3A_1151 = arith.constant 0 : index
      %get3A_1152 = tpu.vector_load %arg9[%get3A_1150, %get3A_1151] {strides = array<i32>} : memref<128x64xf32, #tpu.memory_space<vmem>>, vector<16xf32>,
      %get3A_1153 = arith.index_cast %add3A_1149 : i32 to index
      %get3A_1154 = arith.constant 0 : index
      %get3A_1155 = tpu.vector_load %arg10[%get3A_1153, %get3A_1154] {strides = array<i32>} : memref<128x64xf32, #tpu.memory_space<vmem>>, vector<16xf32>,
      %mul3A_1156 = arith.mulf %get3A_1152, %get3A_1155 : vector<16xf32>
      %get3A_1157 = arith.index_cast %add3A_1143 : i32 to index
      %get3A_1158 = arith.constant 16 : index
      %get3A_1159 = tpu.vector_load %arg9[%get3A_1157, %get3A_1158] {strides = array<i32>} : memref<128x64xf32, #tpu.memory_space<vmem>>, vector<16xf32>,
      %get3A_1160 = arith.index_cast %add3A_1149 : i32 to index
      %get3A_1161 = arith.constant 16 : index
      %get3A_1162 = tpu.vector_load %arg10[%get3A_1160, %get3A_1161] {strides = array<i32>} : memref<128x64xf32, #tpu.memory_space<vmem>>, vector<16xf32>,
      %mul3A_1163 = arith.mulf %get3A_1159, %get3A_1162 : vector<16xf32>
      %add3A_1164 = arith.addf %mul3A_1156, %mul3A_1163 : vector<16xf32>
      %get3A_1165 = arith.index_cast %add3A_1143 : i32 to index
      %get3A_1166 = arith.constant 32 : index
      %get3A_1167 = tpu.vector_load %arg9[%get3A_1165, %get3A_1166] {strides = array<i32>} : memref<128x64xf32, #tpu.memory_space<vmem>>, vector<16xf32>,
      %get3A_1168 = arith.index_cast %add3A_1149 : i32 to index
      %get3A_1169 = arith.constant 32 : index
      %get3A_1170 = tpu.vector_load %arg10[%get3A_1168, %get3A_1169] {strides = array<i32>} : memref<128x64xf32, #tpu.memory_space<vmem>>, vector<16xf32>,
      %mul3A_1171 = arith.mulf %get3A_1167, %get3A_1170 : vector<16xf32>
      %add3A_1172 = arith.addf %add3A_1164, %mul3A_1171 : vector<16xf32>
      %get3A_1173 = arith.index_cast %add3A_1143 : i32 to index
      %get3A_1174 = arith.constant 48 : index
      %get3A_1175 = tpu.vector_load %arg9[%get3A_1173, %get3A_1174] {strides = array<i32>} : memref<128x64xf32, #tpu.memory_space<vmem>>, vector<16xf32>,
      %get3A_1176 = arith.index_cast %add3A_1149 : i32 to index
      %get3A_1177 = arith.constant 48 : index
      %get3A_1178 = tpu.vector_load %arg10[%get3A_1176, %get3A_1177] {strides = array<i32>} : memref<128x64xf32, #tpu.memory_space<vmem>>, vector<16xf32>,
      %mul3A_1179 = arith.mulf %get3A_1175, %get3A_1178 : vector<16xf32>
      %add3A_1180 = arith.addf %add3A_1172, %mul3A_1179 : vector<16xf32>
      %eq3A = arith.constant 0 : i32
      %eq3A_1181 = vector.broadcast %eq3A : i32 to vector<16xi32>
      %eq3A_1182 = arith.cmpi eq, %iota3A, %eq3A_1181 : vector<16xi32>
      %reduce_sum3A = arith.constant true
      %reduce_sum3A_1183 = vector.broadcast %reduce_sum3A : i1 to vector<16xi1>
      %reduce_sum3A_1184 = tpu.scan <sum>, %add3A_1180 masked %reduce_sum3A_1183 : vector<16xf32>, vector<16xi1> -> vector<16xf32>
      %reduce_sum3A_1185 = vector.extract %reduce_sum3A_1184[15] : f32 from vector<16xf32>
      %broadcast_in_dim3A_1186 = vector.broadcast %reduce_sum3A_1185 : f32 to vector<16xf32>
      %select_n3A = arith.select %eq3A_1182, %broadcast_in_dim3A_1186, %broadcast_in_dim3A_1138 : vector<16xi1>, vector<16xf32>
      %slice3A_1187 = vector.extract_strided_slice %get3A_1131 {offsets = [1], sizes = [1], strides = [1]} : vector<16xi32> to vector<1xi32>
      %squeeze3A_1188 = vector.extract %slice3A_1187[0] : i32 from vector<1xi32>
      %and3A_1189 = arith.constant 7 : i32
      %and3A_1190 = arith.andi %squeeze3A_1188, %and3A_1189 : i32
      %add3A_1191 = arith.constant 8 : i32
      %add3A_1192 = arith.addi %add3A_1191, %and3A_1190 : i32
      %slice3A_1193 = vector.extract_strided_slice %get3A_1137 {offsets = [1], sizes = [1], strides = [1]} : vector<16xi32> to vector<1xi32>
      %squeeze3A_1194 = vector.extract %slice3A_1193[0] : i32 from vector<1xi32>
      %and3A_1195 = arith.constant 7 : i32
      %and3A_1196 = arith.andi %squeeze3A_1194, %and3A_1195 : i32
      %add3A_1197 = arith.constant 8 : i32
      %add3A_1198 = arith.addi %add3A_1197, %and3A_1196 : i32
      %get3A_1199 = arith.index_cast %add3A_1192 : i32 to index
      %get3A_1200 = arith.constant 0 : index
      %get3A_1201 = tpu.vector_load %arg9[%get3A_1199, %get3A_1200] {strides = array<i32>} : memref<128x64xf32, #tpu.memory_space<vmem>>, vector<16xf32>,
      %get3A_1202 = arith.index_cast %add3A_1198 : i32 to index
      %get3A_1203 = arith.constant 0 : index
      %get3A_1204 = tpu.vector_load %arg10[%get3A_1202, %get3A_1203] {strides = array<i32>} : memref<128x64xf32, #tpu.memory_space<vmem>>, vector<16xf32>,
      %mul3A_1205 = arith.mulf %get3A_1201, %get3A_1204 : vector<16xf32>
      %get3A_1206 = arith.index_cast %add3A_1192 : i32 to index
      %get3A_1207 = arith.constant 16 : index
      %get3A_1208 = tpu.vector_load %arg9[%get3A_1206, %get3A_1207] {strides = array<i32>} : memref<128x64xf32, #tpu.memory_space<vmem>>, vector<16xf32>,
      %get3A_1209 = arith.index_cast %add3A_1198 : i32 to index
      %get3A_1210 = arith.constant 16 : index
      %get3A_1211 = tpu.vector_load %arg10[%get3A_1209, %get3A_1210] {strides = array<i32>} : memref<128x64xf32, #tpu.memory_space<vmem>>, vector<16xf32>,
      %mul3A_1212 = arith.mulf %get3A_1208, %get3A_1211 : vector<16xf32>
      %add3A_1213 = arith.addf %mul3A_1205, %mul3A_1212 : vector<16xf32>
      %get3A_1214 = arith.index_cast %add3A_1192 : i32 to index
      %get3A_1215 = arith.constant 32 : index
      %get3A_1216 = tpu.vector_load %arg9[%get3A_1214, %get3A_1215] {strides = array<i32>} : memref<128x64xf32, #tpu.memory_space<vmem>>, vector<16xf32>,
      %get3A_1217 = arith.index_cast %add3A_1198 : i32 to index
      %get3A_1218 = arith.constant 32 : index
      %get3A_1219 = tpu.vector_load %arg10[%get3A_1217, %get3A_1218] {strides = array<i32>} : memref<128x64xf32, #tpu.memory_space<vmem>>, vector<16xf32>,
      %mul3A_1220 = arith.mulf %get3A_1216, %get3A_1219 : vector<16xf32>
      %add3A_1221 = arith.addf %add3A_1213, %mul3A_1220 : vector<16xf32>
      %get3A_1222 = arith.index_cast %add3A_1192 : i32 to index
      %get3A_1223 = arith.constant 48 : index
      %get3A_1224 = tpu.vector_load %arg9[%get3A_1222, %get3A_1223] {strides = array<i32>} : memref<128x64xf32, #tpu.memory_space<vmem>>, vector<16xf32>,
      %get3A_1225 = arith.index_cast %add3A_1198 : i32 to index
      %get3A_1226 = arith.constant 48 : index
      %get3A_1227 = tpu.vector_load %arg10[%get3A_1225, %get3A_1226] {strides = array<i32>} : memref<128x64xf32, #tpu.memory_space<vmem>>, vector<16xf32>,
      %mul3A_1228 = arith.mulf %get3A_1224, %get3A_1227 : vector<16xf32>
      %add3A_1229 = arith.addf %add3A_1221, %mul3A_1228 : vector<16xf32>
      %eq3A_1230 = arith.constant 1 : i32
      %eq3A_1231 = vector.broadcast %eq3A_1230 : i32 to vector<16xi32>
      %eq3A_1232 = arith.cmpi eq, %iota3A, %eq3A_1231 : vector<16xi32>
      %reduce_sum3A_1233 = arith.constant true
      %reduce_sum3A_1234 = vector.broadcast %reduce_sum3A_1233 : i1 to vector<16xi1>
      %reduce_sum3A_1235 = tpu.scan <sum>, %add3A_1229 masked %reduce_sum3A_1234 : vector<16xf32>, vector<16xi1> -> vector<16xf32>
      %reduce_sum3A_1236 = vector.extract %reduce_sum3A_1235[15] : f32 from vector<16xf32>
      %broadcast_in_dim3A_1237 = vector.broadcast %reduce_sum3A_1236 : f32 to vector<16xf32>
      %select_n3A_1238 = arith.select %eq3A_1232, %broadcast_in_dim3A_1237, %select_n3A : vector<16xi1>, vector<16xf32>
      %slice3A_1239 = vector.extract_strided_slice %get3A_1131 {offsets = [2], sizes = [1], strides = [1]} : vector<16xi32> to vector<1xi32>
      %squeeze3A_1240 = vector.extract %slice3A_1239[0] : i32 from vector<1xi32>
      %and3A_1241 = arith.constant 7 : i32
      %and3A_1242 = arith.andi %squeeze3A_1240, %and3A_1241 : i32
      %add3A_1243 = arith.constant 16 : i32
      %add3A_1244 = arith.addi %add3A_1243, %and3A_1242 : i32
      %slice3A_1245 = vector.extract_strided_slice %get3A_1137 {offsets = [2], sizes = [1], strides = [1]} : vector<16xi32> to vector<1xi32>
      %squeeze3A_1246 = vector.extract %slice3A_1245[0] : i32 from vector<1xi32>
      %and3A_1247 = arith.constant 7 : i32
      %and3A_1248 = arith.andi %squeeze3A_1246, %and3A_1247 : i32
      %add3A_1249 = arith.constant 16 : i32
      %add3A_1250 = arith.addi %add3A_1249, %and3A_1248 : i32
      %get3A_1251 = arith.index_cast %add3A_1244 : i32 to index
      %get3A_1252 = arith.constant 0 : index
      %get3A_1253 = tpu.vector_load %arg9[%get3A_1251, %get3A_1252] {strides = array<i32>} : memref<128x64xf32, #tpu.memory_space<vmem>>, vector<16xf32>,
      %get3A_1254 = arith.index_cast %add3A_1250 : i32 to index
      %get3A_1255 = arith.constant 0 : index
      %get3A_1256 = tpu.vector_load %arg10[%get3A_1254, %get3A_1255] {strides = array<i32>} : memref<128x64xf32, #tpu.memory_space<vmem>>, vector<16xf32>,
      %mul3A_1257 = arith.mulf %get3A_1253, %get3A_1256 : vector<16xf32>
      %get3A_1258 = arith.index_cast %add3A_1244 : i32 to index
      %get3A_1259 = arith.constant 16 : index
      %get3A_1260 = tpu.vector_load %arg9[%get3A_1258, %get3A_1259] {strides = array<i32>} : memref<128x64xf32, #tpu.memory_space<vmem>>, vector<16xf32>,
      %get3A_1261 = arith.index_cast %add3A_1250 : i32 to index
      %get3A_1262 = arith.constant 16 : index
      %get3A_1263 = tpu.vector_load %arg10[%get3A_1261, %get3A_1262] {strides = array<i32>} : memref<128x64xf32, #tpu.memory_space<vmem>>, vector<16xf32>,
      %mul3A_1264 = arith.mulf %get3A_1260, %get3A_1263 : vector<16xf32>
      %add3A_1265 = arith.addf %mul3A_1257, %mul3A_1264 : vector<16xf32>
      %get3A_1266 = arith.index_cast %add3A_1244 : i32 to index
      %get3A_1267 = arith.constant 32 : index
      %get3A_1268 = tpu.vector_load %arg9[%get3A_1266, %get3A_1267] {strides = array<i32>} : memref<128x64xf32, #tpu.memory_space<vmem>>, vector<16xf32>,
      %get3A_1269 = arith.index_cast %add3A_1250 : i32 to index
      %get3A_1270 = arith.constant 32 : index
      %get3A_1271 = tpu.vector_load %arg10[%get3A_1269, %get3A_1270] {strides = array<i32>} : memref<128x64xf32, #tpu.memory_space<vmem>>, vector<16xf32>,
      %mul3A_1272 = arith.mulf %get3A_1268, %get3A_1271 : vector<16xf32>
      %add3A_1273 = arith.addf %add3A_1265, %mul3A_1272 : vector<16xf32>
      %get3A_1274 = arith.index_cast %add3A_1244 : i32 to index
      %get3A_1275 = arith.constant 48 : index
      %get3A_1276 = tpu.vector_load %arg9[%get3A_1274, %get3A_1275] {strides = array<i32>} : memref<128x64xf32, #tpu.memory_space<vmem>>, vector<16xf32>,
      %get3A_1277 = arith.index_cast %add3A_1250 : i32 to index
      %get3A_1278 = arith.constant 48 : index
      %get3A_1279 = tpu.vector_load %arg10[%get3A_1277, %get3A_1278] {strides = array<i32>} : memref<128x64xf32, #tpu.memory_space<vmem>>, vector<16xf32>,
      %mul3A_1280 = arith.mulf %get3A_1276, %get3A_1279 : vector<16xf32>
      %add3A_1281 = arith.addf %add3A_1273, %mul3A_1280 : vector<16xf32>
      %eq3A_1282 = arith.constant 2 : i32
      %eq3A_1283 = vector.broadcast %eq3A_1282 : i32 to vector<16xi32>
      %eq3A_1284 = arith.cmpi eq, %iota3A, %eq3A_1283 : vector<16xi32>
      %reduce_sum3A_1285 = arith.constant true
      %reduce_sum3A_1286 = vector.broadcast %reduce_sum3A_1285 : i1 to vector<16xi1>
      %reduce_sum3A_1287 = tpu.scan <sum>, %add3A_1281 masked %reduce_sum3A_1286 : vector<16xf32>, vector<16xi1> -> vector<16xf32>
      %reduce_sum3A_1288 = vector.extract %reduce_sum3A_1287[15] : f32 from vector<16xf32>
      %broadcast_in_dim3A_1289 = vector.broadcast %reduce_sum3A_1288 : f32 to vector<16xf32>
      %select_n3A_1290 = arith.select %eq3A_1284, %broadcast_in_dim3A_1289, %select_n3A_1238 : vector<16xi1>, vector<16xf32>
      %slice3A_1291 = vector.extract_strided_slice %get3A_1131 {offsets = [3], sizes = [1], strides = [1]} : vector<16xi32> to vector<1xi32>
      %squeeze3A_1292 = vector.extract %slice3A_1291[0] : i32 from vector<1xi32>
      %and3A_1293 = arith.constant 7 : i32
      %and3A_1294 = arith.andi %squeeze3A_1292, %and3A_1293 : i32
      %add3A_1295 = arith.constant 24 : i32
      %add3A_1296 = arith.addi %add3A_1295, %and3A_1294 : i32
      %slice3A_1297 = vector.extract_strided_slice %get3A_1137 {offsets = [3], sizes = [1], strides = [1]} : vector<16xi32> to vector<1xi32>
      %squeeze3A_1298 = vector.extract %slice3A_1297[0] : i32 from vector<1xi32>
      %and3A_1299 = arith.constant 7 : i32
      %and3A_1300 = arith.andi %squeeze3A_1298, %and3A_1299 : i32
      %add3A_1301 = arith.constant 24 : i32
      %add3A_1302 = arith.addi %add3A_1301, %and3A_1300 : i32
      %get3A_1303 = arith.index_cast %add3A_1296 : i32 to index
      %get3A_1304 = arith.constant 0 : index
      %get3A_1305 = tpu.vector_load %arg9[%get3A_1303, %get3A_1304] {strides = array<i32>} : memref<128x64xf32, #tpu.memory_space<vmem>>, vector<16xf32>,
      %get3A_1306 = arith.index_cast %add3A_1302 : i32 to index
      %get3A_1307 = arith.constant 0 : index
      %get3A_1308 = tpu.vector_load %arg10[%get3A_1306, %get3A_1307] {strides = array<i32>} : memref<128x64xf32, #tpu.memory_space<vmem>>, vector<16xf32>,
      %mul3A_1309 = arith.mulf %get3A_1305, %get3A_1308 : vector<16xf32>
      %get3A_1310 = arith.index_cast %add3A_1296 : i32 to index
      %get3A_1311 = arith.constant 16 : index
      %get3A_1312 = tpu.vector_load %arg9[%get3A_1310, %get3A_1311] {strides = array<i32>} : memref<128x64xf32, #tpu.memory_space<vmem>>, vector<16xf32>,
      %get3A_1313 = arith.index_cast %add3A_1302 : i32 to index
      %get3A_1314 = arith.constant 16 : index
      %get3A_1315 = tpu.vector_load %arg10[%get3A_1313, %get3A_1314] {strides = array<i32>} : memref<128x64xf32, #tpu.memory_space<vmem>>, vector<16xf32>,
      %mul3A_1316 = arith.mulf %get3A_1312, %get3A_1315 : vector<16xf32>
      %add3A_1317 = arith.addf %mul3A_1309, %mul3A_1316 : vector<16xf32>
      %get3A_1318 = arith.index_cast %add3A_1296 : i32 to index
      %get3A_1319 = arith.constant 32 : index
      %get3A_1320 = tpu.vector_load %arg9[%get3A_1318, %get3A_1319] {strides = array<i32>} : memref<128x64xf32, #tpu.memory_space<vmem>>, vector<16xf32>,
      %get3A_1321 = arith.index_cast %add3A_1302 : i32 to index
      %get3A_1322 = arith.constant 32 : index
      %get3A_1323 = tpu.vector_load %arg10[%get3A_1321, %get3A_1322] {strides = array<i32>} : memref<128x64xf32, #tpu.memory_space<vmem>>, vector<16xf32>,
      %mul3A_1324 = arith.mulf %get3A_1320, %get3A_1323 : vector<16xf32>
      %add3A_1325 = arith.addf %add3A_1317, %mul3A_1324 : vector<16xf32>
      %get3A_1326 = arith.index_cast %add3A_1296 : i32 to index
      %get3A_1327 = arith.constant 48 : index
      %get3A_1328 = tpu.vector_load %arg9[%get3A_1326, %get3A_1327] {strides = array<i32>} : memref<128x64xf32, #tpu.memory_space<vmem>>, vector<16xf32>,
      %get3A_1329 = arith.index_cast %add3A_1302 : i32 to index
      %get3A_1330 = arith.constant 48 : index
      %get3A_1331 = tpu.vector_load %arg10[%get3A_1329, %get3A_1330] {strides = array<i32>} : memref<128x64xf32, #tpu.memory_space<vmem>>, vector<16xf32>,
      %mul3A_1332 = arith.mulf %get3A_1328, %get3A_1331 : vector<16xf32>
      %add3A_1333 = arith.addf %add3A_1325, %mul3A_1332 : vector<16xf32>
      %eq3A_1334 = arith.constant 3 : i32
      %eq3A_1335 = vector.broadcast %eq3A_1334 : i32 to vector<16xi32>
      %eq3A_1336 = arith.cmpi eq, %iota3A, %eq3A_1335 : vector<16xi32>
      %reduce_sum3A_1337 = arith.constant true
      %reduce_sum3A_1338 = vector.broadcast %reduce_sum3A_1337 : i1 to vector<16xi1>
      %reduce_sum3A_1339 = tpu.scan <sum>, %add3A_1333 masked %reduce_sum3A_1338 : vector<16xf32>, vector<16xi1> -> vector<16xf32>
      %reduce_sum3A_1340 = vector.extract %reduce_sum3A_1339[15] : f32 from vector<16xf32>
      %broadcast_in_dim3A_1341 = vector.broadcast %reduce_sum3A_1340 : f32 to vector<16xf32>
      %select_n3A_1342 = arith.select %eq3A_1336, %broadcast_in_dim3A_1341, %select_n3A_1290 : vector<16xi1>, vector<16xf32>
      %slice3A_1343 = vector.extract_strided_slice %get3A_1131 {offsets = [4], sizes = [1], strides = [1]} : vector<16xi32> to vector<1xi32>
      %squeeze3A_1344 = vector.extract %slice3A_1343[0] : i32 from vector<1xi32>
      %and3A_1345 = arith.constant 7 : i32
      %and3A_1346 = arith.andi %squeeze3A_1344, %and3A_1345 : i32
      %add3A_1347 = arith.constant 32 : i32
      %add3A_1348 = arith.addi %add3A_1347, %and3A_1346 : i32
      %slice3A_1349 = vector.extract_strided_slice %get3A_1137 {offsets = [4], sizes = [1], strides = [1]} : vector<16xi32> to vector<1xi32>
      %squeeze3A_1350 = vector.extract %slice3A_1349[0] : i32 from vector<1xi32>
      %and3A_1351 = arith.constant 7 : i32
      %and3A_1352 = arith.andi %squeeze3A_1350, %and3A_1351 : i32
      %add3A_1353 = arith.constant 32 : i32
      %add3A_1354 = arith.addi %add3A_1353, %and3A_1352 : i32
      %get3A_1355 = arith.index_cast %add3A_1348 : i32 to index
      %get3A_1356 = arith.constant 0 : index
      %get3A_1357 = tpu.vector_load %arg9[%get3A_1355, %get3A_1356] {strides = array<i32>} : memref<128x64xf32, #tpu.memory_space<vmem>>, vector<16xf32>,
      %get3A_1358 = arith.index_cast %add3A_1354 : i32 to index
      %get3A_1359 = arith.constant 0 : index
      %get3A_1360 = tpu.vector_load %arg10[%get3A_1358, %get3A_1359] {strides = array<i32>} : memref<128x64xf32, #tpu.memory_space<vmem>>, vector<16xf32>,
      %mul3A_1361 = arith.mulf %get3A_1357, %get3A_1360 : vector<16xf32>
      %get3A_1362 = arith.index_cast %add3A_1348 : i32 to index
      %get3A_1363 = arith.constant 16 : index
      %get3A_1364 = tpu.vector_load %arg9[%get3A_1362, %get3A_1363] {strides = array<i32>} : memref<128x64xf32, #tpu.memory_space<vmem>>, vector<16xf32>,
      %get3A_1365 = arith.index_cast %add3A_1354 : i32 to index
      %get3A_1366 = arith.constant 16 : index
      %get3A_1367 = tpu.vector_load %arg10[%get3A_1365, %get3A_1366] {strides = array<i32>} : memref<128x64xf32, #tpu.memory_space<vmem>>, vector<16xf32>,
      %mul3A_1368 = arith.mulf %get3A_1364, %get3A_1367 : vector<16xf32>
      %add3A_1369 = arith.addf %mul3A_1361, %mul3A_1368 : vector<16xf32>
      %get3A_1370 = arith.index_cast %add3A_1348 : i32 to index
      %get3A_1371 = arith.constant 32 : index
      %get3A_1372 = tpu.vector_load %arg9[%get3A_1370, %get3A_1371] {strides = array<i32>} : memref<128x64xf32, #tpu.memory_space<vmem>>, vector<16xf32>,
      %get3A_1373 = arith.index_cast %add3A_1354 : i32 to index
      %get3A_1374 = arith.constant 32 : index
      %get3A_1375 = tpu.vector_load %arg10[%get3A_1373, %get3A_1374] {strides = array<i32>} : memref<128x64xf32, #tpu.memory_space<vmem>>, vector<16xf32>,
      %mul3A_1376 = arith.mulf %get3A_1372, %get3A_1375 : vector<16xf32>
      %add3A_1377 = arith.addf %add3A_1369, %mul3A_1376 : vector<16xf32>
      %get3A_1378 = arith.index_cast %add3A_1348 : i32 to index
      %get3A_1379 = arith.constant 48 : index
      %get3A_1380 = tpu.vector_load %arg9[%get3A_1378, %get3A_1379] {strides = array<i32>} : memref<128x64xf32, #tpu.memory_space<vmem>>, vector<16xf32>,
      %get3A_1381 = arith.index_cast %add3A_1354 : i32 to index
      %get3A_1382 = arith.constant 48 : index
      %get3A_1383 = tpu.vector_load %arg10[%get3A_1381, %get3A_1382] {strides = array<i32>} : memref<128x64xf32, #tpu.memory_space<vmem>>, vector<16xf32>,
      %mul3A_1384 = arith.mulf %get3A_1380, %get3A_1383 : vector<16xf32>
      %add3A_1385 = arith.addf %add3A_1377, %mul3A_1384 : vector<16xf32>
      %eq3A_1386 = arith.constant 4 : i32
      %eq3A_1387 = vector.broadcast %eq3A_1386 : i32 to vector<16xi32>
      %eq3A_1388 = arith.cmpi eq, %iota3A, %eq3A_1387 : vector<16xi32>
      %reduce_sum3A_1389 = arith.constant true
      %reduce_sum3A_1390 = vector.broadcast %reduce_sum3A_1389 : i1 to vector<16xi1>
      %reduce_sum3A_1391 = tpu.scan <sum>, %add3A_1385 masked %reduce_sum3A_1390 : vector<16xf32>, vector<16xi1> -> vector<16xf32>
      %reduce_sum3A_1392 = vector.extract %reduce_sum3A_1391[15] : f32 from vector<16xf32>
      %broadcast_in_dim3A_1393 = vector.broadcast %reduce_sum3A_1392 : f32 to vector<16xf32>
      %select_n3A_1394 = arith.select %eq3A_1388, %broadcast_in_dim3A_1393, %select_n3A_1342 : vector<16xi1>, vector<16xf32>
      %slice3A_1395 = vector.extract_strided_slice %get3A_1131 {offsets = [5], sizes = [1], strides = [1]} : vector<16xi32> to vector<1xi32>
      %squeeze3A_1396 = vector.extract %slice3A_1395[0] : i32 from vector<1xi32>
      %and3A_1397 = arith.constant 7 : i32
      %and3A_1398 = arith.andi %squeeze3A_1396, %and3A_1397 : i32
      %add3A_1399 = arith.constant 40 : i32
      %add3A_1400 = arith.addi %add3A_1399, %and3A_1398 : i32
      %slice3A_1401 = vector.extract_strided_slice %get3A_1137 {offsets = [5], sizes = [1], strides = [1]} : vector<16xi32> to vector<1xi32>
      %squeeze3A_1402 = vector.extract %slice3A_1401[0] : i32 from vector<1xi32>
      %and3A_1403 = arith.constant 7 : i32
      %and3A_1404 = arith.andi %squeeze3A_1402, %and3A_1403 : i32
      %add3A_1405 = arith.constant 40 : i32
      %add3A_1406 = arith.addi %add3A_1405, %and3A_1404 : i32
      %get3A_1407 = arith.index_cast %add3A_1400 : i32 to index
      %get3A_1408 = arith.constant 0 : index
      %get3A_1409 = tpu.vector_load %arg9[%get3A_1407, %get3A_1408] {strides = array<i32>} : memref<128x64xf32, #tpu.memory_space<vmem>>, vector<16xf32>,
      %get3A_1410 = arith.index_cast %add3A_1406 : i32 to index
      %get3A_1411 = arith.constant 0 : index
      %get3A_1412 = tpu.vector_load %arg10[%get3A_1410, %get3A_1411] {strides = array<i32>} : memref<128x64xf32, #tpu.memory_space<vmem>>, vector<16xf32>,
      %mul3A_1413 = arith.mulf %get3A_1409, %get3A_1412 : vector<16xf32>
      %get3A_1414 = arith.index_cast %add3A_1400 : i32 to index
      %get3A_1415 = arith.constant 16 : index
      %get3A_1416 = tpu.vector_load %arg9[%get3A_1414, %get3A_1415] {strides = array<i32>} : memref<128x64xf32, #tpu.memory_space<vmem>>, vector<16xf32>,
      %get3A_1417 = arith.index_cast %add3A_1406 : i32 to index
      %get3A_1418 = arith.constant 16 : index
      %get3A_1419 = tpu.vector_load %arg10[%get3A_1417, %get3A_1418] {strides = array<i32>} : memref<128x64xf32, #tpu.memory_space<vmem>>, vector<16xf32>,
      %mul3A_1420 = arith.mulf %get3A_1416, %get3A_1419 : vector<16xf32>
      %add3A_1421 = arith.addf %mul3A_1413, %mul3A_1420 : vector<16xf32>
      %get3A_1422 = arith.index_cast %add3A_1400 : i32 to index
      %get3A_1423 = arith.constant 32 : index
      %get3A_1424 = tpu.vector_load %arg9[%get3A_1422, %get3A_1423] {strides = array<i32>} : memref<128x64xf32, #tpu.memory_space<vmem>>, vector<16xf32>,
      %get3A_1425 = arith.index_cast %add3A_1406 : i32 to index
      %get3A_1426 = arith.constant 32 : index
      %get3A_1427 = tpu.vector_load %arg10[%get3A_1425, %get3A_1426] {strides = array<i32>} : memref<128x64xf32, #tpu.memory_space<vmem>>, vector<16xf32>,
      %mul3A_1428 = arith.mulf %get3A_1424, %get3A_1427 : vector<16xf32>
      %add3A_1429 = arith.addf %add3A_1421, %mul3A_1428 : vector<16xf32>
      %get3A_1430 = arith.index_cast %add3A_1400 : i32 to index
      %get3A_1431 = arith.constant 48 : index
      %get3A_1432 = tpu.vector_load %arg9[%get3A_1430, %get3A_1431] {strides = array<i32>} : memref<128x64xf32, #tpu.memory_space<vmem>>, vector<16xf32>,
      %get3A_1433 = arith.index_cast %add3A_1406 : i32 to index
      %get3A_1434 = arith.constant 48 : index
      %get3A_1435 = tpu.vector_load %arg10[%get3A_1433, %get3A_1434] {strides = array<i32>} : memref<128x64xf32, #tpu.memory_space<vmem>>, vector<16xf32>,
      %mul3A_1436 = arith.mulf %get3A_1432, %get3A_1435 : vector<16xf32>
      %add3A_1437 = arith.addf %add3A_1429, %mul3A_1436 : vector<16xf32>
      %eq3A_1438 = arith.constant 5 : i32
      %eq3A_1439 = vector.broadcast %eq3A_1438 : i32 to vector<16xi32>
      %eq3A_1440 = arith.cmpi eq, %iota3A, %eq3A_1439 : vector<16xi32>
      %reduce_sum3A_1441 = arith.constant true
      %reduce_sum3A_1442 = vector.broadcast %reduce_sum3A_1441 : i1 to vector<16xi1>
      %reduce_sum3A_1443 = tpu.scan <sum>, %add3A_1437 masked %reduce_sum3A_1442 : vector<16xf32>, vector<16xi1> -> vector<16xf32>
      %reduce_sum3A_1444 = vector.extract %reduce_sum3A_1443[15] : f32 from vector<16xf32>
      %broadcast_in_dim3A_1445 = vector.broadcast %reduce_sum3A_1444 : f32 to vector<16xf32>
      %select_n3A_1446 = arith.select %eq3A_1440, %broadcast_in_dim3A_1445, %select_n3A_1394 : vector<16xi1>, vector<16xf32>
      %slice3A_1447 = vector.extract_strided_slice %get3A_1131 {offsets = [6], sizes = [1], strides = [1]} : vector<16xi32> to vector<1xi32>
      %squeeze3A_1448 = vector.extract %slice3A_1447[0] : i32 from vector<1xi32>
      %and3A_1449 = arith.constant 7 : i32
      %and3A_1450 = arith.andi %squeeze3A_1448, %and3A_1449 : i32
      %add3A_1451 = arith.constant 48 : i32
      %add3A_1452 = arith.addi %add3A_1451, %and3A_1450 : i32
      %slice3A_1453 = vector.extract_strided_slice %get3A_1137 {offsets = [6], sizes = [1], strides = [1]} : vector<16xi32> to vector<1xi32>
      %squeeze3A_1454 = vector.extract %slice3A_1453[0] : i32 from vector<1xi32>
      %and3A_1455 = arith.constant 7 : i32
      %and3A_1456 = arith.andi %squeeze3A_1454, %and3A_1455 : i32
      %add3A_1457 = arith.constant 48 : i32
      %add3A_1458 = arith.addi %add3A_1457, %and3A_1456 : i32
      %get3A_1459 = arith.index_cast %add3A_1452 : i32 to index
      %get3A_1460 = arith.constant 0 : index
      %get3A_1461 = tpu.vector_load %arg9[%get3A_1459, %get3A_1460] {strides = array<i32>} : memref<128x64xf32, #tpu.memory_space<vmem>>, vector<16xf32>,
      %get3A_1462 = arith.index_cast %add3A_1458 : i32 to index
      %get3A_1463 = arith.constant 0 : index
      %get3A_1464 = tpu.vector_load %arg10[%get3A_1462, %get3A_1463] {strides = array<i32>} : memref<128x64xf32, #tpu.memory_space<vmem>>, vector<16xf32>,
      %mul3A_1465 = arith.mulf %get3A_1461, %get3A_1464 : vector<16xf32>
      %get3A_1466 = arith.index_cast %add3A_1452 : i32 to index
      %get3A_1467 = arith.constant 16 : index
      %get3A_1468 = tpu.vector_load %arg9[%get3A_1466, %get3A_1467] {strides = array<i32>} : memref<128x64xf32, #tpu.memory_space<vmem>>, vector<16xf32>,
      %get3A_1469 = arith.index_cast %add3A_1458 : i32 to index
      %get3A_1470 = arith.constant 16 : index
      %get3A_1471 = tpu.vector_load %arg10[%get3A_1469, %get3A_1470] {strides = array<i32>} : memref<128x64xf32, #tpu.memory_space<vmem>>, vector<16xf32>,
      %mul3A_1472 = arith.mulf %get3A_1468, %get3A_1471 : vector<16xf32>
      %add3A_1473 = arith.addf %mul3A_1465, %mul3A_1472 : vector<16xf32>
      %get3A_1474 = arith.index_cast %add3A_1452 : i32 to index
      %get3A_1475 = arith.constant 32 : index
      %get3A_1476 = tpu.vector_load %arg9[%get3A_1474, %get3A_1475] {strides = array<i32>} : memref<128x64xf32, #tpu.memory_space<vmem>>, vector<16xf32>,
      %get3A_1477 = arith.index_cast %add3A_1458 : i32 to index
      %get3A_1478 = arith.constant 32 : index
      %get3A_1479 = tpu.vector_load %arg10[%get3A_1477, %get3A_1478] {strides = array<i32>} : memref<128x64xf32, #tpu.memory_space<vmem>>, vector<16xf32>,
      %mul3A_1480 = arith.mulf %get3A_1476, %get3A_1479 : vector<16xf32>
      %add3A_1481 = arith.addf %add3A_1473, %mul3A_1480 : vector<16xf32>
      %get3A_1482 = arith.index_cast %add3A_1452 : i32 to index
      %get3A_1483 = arith.constant 48 : index
      %get3A_1484 = tpu.vector_load %arg9[%get3A_1482, %get3A_1483] {strides = array<i32>} : memref<128x64xf32, #tpu.memory_space<vmem>>, vector<16xf32>,
      %get3A_1485 = arith.index_cast %add3A_1458 : i32 to index
      %get3A_1486 = arith.constant 48 : index
      %get3A_1487 = tpu.vector_load %arg10[%get3A_1485, %get3A_1486] {strides = array<i32>} : memref<128x64xf32, #tpu.memory_space<vmem>>, vector<16xf32>,
      %mul3A_1488 = arith.mulf %get3A_1484, %get3A_1487 : vector<16xf32>
      %add3A_1489 = arith.addf %add3A_1481, %mul3A_1488 : vector<16xf32>
      %eq3A_1490 = arith.constant 6 : i32
      %eq3A_1491 = vector.broadcast %eq3A_1490 : i32 to vector<16xi32>
      %eq3A_1492 = arith.cmpi eq, %iota3A, %eq3A_1491 : vector<16xi32>
      %reduce_sum3A_1493 = arith.constant true
      %reduce_sum3A_1494 = vector.broadcast %reduce_sum3A_1493 : i1 to vector<16xi1>
      %reduce_sum3A_1495 = tpu.scan <sum>, %add3A_1489 masked %reduce_sum3A_1494 : vector<16xf32>, vector<16xi1> -> vector<16xf32>
      %reduce_sum3A_1496 = vector.extract %reduce_sum3A_1495[15] : f32 from vector<16xf32>
      %broadcast_in_dim3A_1497 = vector.broadcast %reduce_sum3A_1496 : f32 to vector<16xf32>
      %select_n3A_1498 = arith.select %eq3A_1492, %broadcast_in_dim3A_1497, %select_n3A_1446 : vector<16xi1>, vector<16xf32>
      %slice3A_1499 = vector.extract_strided_slice %get3A_1131 {offsets = [7], sizes = [1], strides = [1]} : vector<16xi32> to vector<1xi32>
      %squeeze3A_1500 = vector.extract %slice3A_1499[0] : i32 from vector<1xi32>
      %and3A_1501 = arith.constant 7 : i32
      %and3A_1502 = arith.andi %squeeze3A_1500, %and3A_1501 : i32
      %add3A_1503 = arith.constant 56 : i32
      %add3A_1504 = arith.addi %add3A_1503, %and3A_1502 : i32
      %slice3A_1505 = vector.extract_strided_slice %get3A_1137 {offsets = [7], sizes = [1], strides = [1]} : vector<16xi32> to vector<1xi32>
      %squeeze3A_1506 = vector.extract %slice3A_1505[0] : i32 from vector<1xi32>
      %and3A_1507 = arith.constant 7 : i32
      %and3A_1508 = arith.andi %squeeze3A_1506, %and3A_1507 : i32
      %add3A_1509 = arith.constant 56 : i32
      %add3A_1510 = arith.addi %add3A_1509, %and3A_1508 : i32
      %get3A_1511 = arith.index_cast %add3A_1504 : i32 to index
      %get3A_1512 = arith.constant 0 : index
      %get3A_1513 = tpu.vector_load %arg9[%get3A_1511, %get3A_1512] {strides = array<i32>} : memref<128x64xf32, #tpu.memory_space<vmem>>, vector<16xf32>,
      %get3A_1514 = arith.index_cast %add3A_1510 : i32 to index
      %get3A_1515 = arith.constant 0 : index
      %get3A_1516 = tpu.vector_load %arg10[%get3A_1514, %get3A_1515] {strides = array<i32>} : memref<128x64xf32, #tpu.memory_space<vmem>>, vector<16xf32>,
      %mul3A_1517 = arith.mulf %get3A_1513, %get3A_1516 : vector<16xf32>
      %get3A_1518 = arith.index_cast %add3A_1504 : i32 to index
      %get3A_1519 = arith.constant 16 : index
      %get3A_1520 = tpu.vector_load %arg9[%get3A_1518, %get3A_1519] {strides = array<i32>} : memref<128x64xf32, #tpu.memory_space<vmem>>, vector<16xf32>,
      %get3A_1521 = arith.index_cast %add3A_1510 : i32 to index
      %get3A_1522 = arith.constant 16 : index
      %get3A_1523 = tpu.vector_load %arg10[%get3A_1521, %get3A_1522] {strides = array<i32>} : memref<128x64xf32, #tpu.memory_space<vmem>>, vector<16xf32>,
      %mul3A_1524 = arith.mulf %get3A_1520, %get3A_1523 : vector<16xf32>
      %add3A_1525 = arith.addf %mul3A_1517, %mul3A_1524 : vector<16xf32>
      %get3A_1526 = arith.index_cast %add3A_1504 : i32 to index
      %get3A_1527 = arith.constant 32 : index
      %get3A_1528 = tpu.vector_load %arg9[%get3A_1526, %get3A_1527] {strides = array<i32>} : memref<128x64xf32, #tpu.memory_space<vmem>>, vector<16xf32>,
      %get3A_1529 = arith.index_cast %add3A_1510 : i32 to index
      %get3A_1530 = arith.constant 32 : index
      %get3A_1531 = tpu.vector_load %arg10[%get3A_1529, %get3A_1530] {strides = array<i32>} : memref<128x64xf32, #tpu.memory_space<vmem>>, vector<16xf32>,
      %mul3A_1532 = arith.mulf %get3A_1528, %get3A_1531 : vector<16xf32>
      %add3A_1533 = arith.addf %add3A_1525, %mul3A_1532 : vector<16xf32>
      %get3A_1534 = arith.index_cast %add3A_1504 : i32 to index
      %get3A_1535 = arith.constant 48 : index
      %get3A_1536 = tpu.vector_load %arg9[%get3A_1534, %get3A_1535] {strides = array<i32>} : memref<128x64xf32, #tpu.memory_space<vmem>>, vector<16xf32>,
      %get3A_1537 = arith.index_cast %add3A_1510 : i32 to index
      %get3A_1538 = arith.constant 48 : index
      %get3A_1539 = tpu.vector_load %arg10[%get3A_1537, %get3A_1538] {strides = array<i32>} : memref<128x64xf32, #tpu.memory_space<vmem>>, vector<16xf32>,
      %mul3A_1540 = arith.mulf %get3A_1536, %get3A_1539 : vector<16xf32>
      %add3A_1541 = arith.addf %add3A_1533, %mul3A_1540 : vector<16xf32>
      %eq3A_1542 = arith.constant 7 : i32
      %eq3A_1543 = vector.broadcast %eq3A_1542 : i32 to vector<16xi32>
      %eq3A_1544 = arith.cmpi eq, %iota3A, %eq3A_1543 : vector<16xi32>
      %reduce_sum3A_1545 = arith.constant true
      %reduce_sum3A_1546 = vector.broadcast %reduce_sum3A_1545 : i1 to vector<16xi1>
      %reduce_sum3A_1547 = tpu.scan <sum>, %add3A_1541 masked %reduce_sum3A_1546 : vector<16xf32>, vector<16xi1> -> vector<16xf32>
      %reduce_sum3A_1548 = vector.extract %reduce_sum3A_1547[15] : f32 from vector<16xf32>
      %broadcast_in_dim3A_1549 = vector.broadcast %reduce_sum3A_1548 : f32 to vector<16xf32>
      %select_n3A_1550 = arith.select %eq3A_1544, %broadcast_in_dim3A_1549, %select_n3A_1498 : vector<16xi1>, vector<16xf32>
      %slice3A_1551 = vector.extract_strided_slice %get3A_1131 {offsets = [8], sizes = [1], strides = [1]} : vector<16xi32> to vector<1xi32>
      %squeeze3A_1552 = vector.extract %slice3A_1551[0] : i32 from vector<1xi32>
      %and3A_1553 = arith.constant 7 : i32
      %and3A_1554 = arith.andi %squeeze3A_1552, %and3A_1553 : i32
      %add3A_1555 = arith.constant 64 : i32
      %add3A_1556 = arith.addi %add3A_1555, %and3A_1554 : i32
      %slice3A_1557 = vector.extract_strided_slice %get3A_1137 {offsets = [8], sizes = [1], strides = [1]} : vector<16xi32> to vector<1xi32>
      %squeeze3A_1558 = vector.extract %slice3A_1557[0] : i32 from vector<1xi32>
      %and3A_1559 = arith.constant 7 : i32
      %and3A_1560 = arith.andi %squeeze3A_1558, %and3A_1559 : i32
      %add3A_1561 = arith.constant 64 : i32
      %add3A_1562 = arith.addi %add3A_1561, %and3A_1560 : i32
      %get3A_1563 = arith.index_cast %add3A_1556 : i32 to index
      %get3A_1564 = arith.constant 0 : index
      %get3A_1565 = tpu.vector_load %arg9[%get3A_1563, %get3A_1564] {strides = array<i32>} : memref<128x64xf32, #tpu.memory_space<vmem>>, vector<16xf32>,
      %get3A_1566 = arith.index_cast %add3A_1562 : i32 to index
      %get3A_1567 = arith.constant 0 : index
      %get3A_1568 = tpu.vector_load %arg10[%get3A_1566, %get3A_1567] {strides = array<i32>} : memref<128x64xf32, #tpu.memory_space<vmem>>, vector<16xf32>,
      %mul3A_1569 = arith.mulf %get3A_1565, %get3A_1568 : vector<16xf32>
      %get3A_1570 = arith.index_cast %add3A_1556 : i32 to index
      %get3A_1571 = arith.constant 16 : index
      %get3A_1572 = tpu.vector_load %arg9[%get3A_1570, %get3A_1571] {strides = array<i32>} : memref<128x64xf32, #tpu.memory_space<vmem>>, vector<16xf32>,
      %get3A_1573 = arith.index_cast %add3A_1562 : i32 to index
      %get3A_1574 = arith.constant 16 : index
      %get3A_1575 = tpu.vector_load %arg10[%get3A_1573, %get3A_1574] {strides = array<i32>} : memref<128x64xf32, #tpu.memory_space<vmem>>, vector<16xf32>,
      %mul3A_1576 = arith.mulf %get3A_1572, %get3A_1575 : vector<16xf32>
      %add3A_1577 = arith.addf %mul3A_1569, %mul3A_1576 : vector<16xf32>
      %get3A_1578 = arith.index_cast %add3A_1556 : i32 to index
      %get3A_1579 = arith.constant 32 : index
      %get3A_1580 = tpu.vector_load %arg9[%get3A_1578, %get3A_1579] {strides = array<i32>} : memref<128x64xf32, #tpu.memory_space<vmem>>, vector<16xf32>,
      %get3A_1581 = arith.index_cast %add3A_1562 : i32 to index
      %get3A_1582 = arith.constant 32 : index
      %get3A_1583 = tpu.vector_load %arg10[%get3A_1581, %get3A_1582] {strides = array<i32>} : memref<128x64xf32, #tpu.memory_space<vmem>>, vector<16xf32>,
      %mul3A_1584 = arith.mulf %get3A_1580, %get3A_1583 : vector<16xf32>
      %add3A_1585 = arith.addf %add3A_1577, %mul3A_1584 : vector<16xf32>
      %get3A_1586 = arith.index_cast %add3A_1556 : i32 to index
      %get3A_1587 = arith.constant 48 : index
      %get3A_1588 = tpu.vector_load %arg9[%get3A_1586, %get3A_1587] {strides = array<i32>} : memref<128x64xf32, #tpu.memory_space<vmem>>, vector<16xf32>,
      %get3A_1589 = arith.index_cast %add3A_1562 : i32 to index
      %get3A_1590 = arith.constant 48 : index
      %get3A_1591 = tpu.vector_load %arg10[%get3A_1589, %get3A_1590] {strides = array<i32>} : memref<128x64xf32, #tpu.memory_space<vmem>>, vector<16xf32>,
      %mul3A_1592 = arith.mulf %get3A_1588, %get3A_1591 : vector<16xf32>
      %add3A_1593 = arith.addf %add3A_1585, %mul3A_1592 : vector<16xf32>
      %eq3A_1594 = arith.constant 8 : i32
      %eq3A_1595 = vector.broadcast %eq3A_1594 : i32 to vector<16xi32>
      %eq3A_1596 = arith.cmpi eq, %iota3A, %eq3A_1595 : vector<16xi32>
      %reduce_sum3A_1597 = arith.constant true
      %reduce_sum3A_1598 = vector.broadcast %reduce_sum3A_1597 : i1 to vector<16xi1>
      %reduce_sum3A_1599 = tpu.scan <sum>, %add3A_1593 masked %reduce_sum3A_1598 : vector<16xf32>, vector<16xi1> -> vector<16xf32>
      %reduce_sum3A_1600 = vector.extract %reduce_sum3A_1599[15] : f32 from vector<16xf32>
      %broadcast_in_dim3A_1601 = vector.broadcast %reduce_sum3A_1600 : f32 to vector<16xf32>
      %select_n3A_1602 = arith.select %eq3A_1596, %broadcast_in_dim3A_1601, %select_n3A_1550 : vector<16xi1>, vector<16xf32>
      %slice3A_1603 = vector.extract_strided_slice %get3A_1131 {offsets = [9], sizes = [1], strides = [1]} : vector<16xi32> to vector<1xi32>
      %squeeze3A_1604 = vector.extract %slice3A_1603[0] : i32 from vector<1xi32>
      %and3A_1605 = arith.constant 7 : i32
      %and3A_1606 = arith.andi %squeeze3A_1604, %and3A_1605 : i32
      %add3A_1607 = arith.constant 72 : i32
      %add3A_1608 = arith.addi %add3A_1607, %and3A_1606 : i32
      %slice3A_1609 = vector.extract_strided_slice %get3A_1137 {offsets = [9], sizes = [1], strides = [1]} : vector<16xi32> to vector<1xi32>
      %squeeze3A_1610 = vector.extract %slice3A_1609[0] : i32 from vector<1xi32>
      %and3A_1611 = arith.constant 7 : i32
      %and3A_1612 = arith.andi %squeeze3A_1610, %and3A_1611 : i32
      %add3A_1613 = arith.constant 72 : i32
      %add3A_1614 = arith.addi %add3A_1613, %and3A_1612 : i32
      %get3A_1615 = arith.index_cast %add3A_1608 : i32 to index
      %get3A_1616 = arith.constant 0 : index
      %get3A_1617 = tpu.vector_load %arg9[%get3A_1615, %get3A_1616] {strides = array<i32>} : memref<128x64xf32, #tpu.memory_space<vmem>>, vector<16xf32>,
      %get3A_1618 = arith.index_cast %add3A_1614 : i32 to index
      %get3A_1619 = arith.constant 0 : index
      %get3A_1620 = tpu.vector_load %arg10[%get3A_1618, %get3A_1619] {strides = array<i32>} : memref<128x64xf32, #tpu.memory_space<vmem>>, vector<16xf32>,
      %mul3A_1621 = arith.mulf %get3A_1617, %get3A_1620 : vector<16xf32>
      %get3A_1622 = arith.index_cast %add3A_1608 : i32 to index
      %get3A_1623 = arith.constant 16 : index
      %get3A_1624 = tpu.vector_load %arg9[%get3A_1622, %get3A_1623] {strides = array<i32>} : memref<128x64xf32, #tpu.memory_space<vmem>>, vector<16xf32>,
      %get3A_1625 = arith.index_cast %add3A_1614 : i32 to index
      %get3A_1626 = arith.constant 16 : index
      %get3A_1627 = tpu.vector_load %arg10[%get3A_1625, %get3A_1626] {strides = array<i32>} : memref<128x64xf32, #tpu.memory_space<vmem>>, vector<16xf32>,
      %mul3A_1628 = arith.mulf %get3A_1624, %get3A_1627 : vector<16xf32>
      %add3A_1629 = arith.addf %mul3A_1621, %mul3A_1628 : vector<16xf32>
      %get3A_1630 = arith.index_cast %add3A_1608 : i32 to index
      %get3A_1631 = arith.constant 32 : index
      %get3A_1632 = tpu.vector_load %arg9[%get3A_1630, %get3A_1631] {strides = array<i32>} : memref<128x64xf32, #tpu.memory_space<vmem>>, vector<16xf32>,
      %get3A_1633 = arith.index_cast %add3A_1614 : i32 to index
      %get3A_1634 = arith.constant 32 : index
      %get3A_1635 = tpu.vector_load %arg10[%get3A_1633, %get3A_1634] {strides = array<i32>} : memref<128x64xf32, #tpu.memory_space<vmem>>, vector<16xf32>,
      %mul3A_1636 = arith.mulf %get3A_1632, %get3A_1635 : vector<16xf32>
      %add3A_1637 = arith.addf %add3A_1629, %mul3A_1636 : vector<16xf32>
      %get3A_1638 = arith.index_cast %add3A_1608 : i32 to index
      %get3A_1639 = arith.constant 48 : index
      %get3A_1640 = tpu.vector_load %arg9[%get3A_1638, %get3A_1639] {strides = array<i32>} : memref<128x64xf32, #tpu.memory_space<vmem>>, vector<16xf32>,
      %get3A_1641 = arith.index_cast %add3A_1614 : i32 to index
      %get3A_1642 = arith.constant 48 : index
      %get3A_1643 = tpu.vector_load %arg10[%get3A_1641, %get3A_1642] {strides = array<i32>} : memref<128x64xf32, #tpu.memory_space<vmem>>, vector<16xf32>,
      %mul3A_1644 = arith.mulf %get3A_1640, %get3A_1643 : vector<16xf32>
      %add3A_1645 = arith.addf %add3A_1637, %mul3A_1644 : vector<16xf32>
      %eq3A_1646 = arith.constant 9 : i32
      %eq3A_1647 = vector.broadcast %eq3A_1646 : i32 to vector<16xi32>
      %eq3A_1648 = arith.cmpi eq, %iota3A, %eq3A_1647 : vector<16xi32>
      %reduce_sum3A_1649 = arith.constant true
      %reduce_sum3A_1650 = vector.broadcast %reduce_sum3A_1649 : i1 to vector<16xi1>
      %reduce_sum3A_1651 = tpu.scan <sum>, %add3A_1645 masked %reduce_sum3A_1650 : vector<16xf32>, vector<16xi1> -> vector<16xf32>
      %reduce_sum3A_1652 = vector.extract %reduce_sum3A_1651[15] : f32 from vector<16xf32>
      %broadcast_in_dim3A_1653 = vector.broadcast %reduce_sum3A_1652 : f32 to vector<16xf32>
      %select_n3A_1654 = arith.select %eq3A_1648, %broadcast_in_dim3A_1653, %select_n3A_1602 : vector<16xi1>, vector<16xf32>
      %slice3A_1655 = vector.extract_strided_slice %get3A_1131 {offsets = [10], sizes = [1], strides = [1]} : vector<16xi32> to vector<1xi32>
      %squeeze3A_1656 = vector.extract %slice3A_1655[0] : i32 from vector<1xi32>
      %and3A_1657 = arith.constant 7 : i32
      %and3A_1658 = arith.andi %squeeze3A_1656, %and3A_1657 : i32
      %add3A_1659 = arith.constant 80 : i32
      %add3A_1660 = arith.addi %add3A_1659, %and3A_1658 : i32
      %slice3A_1661 = vector.extract_strided_slice %get3A_1137 {offsets = [10], sizes = [1], strides = [1]} : vector<16xi32> to vector<1xi32>
      %squeeze3A_1662 = vector.extract %slice3A_1661[0] : i32 from vector<1xi32>
      %and3A_1663 = arith.constant 7 : i32
      %and3A_1664 = arith.andi %squeeze3A_1662, %and3A_1663 : i32
      %add3A_1665 = arith.constant 80 : i32
      %add3A_1666 = arith.addi %add3A_1665, %and3A_1664 : i32
      %get3A_1667 = arith.index_cast %add3A_1660 : i32 to index
      %get3A_1668 = arith.constant 0 : index
      %get3A_1669 = tpu.vector_load %arg9[%get3A_1667, %get3A_1668] {strides = array<i32>} : memref<128x64xf32, #tpu.memory_space<vmem>>, vector<16xf32>,
      %get3A_1670 = arith.index_cast %add3A_1666 : i32 to index
      %get3A_1671 = arith.constant 0 : index
      %get3A_1672 = tpu.vector_load %arg10[%get3A_1670, %get3A_1671] {strides = array<i32>} : memref<128x64xf32, #tpu.memory_space<vmem>>, vector<16xf32>,
      %mul3A_1673 = arith.mulf %get3A_1669, %get3A_1672 : vector<16xf32>
      %get3A_1674 = arith.index_cast %add3A_1660 : i32 to index
      %get3A_1675 = arith.constant 16 : index
      %get3A_1676 = tpu.vector_load %arg9[%get3A_1674, %get3A_1675] {strides = array<i32>} : memref<128x64xf32, #tpu.memory_space<vmem>>, vector<16xf32>,
      %get3A_1677 = arith.index_cast %add3A_1666 : i32 to index
      %get3A_1678 = arith.constant 16 : index
      %get3A_1679 = tpu.vector_load %arg10[%get3A_1677, %get3A_1678] {strides = array<i32>} : memref<128x64xf32, #tpu.memory_space<vmem>>, vector<16xf32>,
      %mul3A_1680 = arith.mulf %get3A_1676, %get3A_1679 : vector<16xf32>
      %add3A_1681 = arith.addf %mul3A_1673, %mul3A_1680 : vector<16xf32>
      %get3A_1682 = arith.index_cast %add3A_1660 : i32 to index
      %get3A_1683 = arith.constant 32 : index
      %get3A_1684 = tpu.vector_load %arg9[%get3A_1682, %get3A_1683] {strides = array<i32>} : memref<128x64xf32, #tpu.memory_space<vmem>>, vector<16xf32>,
      %get3A_1685 = arith.index_cast %add3A_1666 : i32 to index
      %get3A_1686 = arith.constant 32 : index
      %get3A_1687 = tpu.vector_load %arg10[%get3A_1685, %get3A_1686] {strides = array<i32>} : memref<128x64xf32, #tpu.memory_space<vmem>>, vector<16xf32>,
      %mul3A_1688 = arith.mulf %get3A_1684, %get3A_1687 : vector<16xf32>
      %add3A_1689 = arith.addf %add3A_1681, %mul3A_1688 : vector<16xf32>
      %get3A_1690 = arith.index_cast %add3A_1660 : i32 to index
      %get3A_1691 = arith.constant 48 : index
      %get3A_1692 = tpu.vector_load %arg9[%get3A_1690, %get3A_1691] {strides = array<i32>} : memref<128x64xf32, #tpu.memory_space<vmem>>, vector<16xf32>,
      %get3A_1693 = arith.index_cast %add3A_1666 : i32 to index
      %get3A_1694 = arith.constant 48 : index
      %get3A_1695 = tpu.vector_load %arg10[%get3A_1693, %get3A_1694] {strides = array<i32>} : memref<128x64xf32, #tpu.memory_space<vmem>>, vector<16xf32>,
      %mul3A_1696 = arith.mulf %get3A_1692, %get3A_1695 : vector<16xf32>
      %add3A_1697 = arith.addf %add3A_1689, %mul3A_1696 : vector<16xf32>
      %eq3A_1698 = arith.constant 10 : i32
      %eq3A_1699 = vector.broadcast %eq3A_1698 : i32 to vector<16xi32>
      %eq3A_1700 = arith.cmpi eq, %iota3A, %eq3A_1699 : vector<16xi32>
      %reduce_sum3A_1701 = arith.constant true
      %reduce_sum3A_1702 = vector.broadcast %reduce_sum3A_1701 : i1 to vector<16xi1>
      %reduce_sum3A_1703 = tpu.scan <sum>, %add3A_1697 masked %reduce_sum3A_1702 : vector<16xf32>, vector<16xi1> -> vector<16xf32>
      %reduce_sum3A_1704 = vector.extract %reduce_sum3A_1703[15] : f32 from vector<16xf32>
      %broadcast_in_dim3A_1705 = vector.broadcast %reduce_sum3A_1704 : f32 to vector<16xf32>
      %select_n3A_1706 = arith.select %eq3A_1700, %broadcast_in_dim3A_1705, %select_n3A_1654 : vector<16xi1>, vector<16xf32>
      %slice3A_1707 = vector.extract_strided_slice %get3A_1131 {offsets = [11], sizes = [1], strides = [1]} : vector<16xi32> to vector<1xi32>
      %squeeze3A_1708 = vector.extract %slice3A_1707[0] : i32 from vector<1xi32>
      %and3A_1709 = arith.constant 7 : i32
      %and3A_1710 = arith.andi %squeeze3A_1708, %and3A_1709 : i32
      %add3A_1711 = arith.constant 88 : i32
      %add3A_1712 = arith.addi %add3A_1711, %and3A_1710 : i32
      %slice3A_1713 = vector.extract_strided_slice %get3A_1137 {offsets = [11], sizes = [1], strides = [1]} : vector<16xi32> to vector<1xi32>
      %squeeze3A_1714 = vector.extract %slice3A_1713[0] : i32 from vector<1xi32>
      %and3A_1715 = arith.constant 7 : i32
      %and3A_1716 = arith.andi %squeeze3A_1714, %and3A_1715 : i32
      %add3A_1717 = arith.constant 88 : i32
      %add3A_1718 = arith.addi %add3A_1717, %and3A_1716 : i32
      %get3A_1719 = arith.index_cast %add3A_1712 : i32 to index
      %get3A_1720 = arith.constant 0 : index
      %get3A_1721 = tpu.vector_load %arg9[%get3A_1719, %get3A_1720] {strides = array<i32>} : memref<128x64xf32, #tpu.memory_space<vmem>>, vector<16xf32>,
      %get3A_1722 = arith.index_cast %add3A_1718 : i32 to index
      %get3A_1723 = arith.constant 0 : index
      %get3A_1724 = tpu.vector_load %arg10[%get3A_1722, %get3A_1723] {strides = array<i32>} : memref<128x64xf32, #tpu.memory_space<vmem>>, vector<16xf32>,
      %mul3A_1725 = arith.mulf %get3A_1721, %get3A_1724 : vector<16xf32>
      %get3A_1726 = arith.index_cast %add3A_1712 : i32 to index
      %get3A_1727 = arith.constant 16 : index
      %get3A_1728 = tpu.vector_load %arg9[%get3A_1726, %get3A_1727] {strides = array<i32>} : memref<128x64xf32, #tpu.memory_space<vmem>>, vector<16xf32>,
      %get3A_1729 = arith.index_cast %add3A_1718 : i32 to index
      %get3A_1730 = arith.constant 16 : index
      %get3A_1731 = tpu.vector_load %arg10[%get3A_1729, %get3A_1730] {strides = array<i32>} : memref<128x64xf32, #tpu.memory_space<vmem>>, vector<16xf32>,
      %mul3A_1732 = arith.mulf %get3A_1728, %get3A_1731 : vector<16xf32>
      %add3A_1733 = arith.addf %mul3A_1725, %mul3A_1732 : vector<16xf32>
      %get3A_1734 = arith.index_cast %add3A_1712 : i32 to index
      %get3A_1735 = arith.constant 32 : index
      %get3A_1736 = tpu.vector_load %arg9[%get3A_1734, %get3A_1735] {strides = array<i32>} : memref<128x64xf32, #tpu.memory_space<vmem>>, vector<16xf32>,
      %get3A_1737 = arith.index_cast %add3A_1718 : i32 to index
      %get3A_1738 = arith.constant 32 : index
      %get3A_1739 = tpu.vector_load %arg10[%get3A_1737, %get3A_1738] {strides = array<i32>} : memref<128x64xf32, #tpu.memory_space<vmem>>, vector<16xf32>,
      %mul3A_1740 = arith.mulf %get3A_1736, %get3A_1739 : vector<16xf32>
      %add3A_1741 = arith.addf %add3A_1733, %mul3A_1740 : vector<16xf32>
      %get3A_1742 = arith.index_cast %add3A_1712 : i32 to index
      %get3A_1743 = arith.constant 48 : index
      %get3A_1744 = tpu.vector_load %arg9[%get3A_1742, %get3A_1743] {strides = array<i32>} : memref<128x64xf32, #tpu.memory_space<vmem>>, vector<16xf32>,
      %get3A_1745 = arith.index_cast %add3A_1718 : i32 to index
      %get3A_1746 = arith.constant 48 : index
      %get3A_1747 = tpu.vector_load %arg10[%get3A_1745, %get3A_1746] {strides = array<i32>} : memref<128x64xf32, #tpu.memory_space<vmem>>, vector<16xf32>,
      %mul3A_1748 = arith.mulf %get3A_1744, %get3A_1747 : vector<16xf32>
      %add3A_1749 = arith.addf %add3A_1741, %mul3A_1748 : vector<16xf32>
      %eq3A_1750 = arith.constant 11 : i32
      %eq3A_1751 = vector.broadcast %eq3A_1750 : i32 to vector<16xi32>
      %eq3A_1752 = arith.cmpi eq, %iota3A, %eq3A_1751 : vector<16xi32>
      %reduce_sum3A_1753 = arith.constant true
      %reduce_sum3A_1754 = vector.broadcast %reduce_sum3A_1753 : i1 to vector<16xi1>
      %reduce_sum3A_1755 = tpu.scan <sum>, %add3A_1749 masked %reduce_sum3A_1754 : vector<16xf32>, vector<16xi1> -> vector<16xf32>
      %reduce_sum3A_1756 = vector.extract %reduce_sum3A_1755[15] : f32 from vector<16xf32>
      %broadcast_in_dim3A_1757 = vector.broadcast %reduce_sum3A_1756 : f32 to vector<16xf32>
      %select_n3A_1758 = arith.select %eq3A_1752, %broadcast_in_dim3A_1757, %select_n3A_1706 : vector<16xi1>, vector<16xf32>
      %slice3A_1759 = vector.extract_strided_slice %get3A_1131 {offsets = [12], sizes = [1], strides = [1]} : vector<16xi32> to vector<1xi32>
      %squeeze3A_1760 = vector.extract %slice3A_1759[0] : i32 from vector<1xi32>
      %and3A_1761 = arith.constant 7 : i32
      %and3A_1762 = arith.andi %squeeze3A_1760, %and3A_1761 : i32
      %add3A_1763 = arith.constant 96 : i32
      %add3A_1764 = arith.addi %add3A_1763, %and3A_1762 : i32
      %slice3A_1765 = vector.extract_strided_slice %get3A_1137 {offsets = [12], sizes = [1], strides = [1]} : vector<16xi32> to vector<1xi32>
      %squeeze3A_1766 = vector.extract %slice3A_1765[0] : i32 from vector<1xi32>
      %and3A_1767 = arith.constant 7 : i32
      %and3A_1768 = arith.andi %squeeze3A_1766, %and3A_1767 : i32
      %add3A_1769 = arith.constant 96 : i32
      %add3A_1770 = arith.addi %add3A_1769, %and3A_1768 : i32
      %get3A_1771 = arith.index_cast %add3A_1764 : i32 to index
      %get3A_1772 = arith.constant 0 : index
      %get3A_1773 = tpu.vector_load %arg9[%get3A_1771, %get3A_1772] {strides = array<i32>} : memref<128x64xf32, #tpu.memory_space<vmem>>, vector<16xf32>,
      %get3A_1774 = arith.index_cast %add3A_1770 : i32 to index
      %get3A_1775 = arith.constant 0 : index
      %get3A_1776 = tpu.vector_load %arg10[%get3A_1774, %get3A_1775] {strides = array<i32>} : memref<128x64xf32, #tpu.memory_space<vmem>>, vector<16xf32>,
      %mul3A_1777 = arith.mulf %get3A_1773, %get3A_1776 : vector<16xf32>
      %get3A_1778 = arith.index_cast %add3A_1764 : i32 to index
      %get3A_1779 = arith.constant 16 : index
      %get3A_1780 = tpu.vector_load %arg9[%get3A_1778, %get3A_1779] {strides = array<i32>} : memref<128x64xf32, #tpu.memory_space<vmem>>, vector<16xf32>,
      %get3A_1781 = arith.index_cast %add3A_1770 : i32 to index
      %get3A_1782 = arith.constant 16 : index
      %get3A_1783 = tpu.vector_load %arg10[%get3A_1781, %get3A_1782] {strides = array<i32>} : memref<128x64xf32, #tpu.memory_space<vmem>>, vector<16xf32>,
      %mul3A_1784 = arith.mulf %get3A_1780, %get3A_1783 : vector<16xf32>
      %add3A_1785 = arith.addf %mul3A_1777, %mul3A_1784 : vector<16xf32>
      %get3A_1786 = arith.index_cast %add3A_1764 : i32 to index
      %get3A_1787 = arith.constant 32 : index
      %get3A_1788 = tpu.vector_load %arg9[%get3A_1786, %get3A_1787] {strides = array<i32>} : memref<128x64xf32, #tpu.memory_space<vmem>>, vector<16xf32>,
      %get3A_1789 = arith.index_cast %add3A_1770 : i32 to index
      %get3A_1790 = arith.constant 32 : index
      %get3A_1791 = tpu.vector_load %arg10[%get3A_1789, %get3A_1790] {strides = array<i32>} : memref<128x64xf32, #tpu.memory_space<vmem>>, vector<16xf32>,
      %mul3A_1792 = arith.mulf %get3A_1788, %get3A_1791 : vector<16xf32>
      %add3A_1793 = arith.addf %add3A_1785, %mul3A_1792 : vector<16xf32>
      %get3A_1794 = arith.index_cast %add3A_1764 : i32 to index
      %get3A_1795 = arith.constant 48 : index
      %get3A_1796 = tpu.vector_load %arg9[%get3A_1794, %get3A_1795] {strides = array<i32>} : memref<128x64xf32, #tpu.memory_space<vmem>>, vector<16xf32>,
      %get3A_1797 = arith.index_cast %add3A_1770 : i32 to index
      %get3A_1798 = arith.constant 48 : index
      %get3A_1799 = tpu.vector_load %arg10[%get3A_1797, %get3A_1798] {strides = array<i32>} : memref<128x64xf32, #tpu.memory_space<vmem>>, vector<16xf32>,
      %mul3A_1800 = arith.mulf %get3A_1796, %get3A_1799 : vector<16xf32>
      %add3A_1801 = arith.addf %add3A_1793, %mul3A_1800 : vector<16xf32>
      %eq3A_1802 = arith.constant 12 : i32
      %eq3A_1803 = vector.broadcast %eq3A_1802 : i32 to vector<16xi32>
      %eq3A_1804 = arith.cmpi eq, %iota3A, %eq3A_1803 : vector<16xi32>
      %reduce_sum3A_1805 = arith.constant true
      %reduce_sum3A_1806 = vector.broadcast %reduce_sum3A_1805 : i1 to vector<16xi1>
      %reduce_sum3A_1807 = tpu.scan <sum>, %add3A_1801 masked %reduce_sum3A_1806 : vector<16xf32>, vector<16xi1> -> vector<16xf32>
      %reduce_sum3A_1808 = vector.extract %reduce_sum3A_1807[15] : f32 from vector<16xf32>
      %broadcast_in_dim3A_1809 = vector.broadcast %reduce_sum3A_1808 : f32 to vector<16xf32>
      %select_n3A_1810 = arith.select %eq3A_1804, %broadcast_in_dim3A_1809, %select_n3A_1758 : vector<16xi1>, vector<16xf32>
      %slice3A_1811 = vector.extract_strided_slice %get3A_1131 {offsets = [13], sizes = [1], strides = [1]} : vector<16xi32> to vector<1xi32>
      %squeeze3A_1812 = vector.extract %slice3A_1811[0] : i32 from vector<1xi32>
      %and3A_1813 = arith.constant 7 : i32
      %and3A_1814 = arith.andi %squeeze3A_1812, %and3A_1813 : i32
      %add3A_1815 = arith.constant 104 : i32
      %add3A_1816 = arith.addi %add3A_1815, %and3A_1814 : i32
      %slice3A_1817 = vector.extract_strided_slice %get3A_1137 {offsets = [13], sizes = [1], strides = [1]} : vector<16xi32> to vector<1xi32>
      %squeeze3A_1818 = vector.extract %slice3A_1817[0] : i32 from vector<1xi32>
      %and3A_1819 = arith.constant 7 : i32
      %and3A_1820 = arith.andi %squeeze3A_1818, %and3A_1819 : i32
      %add3A_1821 = arith.constant 104 : i32
      %add3A_1822 = arith.addi %add3A_1821, %and3A_1820 : i32
      %get3A_1823 = arith.index_cast %add3A_1816 : i32 to index
      %get3A_1824 = arith.constant 0 : index
      %get3A_1825 = tpu.vector_load %arg9[%get3A_1823, %get3A_1824] {strides = array<i32>} : memref<128x64xf32, #tpu.memory_space<vmem>>, vector<16xf32>,
      %get3A_1826 = arith.index_cast %add3A_1822 : i32 to index
      %get3A_1827 = arith.constant 0 : index
      %get3A_1828 = tpu.vector_load %arg10[%get3A_1826, %get3A_1827] {strides = array<i32>} : memref<128x64xf32, #tpu.memory_space<vmem>>, vector<16xf32>,
      %mul3A_1829 = arith.mulf %get3A_1825, %get3A_1828 : vector<16xf32>
      %get3A_1830 = arith.index_cast %add3A_1816 : i32 to index
      %get3A_1831 = arith.constant 16 : index
      %get3A_1832 = tpu.vector_load %arg9[%get3A_1830, %get3A_1831] {strides = array<i32>} : memref<128x64xf32, #tpu.memory_space<vmem>>, vector<16xf32>,
      %get3A_1833 = arith.index_cast %add3A_1822 : i32 to index
      %get3A_1834 = arith.constant 16 : index
      %get3A_1835 = tpu.vector_load %arg10[%get3A_1833, %get3A_1834] {strides = array<i32>} : memref<128x64xf32, #tpu.memory_space<vmem>>, vector<16xf32>,
      %mul3A_1836 = arith.mulf %get3A_1832, %get3A_1835 : vector<16xf32>
      %add3A_1837 = arith.addf %mul3A_1829, %mul3A_1836 : vector<16xf32>
      %get3A_1838 = arith.index_cast %add3A_1816 : i32 to index
      %get3A_1839 = arith.constant 32 : index
      %get3A_1840 = tpu.vector_load %arg9[%get3A_1838, %get3A_1839] {strides = array<i32>} : memref<128x64xf32, #tpu.memory_space<vmem>>, vector<16xf32>,
      %get3A_1841 = arith.index_cast %add3A_1822 : i32 to index
      %get3A_1842 = arith.constant 32 : index
      %get3A_1843 = tpu.vector_load %arg10[%get3A_1841, %get3A_1842] {strides = array<i32>} : memref<128x64xf32, #tpu.memory_space<vmem>>, vector<16xf32>,
      %mul3A_1844 = arith.mulf %get3A_1840, %get3A_1843 : vector<16xf32>
      %add3A_1845 = arith.addf %add3A_1837, %mul3A_1844 : vector<16xf32>
      %get3A_1846 = arith.index_cast %add3A_1816 : i32 to index
      %get3A_1847 = arith.constant 48 : index
      %get3A_1848 = tpu.vector_load %arg9[%get3A_1846, %get3A_1847] {strides = array<i32>} : memref<128x64xf32, #tpu.memory_space<vmem>>, vector<16xf32>,
      %get3A_1849 = arith.index_cast %add3A_1822 : i32 to index
      %get3A_1850 = arith.constant 48 : index
      %get3A_1851 = tpu.vector_load %arg10[%get3A_1849, %get3A_1850] {strides = array<i32>} : memref<128x64xf32, #tpu.memory_space<vmem>>, vector<16xf32>,
      %mul3A_1852 = arith.mulf %get3A_1848, %get3A_1851 : vector<16xf32>
      %add3A_1853 = arith.addf %add3A_1845, %mul3A_1852 : vector<16xf32>
      %eq3A_1854 = arith.constant 13 : i32
      %eq3A_1855 = vector.broadcast %eq3A_1854 : i32 to vector<16xi32>
      %eq3A_1856 = arith.cmpi eq, %iota3A, %eq3A_1855 : vector<16xi32>
      %reduce_sum3A_1857 = arith.constant true
      %reduce_sum3A_1858 = vector.broadcast %reduce_sum3A_1857 : i1 to vector<16xi1>
      %reduce_sum3A_1859 = tpu.scan <sum>, %add3A_1853 masked %reduce_sum3A_1858 : vector<16xf32>, vector<16xi1> -> vector<16xf32>
      %reduce_sum3A_1860 = vector.extract %reduce_sum3A_1859[15] : f32 from vector<16xf32>
      %broadcast_in_dim3A_1861 = vector.broadcast %reduce_sum3A_1860 : f32 to vector<16xf32>
      %select_n3A_1862 = arith.select %eq3A_1856, %broadcast_in_dim3A_1861, %select_n3A_1810 : vector<16xi1>, vector<16xf32>
      %slice3A_1863 = vector.extract_strided_slice %get3A_1131 {offsets = [14], sizes = [1], strides = [1]} : vector<16xi32> to vector<1xi32>
      %squeeze3A_1864 = vector.extract %slice3A_1863[0] : i32 from vector<1xi32>
      %and3A_1865 = arith.constant 7 : i32
      %and3A_1866 = arith.andi %squeeze3A_1864, %and3A_1865 : i32
      %add3A_1867 = arith.constant 112 : i32
      %add3A_1868 = arith.addi %add3A_1867, %and3A_1866 : i32
      %slice3A_1869 = vector.extract_strided_slice %get3A_1137 {offsets = [14], sizes = [1], strides = [1]} : vector<16xi32> to vector<1xi32>
      %squeeze3A_1870 = vector.extract %slice3A_1869[0] : i32 from vector<1xi32>
      %and3A_1871 = arith.constant 7 : i32
      %and3A_1872 = arith.andi %squeeze3A_1870, %and3A_1871 : i32
      %add3A_1873 = arith.constant 112 : i32
      %add3A_1874 = arith.addi %add3A_1873, %and3A_1872 : i32
      %get3A_1875 = arith.index_cast %add3A_1868 : i32 to index
      %get3A_1876 = arith.constant 0 : index
      %get3A_1877 = tpu.vector_load %arg9[%get3A_1875, %get3A_1876] {strides = array<i32>} : memref<128x64xf32, #tpu.memory_space<vmem>>, vector<16xf32>,
      %get3A_1878 = arith.index_cast %add3A_1874 : i32 to index
      %get3A_1879 = arith.constant 0 : index
      %get3A_1880 = tpu.vector_load %arg10[%get3A_1878, %get3A_1879] {strides = array<i32>} : memref<128x64xf32, #tpu.memory_space<vmem>>, vector<16xf32>,
      %mul3A_1881 = arith.mulf %get3A_1877, %get3A_1880 : vector<16xf32>
      %get3A_1882 = arith.index_cast %add3A_1868 : i32 to index
      %get3A_1883 = arith.constant 16 : index
      %get3A_1884 = tpu.vector_load %arg9[%get3A_1882, %get3A_1883] {strides = array<i32>} : memref<128x64xf32, #tpu.memory_space<vmem>>, vector<16xf32>,
      %get3A_1885 = arith.index_cast %add3A_1874 : i32 to index
      %get3A_1886 = arith.constant 16 : index
      %get3A_1887 = tpu.vector_load %arg10[%get3A_1885, %get3A_1886] {strides = array<i32>} : memref<128x64xf32, #tpu.memory_space<vmem>>, vector<16xf32>,
      %mul3A_1888 = arith.mulf %get3A_1884, %get3A_1887 : vector<16xf32>
      %add3A_1889 = arith.addf %mul3A_1881, %mul3A_1888 : vector<16xf32>
      %get3A_1890 = arith.index_cast %add3A_1868 : i32 to index
      %get3A_1891 = arith.constant 32 : index
      %get3A_1892 = tpu.vector_load %arg9[%get3A_1890, %get3A_1891] {strides = array<i32>} : memref<128x64xf32, #tpu.memory_space<vmem>>, vector<16xf32>,
      %get3A_1893 = arith.index_cast %add3A_1874 : i32 to index
      %get3A_1894 = arith.constant 32 : index
      %get3A_1895 = tpu.vector_load %arg10[%get3A_1893, %get3A_1894] {strides = array<i32>} : memref<128x64xf32, #tpu.memory_space<vmem>>, vector<16xf32>,
      %mul3A_1896 = arith.mulf %get3A_1892, %get3A_1895 : vector<16xf32>
      %add3A_1897 = arith.addf %add3A_1889, %mul3A_1896 : vector<16xf32>
      %get3A_1898 = arith.index_cast %add3A_1868 : i32 to index
      %get3A_1899 = arith.constant 48 : index
      %get3A_1900 = tpu.vector_load %arg9[%get3A_1898, %get3A_1899] {strides = array<i32>} : memref<128x64xf32, #tpu.memory_space<vmem>>, vector<16xf32>,
      %get3A_1901 = arith.index_cast %add3A_1874 : i32 to index
      %get3A_1902 = arith.constant 48 : index
      %get3A_1903 = tpu.vector_load %arg10[%get3A_1901, %get3A_1902] {strides = array<i32>} : memref<128x64xf32, #tpu.memory_space<vmem>>, vector<16xf32>,
      %mul3A_1904 = arith.mulf %get3A_1900, %get3A_1903 : vector<16xf32>
      %add3A_1905 = arith.addf %add3A_1897, %mul3A_1904 : vector<16xf32>
      %eq3A_1906 = arith.constant 14 : i32
      %eq3A_1907 = vector.broadcast %eq3A_1906 : i32 to vector<16xi32>
      %eq3A_1908 = arith.cmpi eq, %iota3A, %eq3A_1907 : vector<16xi32>
      %reduce_sum3A_1909 = arith.constant true
      %reduce_sum3A_1910 = vector.broadcast %reduce_sum3A_1909 : i1 to vector<16xi1>
      %reduce_sum3A_1911 = tpu.scan <sum>, %add3A_1905 masked %reduce_sum3A_1910 : vector<16xf32>, vector<16xi1> -> vector<16xf32>
      %reduce_sum3A_1912 = vector.extract %reduce_sum3A_1911[15] : f32 from vector<16xf32>
      %broadcast_in_dim3A_1913 = vector.broadcast %reduce_sum3A_1912 : f32 to vector<16xf32>
      %select_n3A_1914 = arith.select %eq3A_1908, %broadcast_in_dim3A_1913, %select_n3A_1862 : vector<16xi1>, vector<16xf32>
      %slice3A_1915 = vector.extract_strided_slice %get3A_1131 {offsets = [15], sizes = [1], strides = [1]} : vector<16xi32> to vector<1xi32>
      %squeeze3A_1916 = vector.extract %slice3A_1915[0] : i32 from vector<1xi32>
      %and3A_1917 = arith.constant 7 : i32
      %and3A_1918 = arith.andi %squeeze3A_1916, %and3A_1917 : i32
      %add3A_1919 = arith.constant 120 : i32
      %add3A_1920 = arith.addi %add3A_1919, %and3A_1918 : i32
      %slice3A_1921 = vector.extract_strided_slice %get3A_1137 {offsets = [15], sizes = [1], strides = [1]} : vector<16xi32> to vector<1xi32>
      %squeeze3A_1922 = vector.extract %slice3A_1921[0] : i32 from vector<1xi32>
      %and3A_1923 = arith.constant 7 : i32
      %and3A_1924 = arith.andi %squeeze3A_1922, %and3A_1923 : i32
      %add3A_1925 = arith.constant 120 : i32
      %add3A_1926 = arith.addi %add3A_1925, %and3A_1924 : i32
      %get3A_1927 = arith.index_cast %add3A_1920 : i32 to index
      %get3A_1928 = arith.constant 0 : index
      %get3A_1929 = tpu.vector_load %arg9[%get3A_1927, %get3A_1928] {strides = array<i32>} : memref<128x64xf32, #tpu.memory_space<vmem>>, vector<16xf32>,
      %get3A_1930 = arith.index_cast %add3A_1926 : i32 to index
      %get3A_1931 = arith.constant 0 : index
      %get3A_1932 = tpu.vector_load %arg10[%get3A_1930, %get3A_1931] {strides = array<i32>} : memref<128x64xf32, #tpu.memory_space<vmem>>, vector<16xf32>,
      %mul3A_1933 = arith.mulf %get3A_1929, %get3A_1932 : vector<16xf32>
      %get3A_1934 = arith.index_cast %add3A_1920 : i32 to index
      %get3A_1935 = arith.constant 16 : index
      %get3A_1936 = tpu.vector_load %arg9[%get3A_1934, %get3A_1935] {strides = array<i32>} : memref<128x64xf32, #tpu.memory_space<vmem>>, vector<16xf32>,
      %get3A_1937 = arith.index_cast %add3A_1926 : i32 to index
      %get3A_1938 = arith.constant 16 : index
      %get3A_1939 = tpu.vector_load %arg10[%get3A_1937, %get3A_1938] {strides = array<i32>} : memref<128x64xf32, #tpu.memory_space<vmem>>, vector<16xf32>,
      %mul3A_1940 = arith.mulf %get3A_1936, %get3A_1939 : vector<16xf32>
      %add3A_1941 = arith.addf %mul3A_1933, %mul3A_1940 : vector<16xf32>
      %get3A_1942 = arith.index_cast %add3A_1920 : i32 to index
      %get3A_1943 = arith.constant 32 : index
      %get3A_1944 = tpu.vector_load %arg9[%get3A_1942, %get3A_1943] {strides = array<i32>} : memref<128x64xf32, #tpu.memory_space<vmem>>, vector<16xf32>,
      %get3A_1945 = arith.index_cast %add3A_1926 : i32 to index
      %get3A_1946 = arith.constant 32 : index
      %get3A_1947 = tpu.vector_load %arg10[%get3A_1945, %get3A_1946] {strides = array<i32>} : memref<128x64xf32, #tpu.memory_space<vmem>>, vector<16xf32>,
      %mul3A_1948 = arith.mulf %get3A_1944, %get3A_1947 : vector<16xf32>
      %add3A_1949 = arith.addf %add3A_1941, %mul3A_1948 : vector<16xf32>
      %get3A_1950 = arith.index_cast %add3A_1920 : i32 to index
      %get3A_1951 = arith.constant 48 : index
      %get3A_1952 = tpu.vector_load %arg9[%get3A_1950, %get3A_1951] {strides = array<i32>} : memref<128x64xf32, #tpu.memory_space<vmem>>, vector<16xf32>,
      %get3A_1953 = arith.index_cast %add3A_1926 : i32 to index
      %get3A_1954 = arith.constant 48 : index
      %get3A_1955 = tpu.vector_load %arg10[%get3A_1953, %get3A_1954] {strides = array<i32>} : memref<128x64xf32, #tpu.memory_space<vmem>>, vector<16xf32>,
      %mul3A_1956 = arith.mulf %get3A_1952, %get3A_1955 : vector<16xf32>
      %add3A_1957 = arith.addf %add3A_1949, %mul3A_1956 : vector<16xf32>
      %eq3A_1958 = arith.constant 15 : i32
      %eq3A_1959 = vector.broadcast %eq3A_1958 : i32 to vector<16xi32>
      %eq3A_1960 = arith.cmpi eq, %iota3A, %eq3A_1959 : vector<16xi32>
      %reduce_sum3A_1961 = arith.constant true
      %reduce_sum3A_1962 = vector.broadcast %reduce_sum3A_1961 : i1 to vector<16xi1>
      %reduce_sum3A_1963 = tpu.scan <sum>, %add3A_1957 masked %reduce_sum3A_1962 : vector<16xf32>, vector<16xi1> -> vector<16xf32>
      %reduce_sum3A_1964 = vector.extract %reduce_sum3A_1963[15] : f32 from vector<16xf32>
      %broadcast_in_dim3A_1965 = vector.broadcast %reduce_sum3A_1964 : f32 to vector<16xf32>
      %select_n3A_1966 = arith.select %eq3A_1960, %broadcast_in_dim3A_1965, %select_n3A_1914 : vector<16xi1>, vector<16xf32>
      %mul3A_1967 = arith.constant 16 : i32
      %mul3A_1968 = arith.muli %mul3A_556, %mul3A_1967 : i32
      %swap3A = arith.index_cast %mul3A_1968 : i32 to index
      %swap3A_1969 = tpu.vector_load %arg13[%swap3A] {strides = array<i32>} : memref<512xf32, #tpu.memory_space<vmem>>, vector<16xf32>,
      tpu.vector_store %arg13[%swap3A], %select_n3A_1966 {strides = array<i32>} : memref<512xf32, #tpu.memory_space<vmem>>, vector<16xf32>,
      %lt3A = arith.constant 15 : i32
      %lt3A_1970 = arith.cmpi slt, %scan3A_554, %lt3A : i32
      %convert_element_type3A = arith.extui %lt3A_1970 : i1 to i32
      %cond3A = arith.constant 0 : i32
      %cond3A_1971 = arith.cmpi ne, %convert_element_type3A, %cond3A : i32
      scf.if %cond3A_1971 {
        %add3A_2836 = arith.constant 2 : i32
        %add3A_2837 = arith.addi %mul3A_556, %add3A_2836 : i32
        %mul3A_2838 = arith.constant 16 : i32
        %mul3A_2839 = arith.muli %add3A_2837, %mul3A_2838 : i32
        %get3A_2840 = arith.constant 0 : i32
        %get3A_2841 = arith.index_cast %get3A_2840 : i32 to index
        %get3A_2842 = arith.index_cast %mul3A_2839 : i32 to index
        %get3A_2843 = tpu.vector_load %arg7[%get3A_2841, %get3A_2842] {strides = array<i32>} : memref<1x512xi32, #tpu.memory_space<vmem>>, vector<16xi32>,
        %mul3A_2844 = arith.constant 16 : i32
        %mul3A_2845 = arith.muli %add3A_2837, %mul3A_2844 : i32
        %get3A_2846 = arith.constant 0 : i32
        %get3A_2847 = arith.index_cast %get3A_2846 : i32 to index
        %get3A_2848 = arith.index_cast %mul3A_2845 : i32 to index
        %get3A_2849 = tpu.vector_load %arg8[%get3A_2847, %get3A_2848] {strides = array<i32>} : memref<1x512xi32, #tpu.memory_space<vmem>>, vector<16xi32>,
        %slice3A_2850 = vector.extract_strided_slice %get3A_2843 {offsets = [0], sizes = [1], strides = [1]} : vector<16xi32> to vector<1xi32>
        %squeeze3A_2851 = vector.extract %slice3A_2850[0] : i32 from vector<1xi32>
        %shift_right_arithmetic3A_2852 = arith.constant 3 : i32
        %shift_right_arithmetic3A_2853 = arith.shrsi %squeeze3A_2851, %shift_right_arithmetic3A_2852 : i32
        %mul3A_2854 = arith.constant 8 : i32
        %mul3A_2855 = arith.muli %shift_right_arithmetic3A_2853, %mul3A_2854 : i32
        %multiple_of3A_2856 = tpu.assume_multiple %mul3A_2855, 8 : i32
        %slice3A_2857 = vector.extract_strided_slice %get3A_2849 {offsets = [0], sizes = [1], strides = [1]} : vector<16xi32> to vector<1xi32>
        %squeeze3A_2858 = vector.extract %slice3A_2857[0] : i32 from vector<1xi32>
        %shift_right_arithmetic3A_2859 = arith.constant 3 : i32
        %shift_right_arithmetic3A_2860 = arith.shrsi %squeeze3A_2858, %shift_right_arithmetic3A_2859 : i32
        %mul3A_2861 = arith.constant 8 : i32
        %mul3A_2862 = arith.muli %shift_right_arithmetic3A_2860, %mul3A_2861 : i32
        %multiple_of3A_2863 = tpu.assume_multiple %mul3A_2862, 8 : i32
        %dma_start3A_2864 = arith.constant 0 : i32
        %dma_start3A_2865 = arith.constant 0 : i32
        %dma_start3A_2866 = tpu.memref_slice %arg9[%dma_start3A_2864, %dma_start3A_2865] : memref<128x64xf32, #tpu.memory_space<vmem>> -> memref<8x64xf32, #tpu.memory_space<vmem>>
        %dma_start3A_2867 = arith.constant 0 : i32
        %dma_start3A_2868 = tpu.memref_slice %arg4[%multiple_of3A_2856, %dma_start3A_2867] : memref<100001x64xf32, #tpu.memory_space<hbm>> -> memref<8x64xf32, #tpu.memory_space<hbm>>
        %dma_start3A_2869 = arith.constant 0 : i32
        %dma_start3A_2870 = arith.constant 0 : i32
        %dma_start3A_2871 = tpu.memref_slice %arg9[%dma_start3A_2869, %dma_start3A_2870] : memref<128x64xf32, #tpu.memory_space<vmem>> -> memref<8x64xf32, #tpu.memory_space<vmem>>
        %dma_start3A_2872 = arith.constant 0 : i32
        %dma_start3A_2873 = tpu.memref_slice %arg4[%multiple_of3A_2856, %dma_start3A_2872] : memref<100001x64xf32, #tpu.memory_space<hbm>> -> memref<8x64xf32, #tpu.memory_space<hbm>>
        tpu.enqueue_dma source(%dma_start3A_2873 : memref<8x64xf32, #tpu.memory_space<hbm>>) target(%dma_start3A_2871 : memref<8x64xf32, #tpu.memory_space<vmem>>) target_semaphore(%arg14 : memref<!tpu.dma_semaphore, #tpu.memory_space<semaphore_mem>>)
        %dma_start3A_2874 = arith.constant 0 : i32
        %dma_start3A_2875 = arith.constant 0 : i32
        %dma_start3A_2876 = tpu.memref_slice %arg10[%dma_start3A_2874, %dma_start3A_2875] : memref<128x64xf32, #tpu.memory_space<vmem>> -> memref<8x64xf32, #tpu.memory_space<vmem>>
        %dma_start3A_2877 = arith.constant 0 : i32
        %dma_start3A_2878 = tpu.memref_slice %arg5[%multiple_of3A_2863, %dma_start3A_2877] : memref<1000001x64xf32, #tpu.memory_space<hbm>> -> memref<8x64xf32, #tpu.memory_space<hbm>>
        %dma_start3A_2879 = arith.constant 0 : i32
        %dma_start3A_2880 = arith.constant 0 : i32
        %dma_start3A_2881 = tpu.memref_slice %arg10[%dma_start3A_2879, %dma_start3A_2880] : memref<128x64xf32, #tpu.memory_space<vmem>> -> memref<8x64xf32, #tpu.memory_space<vmem>>
        %dma_start3A_2882 = arith.constant 0 : i32
        %dma_start3A_2883 = tpu.memref_slice %arg5[%multiple_of3A_2863, %dma_start3A_2882] : memref<1000001x64xf32, #tpu.memory_space<hbm>> -> memref<8x64xf32, #tpu.memory_space<hbm>>
        tpu.enqueue_dma source(%dma_start3A_2883 : memref<8x64xf32, #tpu.memory_space<hbm>>) target(%dma_start3A_2881 : memref<8x64xf32, #tpu.memory_space<vmem>>) target_semaphore(%arg14 : memref<!tpu.dma_semaphore, #tpu.memory_space<semaphore_mem>>)
        %slice3A_2884 = vector.extract_strided_slice %get3A_2843 {offsets = [1], sizes = [1], strides = [1]} : vector<16xi32> to vector<1xi32>
        %squeeze3A_2885 = vector.extract %slice3A_2884[0] : i32 from vector<1xi32>
        %shift_right_arithmetic3A_2886 = arith.constant 3 : i32
        %shift_right_arithmetic3A_2887 = arith.shrsi %squeeze3A_2885, %shift_right_arithmetic3A_2886 : i32
        %mul3A_2888 = arith.constant 8 : i32
        %mul3A_2889 = arith.muli %shift_right_arithmetic3A_2887, %mul3A_2888 : i32
        %multiple_of3A_2890 = tpu.assume_multiple %mul3A_2889, 8 : i32
        %slice3A_2891 = vector.extract_strided_slice %get3A_2849 {offsets = [1], sizes = [1], strides = [1]} : vector<16xi32> to vector<1xi32>
        %squeeze3A_2892 = vector.extract %slice3A_2891[0] : i32 from vector<1xi32>
        %shift_right_arithmetic3A_2893 = arith.constant 3 : i32
        %shift_right_arithmetic3A_2894 = arith.shrsi %squeeze3A_2892, %shift_right_arithmetic3A_2893 : i32
        %mul3A_2895 = arith.constant 8 : i32
        %mul3A_2896 = arith.muli %shift_right_arithmetic3A_2894, %mul3A_2895 : i32
        %multiple_of3A_2897 = tpu.assume_multiple %mul3A_2896, 8 : i32
        %dma_start3A_2898 = arith.constant 8 : i32
        %dma_start3A_2899 = arith.constant 0 : i32
        %dma_start3A_2900 = tpu.memref_slice %arg9[%dma_start3A_2898, %dma_start3A_2899] : memref<128x64xf32, #tpu.memory_space<vmem>> -> memref<8x64xf32, #tpu.memory_space<vmem>>
        %dma_start3A_2901 = arith.constant 0 : i32
        %dma_start3A_2902 = tpu.memref_slice %arg4[%multiple_of3A_2890, %dma_start3A_2901] : memref<100001x64xf32, #tpu.memory_space<hbm>> -> memref<8x64xf32, #tpu.memory_space<hbm>>
        %dma_start3A_2903 = arith.constant 8 : i32
        %dma_start3A_2904 = arith.constant 0 : i32
        %dma_start3A_2905 = tpu.memref_slice %arg9[%dma_start3A_2903, %dma_start3A_2904] : memref<128x64xf32, #tpu.memory_space<vmem>> -> memref<8x64xf32, #tpu.memory_space<vmem>>
        %dma_start3A_2906 = arith.constant 0 : i32
        %dma_start3A_2907 = tpu.memref_slice %arg4[%multiple_of3A_2890, %dma_start3A_2906] : memref<100001x64xf32, #tpu.memory_space<hbm>> -> memref<8x64xf32, #tpu.memory_space<hbm>>
        tpu.enqueue_dma source(%dma_start3A_2907 : memref<8x64xf32, #tpu.memory_space<hbm>>) target(%dma_start3A_2905 : memref<8x64xf32, #tpu.memory_space<vmem>>) target_semaphore(%arg14 : memref<!tpu.dma_semaphore, #tpu.memory_space<semaphore_mem>>)
        %dma_start3A_2908 = arith.constant 8 : i32
        %dma_start3A_2909 = arith.constant 0 : i32
        %dma_start3A_2910 = tpu.memref_slice %arg10[%dma_start3A_2908, %dma_start3A_2909] : memref<128x64xf32, #tpu.memory_space<vmem>> -> memref<8x64xf32, #tpu.memory_space<vmem>>
        %dma_start3A_2911 = arith.constant 0 : i32
        %dma_start3A_2912 = tpu.memref_slice %arg5[%multiple_of3A_2897, %dma_start3A_2911] : memref<1000001x64xf32, #tpu.memory_space<hbm>> -> memref<8x64xf32, #tpu.memory_space<hbm>>
        %dma_start3A_2913 = arith.constant 8 : i32
        %dma_start3A_2914 = arith.constant 0 : i32
        %dma_start3A_2915 = tpu.memref_slice %arg10[%dma_start3A_2913, %dma_start3A_2914] : memref<128x64xf32, #tpu.memory_space<vmem>> -> memref<8x64xf32, #tpu.memory_space<vmem>>
        %dma_start3A_2916 = arith.constant 0 : i32
        %dma_start3A_2917 = tpu.memref_slice %arg5[%multiple_of3A_2897, %dma_start3A_2916] : memref<1000001x64xf32, #tpu.memory_space<hbm>> -> memref<8x64xf32, #tpu.memory_space<hbm>>
        tpu.enqueue_dma source(%dma_start3A_2917 : memref<8x64xf32, #tpu.memory_space<hbm>>) target(%dma_start3A_2915 : memref<8x64xf32, #tpu.memory_space<vmem>>) target_semaphore(%arg14 : memref<!tpu.dma_semaphore, #tpu.memory_space<semaphore_mem>>)
        %slice3A_2918 = vector.extract_strided_slice %get3A_2843 {offsets = [2], sizes = [1], strides = [1]} : vector<16xi32> to vector<1xi32>
        %squeeze3A_2919 = vector.extract %slice3A_2918[0] : i32 from vector<1xi32>
        %shift_right_arithmetic3A_2920 = arith.constant 3 : i32
        %shift_right_arithmetic3A_2921 = arith.shrsi %squeeze3A_2919, %shift_right_arithmetic3A_2920 : i32
        %mul3A_2922 = arith.constant 8 : i32
        %mul3A_2923 = arith.muli %shift_right_arithmetic3A_2921, %mul3A_2922 : i32
        %multiple_of3A_2924 = tpu.assume_multiple %mul3A_2923, 8 : i32
        %slice3A_2925 = vector.extract_strided_slice %get3A_2849 {offsets = [2], sizes = [1], strides = [1]} : vector<16xi32> to vector<1xi32>
        %squeeze3A_2926 = vector.extract %slice3A_2925[0] : i32 from vector<1xi32>
        %shift_right_arithmetic3A_2927 = arith.constant 3 : i32
        %shift_right_arithmetic3A_2928 = arith.shrsi %squeeze3A_2926, %shift_right_arithmetic3A_2927 : i32
        %mul3A_2929 = arith.constant 8 : i32
        %mul3A_2930 = arith.muli %shift_right_arithmetic3A_2928, %mul3A_2929 : i32
        %multiple_of3A_2931 = tpu.assume_multiple %mul3A_2930, 8 : i32
        %dma_start3A_2932 = arith.constant 16 : i32
        %dma_start3A_2933 = arith.constant 0 : i32
        %dma_start3A_2934 = tpu.memref_slice %arg9[%dma_start3A_2932, %dma_start3A_2933] : memref<128x64xf32, #tpu.memory_space<vmem>> -> memref<8x64xf32, #tpu.memory_space<vmem>>
        %dma_start3A_2935 = arith.constant 0 : i32
        %dma_start3A_2936 = tpu.memref_slice %arg4[%multiple_of3A_2924, %dma_start3A_2935] : memref<100001x64xf32, #tpu.memory_space<hbm>> -> memref<8x64xf32, #tpu.memory_space<hbm>>
        %dma_start3A_2937 = arith.constant 16 : i32
        %dma_start3A_2938 = arith.constant 0 : i32
        %dma_start3A_2939 = tpu.memref_slice %arg9[%dma_start3A_2937, %dma_start3A_2938] : memref<128x64xf32, #tpu.memory_space<vmem>> -> memref<8x64xf32, #tpu.memory_space<vmem>>
        %dma_start3A_2940 = arith.constant 0 : i32
        %dma_start3A_2941 = tpu.memref_slice %arg4[%multiple_of3A_2924, %dma_start3A_2940] : memref<100001x64xf32, #tpu.memory_space<hbm>> -> memref<8x64xf32, #tpu.memory_space<hbm>>
        tpu.enqueue_dma source(%dma_start3A_2941 : memref<8x64xf32, #tpu.memory_space<hbm>>) target(%dma_start3A_2939 : memref<8x64xf32, #tpu.memory_space<vmem>>) target_semaphore(%arg14 : memref<!tpu.dma_semaphore, #tpu.memory_space<semaphore_mem>>)
        %dma_start3A_2942 = arith.constant 16 : i32
        %dma_start3A_2943 = arith.constant 0 : i32
        %dma_start3A_2944 = tpu.memref_slice %arg10[%dma_start3A_2942, %dma_start3A_2943] : memref<128x64xf32, #tpu.memory_space<vmem>> -> memref<8x64xf32, #tpu.memory_space<vmem>>
        %dma_start3A_2945 = arith.constant 0 : i32
        %dma_start3A_2946 = tpu.memref_slice %arg5[%multiple_of3A_2931, %dma_start3A_2945] : memref<1000001x64xf32, #tpu.memory_space<hbm>> -> memref<8x64xf32, #tpu.memory_space<hbm>>
        %dma_start3A_2947 = arith.constant 16 : i32
        %dma_start3A_2948 = arith.constant 0 : i32
        %dma_start3A_2949 = tpu.memref_slice %arg10[%dma_start3A_2947, %dma_start3A_2948] : memref<128x64xf32, #tpu.memory_space<vmem>> -> memref<8x64xf32, #tpu.memory_space<vmem>>
        %dma_start3A_2950 = arith.constant 0 : i32
        %dma_start3A_2951 = tpu.memref_slice %arg5[%multiple_of3A_2931, %dma_start3A_2950] : memref<1000001x64xf32, #tpu.memory_space<hbm>> -> memref<8x64xf32, #tpu.memory_space<hbm>>
        tpu.enqueue_dma source(%dma_start3A_2951 : memref<8x64xf32, #tpu.memory_space<hbm>>) target(%dma_start3A_2949 : memref<8x64xf32, #tpu.memory_space<vmem>>) target_semaphore(%arg14 : memref<!tpu.dma_semaphore, #tpu.memory_space<semaphore_mem>>)
        %slice3A_2952 = vector.extract_strided_slice %get3A_2843 {offsets = [3], sizes = [1], strides = [1]} : vector<16xi32> to vector<1xi32>
        %squeeze3A_2953 = vector.extract %slice3A_2952[0] : i32 from vector<1xi32>
        %shift_right_arithmetic3A_2954 = arith.constant 3 : i32
        %shift_right_arithmetic3A_2955 = arith.shrsi %squeeze3A_2953, %shift_right_arithmetic3A_2954 : i32
        %mul3A_2956 = arith.constant 8 : i32
        %mul3A_2957 = arith.muli %shift_right_arithmetic3A_2955, %mul3A_2956 : i32
        %multiple_of3A_2958 = tpu.assume_multiple %mul3A_2957, 8 : i32
        %slice3A_2959 = vector.extract_strided_slice %get3A_2849 {offsets = [3], sizes = [1], strides = [1]} : vector<16xi32> to vector<1xi32>
        %squeeze3A_2960 = vector.extract %slice3A_2959[0] : i32 from vector<1xi32>
        %shift_right_arithmetic3A_2961 = arith.constant 3 : i32
        %shift_right_arithmetic3A_2962 = arith.shrsi %squeeze3A_2960, %shift_right_arithmetic3A_2961 : i32
        %mul3A_2963 = arith.constant 8 : i32
        %mul3A_2964 = arith.muli %shift_right_arithmetic3A_2962, %mul3A_2963 : i32
        %multiple_of3A_2965 = tpu.assume_multiple %mul3A_2964, 8 : i32
        %dma_start3A_2966 = arith.constant 24 : i32
        %dma_start3A_2967 = arith.constant 0 : i32
        %dma_start3A_2968 = tpu.memref_slice %arg9[%dma_start3A_2966, %dma_start3A_2967] : memref<128x64xf32, #tpu.memory_space<vmem>> -> memref<8x64xf32, #tpu.memory_space<vmem>>
        %dma_start3A_2969 = arith.constant 0 : i32
        %dma_start3A_2970 = tpu.memref_slice %arg4[%multiple_of3A_2958, %dma_start3A_2969] : memref<100001x64xf32, #tpu.memory_space<hbm>> -> memref<8x64xf32, #tpu.memory_space<hbm>>
        %dma_start3A_2971 = arith.constant 24 : i32
        %dma_start3A_2972 = arith.constant 0 : i32
        %dma_start3A_2973 = tpu.memref_slice %arg9[%dma_start3A_2971, %dma_start3A_2972] : memref<128x64xf32, #tpu.memory_space<vmem>> -> memref<8x64xf32, #tpu.memory_space<vmem>>
        %dma_start3A_2974 = arith.constant 0 : i32
        %dma_start3A_2975 = tpu.memref_slice %arg4[%multiple_of3A_2958, %dma_start3A_2974] : memref<100001x64xf32, #tpu.memory_space<hbm>> -> memref<8x64xf32, #tpu.memory_space<hbm>>
        tpu.enqueue_dma source(%dma_start3A_2975 : memref<8x64xf32, #tpu.memory_space<hbm>>) target(%dma_start3A_2973 : memref<8x64xf32, #tpu.memory_space<vmem>>) target_semaphore(%arg14 : memref<!tpu.dma_semaphore, #tpu.memory_space<semaphore_mem>>)
        %dma_start3A_2976 = arith.constant 24 : i32
        %dma_start3A_2977 = arith.constant 0 : i32
        %dma_start3A_2978 = tpu.memref_slice %arg10[%dma_start3A_2976, %dma_start3A_2977] : memref<128x64xf32, #tpu.memory_space<vmem>> -> memref<8x64xf32, #tpu.memory_space<vmem>>
        %dma_start3A_2979 = arith.constant 0 : i32
        %dma_start3A_2980 = tpu.memref_slice %arg5[%multiple_of3A_2965, %dma_start3A_2979] : memref<1000001x64xf32, #tpu.memory_space<hbm>> -> memref<8x64xf32, #tpu.memory_space<hbm>>
        %dma_start3A_2981 = arith.constant 24 : i32
        %dma_start3A_2982 = arith.constant 0 : i32
        %dma_start3A_2983 = tpu.memref_slice %arg10[%dma_start3A_2981, %dma_start3A_2982] : memref<128x64xf32, #tpu.memory_space<vmem>> -> memref<8x64xf32, #tpu.memory_space<vmem>>
        %dma_start3A_2984 = arith.constant 0 : i32
        %dma_start3A_2985 = tpu.memref_slice %arg5[%multiple_of3A_2965, %dma_start3A_2984] : memref<1000001x64xf32, #tpu.memory_space<hbm>> -> memref<8x64xf32, #tpu.memory_space<hbm>>
        tpu.enqueue_dma source(%dma_start3A_2985 : memref<8x64xf32, #tpu.memory_space<hbm>>) target(%dma_start3A_2983 : memref<8x64xf32, #tpu.memory_space<vmem>>) target_semaphore(%arg14 : memref<!tpu.dma_semaphore, #tpu.memory_space<semaphore_mem>>)
        %slice3A_2986 = vector.extract_strided_slice %get3A_2843 {offsets = [4], sizes = [1], strides = [1]} : vector<16xi32> to vector<1xi32>
        %squeeze3A_2987 = vector.extract %slice3A_2986[0] : i32 from vector<1xi32>
        %shift_right_arithmetic3A_2988 = arith.constant 3 : i32
        %shift_right_arithmetic3A_2989 = arith.shrsi %squeeze3A_2987, %shift_right_arithmetic3A_2988 : i32
        %mul3A_2990 = arith.constant 8 : i32
        %mul3A_2991 = arith.muli %shift_right_arithmetic3A_2989, %mul3A_2990 : i32
        %multiple_of3A_2992 = tpu.assume_multiple %mul3A_2991, 8 : i32
        %slice3A_2993 = vector.extract_strided_slice %get3A_2849 {offsets = [4], sizes = [1], strides = [1]} : vector<16xi32> to vector<1xi32>
        %squeeze3A_2994 = vector.extract %slice3A_2993[0] : i32 from vector<1xi32>
        %shift_right_arithmetic3A_2995 = arith.constant 3 : i32
        %shift_right_arithmetic3A_2996 = arith.shrsi %squeeze3A_2994, %shift_right_arithmetic3A_2995 : i32
        %mul3A_2997 = arith.constant 8 : i32
        %mul3A_2998 = arith.muli %shift_right_arithmetic3A_2996, %mul3A_2997 : i32
        %multiple_of3A_2999 = tpu.assume_multiple %mul3A_2998, 8 : i32
        %dma_start3A_3000 = arith.constant 32 : i32
        %dma_start3A_3001 = arith.constant 0 : i32
        %dma_start3A_3002 = tpu.memref_slice %arg9[%dma_start3A_3000, %dma_start3A_3001] : memref<128x64xf32, #tpu.memory_space<vmem>> -> memref<8x64xf32, #tpu.memory_space<vmem>>
        %dma_start3A_3003 = arith.constant 0 : i32
        %dma_start3A_3004 = tpu.memref_slice %arg4[%multiple_of3A_2992, %dma_start3A_3003] : memref<100001x64xf32, #tpu.memory_space<hbm>> -> memref<8x64xf32, #tpu.memory_space<hbm>>
        %dma_start3A_3005 = arith.constant 32 : i32
        %dma_start3A_3006 = arith.constant 0 : i32
        %dma_start3A_3007 = tpu.memref_slice %arg9[%dma_start3A_3005, %dma_start3A_3006] : memref<128x64xf32, #tpu.memory_space<vmem>> -> memref<8x64xf32, #tpu.memory_space<vmem>>
        %dma_start3A_3008 = arith.constant 0 : i32
        %dma_start3A_3009 = tpu.memref_slice %arg4[%multiple_of3A_2992, %dma_start3A_3008] : memref<100001x64xf32, #tpu.memory_space<hbm>> -> memref<8x64xf32, #tpu.memory_space<hbm>>
        tpu.enqueue_dma source(%dma_start3A_3009 : memref<8x64xf32, #tpu.memory_space<hbm>>) target(%dma_start3A_3007 : memref<8x64xf32, #tpu.memory_space<vmem>>) target_semaphore(%arg14 : memref<!tpu.dma_semaphore, #tpu.memory_space<semaphore_mem>>)
        %dma_start3A_3010 = arith.constant 32 : i32
        %dma_start3A_3011 = arith.constant 0 : i32
        %dma_start3A_3012 = tpu.memref_slice %arg10[%dma_start3A_3010, %dma_start3A_3011] : memref<128x64xf32, #tpu.memory_space<vmem>> -> memref<8x64xf32, #tpu.memory_space<vmem>>
        %dma_start3A_3013 = arith.constant 0 : i32
        %dma_start3A_3014 = tpu.memref_slice %arg5[%multiple_of3A_2999, %dma_start3A_3013] : memref<1000001x64xf32, #tpu.memory_space<hbm>> -> memref<8x64xf32, #tpu.memory_space<hbm>>
        %dma_start3A_3015 = arith.constant 32 : i32
        %dma_start3A_3016 = arith.constant 0 : i32
        %dma_start3A_3017 = tpu.memref_slice %arg10[%dma_start3A_3015, %dma_start3A_3016] : memref<128x64xf32, #tpu.memory_space<vmem>> -> memref<8x64xf32, #tpu.memory_space<vmem>>
        %dma_start3A_3018 = arith.constant 0 : i32
        %dma_start3A_3019 = tpu.memref_slice %arg5[%multiple_of3A_2999, %dma_start3A_3018] : memref<1000001x64xf32, #tpu.memory_space<hbm>> -> memref<8x64xf32, #tpu.memory_space<hbm>>
        tpu.enqueue_dma source(%dma_start3A_3019 : memref<8x64xf32, #tpu.memory_space<hbm>>) target(%dma_start3A_3017 : memref<8x64xf32, #tpu.memory_space<vmem>>) target_semaphore(%arg14 : memref<!tpu.dma_semaphore, #tpu.memory_space<semaphore_mem>>)
        %slice3A_3020 = vector.extract_strided_slice %get3A_2843 {offsets = [5], sizes = [1], strides = [1]} : vector<16xi32> to vector<1xi32>
        %squeeze3A_3021 = vector.extract %slice3A_3020[0] : i32 from vector<1xi32>
        %shift_right_arithmetic3A_3022 = arith.constant 3 : i32
        %shift_right_arithmetic3A_3023 = arith.shrsi %squeeze3A_3021, %shift_right_arithmetic3A_3022 : i32
        %mul3A_3024 = arith.constant 8 : i32
        %mul3A_3025 = arith.muli %shift_right_arithmetic3A_3023, %mul3A_3024 : i32
        %multiple_of3A_3026 = tpu.assume_multiple %mul3A_3025, 8 : i32
        %slice3A_3027 = vector.extract_strided_slice %get3A_2849 {offsets = [5], sizes = [1], strides = [1]} : vector<16xi32> to vector<1xi32>
        %squeeze3A_3028 = vector.extract %slice3A_3027[0] : i32 from vector<1xi32>
        %shift_right_arithmetic3A_3029 = arith.constant 3 : i32
        %shift_right_arithmetic3A_3030 = arith.shrsi %squeeze3A_3028, %shift_right_arithmetic3A_3029 : i32
        %mul3A_3031 = arith.constant 8 : i32
        %mul3A_3032 = arith.muli %shift_right_arithmetic3A_3030, %mul3A_3031 : i32
        %multiple_of3A_3033 = tpu.assume_multiple %mul3A_3032, 8 : i32
        %dma_start3A_3034 = arith.constant 40 : i32
        %dma_start3A_3035 = arith.constant 0 : i32
        %dma_start3A_3036 = tpu.memref_slice %arg9[%dma_start3A_3034, %dma_start3A_3035] : memref<128x64xf32, #tpu.memory_space<vmem>> -> memref<8x64xf32, #tpu.memory_space<vmem>>
        %dma_start3A_3037 = arith.constant 0 : i32
        %dma_start3A_3038 = tpu.memref_slice %arg4[%multiple_of3A_3026, %dma_start3A_3037] : memref<100001x64xf32, #tpu.memory_space<hbm>> -> memref<8x64xf32, #tpu.memory_space<hbm>>
        %dma_start3A_3039 = arith.constant 40 : i32
        %dma_start3A_3040 = arith.constant 0 : i32
        %dma_start3A_3041 = tpu.memref_slice %arg9[%dma_start3A_3039, %dma_start3A_3040] : memref<128x64xf32, #tpu.memory_space<vmem>> -> memref<8x64xf32, #tpu.memory_space<vmem>>
        %dma_start3A_3042 = arith.constant 0 : i32
        %dma_start3A_3043 = tpu.memref_slice %arg4[%multiple_of3A_3026, %dma_start3A_3042] : memref<100001x64xf32, #tpu.memory_space<hbm>> -> memref<8x64xf32, #tpu.memory_space<hbm>>
        tpu.enqueue_dma source(%dma_start3A_3043 : memref<8x64xf32, #tpu.memory_space<hbm>>) target(%dma_start3A_3041 : memref<8x64xf32, #tpu.memory_space<vmem>>) target_semaphore(%arg14 : memref<!tpu.dma_semaphore, #tpu.memory_space<semaphore_mem>>)
        %dma_start3A_3044 = arith.constant 40 : i32
        %dma_start3A_3045 = arith.constant 0 : i32
        %dma_start3A_3046 = tpu.memref_slice %arg10[%dma_start3A_3044, %dma_start3A_3045] : memref<128x64xf32, #tpu.memory_space<vmem>> -> memref<8x64xf32, #tpu.memory_space<vmem>>
        %dma_start3A_3047 = arith.constant 0 : i32
        %dma_start3A_3048 = tpu.memref_slice %arg5[%multiple_of3A_3033, %dma_start3A_3047] : memref<1000001x64xf32, #tpu.memory_space<hbm>> -> memref<8x64xf32, #tpu.memory_space<hbm>>
        %dma_start3A_3049 = arith.constant 40 : i32
        %dma_start3A_3050 = arith.constant 0 : i32
        %dma_start3A_3051 = tpu.memref_slice %arg10[%dma_start3A_3049, %dma_start3A_3050] : memref<128x64xf32, #tpu.memory_space<vmem>> -> memref<8x64xf32, #tpu.memory_space<vmem>>
        %dma_start3A_3052 = arith.constant 0 : i32
        %dma_start3A_3053 = tpu.memref_slice %arg5[%multiple_of3A_3033, %dma_start3A_3052] : memref<1000001x64xf32, #tpu.memory_space<hbm>> -> memref<8x64xf32, #tpu.memory_space<hbm>>
        tpu.enqueue_dma source(%dma_start3A_3053 : memref<8x64xf32, #tpu.memory_space<hbm>>) target(%dma_start3A_3051 : memref<8x64xf32, #tpu.memory_space<vmem>>) target_semaphore(%arg14 : memref<!tpu.dma_semaphore, #tpu.memory_space<semaphore_mem>>)
        %slice3A_3054 = vector.extract_strided_slice %get3A_2843 {offsets = [6], sizes = [1], strides = [1]} : vector<16xi32> to vector<1xi32>
        %squeeze3A_3055 = vector.extract %slice3A_3054[0] : i32 from vector<1xi32>
        %shift_right_arithmetic3A_3056 = arith.constant 3 : i32
        %shift_right_arithmetic3A_3057 = arith.shrsi %squeeze3A_3055, %shift_right_arithmetic3A_3056 : i32
        %mul3A_3058 = arith.constant 8 : i32
        %mul3A_3059 = arith.muli %shift_right_arithmetic3A_3057, %mul3A_3058 : i32
        %multiple_of3A_3060 = tpu.assume_multiple %mul3A_3059, 8 : i32
        %slice3A_3061 = vector.extract_strided_slice %get3A_2849 {offsets = [6], sizes = [1], strides = [1]} : vector<16xi32> to vector<1xi32>
        %squeeze3A_3062 = vector.extract %slice3A_3061[0] : i32 from vector<1xi32>
        %shift_right_arithmetic3A_3063 = arith.constant 3 : i32
        %shift_right_arithmetic3A_3064 = arith.shrsi %squeeze3A_3062, %shift_right_arithmetic3A_3063 : i32
        %mul3A_3065 = arith.constant 8 : i32
        %mul3A_3066 = arith.muli %shift_right_arithmetic3A_3064, %mul3A_3065 : i32
        %multiple_of3A_3067 = tpu.assume_multiple %mul3A_3066, 8 : i32
        %dma_start3A_3068 = arith.constant 48 : i32
        %dma_start3A_3069 = arith.constant 0 : i32
        %dma_start3A_3070 = tpu.memref_slice %arg9[%dma_start3A_3068, %dma_start3A_3069] : memref<128x64xf32, #tpu.memory_space<vmem>> -> memref<8x64xf32, #tpu.memory_space<vmem>>
        %dma_start3A_3071 = arith.constant 0 : i32
        %dma_start3A_3072 = tpu.memref_slice %arg4[%multiple_of3A_3060, %dma_start3A_3071] : memref<100001x64xf32, #tpu.memory_space<hbm>> -> memref<8x64xf32, #tpu.memory_space<hbm>>
        %dma_start3A_3073 = arith.constant 48 : i32
        %dma_start3A_3074 = arith.constant 0 : i32
        %dma_start3A_3075 = tpu.memref_slice %arg9[%dma_start3A_3073, %dma_start3A_3074] : memref<128x64xf32, #tpu.memory_space<vmem>> -> memref<8x64xf32, #tpu.memory_space<vmem>>
        %dma_start3A_3076 = arith.constant 0 : i32
        %dma_start3A_3077 = tpu.memref_slice %arg4[%multiple_of3A_3060, %dma_start3A_3076] : memref<100001x64xf32, #tpu.memory_space<hbm>> -> memref<8x64xf32, #tpu.memory_space<hbm>>
        tpu.enqueue_dma source(%dma_start3A_3077 : memref<8x64xf32, #tpu.memory_space<hbm>>) target(%dma_start3A_3075 : memref<8x64xf32, #tpu.memory_space<vmem>>) target_semaphore(%arg14 : memref<!tpu.dma_semaphore, #tpu.memory_space<semaphore_mem>>)
        %dma_start3A_3078 = arith.constant 48 : i32
        %dma_start3A_3079 = arith.constant 0 : i32
        %dma_start3A_3080 = tpu.memref_slice %arg10[%dma_start3A_3078, %dma_start3A_3079] : memref<128x64xf32, #tpu.memory_space<vmem>> -> memref<8x64xf32, #tpu.memory_space<vmem>>
        %dma_start3A_3081 = arith.constant 0 : i32
        %dma_start3A_3082 = tpu.memref_slice %arg5[%multiple_of3A_3067, %dma_start3A_3081] : memref<1000001x64xf32, #tpu.memory_space<hbm>> -> memref<8x64xf32, #tpu.memory_space<hbm>>
        %dma_start3A_3083 = arith.constant 48 : i32
        %dma_start3A_3084 = arith.constant 0 : i32
        %dma_start3A_3085 = tpu.memref_slice %arg10[%dma_start3A_3083, %dma_start3A_3084] : memref<128x64xf32, #tpu.memory_space<vmem>> -> memref<8x64xf32, #tpu.memory_space<vmem>>
        %dma_start3A_3086 = arith.constant 0 : i32
        %dma_start3A_3087 = tpu.memref_slice %arg5[%multiple_of3A_3067, %dma_start3A_3086] : memref<1000001x64xf32, #tpu.memory_space<hbm>> -> memref<8x64xf32, #tpu.memory_space<hbm>>
        tpu.enqueue_dma source(%dma_start3A_3087 : memref<8x64xf32, #tpu.memory_space<hbm>>) target(%dma_start3A_3085 : memref<8x64xf32, #tpu.memory_space<vmem>>) target_semaphore(%arg14 : memref<!tpu.dma_semaphore, #tpu.memory_space<semaphore_mem>>)
        %slice3A_3088 = vector.extract_strided_slice %get3A_2843 {offsets = [7], sizes = [1], strides = [1]} : vector<16xi32> to vector<1xi32>
        %squeeze3A_3089 = vector.extract %slice3A_3088[0] : i32 from vector<1xi32>
        %shift_right_arithmetic3A_3090 = arith.constant 3 : i32
        %shift_right_arithmetic3A_3091 = arith.shrsi %squeeze3A_3089, %shift_right_arithmetic3A_3090 : i32
        %mul3A_3092 = arith.constant 8 : i32
        %mul3A_3093 = arith.muli %shift_right_arithmetic3A_3091, %mul3A_3092 : i32
        %multiple_of3A_3094 = tpu.assume_multiple %mul3A_3093, 8 : i32
        %slice3A_3095 = vector.extract_strided_slice %get3A_2849 {offsets = [7], sizes = [1], strides = [1]} : vector<16xi32> to vector<1xi32>
        %squeeze3A_3096 = vector.extract %slice3A_3095[0] : i32 from vector<1xi32>
        %shift_right_arithmetic3A_3097 = arith.constant 3 : i32
        %shift_right_arithmetic3A_3098 = arith.shrsi %squeeze3A_3096, %shift_right_arithmetic3A_3097 : i32
        %mul3A_3099 = arith.constant 8 : i32
        %mul3A_3100 = arith.muli %shift_right_arithmetic3A_3098, %mul3A_3099 : i32
        %multiple_of3A_3101 = tpu.assume_multiple %mul3A_3100, 8 : i32
        %dma_start3A_3102 = arith.constant 56 : i32
        %dma_start3A_3103 = arith.constant 0 : i32
        %dma_start3A_3104 = tpu.memref_slice %arg9[%dma_start3A_3102, %dma_start3A_3103] : memref<128x64xf32, #tpu.memory_space<vmem>> -> memref<8x64xf32, #tpu.memory_space<vmem>>
        %dma_start3A_3105 = arith.constant 0 : i32
        %dma_start3A_3106 = tpu.memref_slice %arg4[%multiple_of3A_3094, %dma_start3A_3105] : memref<100001x64xf32, #tpu.memory_space<hbm>> -> memref<8x64xf32, #tpu.memory_space<hbm>>
        %dma_start3A_3107 = arith.constant 56 : i32
        %dma_start3A_3108 = arith.constant 0 : i32
        %dma_start3A_3109 = tpu.memref_slice %arg9[%dma_start3A_3107, %dma_start3A_3108] : memref<128x64xf32, #tpu.memory_space<vmem>> -> memref<8x64xf32, #tpu.memory_space<vmem>>
        %dma_start3A_3110 = arith.constant 0 : i32
        %dma_start3A_3111 = tpu.memref_slice %arg4[%multiple_of3A_3094, %dma_start3A_3110] : memref<100001x64xf32, #tpu.memory_space<hbm>> -> memref<8x64xf32, #tpu.memory_space<hbm>>
        tpu.enqueue_dma source(%dma_start3A_3111 : memref<8x64xf32, #tpu.memory_space<hbm>>) target(%dma_start3A_3109 : memref<8x64xf32, #tpu.memory_space<vmem>>) target_semaphore(%arg14 : memref<!tpu.dma_semaphore, #tpu.memory_space<semaphore_mem>>)
        %dma_start3A_3112 = arith.constant 56 : i32
        %dma_start3A_3113 = arith.constant 0 : i32
        %dma_start3A_3114 = tpu.memref_slice %arg10[%dma_start3A_3112, %dma_start3A_3113] : memref<128x64xf32, #tpu.memory_space<vmem>> -> memref<8x64xf32, #tpu.memory_space<vmem>>
        %dma_start3A_3115 = arith.constant 0 : i32
        %dma_start3A_3116 = tpu.memref_slice %arg5[%multiple_of3A_3101, %dma_start3A_3115] : memref<1000001x64xf32, #tpu.memory_space<hbm>> -> memref<8x64xf32, #tpu.memory_space<hbm>>
        %dma_start3A_3117 = arith.constant 56 : i32
        %dma_start3A_3118 = arith.constant 0 : i32
        %dma_start3A_3119 = tpu.memref_slice %arg10[%dma_start3A_3117, %dma_start3A_3118] : memref<128x64xf32, #tpu.memory_space<vmem>> -> memref<8x64xf32, #tpu.memory_space<vmem>>
        %dma_start3A_3120 = arith.constant 0 : i32
        %dma_start3A_3121 = tpu.memref_slice %arg5[%multiple_of3A_3101, %dma_start3A_3120] : memref<1000001x64xf32, #tpu.memory_space<hbm>> -> memref<8x64xf32, #tpu.memory_space<hbm>>
        tpu.enqueue_dma source(%dma_start3A_3121 : memref<8x64xf32, #tpu.memory_space<hbm>>) target(%dma_start3A_3119 : memref<8x64xf32, #tpu.memory_space<vmem>>) target_semaphore(%arg14 : memref<!tpu.dma_semaphore, #tpu.memory_space<semaphore_mem>>)
        %slice3A_3122 = vector.extract_strided_slice %get3A_2843 {offsets = [8], sizes = [1], strides = [1]} : vector<16xi32> to vector<1xi32>
        %squeeze3A_3123 = vector.extract %slice3A_3122[0] : i32 from vector<1xi32>
        %shift_right_arithmetic3A_3124 = arith.constant 3 : i32
        %shift_right_arithmetic3A_3125 = arith.shrsi %squeeze3A_3123, %shift_right_arithmetic3A_3124 : i32
        %mul3A_3126 = arith.constant 8 : i32
        %mul3A_3127 = arith.muli %shift_right_arithmetic3A_3125, %mul3A_3126 : i32
        %multiple_of3A_3128 = tpu.assume_multiple %mul3A_3127, 8 : i32
        %slice3A_3129 = vector.extract_strided_slice %get3A_2849 {offsets = [8], sizes = [1], strides = [1]} : vector<16xi32> to vector<1xi32>
        %squeeze3A_3130 = vector.extract %slice3A_3129[0] : i32 from vector<1xi32>
        %shift_right_arithmetic3A_3131 = arith.constant 3 : i32
        %shift_right_arithmetic3A_3132 = arith.shrsi %squeeze3A_3130, %shift_right_arithmetic3A_3131 : i32
        %mul3A_3133 = arith.constant 8 : i32
        %mul3A_3134 = arith.muli %shift_right_arithmetic3A_3132, %mul3A_3133 : i32
        %multiple_of3A_3135 = tpu.assume_multiple %mul3A_3134, 8 : i32
        %dma_start3A_3136 = arith.constant 64 : i32
        %dma_start3A_3137 = arith.constant 0 : i32
        %dma_start3A_3138 = tpu.memref_slice %arg9[%dma_start3A_3136, %dma_start3A_3137] : memref<128x64xf32, #tpu.memory_space<vmem>> -> memref<8x64xf32, #tpu.memory_space<vmem>>
        %dma_start3A_3139 = arith.constant 0 : i32
        %dma_start3A_3140 = tpu.memref_slice %arg4[%multiple_of3A_3128, %dma_start3A_3139] : memref<100001x64xf32, #tpu.memory_space<hbm>> -> memref<8x64xf32, #tpu.memory_space<hbm>>
        %dma_start3A_3141 = arith.constant 64 : i32
        %dma_start3A_3142 = arith.constant 0 : i32
        %dma_start3A_3143 = tpu.memref_slice %arg9[%dma_start3A_3141, %dma_start3A_3142] : memref<128x64xf32, #tpu.memory_space<vmem>> -> memref<8x64xf32, #tpu.memory_space<vmem>>
        %dma_start3A_3144 = arith.constant 0 : i32
        %dma_start3A_3145 = tpu.memref_slice %arg4[%multiple_of3A_3128, %dma_start3A_3144] : memref<100001x64xf32, #tpu.memory_space<hbm>> -> memref<8x64xf32, #tpu.memory_space<hbm>>
        tpu.enqueue_dma source(%dma_start3A_3145 : memref<8x64xf32, #tpu.memory_space<hbm>>) target(%dma_start3A_3143 : memref<8x64xf32, #tpu.memory_space<vmem>>) target_semaphore(%arg14 : memref<!tpu.dma_semaphore, #tpu.memory_space<semaphore_mem>>)
        %dma_start3A_3146 = arith.constant 64 : i32
        %dma_start3A_3147 = arith.constant 0 : i32
        %dma_start3A_3148 = tpu.memref_slice %arg10[%dma_start3A_3146, %dma_start3A_3147] : memref<128x64xf32, #tpu.memory_space<vmem>> -> memref<8x64xf32, #tpu.memory_space<vmem>>
        %dma_start3A_3149 = arith.constant 0 : i32
        %dma_start3A_3150 = tpu.memref_slice %arg5[%multiple_of3A_3135, %dma_start3A_3149] : memref<1000001x64xf32, #tpu.memory_space<hbm>> -> memref<8x64xf32, #tpu.memory_space<hbm>>
        %dma_start3A_3151 = arith.constant 64 : i32
        %dma_start3A_3152 = arith.constant 0 : i32
        %dma_start3A_3153 = tpu.memref_slice %arg10[%dma_start3A_3151, %dma_start3A_3152] : memref<128x64xf32, #tpu.memory_space<vmem>> -> memref<8x64xf32, #tpu.memory_space<vmem>>
        %dma_start3A_3154 = arith.constant 0 : i32
        %dma_start3A_3155 = tpu.memref_slice %arg5[%multiple_of3A_3135, %dma_start3A_3154] : memref<1000001x64xf32, #tpu.memory_space<hbm>> -> memref<8x64xf32, #tpu.memory_space<hbm>>
        tpu.enqueue_dma source(%dma_start3A_3155 : memref<8x64xf32, #tpu.memory_space<hbm>>) target(%dma_start3A_3153 : memref<8x64xf32, #tpu.memory_space<vmem>>) target_semaphore(%arg14 : memref<!tpu.dma_semaphore, #tpu.memory_space<semaphore_mem>>)
        %slice3A_3156 = vector.extract_strided_slice %get3A_2843 {offsets = [9], sizes = [1], strides = [1]} : vector<16xi32> to vector<1xi32>
        %squeeze3A_3157 = vector.extract %slice3A_3156[0] : i32 from vector<1xi32>
        %shift_right_arithmetic3A_3158 = arith.constant 3 : i32
        %shift_right_arithmetic3A_3159 = arith.shrsi %squeeze3A_3157, %shift_right_arithmetic3A_3158 : i32
        %mul3A_3160 = arith.constant 8 : i32
        %mul3A_3161 = arith.muli %shift_right_arithmetic3A_3159, %mul3A_3160 : i32
        %multiple_of3A_3162 = tpu.assume_multiple %mul3A_3161, 8 : i32
        %slice3A_3163 = vector.extract_strided_slice %get3A_2849 {offsets = [9], sizes = [1], strides = [1]} : vector<16xi32> to vector<1xi32>
        %squeeze3A_3164 = vector.extract %slice3A_3163[0] : i32 from vector<1xi32>
        %shift_right_arithmetic3A_3165 = arith.constant 3 : i32
        %shift_right_arithmetic3A_3166 = arith.shrsi %squeeze3A_3164, %shift_right_arithmetic3A_3165 : i32
        %mul3A_3167 = arith.constant 8 : i32
        %mul3A_3168 = arith.muli %shift_right_arithmetic3A_3166, %mul3A_3167 : i32
        %multiple_of3A_3169 = tpu.assume_multiple %mul3A_3168, 8 : i32
        %dma_start3A_3170 = arith.constant 72 : i32
        %dma_start3A_3171 = arith.constant 0 : i32
        %dma_start3A_3172 = tpu.memref_slice %arg9[%dma_start3A_3170, %dma_start3A_3171] : memref<128x64xf32, #tpu.memory_space<vmem>> -> memref<8x64xf32, #tpu.memory_space<vmem>>
        %dma_start3A_3173 = arith.constant 0 : i32
        %dma_start3A_3174 = tpu.memref_slice %arg4[%multiple_of3A_3162, %dma_start3A_3173] : memref<100001x64xf32, #tpu.memory_space<hbm>> -> memref<8x64xf32, #tpu.memory_space<hbm>>
        %dma_start3A_3175 = arith.constant 72 : i32
        %dma_start3A_3176 = arith.constant 0 : i32
        %dma_start3A_3177 = tpu.memref_slice %arg9[%dma_start3A_3175, %dma_start3A_3176] : memref<128x64xf32, #tpu.memory_space<vmem>> -> memref<8x64xf32, #tpu.memory_space<vmem>>
        %dma_start3A_3178 = arith.constant 0 : i32
        %dma_start3A_3179 = tpu.memref_slice %arg4[%multiple_of3A_3162, %dma_start3A_3178] : memref<100001x64xf32, #tpu.memory_space<hbm>> -> memref<8x64xf32, #tpu.memory_space<hbm>>
        tpu.enqueue_dma source(%dma_start3A_3179 : memref<8x64xf32, #tpu.memory_space<hbm>>) target(%dma_start3A_3177 : memref<8x64xf32, #tpu.memory_space<vmem>>) target_semaphore(%arg14 : memref<!tpu.dma_semaphore, #tpu.memory_space<semaphore_mem>>)
        %dma_start3A_3180 = arith.constant 72 : i32
        %dma_start3A_3181 = arith.constant 0 : i32
        %dma_start3A_3182 = tpu.memref_slice %arg10[%dma_start3A_3180, %dma_start3A_3181] : memref<128x64xf32, #tpu.memory_space<vmem>> -> memref<8x64xf32, #tpu.memory_space<vmem>>
        %dma_start3A_3183 = arith.constant 0 : i32
        %dma_start3A_3184 = tpu.memref_slice %arg5[%multiple_of3A_3169, %dma_start3A_3183] : memref<1000001x64xf32, #tpu.memory_space<hbm>> -> memref<8x64xf32, #tpu.memory_space<hbm>>
        %dma_start3A_3185 = arith.constant 72 : i32
        %dma_start3A_3186 = arith.constant 0 : i32
        %dma_start3A_3187 = tpu.memref_slice %arg10[%dma_start3A_3185, %dma_start3A_3186] : memref<128x64xf32, #tpu.memory_space<vmem>> -> memref<8x64xf32, #tpu.memory_space<vmem>>
        %dma_start3A_3188 = arith.constant 0 : i32
        %dma_start3A_3189 = tpu.memref_slice %arg5[%multiple_of3A_3169, %dma_start3A_3188] : memref<1000001x64xf32, #tpu.memory_space<hbm>> -> memref<8x64xf32, #tpu.memory_space<hbm>>
        tpu.enqueue_dma source(%dma_start3A_3189 : memref<8x64xf32, #tpu.memory_space<hbm>>) target(%dma_start3A_3187 : memref<8x64xf32, #tpu.memory_space<vmem>>) target_semaphore(%arg14 : memref<!tpu.dma_semaphore, #tpu.memory_space<semaphore_mem>>)
        %slice3A_3190 = vector.extract_strided_slice %get3A_2843 {offsets = [10], sizes = [1], strides = [1]} : vector<16xi32> to vector<1xi32>
        %squeeze3A_3191 = vector.extract %slice3A_3190[0] : i32 from vector<1xi32>
        %shift_right_arithmetic3A_3192 = arith.constant 3 : i32
        %shift_right_arithmetic3A_3193 = arith.shrsi %squeeze3A_3191, %shift_right_arithmetic3A_3192 : i32
        %mul3A_3194 = arith.constant 8 : i32
        %mul3A_3195 = arith.muli %shift_right_arithmetic3A_3193, %mul3A_3194 : i32
        %multiple_of3A_3196 = tpu.assume_multiple %mul3A_3195, 8 : i32
        %slice3A_3197 = vector.extract_strided_slice %get3A_2849 {offsets = [10], sizes = [1], strides = [1]} : vector<16xi32> to vector<1xi32>
        %squeeze3A_3198 = vector.extract %slice3A_3197[0] : i32 from vector<1xi32>
        %shift_right_arithmetic3A_3199 = arith.constant 3 : i32
        %shift_right_arithmetic3A_3200 = arith.shrsi %squeeze3A_3198, %shift_right_arithmetic3A_3199 : i32
        %mul3A_3201 = arith.constant 8 : i32
        %mul3A_3202 = arith.muli %shift_right_arithmetic3A_3200, %mul3A_3201 : i32
        %multiple_of3A_3203 = tpu.assume_multiple %mul3A_3202, 8 : i32
        %dma_start3A_3204 = arith.constant 80 : i32
        %dma_start3A_3205 = arith.constant 0 : i32
        %dma_start3A_3206 = tpu.memref_slice %arg9[%dma_start3A_3204, %dma_start3A_3205] : memref<128x64xf32, #tpu.memory_space<vmem>> -> memref<8x64xf32, #tpu.memory_space<vmem>>
        %dma_start3A_3207 = arith.constant 0 : i32
        %dma_start3A_3208 = tpu.memref_slice %arg4[%multiple_of3A_3196, %dma_start3A_3207] : memref<100001x64xf32, #tpu.memory_space<hbm>> -> memref<8x64xf32, #tpu.memory_space<hbm>>
        %dma_start3A_3209 = arith.constant 80 : i32
        %dma_start3A_3210 = arith.constant 0 : i32
        %dma_start3A_3211 = tpu.memref_slice %arg9[%dma_start3A_3209, %dma_start3A_3210] : memref<128x64xf32, #tpu.memory_space<vmem>> -> memref<8x64xf32, #tpu.memory_space<vmem>>
        %dma_start3A_3212 = arith.constant 0 : i32
        %dma_start3A_3213 = tpu.memref_slice %arg4[%multiple_of3A_3196, %dma_start3A_3212] : memref<100001x64xf32, #tpu.memory_space<hbm>> -> memref<8x64xf32, #tpu.memory_space<hbm>>
        tpu.enqueue_dma source(%dma_start3A_3213 : memref<8x64xf32, #tpu.memory_space<hbm>>) target(%dma_start3A_3211 : memref<8x64xf32, #tpu.memory_space<vmem>>) target_semaphore(%arg14 : memref<!tpu.dma_semaphore, #tpu.memory_space<semaphore_mem>>)
        %dma_start3A_3214 = arith.constant 80 : i32
        %dma_start3A_3215 = arith.constant 0 : i32
        %dma_start3A_3216 = tpu.memref_slice %arg10[%dma_start3A_3214, %dma_start3A_3215] : memref<128x64xf32, #tpu.memory_space<vmem>> -> memref<8x64xf32, #tpu.memory_space<vmem>>
        %dma_start3A_3217 = arith.constant 0 : i32
        %dma_start3A_3218 = tpu.memref_slice %arg5[%multiple_of3A_3203, %dma_start3A_3217] : memref<1000001x64xf32, #tpu.memory_space<hbm>> -> memref<8x64xf32, #tpu.memory_space<hbm>>
        %dma_start3A_3219 = arith.constant 80 : i32
        %dma_start3A_3220 = arith.constant 0 : i32
        %dma_start3A_3221 = tpu.memref_slice %arg10[%dma_start3A_3219, %dma_start3A_3220] : memref<128x64xf32, #tpu.memory_space<vmem>> -> memref<8x64xf32, #tpu.memory_space<vmem>>
        %dma_start3A_3222 = arith.constant 0 : i32
        %dma_start3A_3223 = tpu.memref_slice %arg5[%multiple_of3A_3203, %dma_start3A_3222] : memref<1000001x64xf32, #tpu.memory_space<hbm>> -> memref<8x64xf32, #tpu.memory_space<hbm>>
        tpu.enqueue_dma source(%dma_start3A_3223 : memref<8x64xf32, #tpu.memory_space<hbm>>) target(%dma_start3A_3221 : memref<8x64xf32, #tpu.memory_space<vmem>>) target_semaphore(%arg14 : memref<!tpu.dma_semaphore, #tpu.memory_space<semaphore_mem>>)
        %slice3A_3224 = vector.extract_strided_slice %get3A_2843 {offsets = [11], sizes = [1], strides = [1]} : vector<16xi32> to vector<1xi32>
        %squeeze3A_3225 = vector.extract %slice3A_3224[0] : i32 from vector<1xi32>
        %shift_right_arithmetic3A_3226 = arith.constant 3 : i32
        %shift_right_arithmetic3A_3227 = arith.shrsi %squeeze3A_3225, %shift_right_arithmetic3A_3226 : i32
        %mul3A_3228 = arith.constant 8 : i32
        %mul3A_3229 = arith.muli %shift_right_arithmetic3A_3227, %mul3A_3228 : i32
        %multiple_of3A_3230 = tpu.assume_multiple %mul3A_3229, 8 : i32
        %slice3A_3231 = vector.extract_strided_slice %get3A_2849 {offsets = [11], sizes = [1], strides = [1]} : vector<16xi32> to vector<1xi32>
        %squeeze3A_3232 = vector.extract %slice3A_3231[0] : i32 from vector<1xi32>
        %shift_right_arithmetic3A_3233 = arith.constant 3 : i32
        %shift_right_arithmetic3A_3234 = arith.shrsi %squeeze3A_3232, %shift_right_arithmetic3A_3233 : i32
        %mul3A_3235 = arith.constant 8 : i32
        %mul3A_3236 = arith.muli %shift_right_arithmetic3A_3234, %mul3A_3235 : i32
        %multiple_of3A_3237 = tpu.assume_multiple %mul3A_3236, 8 : i32
        %dma_start3A_3238 = arith.constant 88 : i32
        %dma_start3A_3239 = arith.constant 0 : i32
        %dma_start3A_3240 = tpu.memref_slice %arg9[%dma_start3A_3238, %dma_start3A_3239] : memref<128x64xf32, #tpu.memory_space<vmem>> -> memref<8x64xf32, #tpu.memory_space<vmem>>
        %dma_start3A_3241 = arith.constant 0 : i32
        %dma_start3A_3242 = tpu.memref_slice %arg4[%multiple_of3A_3230, %dma_start3A_3241] : memref<100001x64xf32, #tpu.memory_space<hbm>> -> memref<8x64xf32, #tpu.memory_space<hbm>>
        %dma_start3A_3243 = arith.constant 88 : i32
        %dma_start3A_3244 = arith.constant 0 : i32
        %dma_start3A_3245 = tpu.memref_slice %arg9[%dma_start3A_3243, %dma_start3A_3244] : memref<128x64xf32, #tpu.memory_space<vmem>> -> memref<8x64xf32, #tpu.memory_space<vmem>>
        %dma_start3A_3246 = arith.constant 0 : i32
        %dma_start3A_3247 = tpu.memref_slice %arg4[%multiple_of3A_3230, %dma_start3A_3246] : memref<100001x64xf32, #tpu.memory_space<hbm>> -> memref<8x64xf32, #tpu.memory_space<hbm>>
        tpu.enqueue_dma source(%dma_start3A_3247 : memref<8x64xf32, #tpu.memory_space<hbm>>) target(%dma_start3A_3245 : memref<8x64xf32, #tpu.memory_space<vmem>>) target_semaphore(%arg14 : memref<!tpu.dma_semaphore, #tpu.memory_space<semaphore_mem>>)
        %dma_start3A_3248 = arith.constant 88 : i32
        %dma_start3A_3249 = arith.constant 0 : i32
        %dma_start3A_3250 = tpu.memref_slice %arg10[%dma_start3A_3248, %dma_start3A_3249] : memref<128x64xf32, #tpu.memory_space<vmem>> -> memref<8x64xf32, #tpu.memory_space<vmem>>
        %dma_start3A_3251 = arith.constant 0 : i32
        %dma_start3A_3252 = tpu.memref_slice %arg5[%multiple_of3A_3237, %dma_start3A_3251] : memref<1000001x64xf32, #tpu.memory_space<hbm>> -> memref<8x64xf32, #tpu.memory_space<hbm>>
        %dma_start3A_3253 = arith.constant 88 : i32
        %dma_start3A_3254 = arith.constant 0 : i32
        %dma_start3A_3255 = tpu.memref_slice %arg10[%dma_start3A_3253, %dma_start3A_3254] : memref<128x64xf32, #tpu.memory_space<vmem>> -> memref<8x64xf32, #tpu.memory_space<vmem>>
        %dma_start3A_3256 = arith.constant 0 : i32
        %dma_start3A_3257 = tpu.memref_slice %arg5[%multiple_of3A_3237, %dma_start3A_3256] : memref<1000001x64xf32, #tpu.memory_space<hbm>> -> memref<8x64xf32, #tpu.memory_space<hbm>>
        tpu.enqueue_dma source(%dma_start3A_3257 : memref<8x64xf32, #tpu.memory_space<hbm>>) target(%dma_start3A_3255 : memref<8x64xf32, #tpu.memory_space<vmem>>) target_semaphore(%arg14 : memref<!tpu.dma_semaphore, #tpu.memory_space<semaphore_mem>>)
        %slice3A_3258 = vector.extract_strided_slice %get3A_2843 {offsets = [12], sizes = [1], strides = [1]} : vector<16xi32> to vector<1xi32>
        %squeeze3A_3259 = vector.extract %slice3A_3258[0] : i32 from vector<1xi32>
        %shift_right_arithmetic3A_3260 = arith.constant 3 : i32
        %shift_right_arithmetic3A_3261 = arith.shrsi %squeeze3A_3259, %shift_right_arithmetic3A_3260 : i32
        %mul3A_3262 = arith.constant 8 : i32
        %mul3A_3263 = arith.muli %shift_right_arithmetic3A_3261, %mul3A_3262 : i32
        %multiple_of3A_3264 = tpu.assume_multiple %mul3A_3263, 8 : i32
        %slice3A_3265 = vector.extract_strided_slice %get3A_2849 {offsets = [12], sizes = [1], strides = [1]} : vector<16xi32> to vector<1xi32>
        %squeeze3A_3266 = vector.extract %slice3A_3265[0] : i32 from vector<1xi32>
        %shift_right_arithmetic3A_3267 = arith.constant 3 : i32
        %shift_right_arithmetic3A_3268 = arith.shrsi %squeeze3A_3266, %shift_right_arithmetic3A_3267 : i32
        %mul3A_3269 = arith.constant 8 : i32
        %mul3A_3270 = arith.muli %shift_right_arithmetic3A_3268, %mul3A_3269 : i32
        %multiple_of3A_3271 = tpu.assume_multiple %mul3A_3270, 8 : i32
        %dma_start3A_3272 = arith.constant 96 : i32
        %dma_start3A_3273 = arith.constant 0 : i32
        %dma_start3A_3274 = tpu.memref_slice %arg9[%dma_start3A_3272, %dma_start3A_3273] : memref<128x64xf32, #tpu.memory_space<vmem>> -> memref<8x64xf32, #tpu.memory_space<vmem>>
        %dma_start3A_3275 = arith.constant 0 : i32
        %dma_start3A_3276 = tpu.memref_slice %arg4[%multiple_of3A_3264, %dma_start3A_3275] : memref<100001x64xf32, #tpu.memory_space<hbm>> -> memref<8x64xf32, #tpu.memory_space<hbm>>
        %dma_start3A_3277 = arith.constant 96 : i32
        %dma_start3A_3278 = arith.constant 0 : i32
        %dma_start3A_3279 = tpu.memref_slice %arg9[%dma_start3A_3277, %dma_start3A_3278] : memref<128x64xf32, #tpu.memory_space<vmem>> -> memref<8x64xf32, #tpu.memory_space<vmem>>
        %dma_start3A_3280 = arith.constant 0 : i32
        %dma_start3A_3281 = tpu.memref_slice %arg4[%multiple_of3A_3264, %dma_start3A_3280] : memref<100001x64xf32, #tpu.memory_space<hbm>> -> memref<8x64xf32, #tpu.memory_space<hbm>>
        tpu.enqueue_dma source(%dma_start3A_3281 : memref<8x64xf32, #tpu.memory_space<hbm>>) target(%dma_start3A_3279 : memref<8x64xf32, #tpu.memory_space<vmem>>) target_semaphore(%arg14 : memref<!tpu.dma_semaphore, #tpu.memory_space<semaphore_mem>>)
        %dma_start3A_3282 = arith.constant 96 : i32
        %dma_start3A_3283 = arith.constant 0 : i32
        %dma_start3A_3284 = tpu.memref_slice %arg10[%dma_start3A_3282, %dma_start3A_3283] : memref<128x64xf32, #tpu.memory_space<vmem>> -> memref<8x64xf32, #tpu.memory_space<vmem>>
        %dma_start3A_3285 = arith.constant 0 : i32
        %dma_start3A_3286 = tpu.memref_slice %arg5[%multiple_of3A_3271, %dma_start3A_3285] : memref<1000001x64xf32, #tpu.memory_space<hbm>> -> memref<8x64xf32, #tpu.memory_space<hbm>>
        %dma_start3A_3287 = arith.constant 96 : i32
        %dma_start3A_3288 = arith.constant 0 : i32
        %dma_start3A_3289 = tpu.memref_slice %arg10[%dma_start3A_3287, %dma_start3A_3288] : memref<128x64xf32, #tpu.memory_space<vmem>> -> memref<8x64xf32, #tpu.memory_space<vmem>>
        %dma_start3A_3290 = arith.constant 0 : i32
        %dma_start3A_3291 = tpu.memref_slice %arg5[%multiple_of3A_3271, %dma_start3A_3290] : memref<1000001x64xf32, #tpu.memory_space<hbm>> -> memref<8x64xf32, #tpu.memory_space<hbm>>
        tpu.enqueue_dma source(%dma_start3A_3291 : memref<8x64xf32, #tpu.memory_space<hbm>>) target(%dma_start3A_3289 : memref<8x64xf32, #tpu.memory_space<vmem>>) target_semaphore(%arg14 : memref<!tpu.dma_semaphore, #tpu.memory_space<semaphore_mem>>)
        %slice3A_3292 = vector.extract_strided_slice %get3A_2843 {offsets = [13], sizes = [1], strides = [1]} : vector<16xi32> to vector<1xi32>
        %squeeze3A_3293 = vector.extract %slice3A_3292[0] : i32 from vector<1xi32>
        %shift_right_arithmetic3A_3294 = arith.constant 3 : i32
        %shift_right_arithmetic3A_3295 = arith.shrsi %squeeze3A_3293, %shift_right_arithmetic3A_3294 : i32
        %mul3A_3296 = arith.constant 8 : i32
        %mul3A_3297 = arith.muli %shift_right_arithmetic3A_3295, %mul3A_3296 : i32
        %multiple_of3A_3298 = tpu.assume_multiple %mul3A_3297, 8 : i32
        %slice3A_3299 = vector.extract_strided_slice %get3A_2849 {offsets = [13], sizes = [1], strides = [1]} : vector<16xi32> to vector<1xi32>
        %squeeze3A_3300 = vector.extract %slice3A_3299[0] : i32 from vector<1xi32>
        %shift_right_arithmetic3A_3301 = arith.constant 3 : i32
        %shift_right_arithmetic3A_3302 = arith.shrsi %squeeze3A_3300, %shift_right_arithmetic3A_3301 : i32
        %mul3A_3303 = arith.constant 8 : i32
        %mul3A_3304 = arith.muli %shift_right_arithmetic3A_3302, %mul3A_3303 : i32
        %multiple_of3A_3305 = tpu.assume_multiple %mul3A_3304, 8 : i32
        %dma_start3A_3306 = arith.constant 104 : i32
        %dma_start3A_3307 = arith.constant 0 : i32
        %dma_start3A_3308 = tpu.memref_slice %arg9[%dma_start3A_3306, %dma_start3A_3307] : memref<128x64xf32, #tpu.memory_space<vmem>> -> memref<8x64xf32, #tpu.memory_space<vmem>>
        %dma_start3A_3309 = arith.constant 0 : i32
        %dma_start3A_3310 = tpu.memref_slice %arg4[%multiple_of3A_3298, %dma_start3A_3309] : memref<100001x64xf32, #tpu.memory_space<hbm>> -> memref<8x64xf32, #tpu.memory_space<hbm>>
        %dma_start3A_3311 = arith.constant 104 : i32
        %dma_start3A_3312 = arith.constant 0 : i32
        %dma_start3A_3313 = tpu.memref_slice %arg9[%dma_start3A_3311, %dma_start3A_3312] : memref<128x64xf32, #tpu.memory_space<vmem>> -> memref<8x64xf32, #tpu.memory_space<vmem>>
        %dma_start3A_3314 = arith.constant 0 : i32
        %dma_start3A_3315 = tpu.memref_slice %arg4[%multiple_of3A_3298, %dma_start3A_3314] : memref<100001x64xf32, #tpu.memory_space<hbm>> -> memref<8x64xf32, #tpu.memory_space<hbm>>
        tpu.enqueue_dma source(%dma_start3A_3315 : memref<8x64xf32, #tpu.memory_space<hbm>>) target(%dma_start3A_3313 : memref<8x64xf32, #tpu.memory_space<vmem>>) target_semaphore(%arg14 : memref<!tpu.dma_semaphore, #tpu.memory_space<semaphore_mem>>)
        %dma_start3A_3316 = arith.constant 104 : i32
        %dma_start3A_3317 = arith.constant 0 : i32
        %dma_start3A_3318 = tpu.memref_slice %arg10[%dma_start3A_3316, %dma_start3A_3317] : memref<128x64xf32, #tpu.memory_space<vmem>> -> memref<8x64xf32, #tpu.memory_space<vmem>>
        %dma_start3A_3319 = arith.constant 0 : i32
        %dma_start3A_3320 = tpu.memref_slice %arg5[%multiple_of3A_3305, %dma_start3A_3319] : memref<1000001x64xf32, #tpu.memory_space<hbm>> -> memref<8x64xf32, #tpu.memory_space<hbm>>
        %dma_start3A_3321 = arith.constant 104 : i32
        %dma_start3A_3322 = arith.constant 0 : i32
        %dma_start3A_3323 = tpu.memref_slice %arg10[%dma_start3A_3321, %dma_start3A_3322] : memref<128x64xf32, #tpu.memory_space<vmem>> -> memref<8x64xf32, #tpu.memory_space<vmem>>
        %dma_start3A_3324 = arith.constant 0 : i32
        %dma_start3A_3325 = tpu.memref_slice %arg5[%multiple_of3A_3305, %dma_start3A_3324] : memref<1000001x64xf32, #tpu.memory_space<hbm>> -> memref<8x64xf32, #tpu.memory_space<hbm>>
        tpu.enqueue_dma source(%dma_start3A_3325 : memref<8x64xf32, #tpu.memory_space<hbm>>) target(%dma_start3A_3323 : memref<8x64xf32, #tpu.memory_space<vmem>>) target_semaphore(%arg14 : memref<!tpu.dma_semaphore, #tpu.memory_space<semaphore_mem>>)
        %slice3A_3326 = vector.extract_strided_slice %get3A_2843 {offsets = [14], sizes = [1], strides = [1]} : vector<16xi32> to vector<1xi32>
        %squeeze3A_3327 = vector.extract %slice3A_3326[0] : i32 from vector<1xi32>
        %shift_right_arithmetic3A_3328 = arith.constant 3 : i32
        %shift_right_arithmetic3A_3329 = arith.shrsi %squeeze3A_3327, %shift_right_arithmetic3A_3328 : i32
        %mul3A_3330 = arith.constant 8 : i32
        %mul3A_3331 = arith.muli %shift_right_arithmetic3A_3329, %mul3A_3330 : i32
        %multiple_of3A_3332 = tpu.assume_multiple %mul3A_3331, 8 : i32
        %slice3A_3333 = vector.extract_strided_slice %get3A_2849 {offsets = [14], sizes = [1], strides = [1]} : vector<16xi32> to vector<1xi32>
        %squeeze3A_3334 = vector.extract %slice3A_3333[0] : i32 from vector<1xi32>
        %shift_right_arithmetic3A_3335 = arith.constant 3 : i32
        %shift_right_arithmetic3A_3336 = arith.shrsi %squeeze3A_3334, %shift_right_arithmetic3A_3335 : i32
        %mul3A_3337 = arith.constant 8 : i32
        %mul3A_3338 = arith.muli %shift_right_arithmetic3A_3336, %mul3A_3337 : i32
        %multiple_of3A_3339 = tpu.assume_multiple %mul3A_3338, 8 : i32
        %dma_start3A_3340 = arith.constant 112 : i32
        %dma_start3A_3341 = arith.constant 0 : i32
        %dma_start3A_3342 = tpu.memref_slice %arg9[%dma_start3A_3340, %dma_start3A_3341] : memref<128x64xf32, #tpu.memory_space<vmem>> -> memref<8x64xf32, #tpu.memory_space<vmem>>
        %dma_start3A_3343 = arith.constant 0 : i32
        %dma_start3A_3344 = tpu.memref_slice %arg4[%multiple_of3A_3332, %dma_start3A_3343] : memref<100001x64xf32, #tpu.memory_space<hbm>> -> memref<8x64xf32, #tpu.memory_space<hbm>>
        %dma_start3A_3345 = arith.constant 112 : i32
        %dma_start3A_3346 = arith.constant 0 : i32
        %dma_start3A_3347 = tpu.memref_slice %arg9[%dma_start3A_3345, %dma_start3A_3346] : memref<128x64xf32, #tpu.memory_space<vmem>> -> memref<8x64xf32, #tpu.memory_space<vmem>>
        %dma_start3A_3348 = arith.constant 0 : i32
        %dma_start3A_3349 = tpu.memref_slice %arg4[%multiple_of3A_3332, %dma_start3A_3348] : memref<100001x64xf32, #tpu.memory_space<hbm>> -> memref<8x64xf32, #tpu.memory_space<hbm>>
        tpu.enqueue_dma source(%dma_start3A_3349 : memref<8x64xf32, #tpu.memory_space<hbm>>) target(%dma_start3A_3347 : memref<8x64xf32, #tpu.memory_space<vmem>>) target_semaphore(%arg14 : memref<!tpu.dma_semaphore, #tpu.memory_space<semaphore_mem>>)
        %dma_start3A_3350 = arith.constant 112 : i32
        %dma_start3A_3351 = arith.constant 0 : i32
        %dma_start3A_3352 = tpu.memref_slice %arg10[%dma_start3A_3350, %dma_start3A_3351] : memref<128x64xf32, #tpu.memory_space<vmem>> -> memref<8x64xf32, #tpu.memory_space<vmem>>
        %dma_start3A_3353 = arith.constant 0 : i32
        %dma_start3A_3354 = tpu.memref_slice %arg5[%multiple_of3A_3339, %dma_start3A_3353] : memref<1000001x64xf32, #tpu.memory_space<hbm>> -> memref<8x64xf32, #tpu.memory_space<hbm>>
        %dma_start3A_3355 = arith.constant 112 : i32
        %dma_start3A_3356 = arith.constant 0 : i32
        %dma_start3A_3357 = tpu.memref_slice %arg10[%dma_start3A_3355, %dma_start3A_3356] : memref<128x64xf32, #tpu.memory_space<vmem>> -> memref<8x64xf32, #tpu.memory_space<vmem>>
        %dma_start3A_3358 = arith.constant 0 : i32
        %dma_start3A_3359 = tpu.memref_slice %arg5[%multiple_of3A_3339, %dma_start3A_3358] : memref<1000001x64xf32, #tpu.memory_space<hbm>> -> memref<8x64xf32, #tpu.memory_space<hbm>>
        tpu.enqueue_dma source(%dma_start3A_3359 : memref<8x64xf32, #tpu.memory_space<hbm>>) target(%dma_start3A_3357 : memref<8x64xf32, #tpu.memory_space<vmem>>) target_semaphore(%arg14 : memref<!tpu.dma_semaphore, #tpu.memory_space<semaphore_mem>>)
        %slice3A_3360 = vector.extract_strided_slice %get3A_2843 {offsets = [15], sizes = [1], strides = [1]} : vector<16xi32> to vector<1xi32>
        %squeeze3A_3361 = vector.extract %slice3A_3360[0] : i32 from vector<1xi32>
        %shift_right_arithmetic3A_3362 = arith.constant 3 : i32
        %shift_right_arithmetic3A_3363 = arith.shrsi %squeeze3A_3361, %shift_right_arithmetic3A_3362 : i32
        %mul3A_3364 = arith.constant 8 : i32
        %mul3A_3365 = arith.muli %shift_right_arithmetic3A_3363, %mul3A_3364 : i32
        %multiple_of3A_3366 = tpu.assume_multiple %mul3A_3365, 8 : i32
        %slice3A_3367 = vector.extract_strided_slice %get3A_2849 {offsets = [15], sizes = [1], strides = [1]} : vector<16xi32> to vector<1xi32>
        %squeeze3A_3368 = vector.extract %slice3A_3367[0] : i32 from vector<1xi32>
        %shift_right_arithmetic3A_3369 = arith.constant 3 : i32
        %shift_right_arithmetic3A_3370 = arith.shrsi %squeeze3A_3368, %shift_right_arithmetic3A_3369 : i32
        %mul3A_3371 = arith.constant 8 : i32
        %mul3A_3372 = arith.muli %shift_right_arithmetic3A_3370, %mul3A_3371 : i32
        %multiple_of3A_3373 = tpu.assume_multiple %mul3A_3372, 8 : i32
        %dma_start3A_3374 = arith.constant 120 : i32
        %dma_start3A_3375 = arith.constant 0 : i32
        %dma_start3A_3376 = tpu.memref_slice %arg9[%dma_start3A_3374, %dma_start3A_3375] : memref<128x64xf32, #tpu.memory_space<vmem>> -> memref<8x64xf32, #tpu.memory_space<vmem>>
        %dma_start3A_3377 = arith.constant 0 : i32
        %dma_start3A_3378 = tpu.memref_slice %arg4[%multiple_of3A_3366, %dma_start3A_3377] : memref<100001x64xf32, #tpu.memory_space<hbm>> -> memref<8x64xf32, #tpu.memory_space<hbm>>
        %dma_start3A_3379 = arith.constant 120 : i32
        %dma_start3A_3380 = arith.constant 0 : i32
        %dma_start3A_3381 = tpu.memref_slice %arg9[%dma_start3A_3379, %dma_start3A_3380] : memref<128x64xf32, #tpu.memory_space<vmem>> -> memref<8x64xf32, #tpu.memory_space<vmem>>
        %dma_start3A_3382 = arith.constant 0 : i32
        %dma_start3A_3383 = tpu.memref_slice %arg4[%multiple_of3A_3366, %dma_start3A_3382] : memref<100001x64xf32, #tpu.memory_space<hbm>> -> memref<8x64xf32, #tpu.memory_space<hbm>>
        tpu.enqueue_dma source(%dma_start3A_3383 : memref<8x64xf32, #tpu.memory_space<hbm>>) target(%dma_start3A_3381 : memref<8x64xf32, #tpu.memory_space<vmem>>) target_semaphore(%arg14 : memref<!tpu.dma_semaphore, #tpu.memory_space<semaphore_mem>>)
        %dma_start3A_3384 = arith.constant 120 : i32
        %dma_start3A_3385 = arith.constant 0 : i32
        %dma_start3A_3386 = tpu.memref_slice %arg10[%dma_start3A_3384, %dma_start3A_3385] : memref<128x64xf32, #tpu.memory_space<vmem>> -> memref<8x64xf32, #tpu.memory_space<vmem>>
        %dma_start3A_3387 = arith.constant 0 : i32
        %dma_start3A_3388 = tpu.memref_slice %arg5[%multiple_of3A_3373, %dma_start3A_3387] : memref<1000001x64xf32, #tpu.memory_space<hbm>> -> memref<8x64xf32, #tpu.memory_space<hbm>>
        %dma_start3A_3389 = arith.constant 120 : i32
        %dma_start3A_3390 = arith.constant 0 : i32
        %dma_start3A_3391 = tpu.memref_slice %arg10[%dma_start3A_3389, %dma_start3A_3390] : memref<128x64xf32, #tpu.memory_space<vmem>> -> memref<8x64xf32, #tpu.memory_space<vmem>>
        %dma_start3A_3392 = arith.constant 0 : i32
        %dma_start3A_3393 = tpu.memref_slice %arg5[%multiple_of3A_3373, %dma_start3A_3392] : memref<1000001x64xf32, #tpu.memory_space<hbm>> -> memref<8x64xf32, #tpu.memory_space<hbm>>
        tpu.enqueue_dma source(%dma_start3A_3393 : memref<8x64xf32, #tpu.memory_space<hbm>>) target(%dma_start3A_3391 : memref<8x64xf32, #tpu.memory_space<vmem>>) target_semaphore(%arg14 : memref<!tpu.dma_semaphore, #tpu.memory_space<semaphore_mem>>)
      } else {
      }
      %dma_wait3A_1972 = arith.constant 0 : i32
      %dma_wait3A_1973 = arith.constant 0 : i32
      %dma_wait3A_1974 = tpu.memref_slice %arg4[%dma_wait3A_1972, %dma_wait3A_1973] : memref<100001x64xf32, #tpu.memory_space<hbm>> -> memref<128x64xf32, #tpu.memory_space<hbm>>
      %dma_wait3A_1975 = arith.constant 0 : i32
      %dma_wait3A_1976 = arith.constant 0 : i32
      %dma_wait3A_1977 = tpu.memref_slice %arg4[%dma_wait3A_1975, %dma_wait3A_1976] : memref<100001x64xf32, #tpu.memory_space<hbm>> -> memref<128x64xf32, #tpu.memory_space<hbm>>
      tpu.wait_dma2 semaphore(%arg15 : memref<!tpu.dma_semaphore, #tpu.memory_space<semaphore_mem>>) src(%dma_wait3A_1977 : memref<128x64xf32, #tpu.memory_space<hbm>>) dst(%arg11 : memref<128x64xf32, #tpu.memory_space<vmem>>)
      %dma_wait3A_1978 = arith.constant 0 : i32
      %dma_wait3A_1979 = arith.constant 0 : i32
      %dma_wait3A_1980 = tpu.memref_slice %arg5[%dma_wait3A_1978, %dma_wait3A_1979] : memref<1000001x64xf32, #tpu.memory_space<hbm>> -> memref<128x64xf32, #tpu.memory_space<hbm>>
      %dma_wait3A_1981 = arith.constant 0 : i32
      %dma_wait3A_1982 = arith.constant 0 : i32
      %dma_wait3A_1983 = tpu.memref_slice %arg5[%dma_wait3A_1981, %dma_wait3A_1982] : memref<1000001x64xf32, #tpu.memory_space<hbm>> -> memref<128x64xf32, #tpu.memory_space<hbm>>
      tpu.wait_dma2 semaphore(%arg15 : memref<!tpu.dma_semaphore, #tpu.memory_space<semaphore_mem>>) src(%dma_wait3A_1983 : memref<128x64xf32, #tpu.memory_space<hbm>>) dst(%arg12 : memref<128x64xf32, #tpu.memory_space<vmem>>)
      %add3A_1984 = arith.constant 1 : i32
      %add3A_1985 = arith.addi %mul3A_556, %add3A_1984 : i32
      %mul3A_1986 = arith.constant 16 : i32
      %mul3A_1987 = arith.muli %add3A_1985, %mul3A_1986 : i32
      %get3A_1988 = arith.constant 0 : i32
      %get3A_1989 = arith.index_cast %get3A_1988 : i32 to index
      %get3A_1990 = arith.index_cast %mul3A_1987 : i32 to index
      %get3A_1991 = tpu.vector_load %arg7[%get3A_1989, %get3A_1990] {strides = array<i32>} : memref<1x512xi32, #tpu.memory_space<vmem>>, vector<16xi32>,
      %mul3A_1992 = arith.constant 16 : i32
      %mul3A_1993 = arith.muli %add3A_1985, %mul3A_1992 : i32
      %get3A_1994 = arith.constant 0 : i32
      %get3A_1995 = arith.index_cast %get3A_1994 : i32 to index
      %get3A_1996 = arith.index_cast %mul3A_1993 : i32 to index
      %get3A_1997 = tpu.vector_load %arg8[%get3A_1995, %get3A_1996] {strides = array<i32>} : memref<1x512xi32, #tpu.memory_space<vmem>>, vector<16xi32>,
      %broadcast_in_dim3A_1998 = arith.constant 0.000000e+00 : f32
      %broadcast_in_dim3A_1999 = vector.broadcast %broadcast_in_dim3A_1998 : f32 to vector<16xf32>
      %slice3A_2000 = vector.extract_strided_slice %get3A_1991 {offsets = [0], sizes = [1], strides = [1]} : vector<16xi32> to vector<1xi32>
      %squeeze3A_2001 = vector.extract %slice3A_2000[0] : i32 from vector<1xi32>
      %and3A_2002 = arith.constant 7 : i32
      %and3A_2003 = arith.andi %squeeze3A_2001, %and3A_2002 : i32
      %add3A_2004 = arith.constant 0 : i32
      %add3A_2005 = arith.addi %add3A_2004, %and3A_2003 : i32
      %slice3A_2006 = vector.extract_strided_slice %get3A_1997 {offsets = [0], sizes = [1], strides = [1]} : vector<16xi32> to vector<1xi32>
      %squeeze3A_2007 = vector.extract %slice3A_2006[0] : i32 from vector<1xi32>
      %and3A_2008 = arith.constant 7 : i32
      %and3A_2009 = arith.andi %squeeze3A_2007, %and3A_2008 : i32
      %add3A_2010 = arith.constant 0 : i32
      %add3A_2011 = arith.addi %add3A_2010, %and3A_2009 : i32
      %get3A_2012 = arith.index_cast %add3A_2005 : i32 to index
      %get3A_2013 = arith.constant 0 : index
      %get3A_2014 = tpu.vector_load %arg11[%get3A_2012, %get3A_2013] {strides = array<i32>} : memref<128x64xf32, #tpu.memory_space<vmem>>, vector<16xf32>,
      %get3A_2015 = arith.index_cast %add3A_2011 : i32 to index
      %get3A_2016 = arith.constant 0 : index
      %get3A_2017 = tpu.vector_load %arg12[%get3A_2015, %get3A_2016] {strides = array<i32>} : memref<128x64xf32, #tpu.memory_space<vmem>>, vector<16xf32>,
      %mul3A_2018 = arith.mulf %get3A_2014, %get3A_2017 : vector<16xf32>
      %get3A_2019 = arith.index_cast %add3A_2005 : i32 to index
      %get3A_2020 = arith.constant 16 : index
      %get3A_2021 = tpu.vector_load %arg11[%get3A_2019, %get3A_2020] {strides = array<i32>} : memref<128x64xf32, #tpu.memory_space<vmem>>, vector<16xf32>,
      %get3A_2022 = arith.index_cast %add3A_2011 : i32 to index
      %get3A_2023 = arith.constant 16 : index
      %get3A_2024 = tpu.vector_load %arg12[%get3A_2022, %get3A_2023] {strides = array<i32>} : memref<128x64xf32, #tpu.memory_space<vmem>>, vector<16xf32>,
      %mul3A_2025 = arith.mulf %get3A_2021, %get3A_2024 : vector<16xf32>
      %add3A_2026 = arith.addf %mul3A_2018, %mul3A_2025 : vector<16xf32>
      %get3A_2027 = arith.index_cast %add3A_2005 : i32 to index
      %get3A_2028 = arith.constant 32 : index
      %get3A_2029 = tpu.vector_load %arg11[%get3A_2027, %get3A_2028] {strides = array<i32>} : memref<128x64xf32, #tpu.memory_space<vmem>>, vector<16xf32>,
      %get3A_2030 = arith.index_cast %add3A_2011 : i32 to index
      %get3A_2031 = arith.constant 32 : index
      %get3A_2032 = tpu.vector_load %arg12[%get3A_2030, %get3A_2031] {strides = array<i32>} : memref<128x64xf32, #tpu.memory_space<vmem>>, vector<16xf32>,
      %mul3A_2033 = arith.mulf %get3A_2029, %get3A_2032 : vector<16xf32>
      %add3A_2034 = arith.addf %add3A_2026, %mul3A_2033 : vector<16xf32>
      %get3A_2035 = arith.index_cast %add3A_2005 : i32 to index
      %get3A_2036 = arith.constant 48 : index
      %get3A_2037 = tpu.vector_load %arg11[%get3A_2035, %get3A_2036] {strides = array<i32>} : memref<128x64xf32, #tpu.memory_space<vmem>>, vector<16xf32>,
      %get3A_2038 = arith.index_cast %add3A_2011 : i32 to index
      %get3A_2039 = arith.constant 48 : index
      %get3A_2040 = tpu.vector_load %arg12[%get3A_2038, %get3A_2039] {strides = array<i32>} : memref<128x64xf32, #tpu.memory_space<vmem>>, vector<16xf32>,
      %mul3A_2041 = arith.mulf %get3A_2037, %get3A_2040 : vector<16xf32>
      %add3A_2042 = arith.addf %add3A_2034, %mul3A_2041 : vector<16xf32>
      %eq3A_2043 = arith.constant 0 : i32
      %eq3A_2044 = vector.broadcast %eq3A_2043 : i32 to vector<16xi32>
      %eq3A_2045 = arith.cmpi eq, %iota3A, %eq3A_2044 : vector<16xi32>
      %reduce_sum3A_2046 = arith.constant true
      %reduce_sum3A_2047 = vector.broadcast %reduce_sum3A_2046 : i1 to vector<16xi1>
      %reduce_sum3A_2048 = tpu.scan <sum>, %add3A_2042 masked %reduce_sum3A_2047 : vector<16xf32>, vector<16xi1> -> vector<16xf32>
      %reduce_sum3A_2049 = vector.extract %reduce_sum3A_2048[15] : f32 from vector<16xf32>
      %broadcast_in_dim3A_2050 = vector.broadcast %reduce_sum3A_2049 : f32 to vector<16xf32>
      %select_n3A_2051 = arith.select %eq3A_2045, %broadcast_in_dim3A_2050, %broadcast_in_dim3A_1999 : vector<16xi1>, vector<16xf32>
      %slice3A_2052 = vector.extract_strided_slice %get3A_1991 {offsets = [1], sizes = [1], strides = [1]} : vector<16xi32> to vector<1xi32>
      %squeeze3A_2053 = vector.extract %slice3A_2052[0] : i32 from vector<1xi32>
      %and3A_2054 = arith.constant 7 : i32
      %and3A_2055 = arith.andi %squeeze3A_2053, %and3A_2054 : i32
      %add3A_2056 = arith.constant 8 : i32
      %add3A_2057 = arith.addi %add3A_2056, %and3A_2055 : i32
      %slice3A_2058 = vector.extract_strided_slice %get3A_1997 {offsets = [1], sizes = [1], strides = [1]} : vector<16xi32> to vector<1xi32>
      %squeeze3A_2059 = vector.extract %slice3A_2058[0] : i32 from vector<1xi32>
      %and3A_2060 = arith.constant 7 : i32
      %and3A_2061 = arith.andi %squeeze3A_2059, %and3A_2060 : i32
      %add3A_2062 = arith.constant 8 : i32
      %add3A_2063 = arith.addi %add3A_2062, %and3A_2061 : i32
      %get3A_2064 = arith.index_cast %add3A_2057 : i32 to index
      %get3A_2065 = arith.constant 0 : index
      %get3A_2066 = tpu.vector_load %arg11[%get3A_2064, %get3A_2065] {strides = array<i32>} : memref<128x64xf32, #tpu.memory_space<vmem>>, vector<16xf32>,
      %get3A_2067 = arith.index_cast %add3A_2063 : i32 to index
      %get3A_2068 = arith.constant 0 : index
      %get3A_2069 = tpu.vector_load %arg12[%get3A_2067, %get3A_2068] {strides = array<i32>} : memref<128x64xf32, #tpu.memory_space<vmem>>, vector<16xf32>,
      %mul3A_2070 = arith.mulf %get3A_2066, %get3A_2069 : vector<16xf32>
      %get3A_2071 = arith.index_cast %add3A_2057 : i32 to index
      %get3A_2072 = arith.constant 16 : index
      %get3A_2073 = tpu.vector_load %arg11[%get3A_2071, %get3A_2072] {strides = array<i32>} : memref<128x64xf32, #tpu.memory_space<vmem>>, vector<16xf32>,
      %get3A_2074 = arith.index_cast %add3A_2063 : i32 to index
      %get3A_2075 = arith.constant 16 : index
      %get3A_2076 = tpu.vector_load %arg12[%get3A_2074, %get3A_2075] {strides = array<i32>} : memref<128x64xf32, #tpu.memory_space<vmem>>, vector<16xf32>,
      %mul3A_2077 = arith.mulf %get3A_2073, %get3A_2076 : vector<16xf32>
      %add3A_2078 = arith.addf %mul3A_2070, %mul3A_2077 : vector<16xf32>
      %get3A_2079 = arith.index_cast %add3A_2057 : i32 to index
      %get3A_2080 = arith.constant 32 : index
      %get3A_2081 = tpu.vector_load %arg11[%get3A_2079, %get3A_2080] {strides = array<i32>} : memref<128x64xf32, #tpu.memory_space<vmem>>, vector<16xf32>,
      %get3A_2082 = arith.index_cast %add3A_2063 : i32 to index
      %get3A_2083 = arith.constant 32 : index
      %get3A_2084 = tpu.vector_load %arg12[%get3A_2082, %get3A_2083] {strides = array<i32>} : memref<128x64xf32, #tpu.memory_space<vmem>>, vector<16xf32>,
      %mul3A_2085 = arith.mulf %get3A_2081, %get3A_2084 : vector<16xf32>
      %add3A_2086 = arith.addf %add3A_2078, %mul3A_2085 : vector<16xf32>
      %get3A_2087 = arith.index_cast %add3A_2057 : i32 to index
      %get3A_2088 = arith.constant 48 : index
      %get3A_2089 = tpu.vector_load %arg11[%get3A_2087, %get3A_2088] {strides = array<i32>} : memref<128x64xf32, #tpu.memory_space<vmem>>, vector<16xf32>,
      %get3A_2090 = arith.index_cast %add3A_2063 : i32 to index
      %get3A_2091 = arith.constant 48 : index
      %get3A_2092 = tpu.vector_load %arg12[%get3A_2090, %get3A_2091] {strides = array<i32>} : memref<128x64xf32, #tpu.memory_space<vmem>>, vector<16xf32>,
      %mul3A_2093 = arith.mulf %get3A_2089, %get3A_2092 : vector<16xf32>
      %add3A_2094 = arith.addf %add3A_2086, %mul3A_2093 : vector<16xf32>
      %eq3A_2095 = arith.constant 1 : i32
      %eq3A_2096 = vector.broadcast %eq3A_2095 : i32 to vector<16xi32>
      %eq3A_2097 = arith.cmpi eq, %iota3A, %eq3A_2096 : vector<16xi32>
      %reduce_sum3A_2098 = arith.constant true
      %reduce_sum3A_2099 = vector.broadcast %reduce_sum3A_2098 : i1 to vector<16xi1>
      %reduce_sum3A_2100 = tpu.scan <sum>, %add3A_2094 masked %reduce_sum3A_2099 : vector<16xf32>, vector<16xi1> -> vector<16xf32>
      %reduce_sum3A_2101 = vector.extract %reduce_sum3A_2100[15] : f32 from vector<16xf32>
      %broadcast_in_dim3A_2102 = vector.broadcast %reduce_sum3A_2101 : f32 to vector<16xf32>
      %select_n3A_2103 = arith.select %eq3A_2097, %broadcast_in_dim3A_2102, %select_n3A_2051 : vector<16xi1>, vector<16xf32>
      %slice3A_2104 = vector.extract_strided_slice %get3A_1991 {offsets = [2], sizes = [1], strides = [1]} : vector<16xi32> to vector<1xi32>
      %squeeze3A_2105 = vector.extract %slice3A_2104[0] : i32 from vector<1xi32>
      %and3A_2106 = arith.constant 7 : i32
      %and3A_2107 = arith.andi %squeeze3A_2105, %and3A_2106 : i32
      %add3A_2108 = arith.constant 16 : i32
      %add3A_2109 = arith.addi %add3A_2108, %and3A_2107 : i32
      %slice3A_2110 = vector.extract_strided_slice %get3A_1997 {offsets = [2], sizes = [1], strides = [1]} : vector<16xi32> to vector<1xi32>
      %squeeze3A_2111 = vector.extract %slice3A_2110[0] : i32 from vector<1xi32>
      %and3A_2112 = arith.constant 7 : i32
      %and3A_2113 = arith.andi %squeeze3A_2111, %and3A_2112 : i32
      %add3A_2114 = arith.constant 16 : i32
      %add3A_2115 = arith.addi %add3A_2114, %and3A_2113 : i32
      %get3A_2116 = arith.index_cast %add3A_2109 : i32 to index
      %get3A_2117 = arith.constant 0 : index
      %get3A_2118 = tpu.vector_load %arg11[%get3A_2116, %get3A_2117] {strides = array<i32>} : memref<128x64xf32, #tpu.memory_space<vmem>>, vector<16xf32>,
      %get3A_2119 = arith.index_cast %add3A_2115 : i32 to index
      %get3A_2120 = arith.constant 0 : index
      %get3A_2121 = tpu.vector_load %arg12[%get3A_2119, %get3A_2120] {strides = array<i32>} : memref<128x64xf32, #tpu.memory_space<vmem>>, vector<16xf32>,
      %mul3A_2122 = arith.mulf %get3A_2118, %get3A_2121 : vector<16xf32>
      %get3A_2123 = arith.index_cast %add3A_2109 : i32 to index
      %get3A_2124 = arith.constant 16 : index
      %get3A_2125 = tpu.vector_load %arg11[%get3A_2123, %get3A_2124] {strides = array<i32>} : memref<128x64xf32, #tpu.memory_space<vmem>>, vector<16xf32>,
      %get3A_2126 = arith.index_cast %add3A_2115 : i32 to index
      %get3A_2127 = arith.constant 16 : index
      %get3A_2128 = tpu.vector_load %arg12[%get3A_2126, %get3A_2127] {strides = array<i32>} : memref<128x64xf32, #tpu.memory_space<vmem>>, vector<16xf32>,
      %mul3A_2129 = arith.mulf %get3A_2125, %get3A_2128 : vector<16xf32>
      %add3A_2130 = arith.addf %mul3A_2122, %mul3A_2129 : vector<16xf32>
      %get3A_2131 = arith.index_cast %add3A_2109 : i32 to index
      %get3A_2132 = arith.constant 32 : index
      %get3A_2133 = tpu.vector_load %arg11[%get3A_2131, %get3A_2132] {strides = array<i32>} : memref<128x64xf32, #tpu.memory_space<vmem>>, vector<16xf32>,
      %get3A_2134 = arith.index_cast %add3A_2115 : i32 to index
      %get3A_2135 = arith.constant 32 : index
      %get3A_2136 = tpu.vector_load %arg12[%get3A_2134, %get3A_2135] {strides = array<i32>} : memref<128x64xf32, #tpu.memory_space<vmem>>, vector<16xf32>,
      %mul3A_2137 = arith.mulf %get3A_2133, %get3A_2136 : vector<16xf32>
      %add3A_2138 = arith.addf %add3A_2130, %mul3A_2137 : vector<16xf32>
      %get3A_2139 = arith.index_cast %add3A_2109 : i32 to index
      %get3A_2140 = arith.constant 48 : index
      %get3A_2141 = tpu.vector_load %arg11[%get3A_2139, %get3A_2140] {strides = array<i32>} : memref<128x64xf32, #tpu.memory_space<vmem>>, vector<16xf32>,
      %get3A_2142 = arith.index_cast %add3A_2115 : i32 to index
      %get3A_2143 = arith.constant 48 : index
      %get3A_2144 = tpu.vector_load %arg12[%get3A_2142, %get3A_2143] {strides = array<i32>} : memref<128x64xf32, #tpu.memory_space<vmem>>, vector<16xf32>,
      %mul3A_2145 = arith.mulf %get3A_2141, %get3A_2144 : vector<16xf32>
      %add3A_2146 = arith.addf %add3A_2138, %mul3A_2145 : vector<16xf32>
      %eq3A_2147 = arith.constant 2 : i32
      %eq3A_2148 = vector.broadcast %eq3A_2147 : i32 to vector<16xi32>
      %eq3A_2149 = arith.cmpi eq, %iota3A, %eq3A_2148 : vector<16xi32>
      %reduce_sum3A_2150 = arith.constant true
      %reduce_sum3A_2151 = vector.broadcast %reduce_sum3A_2150 : i1 to vector<16xi1>
      %reduce_sum3A_2152 = tpu.scan <sum>, %add3A_2146 masked %reduce_sum3A_2151 : vector<16xf32>, vector<16xi1> -> vector<16xf32>
      %reduce_sum3A_2153 = vector.extract %reduce_sum3A_2152[15] : f32 from vector<16xf32>
      %broadcast_in_dim3A_2154 = vector.broadcast %reduce_sum3A_2153 : f32 to vector<16xf32>
      %select_n3A_2155 = arith.select %eq3A_2149, %broadcast_in_dim3A_2154, %select_n3A_2103 : vector<16xi1>, vector<16xf32>
      %slice3A_2156 = vector.extract_strided_slice %get3A_1991 {offsets = [3], sizes = [1], strides = [1]} : vector<16xi32> to vector<1xi32>
      %squeeze3A_2157 = vector.extract %slice3A_2156[0] : i32 from vector<1xi32>
      %and3A_2158 = arith.constant 7 : i32
      %and3A_2159 = arith.andi %squeeze3A_2157, %and3A_2158 : i32
      %add3A_2160 = arith.constant 24 : i32
      %add3A_2161 = arith.addi %add3A_2160, %and3A_2159 : i32
      %slice3A_2162 = vector.extract_strided_slice %get3A_1997 {offsets = [3], sizes = [1], strides = [1]} : vector<16xi32> to vector<1xi32>
      %squeeze3A_2163 = vector.extract %slice3A_2162[0] : i32 from vector<1xi32>
      %and3A_2164 = arith.constant 7 : i32
      %and3A_2165 = arith.andi %squeeze3A_2163, %and3A_2164 : i32
      %add3A_2166 = arith.constant 24 : i32
      %add3A_2167 = arith.addi %add3A_2166, %and3A_2165 : i32
      %get3A_2168 = arith.index_cast %add3A_2161 : i32 to index
      %get3A_2169 = arith.constant 0 : index
      %get3A_2170 = tpu.vector_load %arg11[%get3A_2168, %get3A_2169] {strides = array<i32>} : memref<128x64xf32, #tpu.memory_space<vmem>>, vector<16xf32>,
      %get3A_2171 = arith.index_cast %add3A_2167 : i32 to index
      %get3A_2172 = arith.constant 0 : index
      %get3A_2173 = tpu.vector_load %arg12[%get3A_2171, %get3A_2172] {strides = array<i32>} : memref<128x64xf32, #tpu.memory_space<vmem>>, vector<16xf32>,
      %mul3A_2174 = arith.mulf %get3A_2170, %get3A_2173 : vector<16xf32>
      %get3A_2175 = arith.index_cast %add3A_2161 : i32 to index
      %get3A_2176 = arith.constant 16 : index
      %get3A_2177 = tpu.vector_load %arg11[%get3A_2175, %get3A_2176] {strides = array<i32>} : memref<128x64xf32, #tpu.memory_space<vmem>>, vector<16xf32>,
      %get3A_2178 = arith.index_cast %add3A_2167 : i32 to index
      %get3A_2179 = arith.constant 16 : index
      %get3A_2180 = tpu.vector_load %arg12[%get3A_2178, %get3A_2179] {strides = array<i32>} : memref<128x64xf32, #tpu.memory_space<vmem>>, vector<16xf32>,
      %mul3A_2181 = arith.mulf %get3A_2177, %get3A_2180 : vector<16xf32>
      %add3A_2182 = arith.addf %mul3A_2174, %mul3A_2181 : vector<16xf32>
      %get3A_2183 = arith.index_cast %add3A_2161 : i32 to index
      %get3A_2184 = arith.constant 32 : index
      %get3A_2185 = tpu.vector_load %arg11[%get3A_2183, %get3A_2184] {strides = array<i32>} : memref<128x64xf32, #tpu.memory_space<vmem>>, vector<16xf32>,
      %get3A_2186 = arith.index_cast %add3A_2167 : i32 to index
      %get3A_2187 = arith.constant 32 : index
      %get3A_2188 = tpu.vector_load %arg12[%get3A_2186, %get3A_2187] {strides = array<i32>} : memref<128x64xf32, #tpu.memory_space<vmem>>, vector<16xf32>,
      %mul3A_2189 = arith.mulf %get3A_2185, %get3A_2188 : vector<16xf32>
      %add3A_2190 = arith.addf %add3A_2182, %mul3A_2189 : vector<16xf32>
      %get3A_2191 = arith.index_cast %add3A_2161 : i32 to index
      %get3A_2192 = arith.constant 48 : index
      %get3A_2193 = tpu.vector_load %arg11[%get3A_2191, %get3A_2192] {strides = array<i32>} : memref<128x64xf32, #tpu.memory_space<vmem>>, vector<16xf32>,
      %get3A_2194 = arith.index_cast %add3A_2167 : i32 to index
      %get3A_2195 = arith.constant 48 : index
      %get3A_2196 = tpu.vector_load %arg12[%get3A_2194, %get3A_2195] {strides = array<i32>} : memref<128x64xf32, #tpu.memory_space<vmem>>, vector<16xf32>,
      %mul3A_2197 = arith.mulf %get3A_2193, %get3A_2196 : vector<16xf32>
      %add3A_2198 = arith.addf %add3A_2190, %mul3A_2197 : vector<16xf32>
      %eq3A_2199 = arith.constant 3 : i32
      %eq3A_2200 = vector.broadcast %eq3A_2199 : i32 to vector<16xi32>
      %eq3A_2201 = arith.cmpi eq, %iota3A, %eq3A_2200 : vector<16xi32>
      %reduce_sum3A_2202 = arith.constant true
      %reduce_sum3A_2203 = vector.broadcast %reduce_sum3A_2202 : i1 to vector<16xi1>
      %reduce_sum3A_2204 = tpu.scan <sum>, %add3A_2198 masked %reduce_sum3A_2203 : vector<16xf32>, vector<16xi1> -> vector<16xf32>
      %reduce_sum3A_2205 = vector.extract %reduce_sum3A_2204[15] : f32 from vector<16xf32>
      %broadcast_in_dim3A_2206 = vector.broadcast %reduce_sum3A_2205 : f32 to vector<16xf32>
      %select_n3A_2207 = arith.select %eq3A_2201, %broadcast_in_dim3A_2206, %select_n3A_2155 : vector<16xi1>, vector<16xf32>
      %slice3A_2208 = vector.extract_strided_slice %get3A_1991 {offsets = [4], sizes = [1], strides = [1]} : vector<16xi32> to vector<1xi32>
      %squeeze3A_2209 = vector.extract %slice3A_2208[0] : i32 from vector<1xi32>
      %and3A_2210 = arith.constant 7 : i32
      %and3A_2211 = arith.andi %squeeze3A_2209, %and3A_2210 : i32
      %add3A_2212 = arith.constant 32 : i32
      %add3A_2213 = arith.addi %add3A_2212, %and3A_2211 : i32
      %slice3A_2214 = vector.extract_strided_slice %get3A_1997 {offsets = [4], sizes = [1], strides = [1]} : vector<16xi32> to vector<1xi32>
      %squeeze3A_2215 = vector.extract %slice3A_2214[0] : i32 from vector<1xi32>
      %and3A_2216 = arith.constant 7 : i32
      %and3A_2217 = arith.andi %squeeze3A_2215, %and3A_2216 : i32
      %add3A_2218 = arith.constant 32 : i32
      %add3A_2219 = arith.addi %add3A_2218, %and3A_2217 : i32
      %get3A_2220 = arith.index_cast %add3A_2213 : i32 to index
      %get3A_2221 = arith.constant 0 : index
      %get3A_2222 = tpu.vector_load %arg11[%get3A_2220, %get3A_2221] {strides = array<i32>} : memref<128x64xf32, #tpu.memory_space<vmem>>, vector<16xf32>,
      %get3A_2223 = arith.index_cast %add3A_2219 : i32 to index
      %get3A_2224 = arith.constant 0 : index
      %get3A_2225 = tpu.vector_load %arg12[%get3A_2223, %get3A_2224] {strides = array<i32>} : memref<128x64xf32, #tpu.memory_space<vmem>>, vector<16xf32>,
      %mul3A_2226 = arith.mulf %get3A_2222, %get3A_2225 : vector<16xf32>
      %get3A_2227 = arith.index_cast %add3A_2213 : i32 to index
      %get3A_2228 = arith.constant 16 : index
      %get3A_2229 = tpu.vector_load %arg11[%get3A_2227, %get3A_2228] {strides = array<i32>} : memref<128x64xf32, #tpu.memory_space<vmem>>, vector<16xf32>,
      %get3A_2230 = arith.index_cast %add3A_2219 : i32 to index
      %get3A_2231 = arith.constant 16 : index
      %get3A_2232 = tpu.vector_load %arg12[%get3A_2230, %get3A_2231] {strides = array<i32>} : memref<128x64xf32, #tpu.memory_space<vmem>>, vector<16xf32>,
      %mul3A_2233 = arith.mulf %get3A_2229, %get3A_2232 : vector<16xf32>
      %add3A_2234 = arith.addf %mul3A_2226, %mul3A_2233 : vector<16xf32>
      %get3A_2235 = arith.index_cast %add3A_2213 : i32 to index
      %get3A_2236 = arith.constant 32 : index
      %get3A_2237 = tpu.vector_load %arg11[%get3A_2235, %get3A_2236] {strides = array<i32>} : memref<128x64xf32, #tpu.memory_space<vmem>>, vector<16xf32>,
      %get3A_2238 = arith.index_cast %add3A_2219 : i32 to index
      %get3A_2239 = arith.constant 32 : index
      %get3A_2240 = tpu.vector_load %arg12[%get3A_2238, %get3A_2239] {strides = array<i32>} : memref<128x64xf32, #tpu.memory_space<vmem>>, vector<16xf32>,
      %mul3A_2241 = arith.mulf %get3A_2237, %get3A_2240 : vector<16xf32>
      %add3A_2242 = arith.addf %add3A_2234, %mul3A_2241 : vector<16xf32>
      %get3A_2243 = arith.index_cast %add3A_2213 : i32 to index
      %get3A_2244 = arith.constant 48 : index
      %get3A_2245 = tpu.vector_load %arg11[%get3A_2243, %get3A_2244] {strides = array<i32>} : memref<128x64xf32, #tpu.memory_space<vmem>>, vector<16xf32>,
      %get3A_2246 = arith.index_cast %add3A_2219 : i32 to index
      %get3A_2247 = arith.constant 48 : index
      %get3A_2248 = tpu.vector_load %arg12[%get3A_2246, %get3A_2247] {strides = array<i32>} : memref<128x64xf32, #tpu.memory_space<vmem>>, vector<16xf32>,
      %mul3A_2249 = arith.mulf %get3A_2245, %get3A_2248 : vector<16xf32>
      %add3A_2250 = arith.addf %add3A_2242, %mul3A_2249 : vector<16xf32>
      %eq3A_2251 = arith.constant 4 : i32
      %eq3A_2252 = vector.broadcast %eq3A_2251 : i32 to vector<16xi32>
      %eq3A_2253 = arith.cmpi eq, %iota3A, %eq3A_2252 : vector<16xi32>
      %reduce_sum3A_2254 = arith.constant true
      %reduce_sum3A_2255 = vector.broadcast %reduce_sum3A_2254 : i1 to vector<16xi1>
      %reduce_sum3A_2256 = tpu.scan <sum>, %add3A_2250 masked %reduce_sum3A_2255 : vector<16xf32>, vector<16xi1> -> vector<16xf32>
      %reduce_sum3A_2257 = vector.extract %reduce_sum3A_2256[15] : f32 from vector<16xf32>
      %broadcast_in_dim3A_2258 = vector.broadcast %reduce_sum3A_2257 : f32 to vector<16xf32>
      %select_n3A_2259 = arith.select %eq3A_2253, %broadcast_in_dim3A_2258, %select_n3A_2207 : vector<16xi1>, vector<16xf32>
      %slice3A_2260 = vector.extract_strided_slice %get3A_1991 {offsets = [5], sizes = [1], strides = [1]} : vector<16xi32> to vector<1xi32>
      %squeeze3A_2261 = vector.extract %slice3A_2260[0] : i32 from vector<1xi32>
      %and3A_2262 = arith.constant 7 : i32
      %and3A_2263 = arith.andi %squeeze3A_2261, %and3A_2262 : i32
      %add3A_2264 = arith.constant 40 : i32
      %add3A_2265 = arith.addi %add3A_2264, %and3A_2263 : i32
      %slice3A_2266 = vector.extract_strided_slice %get3A_1997 {offsets = [5], sizes = [1], strides = [1]} : vector<16xi32> to vector<1xi32>
      %squeeze3A_2267 = vector.extract %slice3A_2266[0] : i32 from vector<1xi32>
      %and3A_2268 = arith.constant 7 : i32
      %and3A_2269 = arith.andi %squeeze3A_2267, %and3A_2268 : i32
      %add3A_2270 = arith.constant 40 : i32
      %add3A_2271 = arith.addi %add3A_2270, %and3A_2269 : i32
      %get3A_2272 = arith.index_cast %add3A_2265 : i32 to index
      %get3A_2273 = arith.constant 0 : index
      %get3A_2274 = tpu.vector_load %arg11[%get3A_2272, %get3A_2273] {strides = array<i32>} : memref<128x64xf32, #tpu.memory_space<vmem>>, vector<16xf32>,
      %get3A_2275 = arith.index_cast %add3A_2271 : i32 to index
      %get3A_2276 = arith.constant 0 : index
      %get3A_2277 = tpu.vector_load %arg12[%get3A_2275, %get3A_2276] {strides = array<i32>} : memref<128x64xf32, #tpu.memory_space<vmem>>, vector<16xf32>,
      %mul3A_2278 = arith.mulf %get3A_2274, %get3A_2277 : vector<16xf32>
      %get3A_2279 = arith.index_cast %add3A_2265 : i32 to index
      %get3A_2280 = arith.constant 16 : index
      %get3A_2281 = tpu.vector_load %arg11[%get3A_2279, %get3A_2280] {strides = array<i32>} : memref<128x64xf32, #tpu.memory_space<vmem>>, vector<16xf32>,
      %get3A_2282 = arith.index_cast %add3A_2271 : i32 to index
      %get3A_2283 = arith.constant 16 : index
      %get3A_2284 = tpu.vector_load %arg12[%get3A_2282, %get3A_2283] {strides = array<i32>} : memref<128x64xf32, #tpu.memory_space<vmem>>, vector<16xf32>,
      %mul3A_2285 = arith.mulf %get3A_2281, %get3A_2284 : vector<16xf32>
      %add3A_2286 = arith.addf %mul3A_2278, %mul3A_2285 : vector<16xf32>
      %get3A_2287 = arith.index_cast %add3A_2265 : i32 to index
      %get3A_2288 = arith.constant 32 : index
      %get3A_2289 = tpu.vector_load %arg11[%get3A_2287, %get3A_2288] {strides = array<i32>} : memref<128x64xf32, #tpu.memory_space<vmem>>, vector<16xf32>,
      %get3A_2290 = arith.index_cast %add3A_2271 : i32 to index
      %get3A_2291 = arith.constant 32 : index
      %get3A_2292 = tpu.vector_load %arg12[%get3A_2290, %get3A_2291] {strides = array<i32>} : memref<128x64xf32, #tpu.memory_space<vmem>>, vector<16xf32>,
      %mul3A_2293 = arith.mulf %get3A_2289, %get3A_2292 : vector<16xf32>
      %add3A_2294 = arith.addf %add3A_2286, %mul3A_2293 : vector<16xf32>
      %get3A_2295 = arith.index_cast %add3A_2265 : i32 to index
      %get3A_2296 = arith.constant 48 : index
      %get3A_2297 = tpu.vector_load %arg11[%get3A_2295, %get3A_2296] {strides = array<i32>} : memref<128x64xf32, #tpu.memory_space<vmem>>, vector<16xf32>,
      %get3A_2298 = arith.index_cast %add3A_2271 : i32 to index
      %get3A_2299 = arith.constant 48 : index
      %get3A_2300 = tpu.vector_load %arg12[%get3A_2298, %get3A_2299] {strides = array<i32>} : memref<128x64xf32, #tpu.memory_space<vmem>>, vector<16xf32>,
      %mul3A_2301 = arith.mulf %get3A_2297, %get3A_2300 : vector<16xf32>
      %add3A_2302 = arith.addf %add3A_2294, %mul3A_2301 : vector<16xf32>
      %eq3A_2303 = arith.constant 5 : i32
      %eq3A_2304 = vector.broadcast %eq3A_2303 : i32 to vector<16xi32>
      %eq3A_2305 = arith.cmpi eq, %iota3A, %eq3A_2304 : vector<16xi32>
      %reduce_sum3A_2306 = arith.constant true
      %reduce_sum3A_2307 = vector.broadcast %reduce_sum3A_2306 : i1 to vector<16xi1>
      %reduce_sum3A_2308 = tpu.scan <sum>, %add3A_2302 masked %reduce_sum3A_2307 : vector<16xf32>, vector<16xi1> -> vector<16xf32>
      %reduce_sum3A_2309 = vector.extract %reduce_sum3A_2308[15] : f32 from vector<16xf32>
      %broadcast_in_dim3A_2310 = vector.broadcast %reduce_sum3A_2309 : f32 to vector<16xf32>
      %select_n3A_2311 = arith.select %eq3A_2305, %broadcast_in_dim3A_2310, %select_n3A_2259 : vector<16xi1>, vector<16xf32>
      %slice3A_2312 = vector.extract_strided_slice %get3A_1991 {offsets = [6], sizes = [1], strides = [1]} : vector<16xi32> to vector<1xi32>
      %squeeze3A_2313 = vector.extract %slice3A_2312[0] : i32 from vector<1xi32>
      %and3A_2314 = arith.constant 7 : i32
      %and3A_2315 = arith.andi %squeeze3A_2313, %and3A_2314 : i32
      %add3A_2316 = arith.constant 48 : i32
      %add3A_2317 = arith.addi %add3A_2316, %and3A_2315 : i32
      %slice3A_2318 = vector.extract_strided_slice %get3A_1997 {offsets = [6], sizes = [1], strides = [1]} : vector<16xi32> to vector<1xi32>
      %squeeze3A_2319 = vector.extract %slice3A_2318[0] : i32 from vector<1xi32>
      %and3A_2320 = arith.constant 7 : i32
      %and3A_2321 = arith.andi %squeeze3A_2319, %and3A_2320 : i32
      %add3A_2322 = arith.constant 48 : i32
      %add3A_2323 = arith.addi %add3A_2322, %and3A_2321 : i32
      %get3A_2324 = arith.index_cast %add3A_2317 : i32 to index
      %get3A_2325 = arith.constant 0 : index
      %get3A_2326 = tpu.vector_load %arg11[%get3A_2324, %get3A_2325] {strides = array<i32>} : memref<128x64xf32, #tpu.memory_space<vmem>>, vector<16xf32>,
      %get3A_2327 = arith.index_cast %add3A_2323 : i32 to index
      %get3A_2328 = arith.constant 0 : index
      %get3A_2329 = tpu.vector_load %arg12[%get3A_2327, %get3A_2328] {strides = array<i32>} : memref<128x64xf32, #tpu.memory_space<vmem>>, vector<16xf32>,
      %mul3A_2330 = arith.mulf %get3A_2326, %get3A_2329 : vector<16xf32>
      %get3A_2331 = arith.index_cast %add3A_2317 : i32 to index
      %get3A_2332 = arith.constant 16 : index
      %get3A_2333 = tpu.vector_load %arg11[%get3A_2331, %get3A_2332] {strides = array<i32>} : memref<128x64xf32, #tpu.memory_space<vmem>>, vector<16xf32>,
      %get3A_2334 = arith.index_cast %add3A_2323 : i32 to index
      %get3A_2335 = arith.constant 16 : index
      %get3A_2336 = tpu.vector_load %arg12[%get3A_2334, %get3A_2335] {strides = array<i32>} : memref<128x64xf32, #tpu.memory_space<vmem>>, vector<16xf32>,
      %mul3A_2337 = arith.mulf %get3A_2333, %get3A_2336 : vector<16xf32>
      %add3A_2338 = arith.addf %mul3A_2330, %mul3A_2337 : vector<16xf32>
      %get3A_2339 = arith.index_cast %add3A_2317 : i32 to index
      %get3A_2340 = arith.constant 32 : index
      %get3A_2341 = tpu.vector_load %arg11[%get3A_2339, %get3A_2340] {strides = array<i32>} : memref<128x64xf32, #tpu.memory_space<vmem>>, vector<16xf32>,
      %get3A_2342 = arith.index_cast %add3A_2323 : i32 to index
      %get3A_2343 = arith.constant 32 : index
      %get3A_2344 = tpu.vector_load %arg12[%get3A_2342, %get3A_2343] {strides = array<i32>} : memref<128x64xf32, #tpu.memory_space<vmem>>, vector<16xf32>,
      %mul3A_2345 = arith.mulf %get3A_2341, %get3A_2344 : vector<16xf32>
      %add3A_2346 = arith.addf %add3A_2338, %mul3A_2345 : vector<16xf32>
      %get3A_2347 = arith.index_cast %add3A_2317 : i32 to index
      %get3A_2348 = arith.constant 48 : index
      %get3A_2349 = tpu.vector_load %arg11[%get3A_2347, %get3A_2348] {strides = array<i32>} : memref<128x64xf32, #tpu.memory_space<vmem>>, vector<16xf32>,
      %get3A_2350 = arith.index_cast %add3A_2323 : i32 to index
      %get3A_2351 = arith.constant 48 : index
      %get3A_2352 = tpu.vector_load %arg12[%get3A_2350, %get3A_2351] {strides = array<i32>} : memref<128x64xf32, #tpu.memory_space<vmem>>, vector<16xf32>,
      %mul3A_2353 = arith.mulf %get3A_2349, %get3A_2352 : vector<16xf32>
      %add3A_2354 = arith.addf %add3A_2346, %mul3A_2353 : vector<16xf32>
      %eq3A_2355 = arith.constant 6 : i32
      %eq3A_2356 = vector.broadcast %eq3A_2355 : i32 to vector<16xi32>
      %eq3A_2357 = arith.cmpi eq, %iota3A, %eq3A_2356 : vector<16xi32>
      %reduce_sum3A_2358 = arith.constant true
      %reduce_sum3A_2359 = vector.broadcast %reduce_sum3A_2358 : i1 to vector<16xi1>
      %reduce_sum3A_2360 = tpu.scan <sum>, %add3A_2354 masked %reduce_sum3A_2359 : vector<16xf32>, vector<16xi1> -> vector<16xf32>
      %reduce_sum3A_2361 = vector.extract %reduce_sum3A_2360[15] : f32 from vector<16xf32>
      %broadcast_in_dim3A_2362 = vector.broadcast %reduce_sum3A_2361 : f32 to vector<16xf32>
      %select_n3A_2363 = arith.select %eq3A_2357, %broadcast_in_dim3A_2362, %select_n3A_2311 : vector<16xi1>, vector<16xf32>
      %slice3A_2364 = vector.extract_strided_slice %get3A_1991 {offsets = [7], sizes = [1], strides = [1]} : vector<16xi32> to vector<1xi32>
      %squeeze3A_2365 = vector.extract %slice3A_2364[0] : i32 from vector<1xi32>
      %and3A_2366 = arith.constant 7 : i32
      %and3A_2367 = arith.andi %squeeze3A_2365, %and3A_2366 : i32
      %add3A_2368 = arith.constant 56 : i32
      %add3A_2369 = arith.addi %add3A_2368, %and3A_2367 : i32
      %slice3A_2370 = vector.extract_strided_slice %get3A_1997 {offsets = [7], sizes = [1], strides = [1]} : vector<16xi32> to vector<1xi32>
      %squeeze3A_2371 = vector.extract %slice3A_2370[0] : i32 from vector<1xi32>
      %and3A_2372 = arith.constant 7 : i32
      %and3A_2373 = arith.andi %squeeze3A_2371, %and3A_2372 : i32
      %add3A_2374 = arith.constant 56 : i32
      %add3A_2375 = arith.addi %add3A_2374, %and3A_2373 : i32
      %get3A_2376 = arith.index_cast %add3A_2369 : i32 to index
      %get3A_2377 = arith.constant 0 : index
      %get3A_2378 = tpu.vector_load %arg11[%get3A_2376, %get3A_2377] {strides = array<i32>} : memref<128x64xf32, #tpu.memory_space<vmem>>, vector<16xf32>,
      %get3A_2379 = arith.index_cast %add3A_2375 : i32 to index
      %get3A_2380 = arith.constant 0 : index
      %get3A_2381 = tpu.vector_load %arg12[%get3A_2379, %get3A_2380] {strides = array<i32>} : memref<128x64xf32, #tpu.memory_space<vmem>>, vector<16xf32>,
      %mul3A_2382 = arith.mulf %get3A_2378, %get3A_2381 : vector<16xf32>
      %get3A_2383 = arith.index_cast %add3A_2369 : i32 to index
      %get3A_2384 = arith.constant 16 : index
      %get3A_2385 = tpu.vector_load %arg11[%get3A_2383, %get3A_2384] {strides = array<i32>} : memref<128x64xf32, #tpu.memory_space<vmem>>, vector<16xf32>,
      %get3A_2386 = arith.index_cast %add3A_2375 : i32 to index
      %get3A_2387 = arith.constant 16 : index
      %get3A_2388 = tpu.vector_load %arg12[%get3A_2386, %get3A_2387] {strides = array<i32>} : memref<128x64xf32, #tpu.memory_space<vmem>>, vector<16xf32>,
      %mul3A_2389 = arith.mulf %get3A_2385, %get3A_2388 : vector<16xf32>
      %add3A_2390 = arith.addf %mul3A_2382, %mul3A_2389 : vector<16xf32>
      %get3A_2391 = arith.index_cast %add3A_2369 : i32 to index
      %get3A_2392 = arith.constant 32 : index
      %get3A_2393 = tpu.vector_load %arg11[%get3A_2391, %get3A_2392] {strides = array<i32>} : memref<128x64xf32, #tpu.memory_space<vmem>>, vector<16xf32>,
      %get3A_2394 = arith.index_cast %add3A_2375 : i32 to index
      %get3A_2395 = arith.constant 32 : index
      %get3A_2396 = tpu.vector_load %arg12[%get3A_2394, %get3A_2395] {strides = array<i32>} : memref<128x64xf32, #tpu.memory_space<vmem>>, vector<16xf32>,
      %mul3A_2397 = arith.mulf %get3A_2393, %get3A_2396 : vector<16xf32>
      %add3A_2398 = arith.addf %add3A_2390, %mul3A_2397 : vector<16xf32>
      %get3A_2399 = arith.index_cast %add3A_2369 : i32 to index
      %get3A_2400 = arith.constant 48 : index
      %get3A_2401 = tpu.vector_load %arg11[%get3A_2399, %get3A_2400] {strides = array<i32>} : memref<128x64xf32, #tpu.memory_space<vmem>>, vector<16xf32>,
      %get3A_2402 = arith.index_cast %add3A_2375 : i32 to index
      %get3A_2403 = arith.constant 48 : index
      %get3A_2404 = tpu.vector_load %arg12[%get3A_2402, %get3A_2403] {strides = array<i32>} : memref<128x64xf32, #tpu.memory_space<vmem>>, vector<16xf32>,
      %mul3A_2405 = arith.mulf %get3A_2401, %get3A_2404 : vector<16xf32>
      %add3A_2406 = arith.addf %add3A_2398, %mul3A_2405 : vector<16xf32>
      %eq3A_2407 = arith.constant 7 : i32
      %eq3A_2408 = vector.broadcast %eq3A_2407 : i32 to vector<16xi32>
      %eq3A_2409 = arith.cmpi eq, %iota3A, %eq3A_2408 : vector<16xi32>
      %reduce_sum3A_2410 = arith.constant true
      %reduce_sum3A_2411 = vector.broadcast %reduce_sum3A_2410 : i1 to vector<16xi1>
      %reduce_sum3A_2412 = tpu.scan <sum>, %add3A_2406 masked %reduce_sum3A_2411 : vector<16xf32>, vector<16xi1> -> vector<16xf32>
      %reduce_sum3A_2413 = vector.extract %reduce_sum3A_2412[15] : f32 from vector<16xf32>
      %broadcast_in_dim3A_2414 = vector.broadcast %reduce_sum3A_2413 : f32 to vector<16xf32>
      %select_n3A_2415 = arith.select %eq3A_2409, %broadcast_in_dim3A_2414, %select_n3A_2363 : vector<16xi1>, vector<16xf32>
      %slice3A_2416 = vector.extract_strided_slice %get3A_1991 {offsets = [8], sizes = [1], strides = [1]} : vector<16xi32> to vector<1xi32>
      %squeeze3A_2417 = vector.extract %slice3A_2416[0] : i32 from vector<1xi32>
      %and3A_2418 = arith.constant 7 : i32
      %and3A_2419 = arith.andi %squeeze3A_2417, %and3A_2418 : i32
      %add3A_2420 = arith.constant 64 : i32
      %add3A_2421 = arith.addi %add3A_2420, %and3A_2419 : i32
      %slice3A_2422 = vector.extract_strided_slice %get3A_1997 {offsets = [8], sizes = [1], strides = [1]} : vector<16xi32> to vector<1xi32>
      %squeeze3A_2423 = vector.extract %slice3A_2422[0] : i32 from vector<1xi32>
      %and3A_2424 = arith.constant 7 : i32
      %and3A_2425 = arith.andi %squeeze3A_2423, %and3A_2424 : i32
      %add3A_2426 = arith.constant 64 : i32
      %add3A_2427 = arith.addi %add3A_2426, %and3A_2425 : i32
      %get3A_2428 = arith.index_cast %add3A_2421 : i32 to index
      %get3A_2429 = arith.constant 0 : index
      %get3A_2430 = tpu.vector_load %arg11[%get3A_2428, %get3A_2429] {strides = array<i32>} : memref<128x64xf32, #tpu.memory_space<vmem>>, vector<16xf32>,
      %get3A_2431 = arith.index_cast %add3A_2427 : i32 to index
      %get3A_2432 = arith.constant 0 : index
      %get3A_2433 = tpu.vector_load %arg12[%get3A_2431, %get3A_2432] {strides = array<i32>} : memref<128x64xf32, #tpu.memory_space<vmem>>, vector<16xf32>,
      %mul3A_2434 = arith.mulf %get3A_2430, %get3A_2433 : vector<16xf32>
      %get3A_2435 = arith.index_cast %add3A_2421 : i32 to index
      %get3A_2436 = arith.constant 16 : index
      %get3A_2437 = tpu.vector_load %arg11[%get3A_2435, %get3A_2436] {strides = array<i32>} : memref<128x64xf32, #tpu.memory_space<vmem>>, vector<16xf32>,
      %get3A_2438 = arith.index_cast %add3A_2427 : i32 to index
      %get3A_2439 = arith.constant 16 : index
      %get3A_2440 = tpu.vector_load %arg12[%get3A_2438, %get3A_2439] {strides = array<i32>} : memref<128x64xf32, #tpu.memory_space<vmem>>, vector<16xf32>,
      %mul3A_2441 = arith.mulf %get3A_2437, %get3A_2440 : vector<16xf32>
      %add3A_2442 = arith.addf %mul3A_2434, %mul3A_2441 : vector<16xf32>
      %get3A_2443 = arith.index_cast %add3A_2421 : i32 to index
      %get3A_2444 = arith.constant 32 : index
      %get3A_2445 = tpu.vector_load %arg11[%get3A_2443, %get3A_2444] {strides = array<i32>} : memref<128x64xf32, #tpu.memory_space<vmem>>, vector<16xf32>,
      %get3A_2446 = arith.index_cast %add3A_2427 : i32 to index
      %get3A_2447 = arith.constant 32 : index
      %get3A_2448 = tpu.vector_load %arg12[%get3A_2446, %get3A_2447] {strides = array<i32>} : memref<128x64xf32, #tpu.memory_space<vmem>>, vector<16xf32>,
      %mul3A_2449 = arith.mulf %get3A_2445, %get3A_2448 : vector<16xf32>
      %add3A_2450 = arith.addf %add3A_2442, %mul3A_2449 : vector<16xf32>
      %get3A_2451 = arith.index_cast %add3A_2421 : i32 to index
      %get3A_2452 = arith.constant 48 : index
      %get3A_2453 = tpu.vector_load %arg11[%get3A_2451, %get3A_2452] {strides = array<i32>} : memref<128x64xf32, #tpu.memory_space<vmem>>, vector<16xf32>,
      %get3A_2454 = arith.index_cast %add3A_2427 : i32 to index
      %get3A_2455 = arith.constant 48 : index
      %get3A_2456 = tpu.vector_load %arg12[%get3A_2454, %get3A_2455] {strides = array<i32>} : memref<128x64xf32, #tpu.memory_space<vmem>>, vector<16xf32>,
      %mul3A_2457 = arith.mulf %get3A_2453, %get3A_2456 : vector<16xf32>
      %add3A_2458 = arith.addf %add3A_2450, %mul3A_2457 : vector<16xf32>
      %eq3A_2459 = arith.constant 8 : i32
      %eq3A_2460 = vector.broadcast %eq3A_2459 : i32 to vector<16xi32>
      %eq3A_2461 = arith.cmpi eq, %iota3A, %eq3A_2460 : vector<16xi32>
      %reduce_sum3A_2462 = arith.constant true
      %reduce_sum3A_2463 = vector.broadcast %reduce_sum3A_2462 : i1 to vector<16xi1>
      %reduce_sum3A_2464 = tpu.scan <sum>, %add3A_2458 masked %reduce_sum3A_2463 : vector<16xf32>, vector<16xi1> -> vector<16xf32>
      %reduce_sum3A_2465 = vector.extract %reduce_sum3A_2464[15] : f32 from vector<16xf32>
      %broadcast_in_dim3A_2466 = vector.broadcast %reduce_sum3A_2465 : f32 to vector<16xf32>
      %select_n3A_2467 = arith.select %eq3A_2461, %broadcast_in_dim3A_2466, %select_n3A_2415 : vector<16xi1>, vector<16xf32>
      %slice3A_2468 = vector.extract_strided_slice %get3A_1991 {offsets = [9], sizes = [1], strides = [1]} : vector<16xi32> to vector<1xi32>
      %squeeze3A_2469 = vector.extract %slice3A_2468[0] : i32 from vector<1xi32>
      %and3A_2470 = arith.constant 7 : i32
      %and3A_2471 = arith.andi %squeeze3A_2469, %and3A_2470 : i32
      %add3A_2472 = arith.constant 72 : i32
      %add3A_2473 = arith.addi %add3A_2472, %and3A_2471 : i32
      %slice3A_2474 = vector.extract_strided_slice %get3A_1997 {offsets = [9], sizes = [1], strides = [1]} : vector<16xi32> to vector<1xi32>
      %squeeze3A_2475 = vector.extract %slice3A_2474[0] : i32 from vector<1xi32>
      %and3A_2476 = arith.constant 7 : i32
      %and3A_2477 = arith.andi %squeeze3A_2475, %and3A_2476 : i32
      %add3A_2478 = arith.constant 72 : i32
      %add3A_2479 = arith.addi %add3A_2478, %and3A_2477 : i32
      %get3A_2480 = arith.index_cast %add3A_2473 : i32 to index
      %get3A_2481 = arith.constant 0 : index
      %get3A_2482 = tpu.vector_load %arg11[%get3A_2480, %get3A_2481] {strides = array<i32>} : memref<128x64xf32, #tpu.memory_space<vmem>>, vector<16xf32>,
      %get3A_2483 = arith.index_cast %add3A_2479 : i32 to index
      %get3A_2484 = arith.constant 0 : index
      %get3A_2485 = tpu.vector_load %arg12[%get3A_2483, %get3A_2484] {strides = array<i32>} : memref<128x64xf32, #tpu.memory_space<vmem>>, vector<16xf32>,
      %mul3A_2486 = arith.mulf %get3A_2482, %get3A_2485 : vector<16xf32>
      %get3A_2487 = arith.index_cast %add3A_2473 : i32 to index
      %get3A_2488 = arith.constant 16 : index
      %get3A_2489 = tpu.vector_load %arg11[%get3A_2487, %get3A_2488] {strides = array<i32>} : memref<128x64xf32, #tpu.memory_space<vmem>>, vector<16xf32>,
      %get3A_2490 = arith.index_cast %add3A_2479 : i32 to index
      %get3A_2491 = arith.constant 16 : index
      %get3A_2492 = tpu.vector_load %arg12[%get3A_2490, %get3A_2491] {strides = array<i32>} : memref<128x64xf32, #tpu.memory_space<vmem>>, vector<16xf32>,
      %mul3A_2493 = arith.mulf %get3A_2489, %get3A_2492 : vector<16xf32>
      %add3A_2494 = arith.addf %mul3A_2486, %mul3A_2493 : vector<16xf32>
      %get3A_2495 = arith.index_cast %add3A_2473 : i32 to index
      %get3A_2496 = arith.constant 32 : index
      %get3A_2497 = tpu.vector_load %arg11[%get3A_2495, %get3A_2496] {strides = array<i32>} : memref<128x64xf32, #tpu.memory_space<vmem>>, vector<16xf32>,
      %get3A_2498 = arith.index_cast %add3A_2479 : i32 to index
      %get3A_2499 = arith.constant 32 : index
      %get3A_2500 = tpu.vector_load %arg12[%get3A_2498, %get3A_2499] {strides = array<i32>} : memref<128x64xf32, #tpu.memory_space<vmem>>, vector<16xf32>,
      %mul3A_2501 = arith.mulf %get3A_2497, %get3A_2500 : vector<16xf32>
      %add3A_2502 = arith.addf %add3A_2494, %mul3A_2501 : vector<16xf32>
      %get3A_2503 = arith.index_cast %add3A_2473 : i32 to index
      %get3A_2504 = arith.constant 48 : index
      %get3A_2505 = tpu.vector_load %arg11[%get3A_2503, %get3A_2504] {strides = array<i32>} : memref<128x64xf32, #tpu.memory_space<vmem>>, vector<16xf32>,
      %get3A_2506 = arith.index_cast %add3A_2479 : i32 to index
      %get3A_2507 = arith.constant 48 : index
      %get3A_2508 = tpu.vector_load %arg12[%get3A_2506, %get3A_2507] {strides = array<i32>} : memref<128x64xf32, #tpu.memory_space<vmem>>, vector<16xf32>,
      %mul3A_2509 = arith.mulf %get3A_2505, %get3A_2508 : vector<16xf32>
      %add3A_2510 = arith.addf %add3A_2502, %mul3A_2509 : vector<16xf32>
      %eq3A_2511 = arith.constant 9 : i32
      %eq3A_2512 = vector.broadcast %eq3A_2511 : i32 to vector<16xi32>
      %eq3A_2513 = arith.cmpi eq, %iota3A, %eq3A_2512 : vector<16xi32>
      %reduce_sum3A_2514 = arith.constant true
      %reduce_sum3A_2515 = vector.broadcast %reduce_sum3A_2514 : i1 to vector<16xi1>
      %reduce_sum3A_2516 = tpu.scan <sum>, %add3A_2510 masked %reduce_sum3A_2515 : vector<16xf32>, vector<16xi1> -> vector<16xf32>
      %reduce_sum3A_2517 = vector.extract %reduce_sum3A_2516[15] : f32 from vector<16xf32>
      %broadcast_in_dim3A_2518 = vector.broadcast %reduce_sum3A_2517 : f32 to vector<16xf32>
      %select_n3A_2519 = arith.select %eq3A_2513, %broadcast_in_dim3A_2518, %select_n3A_2467 : vector<16xi1>, vector<16xf32>
      %slice3A_2520 = vector.extract_strided_slice %get3A_1991 {offsets = [10], sizes = [1], strides = [1]} : vector<16xi32> to vector<1xi32>
      %squeeze3A_2521 = vector.extract %slice3A_2520[0] : i32 from vector<1xi32>
      %and3A_2522 = arith.constant 7 : i32
      %and3A_2523 = arith.andi %squeeze3A_2521, %and3A_2522 : i32
      %add3A_2524 = arith.constant 80 : i32
      %add3A_2525 = arith.addi %add3A_2524, %and3A_2523 : i32
      %slice3A_2526 = vector.extract_strided_slice %get3A_1997 {offsets = [10], sizes = [1], strides = [1]} : vector<16xi32> to vector<1xi32>
      %squeeze3A_2527 = vector.extract %slice3A_2526[0] : i32 from vector<1xi32>
      %and3A_2528 = arith.constant 7 : i32
      %and3A_2529 = arith.andi %squeeze3A_2527, %and3A_2528 : i32
      %add3A_2530 = arith.constant 80 : i32
      %add3A_2531 = arith.addi %add3A_2530, %and3A_2529 : i32
      %get3A_2532 = arith.index_cast %add3A_2525 : i32 to index
      %get3A_2533 = arith.constant 0 : index
      %get3A_2534 = tpu.vector_load %arg11[%get3A_2532, %get3A_2533] {strides = array<i32>} : memref<128x64xf32, #tpu.memory_space<vmem>>, vector<16xf32>,
      %get3A_2535 = arith.index_cast %add3A_2531 : i32 to index
      %get3A_2536 = arith.constant 0 : index
      %get3A_2537 = tpu.vector_load %arg12[%get3A_2535, %get3A_2536] {strides = array<i32>} : memref<128x64xf32, #tpu.memory_space<vmem>>, vector<16xf32>,
      %mul3A_2538 = arith.mulf %get3A_2534, %get3A_2537 : vector<16xf32>
      %get3A_2539 = arith.index_cast %add3A_2525 : i32 to index
      %get3A_2540 = arith.constant 16 : index
      %get3A_2541 = tpu.vector_load %arg11[%get3A_2539, %get3A_2540] {strides = array<i32>} : memref<128x64xf32, #tpu.memory_space<vmem>>, vector<16xf32>,
      %get3A_2542 = arith.index_cast %add3A_2531 : i32 to index
      %get3A_2543 = arith.constant 16 : index
      %get3A_2544 = tpu.vector_load %arg12[%get3A_2542, %get3A_2543] {strides = array<i32>} : memref<128x64xf32, #tpu.memory_space<vmem>>, vector<16xf32>,
      %mul3A_2545 = arith.mulf %get3A_2541, %get3A_2544 : vector<16xf32>
      %add3A_2546 = arith.addf %mul3A_2538, %mul3A_2545 : vector<16xf32>
      %get3A_2547 = arith.index_cast %add3A_2525 : i32 to index
      %get3A_2548 = arith.constant 32 : index
      %get3A_2549 = tpu.vector_load %arg11[%get3A_2547, %get3A_2548] {strides = array<i32>} : memref<128x64xf32, #tpu.memory_space<vmem>>, vector<16xf32>,
      %get3A_2550 = arith.index_cast %add3A_2531 : i32 to index
      %get3A_2551 = arith.constant 32 : index
      %get3A_2552 = tpu.vector_load %arg12[%get3A_2550, %get3A_2551] {strides = array<i32>} : memref<128x64xf32, #tpu.memory_space<vmem>>, vector<16xf32>,
      %mul3A_2553 = arith.mulf %get3A_2549, %get3A_2552 : vector<16xf32>
      %add3A_2554 = arith.addf %add3A_2546, %mul3A_2553 : vector<16xf32>
      %get3A_2555 = arith.index_cast %add3A_2525 : i32 to index
      %get3A_2556 = arith.constant 48 : index
      %get3A_2557 = tpu.vector_load %arg11[%get3A_2555, %get3A_2556] {strides = array<i32>} : memref<128x64xf32, #tpu.memory_space<vmem>>, vector<16xf32>,
      %get3A_2558 = arith.index_cast %add3A_2531 : i32 to index
      %get3A_2559 = arith.constant 48 : index
      %get3A_2560 = tpu.vector_load %arg12[%get3A_2558, %get3A_2559] {strides = array<i32>} : memref<128x64xf32, #tpu.memory_space<vmem>>, vector<16xf32>,
      %mul3A_2561 = arith.mulf %get3A_2557, %get3A_2560 : vector<16xf32>
      %add3A_2562 = arith.addf %add3A_2554, %mul3A_2561 : vector<16xf32>
      %eq3A_2563 = arith.constant 10 : i32
      %eq3A_2564 = vector.broadcast %eq3A_2563 : i32 to vector<16xi32>
      %eq3A_2565 = arith.cmpi eq, %iota3A, %eq3A_2564 : vector<16xi32>
      %reduce_sum3A_2566 = arith.constant true
      %reduce_sum3A_2567 = vector.broadcast %reduce_sum3A_2566 : i1 to vector<16xi1>
      %reduce_sum3A_2568 = tpu.scan <sum>, %add3A_2562 masked %reduce_sum3A_2567 : vector<16xf32>, vector<16xi1> -> vector<16xf32>
      %reduce_sum3A_2569 = vector.extract %reduce_sum3A_2568[15] : f32 from vector<16xf32>
      %broadcast_in_dim3A_2570 = vector.broadcast %reduce_sum3A_2569 : f32 to vector<16xf32>
      %select_n3A_2571 = arith.select %eq3A_2565, %broadcast_in_dim3A_2570, %select_n3A_2519 : vector<16xi1>, vector<16xf32>
      %slice3A_2572 = vector.extract_strided_slice %get3A_1991 {offsets = [11], sizes = [1], strides = [1]} : vector<16xi32> to vector<1xi32>
      %squeeze3A_2573 = vector.extract %slice3A_2572[0] : i32 from vector<1xi32>
      %and3A_2574 = arith.constant 7 : i32
      %and3A_2575 = arith.andi %squeeze3A_2573, %and3A_2574 : i32
      %add3A_2576 = arith.constant 88 : i32
      %add3A_2577 = arith.addi %add3A_2576, %and3A_2575 : i32
      %slice3A_2578 = vector.extract_strided_slice %get3A_1997 {offsets = [11], sizes = [1], strides = [1]} : vector<16xi32> to vector<1xi32>
      %squeeze3A_2579 = vector.extract %slice3A_2578[0] : i32 from vector<1xi32>
      %and3A_2580 = arith.constant 7 : i32
      %and3A_2581 = arith.andi %squeeze3A_2579, %and3A_2580 : i32
      %add3A_2582 = arith.constant 88 : i32
      %add3A_2583 = arith.addi %add3A_2582, %and3A_2581 : i32
      %get3A_2584 = arith.index_cast %add3A_2577 : i32 to index
      %get3A_2585 = arith.constant 0 : index
      %get3A_2586 = tpu.vector_load %arg11[%get3A_2584, %get3A_2585] {strides = array<i32>} : memref<128x64xf32, #tpu.memory_space<vmem>>, vector<16xf32>,
      %get3A_2587 = arith.index_cast %add3A_2583 : i32 to index
      %get3A_2588 = arith.constant 0 : index
      %get3A_2589 = tpu.vector_load %arg12[%get3A_2587, %get3A_2588] {strides = array<i32>} : memref<128x64xf32, #tpu.memory_space<vmem>>, vector<16xf32>,
      %mul3A_2590 = arith.mulf %get3A_2586, %get3A_2589 : vector<16xf32>
      %get3A_2591 = arith.index_cast %add3A_2577 : i32 to index
      %get3A_2592 = arith.constant 16 : index
      %get3A_2593 = tpu.vector_load %arg11[%get3A_2591, %get3A_2592] {strides = array<i32>} : memref<128x64xf32, #tpu.memory_space<vmem>>, vector<16xf32>,
      %get3A_2594 = arith.index_cast %add3A_2583 : i32 to index
      %get3A_2595 = arith.constant 16 : index
      %get3A_2596 = tpu.vector_load %arg12[%get3A_2594, %get3A_2595] {strides = array<i32>} : memref<128x64xf32, #tpu.memory_space<vmem>>, vector<16xf32>,
      %mul3A_2597 = arith.mulf %get3A_2593, %get3A_2596 : vector<16xf32>
      %add3A_2598 = arith.addf %mul3A_2590, %mul3A_2597 : vector<16xf32>
      %get3A_2599 = arith.index_cast %add3A_2577 : i32 to index
      %get3A_2600 = arith.constant 32 : index
      %get3A_2601 = tpu.vector_load %arg11[%get3A_2599, %get3A_2600] {strides = array<i32>} : memref<128x64xf32, #tpu.memory_space<vmem>>, vector<16xf32>,
      %get3A_2602 = arith.index_cast %add3A_2583 : i32 to index
      %get3A_2603 = arith.constant 32 : index
      %get3A_2604 = tpu.vector_load %arg12[%get3A_2602, %get3A_2603] {strides = array<i32>} : memref<128x64xf32, #tpu.memory_space<vmem>>, vector<16xf32>,
      %mul3A_2605 = arith.mulf %get3A_2601, %get3A_2604 : vector<16xf32>
      %add3A_2606 = arith.addf %add3A_2598, %mul3A_2605 : vector<16xf32>
      %get3A_2607 = arith.index_cast %add3A_2577 : i32 to index
      %get3A_2608 = arith.constant 48 : index
      %get3A_2609 = tpu.vector_load %arg11[%get3A_2607, %get3A_2608] {strides = array<i32>} : memref<128x64xf32, #tpu.memory_space<vmem>>, vector<16xf32>,
      %get3A_2610 = arith.index_cast %add3A_2583 : i32 to index
      %get3A_2611 = arith.constant 48 : index
      %get3A_2612 = tpu.vector_load %arg12[%get3A_2610, %get3A_2611] {strides = array<i32>} : memref<128x64xf32, #tpu.memory_space<vmem>>, vector<16xf32>,
      %mul3A_2613 = arith.mulf %get3A_2609, %get3A_2612 : vector<16xf32>
      %add3A_2614 = arith.addf %add3A_2606, %mul3A_2613 : vector<16xf32>
      %eq3A_2615 = arith.constant 11 : i32
      %eq3A_2616 = vector.broadcast %eq3A_2615 : i32 to vector<16xi32>
      %eq3A_2617 = arith.cmpi eq, %iota3A, %eq3A_2616 : vector<16xi32>
      %reduce_sum3A_2618 = arith.constant true
      %reduce_sum3A_2619 = vector.broadcast %reduce_sum3A_2618 : i1 to vector<16xi1>
      %reduce_sum3A_2620 = tpu.scan <sum>, %add3A_2614 masked %reduce_sum3A_2619 : vector<16xf32>, vector<16xi1> -> vector<16xf32>
      %reduce_sum3A_2621 = vector.extract %reduce_sum3A_2620[15] : f32 from vector<16xf32>
      %broadcast_in_dim3A_2622 = vector.broadcast %reduce_sum3A_2621 : f32 to vector<16xf32>
      %select_n3A_2623 = arith.select %eq3A_2617, %broadcast_in_dim3A_2622, %select_n3A_2571 : vector<16xi1>, vector<16xf32>
      %slice3A_2624 = vector.extract_strided_slice %get3A_1991 {offsets = [12], sizes = [1], strides = [1]} : vector<16xi32> to vector<1xi32>
      %squeeze3A_2625 = vector.extract %slice3A_2624[0] : i32 from vector<1xi32>
      %and3A_2626 = arith.constant 7 : i32
      %and3A_2627 = arith.andi %squeeze3A_2625, %and3A_2626 : i32
      %add3A_2628 = arith.constant 96 : i32
      %add3A_2629 = arith.addi %add3A_2628, %and3A_2627 : i32
      %slice3A_2630 = vector.extract_strided_slice %get3A_1997 {offsets = [12], sizes = [1], strides = [1]} : vector<16xi32> to vector<1xi32>
      %squeeze3A_2631 = vector.extract %slice3A_2630[0] : i32 from vector<1xi32>
      %and3A_2632 = arith.constant 7 : i32
      %and3A_2633 = arith.andi %squeeze3A_2631, %and3A_2632 : i32
      %add3A_2634 = arith.constant 96 : i32
      %add3A_2635 = arith.addi %add3A_2634, %and3A_2633 : i32
      %get3A_2636 = arith.index_cast %add3A_2629 : i32 to index
      %get3A_2637 = arith.constant 0 : index
      %get3A_2638 = tpu.vector_load %arg11[%get3A_2636, %get3A_2637] {strides = array<i32>} : memref<128x64xf32, #tpu.memory_space<vmem>>, vector<16xf32>,
      %get3A_2639 = arith.index_cast %add3A_2635 : i32 to index
      %get3A_2640 = arith.constant 0 : index
      %get3A_2641 = tpu.vector_load %arg12[%get3A_2639, %get3A_2640] {strides = array<i32>} : memref<128x64xf32, #tpu.memory_space<vmem>>, vector<16xf32>,
      %mul3A_2642 = arith.mulf %get3A_2638, %get3A_2641 : vector<16xf32>
      %get3A_2643 = arith.index_cast %add3A_2629 : i32 to index
      %get3A_2644 = arith.constant 16 : index
      %get3A_2645 = tpu.vector_load %arg11[%get3A_2643, %get3A_2644] {strides = array<i32>} : memref<128x64xf32, #tpu.memory_space<vmem>>, vector<16xf32>,
      %get3A_2646 = arith.index_cast %add3A_2635 : i32 to index
      %get3A_2647 = arith.constant 16 : index
      %get3A_2648 = tpu.vector_load %arg12[%get3A_2646, %get3A_2647] {strides = array<i32>} : memref<128x64xf32, #tpu.memory_space<vmem>>, vector<16xf32>,
      %mul3A_2649 = arith.mulf %get3A_2645, %get3A_2648 : vector<16xf32>
      %add3A_2650 = arith.addf %mul3A_2642, %mul3A_2649 : vector<16xf32>
      %get3A_2651 = arith.index_cast %add3A_2629 : i32 to index
      %get3A_2652 = arith.constant 32 : index
      %get3A_2653 = tpu.vector_load %arg11[%get3A_2651, %get3A_2652] {strides = array<i32>} : memref<128x64xf32, #tpu.memory_space<vmem>>, vector<16xf32>,
      %get3A_2654 = arith.index_cast %add3A_2635 : i32 to index
      %get3A_2655 = arith.constant 32 : index
      %get3A_2656 = tpu.vector_load %arg12[%get3A_2654, %get3A_2655] {strides = array<i32>} : memref<128x64xf32, #tpu.memory_space<vmem>>, vector<16xf32>,
      %mul3A_2657 = arith.mulf %get3A_2653, %get3A_2656 : vector<16xf32>
      %add3A_2658 = arith.addf %add3A_2650, %mul3A_2657 : vector<16xf32>
      %get3A_2659 = arith.index_cast %add3A_2629 : i32 to index
      %get3A_2660 = arith.constant 48 : index
      %get3A_2661 = tpu.vector_load %arg11[%get3A_2659, %get3A_2660] {strides = array<i32>} : memref<128x64xf32, #tpu.memory_space<vmem>>, vector<16xf32>,
      %get3A_2662 = arith.index_cast %add3A_2635 : i32 to index
      %get3A_2663 = arith.constant 48 : index
      %get3A_2664 = tpu.vector_load %arg12[%get3A_2662, %get3A_2663] {strides = array<i32>} : memref<128x64xf32, #tpu.memory_space<vmem>>, vector<16xf32>,
      %mul3A_2665 = arith.mulf %get3A_2661, %get3A_2664 : vector<16xf32>
      %add3A_2666 = arith.addf %add3A_2658, %mul3A_2665 : vector<16xf32>
      %eq3A_2667 = arith.constant 12 : i32
      %eq3A_2668 = vector.broadcast %eq3A_2667 : i32 to vector<16xi32>
      %eq3A_2669 = arith.cmpi eq, %iota3A, %eq3A_2668 : vector<16xi32>
      %reduce_sum3A_2670 = arith.constant true
      %reduce_sum3A_2671 = vector.broadcast %reduce_sum3A_2670 : i1 to vector<16xi1>
      %reduce_sum3A_2672 = tpu.scan <sum>, %add3A_2666 masked %reduce_sum3A_2671 : vector<16xf32>, vector<16xi1> -> vector<16xf32>
      %reduce_sum3A_2673 = vector.extract %reduce_sum3A_2672[15] : f32 from vector<16xf32>
      %broadcast_in_dim3A_2674 = vector.broadcast %reduce_sum3A_2673 : f32 to vector<16xf32>
      %select_n3A_2675 = arith.select %eq3A_2669, %broadcast_in_dim3A_2674, %select_n3A_2623 : vector<16xi1>, vector<16xf32>
      %slice3A_2676 = vector.extract_strided_slice %get3A_1991 {offsets = [13], sizes = [1], strides = [1]} : vector<16xi32> to vector<1xi32>
      %squeeze3A_2677 = vector.extract %slice3A_2676[0] : i32 from vector<1xi32>
      %and3A_2678 = arith.constant 7 : i32
      %and3A_2679 = arith.andi %squeeze3A_2677, %and3A_2678 : i32
      %add3A_2680 = arith.constant 104 : i32
      %add3A_2681 = arith.addi %add3A_2680, %and3A_2679 : i32
      %slice3A_2682 = vector.extract_strided_slice %get3A_1997 {offsets = [13], sizes = [1], strides = [1]} : vector<16xi32> to vector<1xi32>
      %squeeze3A_2683 = vector.extract %slice3A_2682[0] : i32 from vector<1xi32>
      %and3A_2684 = arith.constant 7 : i32
      %and3A_2685 = arith.andi %squeeze3A_2683, %and3A_2684 : i32
      %add3A_2686 = arith.constant 104 : i32
      %add3A_2687 = arith.addi %add3A_2686, %and3A_2685 : i32
      %get3A_2688 = arith.index_cast %add3A_2681 : i32 to index
      %get3A_2689 = arith.constant 0 : index
      %get3A_2690 = tpu.vector_load %arg11[%get3A_2688, %get3A_2689] {strides = array<i32>} : memref<128x64xf32, #tpu.memory_space<vmem>>, vector<16xf32>,
      %get3A_2691 = arith.index_cast %add3A_2687 : i32 to index
      %get3A_2692 = arith.constant 0 : index
      %get3A_2693 = tpu.vector_load %arg12[%get3A_2691, %get3A_2692] {strides = array<i32>} : memref<128x64xf32, #tpu.memory_space<vmem>>, vector<16xf32>,
      %mul3A_2694 = arith.mulf %get3A_2690, %get3A_2693 : vector<16xf32>
      %get3A_2695 = arith.index_cast %add3A_2681 : i32 to index
      %get3A_2696 = arith.constant 16 : index
      %get3A_2697 = tpu.vector_load %arg11[%get3A_2695, %get3A_2696] {strides = array<i32>} : memref<128x64xf32, #tpu.memory_space<vmem>>, vector<16xf32>,
      %get3A_2698 = arith.index_cast %add3A_2687 : i32 to index
      %get3A_2699 = arith.constant 16 : index
      %get3A_2700 = tpu.vector_load %arg12[%get3A_2698, %get3A_2699] {strides = array<i32>} : memref<128x64xf32, #tpu.memory_space<vmem>>, vector<16xf32>,
      %mul3A_2701 = arith.mulf %get3A_2697, %get3A_2700 : vector<16xf32>
      %add3A_2702 = arith.addf %mul3A_2694, %mul3A_2701 : vector<16xf32>
      %get3A_2703 = arith.index_cast %add3A_2681 : i32 to index
      %get3A_2704 = arith.constant 32 : index
      %get3A_2705 = tpu.vector_load %arg11[%get3A_2703, %get3A_2704] {strides = array<i32>} : memref<128x64xf32, #tpu.memory_space<vmem>>, vector<16xf32>,
      %get3A_2706 = arith.index_cast %add3A_2687 : i32 to index
      %get3A_2707 = arith.constant 32 : index
      %get3A_2708 = tpu.vector_load %arg12[%get3A_2706, %get3A_2707] {strides = array<i32>} : memref<128x64xf32, #tpu.memory_space<vmem>>, vector<16xf32>,
      %mul3A_2709 = arith.mulf %get3A_2705, %get3A_2708 : vector<16xf32>
      %add3A_2710 = arith.addf %add3A_2702, %mul3A_2709 : vector<16xf32>
      %get3A_2711 = arith.index_cast %add3A_2681 : i32 to index
      %get3A_2712 = arith.constant 48 : index
      %get3A_2713 = tpu.vector_load %arg11[%get3A_2711, %get3A_2712] {strides = array<i32>} : memref<128x64xf32, #tpu.memory_space<vmem>>, vector<16xf32>,
      %get3A_2714 = arith.index_cast %add3A_2687 : i32 to index
      %get3A_2715 = arith.constant 48 : index
      %get3A_2716 = tpu.vector_load %arg12[%get3A_2714, %get3A_2715] {strides = array<i32>} : memref<128x64xf32, #tpu.memory_space<vmem>>, vector<16xf32>,
      %mul3A_2717 = arith.mulf %get3A_2713, %get3A_2716 : vector<16xf32>
      %add3A_2718 = arith.addf %add3A_2710, %mul3A_2717 : vector<16xf32>
      %eq3A_2719 = arith.constant 13 : i32
      %eq3A_2720 = vector.broadcast %eq3A_2719 : i32 to vector<16xi32>
      %eq3A_2721 = arith.cmpi eq, %iota3A, %eq3A_2720 : vector<16xi32>
      %reduce_sum3A_2722 = arith.constant true
      %reduce_sum3A_2723 = vector.broadcast %reduce_sum3A_2722 : i1 to vector<16xi1>
      %reduce_sum3A_2724 = tpu.scan <sum>, %add3A_2718 masked %reduce_sum3A_2723 : vector<16xf32>, vector<16xi1> -> vector<16xf32>
      %reduce_sum3A_2725 = vector.extract %reduce_sum3A_2724[15] : f32 from vector<16xf32>
      %broadcast_in_dim3A_2726 = vector.broadcast %reduce_sum3A_2725 : f32 to vector<16xf32>
      %select_n3A_2727 = arith.select %eq3A_2721, %broadcast_in_dim3A_2726, %select_n3A_2675 : vector<16xi1>, vector<16xf32>
      %slice3A_2728 = vector.extract_strided_slice %get3A_1991 {offsets = [14], sizes = [1], strides = [1]} : vector<16xi32> to vector<1xi32>
      %squeeze3A_2729 = vector.extract %slice3A_2728[0] : i32 from vector<1xi32>
      %and3A_2730 = arith.constant 7 : i32
      %and3A_2731 = arith.andi %squeeze3A_2729, %and3A_2730 : i32
      %add3A_2732 = arith.constant 112 : i32
      %add3A_2733 = arith.addi %add3A_2732, %and3A_2731 : i32
      %slice3A_2734 = vector.extract_strided_slice %get3A_1997 {offsets = [14], sizes = [1], strides = [1]} : vector<16xi32> to vector<1xi32>
      %squeeze3A_2735 = vector.extract %slice3A_2734[0] : i32 from vector<1xi32>
      %and3A_2736 = arith.constant 7 : i32
      %and3A_2737 = arith.andi %squeeze3A_2735, %and3A_2736 : i32
      %add3A_2738 = arith.constant 112 : i32
      %add3A_2739 = arith.addi %add3A_2738, %and3A_2737 : i32
      %get3A_2740 = arith.index_cast %add3A_2733 : i32 to index
      %get3A_2741 = arith.constant 0 : index
      %get3A_2742 = tpu.vector_load %arg11[%get3A_2740, %get3A_2741] {strides = array<i32>} : memref<128x64xf32, #tpu.memory_space<vmem>>, vector<16xf32>,
      %get3A_2743 = arith.index_cast %add3A_2739 : i32 to index
      %get3A_2744 = arith.constant 0 : index
      %get3A_2745 = tpu.vector_load %arg12[%get3A_2743, %get3A_2744] {strides = array<i32>} : memref<128x64xf32, #tpu.memory_space<vmem>>, vector<16xf32>,
      %mul3A_2746 = arith.mulf %get3A_2742, %get3A_2745 : vector<16xf32>
      %get3A_2747 = arith.index_cast %add3A_2733 : i32 to index
      %get3A_2748 = arith.constant 16 : index
      %get3A_2749 = tpu.vector_load %arg11[%get3A_2747, %get3A_2748] {strides = array<i32>} : memref<128x64xf32, #tpu.memory_space<vmem>>, vector<16xf32>,
      %get3A_2750 = arith.index_cast %add3A_2739 : i32 to index
      %get3A_2751 = arith.constant 16 : index
      %get3A_2752 = tpu.vector_load %arg12[%get3A_2750, %get3A_2751] {strides = array<i32>} : memref<128x64xf32, #tpu.memory_space<vmem>>, vector<16xf32>,
      %mul3A_2753 = arith.mulf %get3A_2749, %get3A_2752 : vector<16xf32>
      %add3A_2754 = arith.addf %mul3A_2746, %mul3A_2753 : vector<16xf32>
      %get3A_2755 = arith.index_cast %add3A_2733 : i32 to index
      %get3A_2756 = arith.constant 32 : index
      %get3A_2757 = tpu.vector_load %arg11[%get3A_2755, %get3A_2756] {strides = array<i32>} : memref<128x64xf32, #tpu.memory_space<vmem>>, vector<16xf32>,
      %get3A_2758 = arith.index_cast %add3A_2739 : i32 to index
      %get3A_2759 = arith.constant 32 : index
      %get3A_2760 = tpu.vector_load %arg12[%get3A_2758, %get3A_2759] {strides = array<i32>} : memref<128x64xf32, #tpu.memory_space<vmem>>, vector<16xf32>,
      %mul3A_2761 = arith.mulf %get3A_2757, %get3A_2760 : vector<16xf32>
      %add3A_2762 = arith.addf %add3A_2754, %mul3A_2761 : vector<16xf32>
      %get3A_2763 = arith.index_cast %add3A_2733 : i32 to index
      %get3A_2764 = arith.constant 48 : index
      %get3A_2765 = tpu.vector_load %arg11[%get3A_2763, %get3A_2764] {strides = array<i32>} : memref<128x64xf32, #tpu.memory_space<vmem>>, vector<16xf32>,
      %get3A_2766 = arith.index_cast %add3A_2739 : i32 to index
      %get3A_2767 = arith.constant 48 : index
      %get3A_2768 = tpu.vector_load %arg12[%get3A_2766, %get3A_2767] {strides = array<i32>} : memref<128x64xf32, #tpu.memory_space<vmem>>, vector<16xf32>,
      %mul3A_2769 = arith.mulf %get3A_2765, %get3A_2768 : vector<16xf32>
      %add3A_2770 = arith.addf %add3A_2762, %mul3A_2769 : vector<16xf32>
      %eq3A_2771 = arith.constant 14 : i32
      %eq3A_2772 = vector.broadcast %eq3A_2771 : i32 to vector<16xi32>
      %eq3A_2773 = arith.cmpi eq, %iota3A, %eq3A_2772 : vector<16xi32>
      %reduce_sum3A_2774 = arith.constant true
      %reduce_sum3A_2775 = vector.broadcast %reduce_sum3A_2774 : i1 to vector<16xi1>
      %reduce_sum3A_2776 = tpu.scan <sum>, %add3A_2770 masked %reduce_sum3A_2775 : vector<16xf32>, vector<16xi1> -> vector<16xf32>
      %reduce_sum3A_2777 = vector.extract %reduce_sum3A_2776[15] : f32 from vector<16xf32>
      %broadcast_in_dim3A_2778 = vector.broadcast %reduce_sum3A_2777 : f32 to vector<16xf32>
      %select_n3A_2779 = arith.select %eq3A_2773, %broadcast_in_dim3A_2778, %select_n3A_2727 : vector<16xi1>, vector<16xf32>
      %slice3A_2780 = vector.extract_strided_slice %get3A_1991 {offsets = [15], sizes = [1], strides = [1]} : vector<16xi32> to vector<1xi32>
      %squeeze3A_2781 = vector.extract %slice3A_2780[0] : i32 from vector<1xi32>
      %and3A_2782 = arith.constant 7 : i32
      %and3A_2783 = arith.andi %squeeze3A_2781, %and3A_2782 : i32
      %add3A_2784 = arith.constant 120 : i32
      %add3A_2785 = arith.addi %add3A_2784, %and3A_2783 : i32
      %slice3A_2786 = vector.extract_strided_slice %get3A_1997 {offsets = [15], sizes = [1], strides = [1]} : vector<16xi32> to vector<1xi32>
      %squeeze3A_2787 = vector.extract %slice3A_2786[0] : i32 from vector<1xi32>
      %and3A_2788 = arith.constant 7 : i32
      %and3A_2789 = arith.andi %squeeze3A_2787, %and3A_2788 : i32
      %add3A_2790 = arith.constant 120 : i32
      %add3A_2791 = arith.addi %add3A_2790, %and3A_2789 : i32
      %get3A_2792 = arith.index_cast %add3A_2785 : i32 to index
      %get3A_2793 = arith.constant 0 : index
      %get3A_2794 = tpu.vector_load %arg11[%get3A_2792, %get3A_2793] {strides = array<i32>} : memref<128x64xf32, #tpu.memory_space<vmem>>, vector<16xf32>,
      %get3A_2795 = arith.index_cast %add3A_2791 : i32 to index
      %get3A_2796 = arith.constant 0 : index
      %get3A_2797 = tpu.vector_load %arg12[%get3A_2795, %get3A_2796] {strides = array<i32>} : memref<128x64xf32, #tpu.memory_space<vmem>>, vector<16xf32>,
      %mul3A_2798 = arith.mulf %get3A_2794, %get3A_2797 : vector<16xf32>
      %get3A_2799 = arith.index_cast %add3A_2785 : i32 to index
      %get3A_2800 = arith.constant 16 : index
      %get3A_2801 = tpu.vector_load %arg11[%get3A_2799, %get3A_2800] {strides = array<i32>} : memref<128x64xf32, #tpu.memory_space<vmem>>, vector<16xf32>,
      %get3A_2802 = arith.index_cast %add3A_2791 : i32 to index
      %get3A_2803 = arith.constant 16 : index
      %get3A_2804 = tpu.vector_load %arg12[%get3A_2802, %get3A_2803] {strides = array<i32>} : memref<128x64xf32, #tpu.memory_space<vmem>>, vector<16xf32>,
      %mul3A_2805 = arith.mulf %get3A_2801, %get3A_2804 : vector<16xf32>
      %add3A_2806 = arith.addf %mul3A_2798, %mul3A_2805 : vector<16xf32>
      %get3A_2807 = arith.index_cast %add3A_2785 : i32 to index
      %get3A_2808 = arith.constant 32 : index
      %get3A_2809 = tpu.vector_load %arg11[%get3A_2807, %get3A_2808] {strides = array<i32>} : memref<128x64xf32, #tpu.memory_space<vmem>>, vector<16xf32>,
      %get3A_2810 = arith.index_cast %add3A_2791 : i32 to index
      %get3A_2811 = arith.constant 32 : index
      %get3A_2812 = tpu.vector_load %arg12[%get3A_2810, %get3A_2811] {strides = array<i32>} : memref<128x64xf32, #tpu.memory_space<vmem>>, vector<16xf32>,
      %mul3A_2813 = arith.mulf %get3A_2809, %get3A_2812 : vector<16xf32>
      %add3A_2814 = arith.addf %add3A_2806, %mul3A_2813 : vector<16xf32>
      %get3A_2815 = arith.index_cast %add3A_2785 : i32 to index
      %get3A_2816 = arith.constant 48 : index
      %get3A_2817 = tpu.vector_load %arg11[%get3A_2815, %get3A_2816] {strides = array<i32>} : memref<128x64xf32, #tpu.memory_space<vmem>>, vector<16xf32>,
      %get3A_2818 = arith.index_cast %add3A_2791 : i32 to index
      %get3A_2819 = arith.constant 48 : index
      %get3A_2820 = tpu.vector_load %arg12[%get3A_2818, %get3A_2819] {strides = array<i32>} : memref<128x64xf32, #tpu.memory_space<vmem>>, vector<16xf32>,
      %mul3A_2821 = arith.mulf %get3A_2817, %get3A_2820 : vector<16xf32>
      %add3A_2822 = arith.addf %add3A_2814, %mul3A_2821 : vector<16xf32>
      %eq3A_2823 = arith.constant 15 : i32
      %eq3A_2824 = vector.broadcast %eq3A_2823 : i32 to vector<16xi32>
      %eq3A_2825 = arith.cmpi eq, %iota3A, %eq3A_2824 : vector<16xi32>
      %reduce_sum3A_2826 = arith.constant true
      %reduce_sum3A_2827 = vector.broadcast %reduce_sum3A_2826 : i1 to vector<16xi1>
      %reduce_sum3A_2828 = tpu.scan <sum>, %add3A_2822 masked %reduce_sum3A_2827 : vector<16xf32>, vector<16xi1> -> vector<16xf32>
      %reduce_sum3A_2829 = vector.extract %reduce_sum3A_2828[15] : f32 from vector<16xf32>
      %broadcast_in_dim3A_2830 = vector.broadcast %reduce_sum3A_2829 : f32 to vector<16xf32>
      %select_n3A_2831 = arith.select %eq3A_2825, %broadcast_in_dim3A_2830, %select_n3A_2779 : vector<16xi1>, vector<16xf32>
      %mul3A_2832 = arith.constant 16 : i32
      %mul3A_2833 = arith.muli %add3A_1985, %mul3A_2832 : i32
      %swap3A_2834 = arith.index_cast %mul3A_2833 : i32 to index
      %swap3A_2835 = tpu.vector_load %arg13[%swap3A_2834] {strides = array<i32>} : memref<512xf32, #tpu.memory_space<vmem>>, vector<16xf32>,
      tpu.vector_store %arg13[%swap3A_2834], %select_n3A_2831 {strides = array<i32>} : memref<512xf32, #tpu.memory_space<vmem>>, vector<16xf32>,
    }
    %scan3A_553 = arith.constant 16 : i32
    "tpu.region"() ({
      %run_scoped3A = tpu.sem_alloc : memref<!tpu.dma_semaphore, #tpu.memory_space<semaphore_mem>>
      %dma_start3A_554 = tpu.memref_slice %arg6[%mul3A_2] : memref<16384xf32, #tpu.memory_space<hbm>> -> memref<512xf32, #tpu.memory_space<hbm>>
      %dma_start3A_555 = tpu.memref_slice %arg6[%mul3A_2] : memref<16384xf32, #tpu.memory_space<hbm>> -> memref<512xf32, #tpu.memory_space<hbm>>
      tpu.enqueue_dma source(%arg13 : memref<512xf32, #tpu.memory_space<vmem>>) target(%dma_start3A_555 : memref<512xf32, #tpu.memory_space<hbm>>) target_semaphore(%run_scoped3A : memref<!tpu.dma_semaphore, #tpu.memory_space<semaphore_mem>>)
      %dma_wait3A = tpu.memref_slice %arg6[%mul3A_2] : memref<16384xf32, #tpu.memory_space<hbm>> -> memref<512xf32, #tpu.memory_space<hbm>>
      %dma_wait3A_556 = tpu.memref_slice %arg6[%mul3A_2] : memref<16384xf32, #tpu.memory_space<hbm>> -> memref<512xf32, #tpu.memory_space<hbm>>
      tpu.wait_dma2 semaphore(%run_scoped3A : memref<!tpu.dma_semaphore, #tpu.memory_space<semaphore_mem>>) src(%arg13 : memref<512xf32, #tpu.memory_space<vmem>>) dst(%dma_wait3A_556 : memref<512xf32, #tpu.memory_space<hbm>>)
      tpu.yield
    }) : () -> ()
    return
  }
}

</mosaic_0001>

<sc_bundles>
// kernel: kernel.3.cloned.1.call-start
scs
__scs_entry_jumppad:
0x0: {  	(pc) =	sbr.rel $0x88, $3  }
0x1: {  	(tag) =	ssettag $0x0;
	lr =	simm.s32 $0x1  }
0x2: {  	[smem:$0x3F9D] =	sst lr;
	_ =	strace $0xD0000000  }
0x3: {  	_ = 	snop  }
0x4: {  	_ = 	snop  }
0x5: {  	_ = 	snop  }
0x6: {  	_ = 	snop  }
0x7: {  	_ = 	snop  }
__scs_overlays_trampoline_lowered:
0x8: {  	[smem:$0x3FAC] =	sst s0  }
0x9: {  	[smem:$0x3FAD] =	sst s1  }
0xa: {  	[smem:$0x3FAE] =	sst s2  }
0xb: {  	[smem:$0x3FAF] =	sst s3  }
0xc: {  	[smem:$0x3FB0] =	sst s4  }
0xd: {  	[smem:$0x3FB1] =	sst s5  }
0xe: {  	[smem:$0x3FB2] =	sst s6  }
0xf: {  	[smem:$0x3FB3] =	sst s7  }
0x10: {  	[smem:$0x3FB4] =	sst s8  }
0x11: {  	[smem:$0x3FB5] =	sst s9;
	s0 =	simm.s32 @!p0 $0x0  }
0x12: {  	s1 =	sld [smem:$0x3F9B];
	s0 =	simm.s32 @p0 $0x1  }
0x13: {  	[smem:$0x3FB6] =	sst s0;
	s0 =	simm.s32 @!p1 $0x0  }
0x14: {  	s2 =	sld [smem:$0x3F9A];
	s0 =	simm.s32 @p1 $0x1  }
0x15: {  	[smem:$0x3FB7] =	sst s0;
	s0 =	simm.s32 @!p2 $0x0  }
0x16: {  	s3 =	sld [smem:$0x3FDB];
	s0 =	simm.s32 @p2 $0x1  }
0x17: {  	s4 =	simm.s32 $0x1BF5;
	[smem:$0x3FB9] =	sst s0  }
0x18: {  	s0 =	sld [smem:$0x3F9C];
	_ =	swait.ge [sflag:s4], $0x0  }
0x19: {  	s7 =	sld [smem:$0x3F9D]  }
0x1a: {  	s8 =	sadd.s32 $0xFFFFE003, lr  }
0x1b: {  	s9 =	sadd.s32 $0xFFFFFEF7, lr;
	s5 =	simm.s32 $0xFFFFFFFF;
	p2 =	slt.u32 s8, $0xFFFFF086  }
0x1c: {  	p1 =	slt.u32 s9, $0xF7A;
	s5 =	simm.s32 @!p2 $0x0  }
0x1d: {  	s5 =	simm.s32 @p1 $0x1;
	p0 =	seq.s32 s7, s2  }
0x1e: {  	s7 =	smul.u32 @!p0 $0xF7A, s2;
	p2 =	seq.s32 @!p0 s5, $0x0  }
0x1f: {  	s9 =	smul.u32 $0xF7A, s1;
	s8 =	simm.s32 @!p0 $0x1BF5;
	p2 =	por !p2, p0  }
0x20: {  	[sflag:s8] =	ssyncset.s32 @!p0 $0xFFFFF086;
	s6 =	sadd.s32 @!p0 s3, s7;
	s7 =	simm.s32 @!p0 $0x108  }
0x21: {  	s3 =	sadd.s32 s3, s9;
	s6 =	sadd.s32 @!p0 $0x88, s6;
	s7 =	simm.s32 @p2 $0x1082  }
0x22: {  	[simem:s7], [sflag:s8] =	dma.local @!p0 [hbm:s6], $0xF7A  }
0x23: {  	s9 =	sor.u32 $0xD0000000, s2;
	s6 =	simm.s32 $0x108;
	_ =	swait.ge @!p0 [sflag:s8], $0x0  }
0x24: {  	s3 =	sadd.s32 $0x88, s3;
	s6 =	simm.s32 @!p1 $0x1082;
	[sflag:s4] =	ssyncset.s32 $0xFFFFF086  }
0x25: {  	[simem:s6], [sflag:s4] =	dma.local [hbm:s3], $0xF7A  }
0x26: {  	[smem:$0x3F9D] =	sst s1;
	(tag) =	ssettag s2;
	_ =	strace s9  }
0x27: {  	s1 =	sld [smem:$0x3FAD]  }
0x28: {  	s2 =	sld [smem:$0x3FAE]  }
0x29: {  	s4 =	sld [smem:$0x3FB0]  }
0x2a: {  	p0 =	seq.s32 s5, $0x0;
	s5 =	sld [smem:$0x3FB1]  }
0x2b: {  	s6 =	sld [smem:$0x3FB2]  }
0x2c: {  	s7 =	sld [smem:$0x3FB3]  }
0x2d: {  	s3 =	simm.s32 $0x108;
	s8 =	sld [smem:$0x3FB4]  }
0x2e: {  	s3 =	simm.s32 @!p0 $0x1082;
	s9 =	sld [smem:$0x3FB5]  }
0x2f: {  	lr =	sadd.s32 s0, s3;
	s0 =	sld [smem:$0x3FAC]  }
0x30: {  	s3 =	sld [smem:$0x3FAF]  }
0x31: {  	[smem:$0x3FB8] =	sst s10  }
0x32: {  	s10 =	sld [smem:$0x3FB6];
	_ =	sdelay $0x3  }
0x33: {  	p0 =	seq.s32 s10, $0x1;
	s10 =	sld [smem:$0x3FB8];
	_ =	sdelay $0x3  }
0x34: {  	[smem:$0x3FB8] =	sst s10  }
0x35: {  	s10 =	sld [smem:$0x3FB7];
	_ =	sdelay $0x3  }
0x36: {  	p1 =	seq.s32 s10, $0x1;
	s10 =	sld [smem:$0x3FB8];
	_ =	sdelay $0x3  }
0x37: {  	[smem:$0x3FB8] =	sst s10  }
0x38: {  	s10 =	sld [smem:$0x3FB9]  }
0x39: {  	_ = 	snop;
	(pc) =	sbr.ind lr, $3  }
0x3a: {  	_ = 	snop  }
0x3b: {  	_ = 	snop  }
0x3c: {  	p2 =	seq.s32 s10, $0x1;
	s10 =	sld [smem:$0x3FB8]  }
0x3d: {  	_ =	shalt  }
0x3e: {  	_ =	shalt  }
0x3f: {  	_ =	shalt  }
0x40: {  	_ =	shalt  }
0x41: {  	_ =	shalt  }
0x42: {  	_ =	shalt  }
0x43: {  	_ =	shalt  }
0x44: {  	_ =	shalt  }
0x45: {  	_ =	shalt  }
0x46: {  	_ =	shalt  }
0x47: {  	_ =	shalt  }
0x48: {  	_ =	shalt  }
0x49: {  	_ =	shalt  }
0x4a: {  	_ =	shalt  }
0x4b: {  	_ =	shalt  }
0x4c: {  	_ =	shalt  }
0x4d: {  	_ =	shalt  }
0x4e: {  	_ =	shalt  }
0x4f: {  	_ =	shalt  }
0x50: {  	_ =	shalt  }
0x51: {  	_ =	shalt  }
0x52: {  	_ =	shalt  }
0x53: {  	_ =	shalt  }
0x54: {  	_ =	shalt  }
0x55: {  	_ =	shalt  }
0x56: {  	_ =	shalt  }
0x57: {  	_ =	shalt  }
0x58: {  	_ =	shalt  }
0x59: {  	_ =	shalt  }
0x5a: {  	_ =	shalt  }
0x5b: {  	_ =	shalt  }
0x5c: {  	_ =	shalt  }
0x5d: {  	_ =	shalt  }
0x5e: {  	_ =	shalt  }
0x5f: {  	_ =	shalt  }
0x60: {  	_ =	shalt  }
0x61: {  	_ =	shalt  }
0x62: {  	_ =	shalt  }
0x63: {  	_ =	shalt  }
0x64: {  	_ =	shalt  }
0x65: {  	_ =	shalt  }
0x66: {  	_ =	shalt  }
0x67: {  	_ =	shalt  }
0x68: {  	_ =	shalt  }
0x69: {  	_ =	shalt  }
0x6a: {  	_ =	shalt  }
0x6b: {  	_ =	shalt  }
0x6c: {  	_ =	shalt  }
0x6d: {  	_ =	shalt  }
0x6e: {  	_ =	shalt  }
0x6f: {  	_ =	shalt  }
0x70: {  	_ =	shalt  }
0x71: {  	_ =	shalt  }
0x72: {  	_ =	shalt  }
0x73: {  	_ =	shalt  }
0x74: {  	_ =	shalt  }
0x75: {  	_ =	shalt  }
0x76: {  	_ =	shalt  }
0x77: {  	_ =	shalt  }
0x78: {  	_ =	shalt  }
0x79: {  	_ =	shalt  }
0x7a: {  	_ =	shalt  }
0x7b: {  	_ =	shalt  }
0x7c: {  	_ =	shalt  }
0x7d: {  	_ =	shalt  }
0x7e: {  	_ =	shalt  }
0x7f: {  	_ =	shalt  }
0x80: {  	_ =	shalt  }
0x81: {  	_ =	shalt  }
0x82: {  	_ =	shalt  }
0x83: {  	_ =	shalt  }
0x84: {  	_ =	shalt  }
0x85: {  	_ =	shalt  }
0x86: {  	_ =	shalt  }
0x87: {  	_ =	shalt  }
.Lfunc_end0:
.L_simem_size_0:
called_computation_lowered:
.L_overlay_start_0:
0x88: {  	s2 =	sld [smem:$0x3FD9]  }
0x89: {  	s3 =	sld [smem:$0x3FFE];
	_ =	sdelay $0x1  }
0x8a: {  	s1 =	srdreg.scid  }
0x8b: {  	s0 =	sand.u32 $0x1, s1  }
0x8c: {  	s17 =	sshll.u32 s0, $0xA;
	s2 =	sadd.s32 s3, s2  }
0x8d: {  	s2 =	sadd.s32 s2, s17  }
0x8e: {  	[smem:$0x3FC4] =	sst s2  }
0x8f: {  	_ = 	snop  }
0x90: {  	s2 =	sld [smem:$0x3FC9]  }
0x91: {  	s18 =	sld [smem:$0x3FC8]  }
0x92: {  	s4 =	sld [smem:$0x3FD0];
	(tm) =	ssettm $0x1  }
0x93: {  	s5 =	sld [smem:$0x3FFB];
	_ =	sdelay $0x3  }
0x94: {  	_ =	strace s5  }
0x95: {  	s5 =	sld [smem:$0x3FFC];
	_ =	sdelay $0x3  }
0x96: {  	_ =	strace s5  }
0x97: {  	s5 =	sld [smem:$0x3FFD];
	_ =	sdelay $0x3  }
0x98: {  	_ =	strace s5  }
0x99: {  	_ =	strace $0x8FFFFFFF  }
0x9a: {  	s19 =	sld [smem:$0x3FDB];
	_ =	sdelay $0x1  }
0x9b: {  	s6 =	simm.s32 $_scs_section_size  }
0x9c: {  	s7 =	simm.s32 $_size__tile_overlayer_lowered;
	s8 =	simm.s32 $_tile_overlayer_lowered  }
0x9d: {  	s22 =	simm.s32 $0x1BFF;
	s21 =	sshll.u32 s8, $0x1;
	s5 =	sadd.s32 s6, s19  }
0x9e: {  	s9 =	simm.s32 $0x0;
	s20 =	sshll.u32 s7, $0x1;
	s7 =	sadd.s32 s21, s5  }
0x9f: {  	[timem:s9], [sflag:s22] =	dma.local [hbm:s7], s20  }
0xa0: {  	_ =	swait.ge [sflag:s22], s20  }
0xa1: {  	s6 =	ssub.s32 $0x0, s20;
	[sflag:s22] =	ssyncset.done $0x0  }
0xa2: {  	[sflag:s22] =	ssyncadd.s32 s6;
	_ =	sdelay $0x1  }
0xa3: {  	s23 =	simm.s32 $0x1B8B  }
0xa4: {  	_ =	swait.ge [sflag:s23], $0x1  }
0xa5: {  	[sflag:s23] =	ssyncset.done $0x0  }
0xa6: {  	s25 =	simm.s32 $0x1B8E;
	s24 =	sld [smem:$0x3FFE];
	[sflag:s23] =	ssyncadd.s32 $0xFFFFFFFF  }
0xa7: {  	s26 =	simm.s32 $execute0_lowered;
	[smem:$0x3FD2] =	sst s25  }
0xa8: {  	s7 =	sshll.u32 s26, $0x1;
	_ =	strace $0x80000046;
	[dreg:$0x1] =	wrdreg $0xFFFFFFFF  }
0xa9: {  	s28 =	simm.s32 $_size_execute0_lowered;
	s5 =	sadd.s32 s5, s7;
	[dreg:$0x0] =	wrdreg $0x0  }
0xaa: {  	s7 =	sshll.u32 s28, $0x1;
	[dreg:$0x2] =	wrdreg s5  }
0xab: {  	[dreg:$0x3] =	wrdreg s7  }
0xac: {  	[dreg:$0x4] =	wrdreg $0xC0  }
0xad: {  	_ =	task [dreg:s9], $0x5FFFF  }
0xae: {  	[dreg:$0x1] =	wrdreg $0xFFFFFFFF  }
0xaf: {  	[dreg:$0x0] =	wrdreg $0x60  }
0xb0: {  	[dreg:$0x2] =	wrdreg s2  }
0xb1: {  	[dreg:$0x3] =	wrdreg s18  }
0xb2: {  	[dreg:$0x4] =	wrdreg s24  }
0xb3: {  	[dreg:$0x5] =	wrdreg s4  }
0xb4: {  	[dreg:$0x6] =	wrdreg $0x9  }
0xb5: {  	_ =	task.clear_ibuf [dreg:s9], $0x7FFFF;
	_ =	strace $0x90000046  }
0xb6: {  	s29 =	simm.s32 $0x9;
	_ =	strace $0x80000048  }
0xb7: {  	_ =	swait.ge [sflag:s29], $0x1  }
0xb8: {  	[sflag:s29] =	ssyncadd.s32 $0xFFFFFFFF  }
0xb9: {  	_ =	strace $0x90000048  }
0xba: {  	_ =	sfence  }
0xbb: {  	s30 =	sld [smem:$0x0];
	_ =	sdelay $0x2  }
0xbc: {  	s31 =	sshll.u32 s1, $0xD;
	s1 =	sshrl.u32 s1, $0x2  }
0xbd: {  	s3 =	sand.u32 $0x4000, s31;
	s1 =	sadd.s32 s1, s30  }
0xbe: {  	s0 =	sor.u32 s3, s0;
	s1 =	sshll.u32 s1, $0x11  }
0xbf: {  	s0 =	sor.u32 s1, s0  }
0xc0: {  	s0 =	sadd.s32 $0x8F2B, s0  }
0xc1: {  	[sflag:s0] =	ssyncadd.remote.s32 $0x1  }
0xc2: {  	_ =	sfence.sel $0xFFFF  }
0xc3: {  	[dreg:$0x0] =	wrdreg $0xFFFFFFFF;
	(pc) =	sbr.abs _section_cstart, $3  }
0xc4: {  	[dreg:$0x1] =	wrdreg $0xFFFFFFFF  }
0xc5: {  	_ =	task.clear_ibuf [dreg:s9], $0x2FFFF;
	_ =	strace $0x9FFFFFFF  }
0xc6: {  	(tm) =	ssettm $0x7FFFFFFF  }
0xc7: {  	_ =	shalt  }
tec
execute0_lowered:
.L_overlay_start_1:
0x0: {  	(tag) =	ssettag $0x1  }
0x1: {  	s0 =	rddreg [dreg:$0x0]  }
0x2: {  	s2 =	rddreg [dreg:$0x1]  }
0x3: {  	s4 =	rddreg [dreg:$0x2]  }
0x4: {  	s5 =	rddreg [dreg:$0x3]  }
0x5: {  	s1 =	simm.s32 $0x0;
	s6 =	srdreg.scid;
	s8 =	stileid.u32  }
0x6: {  	s22 =	simm.s32 $0x3;
	s28 =	simm.s32 $0x9C00;
	s29 =	simm.s32 $0xDC00  }
0x7: {  	s30 =	simm.s32 $0xA000;
	s31 =	simm.s32 $0xE000;
	s10 =	simm.s32 $0xA800  }
0x8: {  	s11 =	simm.s32 $0xB400;
	s12 =	simm.s32 $0xF400;
	s13 =	simm.s32 $0xB800  }
0x9: {  	s14 =	simm.s32 $0xF800;
	s15 =	simm.s32 $0xBC00;
	s16 =	simm.s32 $0xFC00  }
0xa: {  	s17 =	simm.s32 $0xC000;
	s18 =	simm.s32 $0x10000;
	s19 =	simm.s32 $0x1  }
0xb: {  	s20 =	simm.s32 $0x2;
	s23 =	simm.s32 $0x0;
	[smem:$0x7FF] =	sst s1  }
0xc: {  	s3 =	sadd.s32 $0x400, s4;
	s6 =	sand.u32 $0x1, s6;
	s8 =	sshll.u32 s8, $0x7  }
0xd: {  	s4 =	sadd.s32 $0x187000, s4;
	s7 =	ssub.s32 $0x2, s6;
	s6 =	sshll.u32 s6, $0x6  }
0xe: {  	_ =	strace $0x80000047;
	s9 =	sshrl.u32 s7, $0x1;
	s6 =	sor.u32 s6, s8  }
0xf: {  	s8 =	simm.s32 $0xB000;
	s7 =	ssub.s32 s7, s9;
	s0 =	sadd.s32 s0, s6  }
.Ltmp0:
0x10: {  	vm0 =	vmmov $0x1;
	vm1 =	vmmov $0x3;
	vm2 =	vmmov $0x7;
	s24 =	sadd.s32 s2, s6;
	s25 =	sadd.s32 s5, s6;
	(pc) =	sbr.rel .LBB2_1-.Ltmp0, $4  }
0x11: {  	vm3 =	vmmov $0xf;
	vm4 =	vmmov $0x1f;
	vm5 =	vmmov $0x3f;
	s2 =	simm.s32 $0xE400;
	s5 =	simm.s32 $0xE800;
	[dreg:$0x5] =	wrdreg s0  }
0x12: {  	vm6 =	vmmov $0x7f;
	vm7 =	vmmov $0xff;
	vm8 =	vmmov $0x1ff;
	s6 =	simm.s32 $0xAC00;
	s9 =	simm.s32 $0xF000;
	[dreg:$0x6] =	wrdreg s24  }
0x13: {  	vm9 =	vmmov $0x3ff;
	vm10 =	vmmov $0x7ff;
	vm11 =	vmmov $0xfff;
	[dreg:$0x7] =	wrdreg s25;
	s26 =	smax.u32 s7, $0x1;
	s0 =	simm.s32 $0xA400  }
0x14: {  	vm12 =	vmmov $0x1fff;
	vm13 =	vmmov $0x3fff;
	vm14 =	vmmov $0x7fff;
	s7 =	simm.s32 $0xEC00;
	[dreg:$0x8] =	wrdreg s26;
	s26 =	simm.s32 $0xD800  }
.LBB2_5:
0x15: {  	s21 =	rddreg [dreg:$0x7];
	s22 =	simm.s32 $0x10400  }
0x16: {  	[hbm4b:s21+s1] =	stream.linear.scatter [tilespmem:s22], [sflag:$0x3], $0x200, $0x38;
	[tilespmem:$0x10600] =	vst v63  }
0x17: {  	s22 =	simm.s32 $0x3  }
0x18: {  	_ =	swait.ge [sflag:s22], $0x200  }
0x19: {  	s23 =	rddreg [dreg:$0x9]  }
0x1a: {  	s25 =	rddreg [dreg:$0x8];
	s23 =	sadd.s32 $0x1, s23  }
0x1b: {  	p0 =	sne.s32 s23, s25  }
.Ltmp1:
0x1c: {  	_ = 	snop;
	(pc) =	sbr.rel @!p0 .LBB2_6-.Ltmp1, $3  }
0x1d: {  	_ =	sdelay $0x1  }
0x1e: {  	[sflag:s22] =	ssyncset.done $0x0  }
0x1f: {  	[sflag:s22] =	ssyncadd.s32 $0xFFFFFE00  }
.LBB2_1:
0x20: {  	[dreg:$0x9] =	wrdreg s23  }
0x21: {  	s21 =	rddreg [dreg:$0x5]  }
0x22: {  	[tilespmem:s1], [sflag:$0x3] =	stream.linear.gather [hbm4b:s21+s1], $0x200, $0x38;
	[tilespmem:$0x10600] =	vst v63  }
0x23: {  	_ =	swait.ge [sflag:s22], $0x200  }
0x24: {  	[sflag:s22] =	ssyncset.done $0x0  }
0x25: {  	s25 =	simm.s32 $0x200;
	s24 =	rddreg [dreg:$0x6];
	[sflag:s22] =	ssyncadd.s32 $0xFFFFFE00  }
0x26: {  	[tilespmem:s25], [sflag:$0x3] =	stream.linear.gather [hbm4b:s24+s1], $0x200, $0x38;
	[tilespmem:$0x10600] =	vst v63  }
0x27: {  	_ =	swait.ge [sflag:s22], $0x200  }
0x28: {  	[sflag:s22] =	ssyncset.done $0x0  }
0x29: {  	[sflag:s22] =	ssyncadd.s32 $0xFFFFFE00  }
0x2a: {  	v0 =	vld [tilespmem:$0x0];
	_ =	sdelay $0x1  }
0x2b: {  	v2 =	vld [tilespmem:$0x200];
	_ =	sdelay $0x2  }
0x2c: {  	v1 =	vshll.u32 v0, $0x4  }
0x2d: {  	(v2sf) =	vpush v1, $0x0  }
0x2e: {  	v63 =	vshll.u32 v2, $0x4  }
0x2f: {  	(v2sf) =	vpush v63, $0x0;
	_ =	sdelay $0x1  }
0x30: {  	(v2sf) =	vpush v1, $0x1;
	_ =	sdelay $0x4  }
0x31: {  	(v2sf) =	vpush v63, $0x1;
	_ =	sdelay $0x5  }
0x32: {  	s22 =	spop (v2sf);
	(v2sf) =	vpush v1, $0x2;
	_ =	sdelay $0x1  }
0x33: {  	s24 =	spop (v2sf);
	(v2sf) =	vpush v63, $0x2;
	_ =	sdelay $0x1  }
0x34: {  	s21 =	sand.u32 $0xFFFFF80, s22;
	s22 =	spop (v2sf);
	(v2sf) =	vpush v1, $0x3;
	_ =	sdelay $0x2  }
0x35: {  	s23 =	simm.s32 $0x400;
	s21 =	sadd.s32 s3, s21  }
0x36: {  	[tilespmem:s23], [sflag:$0x1] =	stream.linear.gather [hbm4b:s21+s1], $0x400, $0x38;
	[tilespmem:$0x10600] =	vst v63  }
0x37: {  	s21 =	sand.u32 $0xFFFFF80, s24;
	s24 =	spop (v2sf);
	(v2sf) =	vpush v63, $0x3  }
0x38: {  	s25 =	simm.s32 $0x4400;
	s21 =	sadd.s32 s4, s21  }
0x39: {  	[tilespmem:s25], [sflag:$0x1] =	stream.linear.gather [hbm4b:s21+s1], $0x400, $0x38;
	[tilespmem:$0x10600] =	vst v63  }
0x3a: {  	s21 =	sand.u32 $0xFFFFF80, s22  }
0x3b: {  	s23 =	simm.s32 $0x800;
	s21 =	sadd.s32 s3, s21  }
0x3c: {  	[tilespmem:s23], [sflag:$0x1] =	stream.linear.gather [hbm4b:s21+s1], $0x400, $0x38;
	[tilespmem:$0x10600] =	vst v63  }
0x3d: {  	s22 =	spop (v2sf);
	(v2sf) =	vpush v1, $0x4  }
0x3e: {  	s21 =	sand.u32 $0xFFFFF80, s24  }
0x3f: {  	s25 =	simm.s32 $0x4800;
	s21 =	sadd.s32 s4, s21;
	s24 =	spop (v2sf);
	(v2sf) =	vpush v63, $0x4  }
0x40: {  	[tilespmem:s25], [sflag:$0x1] =	stream.linear.gather [hbm4b:s21+s1], $0x400, $0x38;
	[tilespmem:$0x10600] =	vst v63  }
0x41: {  	s21 =	sand.u32 $0xFFFFF80, s22;
	s22 =	spop (v2sf);
	(v2sf) =	vpush v1, $0x5;
	_ =	sdelay $0x2  }
0x42: {  	s23 =	simm.s32 $0xC00;
	s21 =	sadd.s32 s3, s21  }
0x43: {  	[tilespmem:s23], [sflag:$0x1] =	stream.linear.gather [hbm4b:s21+s1], $0x400, $0x38;
	[tilespmem:$0x10600] =	vst v63  }
0x44: {  	s21 =	sand.u32 $0xFFFFF80, s24;
	s24 =	spop (v2sf);
	(v2sf) =	vpush v63, $0x5  }
0x45: {  	s25 =	simm.s32 $0x4C00;
	s21 =	sadd.s32 s4, s21  }
0x46: {  	[tilespmem:s25], [sflag:$0x1] =	stream.linear.gather [hbm4b:s21+s1], $0x400, $0x38;
	[tilespmem:$0x10600] =	vst v63  }
0x47: {  	s21 =	sand.u32 $0xFFFFF80, s22  }
0x48: {  	s23 =	simm.s32 $0x1000;
	s21 =	sadd.s32 s3, s21  }
0x49: {  	[tilespmem:s23], [sflag:$0x1] =	stream.linear.gather [hbm4b:s21+s1], $0x400, $0x38;
	[tilespmem:$0x10600] =	vst v63  }
0x4a: {  	s22 =	spop (v2sf);
	(v2sf) =	vpush v1, $0x6  }
0x4b: {  	s21 =	sand.u32 $0xFFFFF80, s24  }
0x4c: {  	s25 =	simm.s32 $0x5000;
	s21 =	sadd.s32 s4, s21;
	s24 =	spop (v2sf);
	(v2sf) =	vpush v63, $0x6  }
0x4d: {  	[tilespmem:s25], [sflag:$0x1] =	stream.linear.gather [hbm4b:s21+s1], $0x400, $0x38;
	[tilespmem:$0x10600] =	vst v63  }
0x4e: {  	s21 =	sand.u32 $0xFFFFF80, s22;
	s22 =	spop (v2sf);
	(v2sf) =	vpush v1, $0x7;
	_ =	sdelay $0x2  }
0x4f: {  	s23 =	simm.s32 $0x1400;
	s21 =	sadd.s32 s3, s21  }
0x50: {  	[tilespmem:s23], [sflag:$0x1] =	stream.linear.gather [hbm4b:s21+s1], $0x400, $0x38;
	[tilespmem:$0x10600] =	vst v63  }
0x51: {  	s21 =	sand.u32 $0xFFFFF80, s24;
	s24 =	spop (v2sf);
	(v2sf) =	vpush v63, $0x7  }
0x52: {  	s25 =	simm.s32 $0x5400;
	s21 =	sadd.s32 s4, s21  }
0x53: {  	[tilespmem:s25], [sflag:$0x1] =	stream.linear.gather [hbm4b:s21+s1], $0x400, $0x38;
	[tilespmem:$0x10600] =	vst v63  }
0x54: {  	s21 =	sand.u32 $0xFFFFF80, s22  }
0x55: {  	s23 =	simm.s32 $0x1800;
	s21 =	sadd.s32 s3, s21  }
0x56: {  	[tilespmem:s23], [sflag:$0x1] =	stream.linear.gather [hbm4b:s21+s1], $0x400, $0x38;
	[tilespmem:$0x10600] =	vst v63  }
0x57: {  	s22 =	spop (v2sf);
	(v2sf) =	vpush v1, $0x8  }
0x58: {  	s21 =	sand.u32 $0xFFFFF80, s24  }
0x59: {  	s25 =	simm.s32 $0x5800;
	s21 =	sadd.s32 s4, s21;
	s24 =	spop (v2sf);
	(v2sf) =	vpush v63, $0x8  }
0x5a: {  	[tilespmem:s25], [sflag:$0x1] =	stream.linear.gather [hbm4b:s21+s1], $0x400, $0x38;
	[tilespmem:$0x10600] =	vst v63  }
0x5b: {  	s21 =	sand.u32 $0xFFFFF80, s22;
	s22 =	spop (v2sf);
	(v2sf) =	vpush v1, $0x9;
	_ =	sdelay $0x2  }
0x5c: {  	s23 =	simm.s32 $0x1C00;
	s21 =	sadd.s32 s3, s21  }
0x5d: {  	[tilespmem:s23], [sflag:$0x1] =	stream.linear.gather [hbm4b:s21+s1], $0x400, $0x38;
	[tilespmem:$0x10600] =	vst v63  }
0x5e: {  	s21 =	sand.u32 $0xFFFFF80, s24;
	s24 =	spop (v2sf);
	(v2sf) =	vpush v63, $0x9  }
0x5f: {  	s25 =	simm.s32 $0x5C00;
	s21 =	sadd.s32 s4, s21  }
0x60: {  	[tilespmem:s25], [sflag:$0x1] =	stream.linear.gather [hbm4b:s21+s1], $0x400, $0x38;
	[tilespmem:$0x10600] =	vst v63  }
0x61: {  	s21 =	sand.u32 $0xFFFFF80, s22  }
0x62: {  	s23 =	simm.s32 $0x2000;
	s21 =	sadd.s32 s3, s21  }
0x63: {  	[tilespmem:s23], [sflag:$0x1] =	stream.linear.gather [hbm4b:s21+s1], $0x400, $0x38;
	[tilespmem:$0x10600] =	vst v63  }
0x64: {  	s22 =	spop (v2sf);
	(v2sf) =	vpush v1, $0xA  }
0x65: {  	s21 =	sand.u32 $0xFFFFF80, s24  }
0x66: {  	s25 =	simm.s32 $0x6000;
	s21 =	sadd.s32 s4, s21;
	s24 =	spop (v2sf);
	(v2sf) =	vpush v63, $0xA  }
0x67: {  	[tilespmem:s25], [sflag:$0x1] =	stream.linear.gather [hbm4b:s21+s1], $0x400, $0x38;
	[tilespmem:$0x10600] =	vst v63  }
0x68: {  	s21 =	sand.u32 $0xFFFFF80, s22;
	s22 =	spop (v2sf);
	(v2sf) =	vpush v1, $0xB;
	_ =	sdelay $0x2  }
0x69: {  	s23 =	simm.s32 $0x2400;
	s21 =	sadd.s32 s3, s21  }
0x6a: {  	[tilespmem:s23], [sflag:$0x1] =	stream.linear.gather [hbm4b:s21+s1], $0x400, $0x38;
	[tilespmem:$0x10600] =	vst v63  }
0x6b: {  	s21 =	sand.u32 $0xFFFFF80, s24;
	s24 =	spop (v2sf);
	(v2sf) =	vpush v63, $0xB  }
0x6c: {  	s25 =	simm.s32 $0x6400;
	s21 =	sadd.s32 s4, s21  }
0x6d: {  	[tilespmem:s25], [sflag:$0x1] =	stream.linear.gather [hbm4b:s21+s1], $0x400, $0x38;
	[tilespmem:$0x10600] =	vst v63  }
0x6e: {  	s21 =	sand.u32 $0xFFFFF80, s22  }
0x6f: {  	s23 =	simm.s32 $0x2800;
	s21 =	sadd.s32 s3, s21  }
0x70: {  	[tilespmem:s23], [sflag:$0x1] =	stream.linear.gather [hbm4b:s21+s1], $0x400, $0x38;
	[tilespmem:$0x10600] =	vst v63  }
0x71: {  	s22 =	spop (v2sf);
	(v2sf) =	vpush v1, $0xC  }
0x72: {  	s21 =	sand.u32 $0xFFFFF80, s24  }
0x73: {  	s25 =	simm.s32 $0x6800;
	s21 =	sadd.s32 s4, s21;
	s24 =	spop (v2sf);
	(v2sf) =	vpush v63, $0xC  }
0x74: {  	[tilespmem:s25], [sflag:$0x1] =	stream.linear.gather [hbm4b:s21+s1], $0x400, $0x38;
	[tilespmem:$0x10600] =	vst v63  }
0x75: {  	s21 =	sand.u32 $0xFFFFF80, s22;
	s22 =	spop (v2sf);
	(v2sf) =	vpush v1, $0xD;
	_ =	sdelay $0x1  }
0x76: {  	s23 =	simm.s32 $0x2C00;
	s21 =	sadd.s32 s3, s21  }
0x77: {  	[tilespmem:s23], [sflag:$0x1] =	stream.linear.gather [hbm4b:s21+s1], $0x400, $0x38;
	[tilespmem:$0x10600] =	vst v63  }
0x78: {  	s21 =	sand.u32 $0xFFFFF80, s24  }
0x79: {  	s25 =	simm.s32 $0x6C00;
	s24 =	spop (v2sf);
	s21 =	sadd.s32 s4, s21  }
0x7a: {  	(v2sf) =	vpush v63, $0xD;
	[tilespmem:s25], [sflag:$0x1] =	stream.linear.gather [hbm4b:s21+s1], $0x400, $0x38;
	[tilespmem:$0x10600] =	vst v63  }
0x7b: {  	s21 =	sand.u32 $0xFFFFF80, s22  }
0x7c: {  	s23 =	simm.s32 $0x3000;
	s21 =	sadd.s32 s3, s21  }
0x7d: {  	[tilespmem:s23], [sflag:$0x1] =	stream.linear.gather [hbm4b:s21+s1], $0x400, $0x38;
	[tilespmem:$0x10600] =	vst v63  }
0x7e: {  	s21 =	sand.u32 $0xFFFFF80, s24  }
0x7f: {  	s25 =	simm.s32 $0x7000;
	s21 =	sadd.s32 s4, s21;
	s22 =	spop (v2sf);
	(v2sf) =	vpush v1, $0xE  }
0x80: {  	[tilespmem:s25], [sflag:$0x1] =	stream.linear.gather [hbm4b:s21+s1], $0x400, $0x38;
	[tilespmem:$0x10600] =	vst v63  }
0x81: {  	s24 =	spop (v2sf);
	(v2sf) =	vpush v63, $0xE  }
0x82: {  	s21 =	sand.u32 $0xFFFFF80, s22  }
0x83: {  	s23 =	simm.s32 $0x3400;
	s21 =	sadd.s32 s3, s21;
	s22 =	spop (v2sf)  }
0x84: {  	(v2sf) =	vpush v1, $0xF;
	[tilespmem:s23], [sflag:$0x1] =	stream.linear.gather [hbm4b:s21+s1], $0x400, $0x38;
	[tilespmem:$0x10600] =	vst v63  }
0x85: {  	s21 =	sand.u32 $0xFFFFF80, s24  }
0x86: {  	s25 =	simm.s32 $0x7400;
	s21 =	sadd.s32 s4, s21  }
0x87: {  	[tilespmem:s25], [sflag:$0x1] =	stream.linear.gather [hbm4b:s21+s1], $0x400, $0x38;
	[tilespmem:$0x10600] =	vst v63  }
0x88: {  	s21 =	sand.u32 $0xFFFFF80, s22  }
0x89: {  	s23 =	simm.s32 $0x3800;
	s24 =	spop (v2sf);
	(v2sf) =	vpush v63, $0xF;
	s21 =	sadd.s32 s3, s21  }
0x8a: {  	[tilespmem:s23], [sflag:$0x1] =	stream.linear.gather [hbm4b:s21+s1], $0x400, $0x38;
	[tilespmem:$0x10600] =	vst v63  }
0x8b: {  	s21 =	sand.u32 $0xFFFFF80, s24  }
0x8c: {  	s25 =	simm.s32 $0x7800;
	s21 =	sadd.s32 s4, s21  }
0x8d: {  	[tilespmem:s25], [sflag:$0x1] =	stream.linear.gather [hbm4b:s21+s1], $0x400, $0x38;
	[tilespmem:$0x10600] =	vst v63  }
0x8e: {  	s22 =	spop (v2sf)  }
0x8f: {  	s21 =	sand.u32 $0xFFFFF80, s22  }
0x90: {  	s23 =	simm.s32 $0x3C00;
	s24 =	spop (v2sf);
	s21 =	sadd.s32 s3, s21  }
0x91: {  	[tilespmem:s23], [sflag:$0x1] =	stream.linear.gather [hbm4b:s21+s1], $0x400, $0x38;
	[tilespmem:$0x10600] =	vst v63  }
0x92: {  	s21 =	sand.u32 $0xFFFFF80, s24  }
0x93: {  	s25 =	simm.s32 $0x7C00;
	s22 =	spop (v2sf);
	s21 =	sadd.s32 s4, s21  }
0x94: {  	[tilespmem:s25], [sflag:$0x1] =	stream.linear.gather [hbm4b:s21+s1], $0x400, $0x38;
	[tilespmem:$0x10600] =	vst v63  }
0x95: {  	s21 =	sand.u32 $0xFFFFF80, s22  }
0x96: {  	s23 =	simm.s32 $0x4000;
	s21 =	sadd.s32 s3, s21  }
0x97: {  	[tilespmem:s23], [sflag:$0x1] =	stream.linear.gather [hbm4b:s21+s1], $0x400, $0x38;
	[tilespmem:$0x10600] =	vst v63  }
.Ltmp2:
0x98: {  	s24 =	spop (v2sf);
	(pc) =	sbr.rel .LBB2_2-.Ltmp2, $4  }
0x99: {  	s21 =	sand.u32 $0xFFFFF80, s24  }
0x9a: {  	s25 =	simm.s32 $0x8000;
	s21 =	sadd.s32 s4, s21  }
0x9b: {  	[tilespmem:s25], [sflag:$0x1] =	stream.linear.gather [hbm4b:s21+s1], $0x400, $0x38;
	[tilespmem:$0x10600] =	vst v63  }
0x9c: {  	s21 =	simm.s32 $0x0  }
.LBB2_4:
0x9d: {  	_ =	swait.ge [sflag:s20], $0x4000  }
0x9e: {  	[sflag:s20] =	ssyncset.done $0x0  }
0x9f: {  	[sflag:s20] =	ssyncadd.s32 $0xFFFFC000  }
0xa0: {  	_ =	swait.ge [sflag:s20], $0x4000  }
0xa1: {  	[sflag:s20] =	ssyncset.done $0x0  }
0xa2: {  	[sflag:s20] =	ssyncadd.s32 $0xFFFFC000  }
0xa3: {  	v0 =	vld [tilespmem:s22+$0x10];
	_ =	sdelay $0x3  }
0xa4: {  	v2 =	vld [tilespmem:s22+$0x210]  }
0xa5: {  	v1 =	vshll.u32 v0, $0x7  }
0xa6: {  	(v2sf) =	vpush v1, $0x0;
	_ =	sdelay $0x2  }
0xa7: {  	v0 =	vshll.u32 v2, $0x7  }
0xa8: {  	(v2sf) =	vpush v0, $0x0;
	_ =	sdelay $0x3  }
0xa9: {  	(v2sf) =	vpush v1, $0x1  }
0xaa: {  	(v2sf) =	vpush v0, $0x1;
	_ =	sdelay $0x5  }
0xab: {  	s23 =	spop (v2sf)  }
0xac: {  	s23 =	sand.u32 $0x380, s23  }
0xad: {  	v3 =	vld [tilespmem:s23+$0x8400]  }
0xae: {  	v5 =	vld [tilespmem:s23+$0x8410]  }
0xaf: {  	s24 =	spop (v2sf);
	v10 =	vld [tilespmem:s23+$0x8420]  }
0xb0: {  	s24 =	sand.u32 $0x380, s24;
	v6 =	vld [tilespmem:s23+$0x8430]  }
0xb1: {  	(v2sf) =	vpush v1, $0x2;
	v4 =	vld [tilespmem:s24+$0xC400]  }
0xb2: {  	v15 =	vld [tilespmem:s24+$0xC410]  }
0xb3: {  	s25 =	spop (v2sf);
	v28 =	vld [tilespmem:s24+$0xC420]  }
0xb4: {  	v8 =	vld [tilespmem:s24+$0xC430];
	s23 =	sand.u32 $0x380, s25;
	s25 =	spop (v2sf)  }
0xb5: {  	(v2sf) =	vpush v0, $0x2;
	v45 =	vld [tilespmem:s23+$0x8800];
	s24 =	sand.u32 $0x380, s25  }
0xb6: {  	v46 =	vld [tilespmem:s24+$0xC800];
	_ =	sdelay $0x1  }
0xb7: {  	v47 =	vld [tilespmem:s23+$0x8810]  }
0xb8: {  	(v2sf) =	vpush v1, $0x3;
	v9 =	vld [tilespmem:s23+$0x8820]  }
0xb9: {  	v48 =	vld [tilespmem:s24+$0xC810];
	[tilespmem:$0x1FC00] =	vst v45  }
0xba: {  	v2 =	vmul.f32 v15, v5;
	v5 =	vmul.f32 v28, v10;
	[tilespmem:$0x1FC10] =	vst v46;
	v28 =	vld [tilespmem:$0x1FC00]  }
0xbb: {  	v10 =	vld [tilespmem:$0x1FC10]  }
0xbc: {  	(v2sf) =	vpush v0, $0x3;
	v7 =	vld [tilespmem:s23+$0x8830]  }
0xbd: {  	v49 =	vld [tilespmem:s24+$0xC820];
	v3 =	vmul.f32 v4, v3  }
0xbe: {  	v50 =	vld [tilespmem:s24+$0xC830];
	[tilespmem:$0x1FC20] =	vst v47  }
0xbf: {  	[tilespmem:$0x1FC30] =	vst v48;
	v4 =	vadd.f32 v2, v3;
	v2 =	vld [tilespmem:$0x1FC20];
	s25 =	spop (v2sf)  }
0xc0: {  	s23 =	sand.u32 $0x380, s25;
	v3 =	vmul.f32 v10, v28;
	v28 =	vld [tilespmem:$0x1FC30]  }
0xc1: {  	v45 =	vld [tilespmem:s23+$0x8C00]  }
0xc2: {  	v56 =	vld [tilespmem:s23+$0x8C10]  }
0xc3: {  	s25 =	spop (v2sf);
	v51 =	vld [tilespmem:s23+$0x8C20]  }
0xc4: {  	s24 =	sand.u32 $0x380, s25;
	v53 =	vld [tilespmem:s23+$0x8C30]  }
0xc5: {  	(v2sf) =	vpush v1, $0x4;
	v55 =	vld [tilespmem:s24+$0xCC00]  }
0xc6: {  	v57 =	vld [tilespmem:s24+$0xCC10]  }
0xc7: {  	s25 =	spop (v2sf);
	v52 =	vld [tilespmem:s24+$0xCC20]  }
0xc8: {  	v54 =	vld [tilespmem:s24+$0xCC30];
	s23 =	sand.u32 $0x380, s25  }
0xc9: {  	v58 =	vld [tilespmem:s23+$0x9000]  }
0xca: {  	[tilespmem:$0x1FC40] =	vst v49;
	(v2sf) =	vpush v0, $0x4;
	v49 =	vld [tilespmem:s23+$0x9010]  }
0xcb: {  	s25 =	spop (v2sf);
	v59 =	vld [tilespmem:s23+$0x9020]  }
0xcc: {  	s24 =	sand.u32 $0x380, s25;
	v61 =	vld [tilespmem:s23+$0x9030]  }
0xcd: {  	v48 =	vld [tilespmem:s24+$0xD000];
	v45 =	vmul.f32 v55, v45  }
0xce: {  	[tilespmem:$0x1FC50] =	vst v51;
	v55 =	vmul.f32 v57, v56;
	v57 =	vmul.f32 v8, v6;
	v8 =	vld [tilespmem:$0x1FC40]  }
0xcf: {  	(v2sf) =	vpush v1, $0x5;
	[tilespmem:$0x1FC60] =	vst v52;
	v6 =	vld [tilespmem:$0x1FC50]  }
0xd0: {  	v45 =	vadd.f32 v55, v45;
	v55 =	vld [tilespmem:$0x1FC60]  }
0xd1: {  	[tilespmem:$0x1FC80] =	vst v50;
	v50 =	vld [tilespmem:s24+$0xD010]  }
0xd2: {  	v60 =	vld [tilespmem:s24+$0xD020];
	v2 =	vmul.f32 v28, v2  }
0xd3: {  	(v2sf) =	vpush v0, $0x5;
	v62 =	vld [tilespmem:s24+$0xD030];
	[tilespmem:$0x1FC70] =	vst v58  }
0xd4: {  	[tilespmem:$0x1FC90] =	vst v53;
	v3 =	vadd.f32 v2, v3;
	v2 =	vmul.f32 v8, v9;
	v8 =	vld [tilespmem:$0x1FC70];
	s25 =	spop (v2sf)  }
0xd5: {  	v55 =	vmul.f32 v55, v6;
	v6 =	vld [tilespmem:$0x1FC90];
	s23 =	sand.u32 $0x380, s25  }
0xd6: {  	v63 =	vld [tilespmem:s23+$0x9400]  }
0xd7: {  	v12 =	vld [tilespmem:s23+$0x9410]  }
0xd8: {  	v14 =	vld [tilespmem:s23+$0x9420]  }
0xd9: {  	[tilespmem:$0x1FCA0] =	vst v54;
	s25 =	spop (v2sf);
	v17 =	vld [tilespmem:s23+$0x9430]  }
0xda: {  	s24 =	sand.u32 $0x380, s25;
	v45 =	vadd.f32 v55, v45;
	v55 =	vld [tilespmem:$0x1FCA0]  }
0xdb: {  	v11 =	vld [tilespmem:s24+$0xD400]  }
0xdc: {  	v13 =	vld [tilespmem:s24+$0xD410]  }
0xdd: {  	v16 =	vld [tilespmem:s24+$0xD420]  }
0xde: {  	s25 =	spop (v2sf);
	v18 =	vld [tilespmem:s24+$0xD430]  }
0xdf: {  	v4 =	vadd.f32 v5, v4;
	s23 =	sand.u32 $0x380, s25;
	v5 =	vmul.f32 v48, v8;
	v48 =	vmul.f32 v50, v49;
	v50 =	vld [tilespmem:$0x1FC80]  }
0xe0: {  	v51 =	vld [tilespmem:s23+$0x9800]  }
0xe1: {  	[tilespmem:$0x1FD10] =	vst v61;
	(v2sf) =	vpush v1, $0x6;
	v61 =	vld [tilespmem:s23+$0x9810]  }
0xe2: {  	s25 =	spop (v2sf);
	v19 =	vld [tilespmem:s23+$0x9820]  }
0xe3: {  	s24 =	sand.u32 $0x380, s25;
	v21 =	vld [tilespmem:s23+$0x9830]  }
0xe4: {  	[tilespmem:$0x1FCC0] =	vst v60;
	v60 =	vld [tilespmem:s24+$0xD800]  }
0xe5: {  	v38 =	vld [tilespmem:s24+$0xD810]  }
0xe6: {  	(v2sf) =	vpush v0, $0x6;
	v20 =	vld [tilespmem:s24+$0xD820]  }
0xe7: {  	v22 =	vld [tilespmem:s24+$0xD830]  }
0xe8: {  	v5 =	vadd.f32 v48, v5;
	v48 =	vld [tilespmem:$0x1FCC0];
	[tilespmem:$0x1FCD0] =	vst v63;
	v55 =	vmul.f32 v55, v6  }
0xe9: {  	v4 =	vadd.f32 v57, v4;
	[tilespmem:$0x1FCE0] =	vst v11;
	v57 =	vld [tilespmem:$0x1FCD0]  }
0xea: {  	(v2sf) =	vpush v1, $0x7;
	v45 =	vadd.f32 v55, v45;
	v55 =	vld [tilespmem:$0x1FCE0]  }
0xeb: {  	[tilespmem:$0x1FD20] =	vst v62;
	v51 =	vmul.f32 v60, v51;
	v60 =	vld [tilespmem:$0x1FD10]  }
0xec: {  	[tilespmem:$0x1FCB0] =	vst v59;
	v2 =	vadd.f32 v2, v3;
	v3 =	vmul.f32 v50, v7;
	v38 =	vmul.f32 v38, v61;
	v61 =	vld [tilespmem:$0x1FD20]  }
0xed: {  	(v2sf) =	vpush v0, $0x7;
	[tilespmem:$0x1FCF0] =	vst v12;
	v6 =	vld [tilespmem:$0x1FCB0]  }
0xee: {  	[tilespmem:$0x1FD80] =	vst v20;
	v2 =	vadd.f32 v3, v2;
	v3 =	vld [tilespmem:$0x1FCF0]  }
0xef: {  	[tilespmem:$0x1FD00] =	vst v13;
	v38 =	vadd.f32 v38, v51;
	v51 =	vld [tilespmem:$0x1FD80]  }
0xf0: {  	[tilespmem:$0x1FD40] =	vst v16;
	v55 =	vmul.f32 v55, v57;
	v57 =	vld [tilespmem:$0x1FD00];
	s25 =	spop (v2sf)  }
0xf1: {  	v60 =	vmul.f32 v61, v60;
	v61 =	vld [tilespmem:$0x1FD40];
	s23 =	sand.u32 $0x380, s25  }
0xf2: {  	v48 =	vmul.f32 v48, v6;
	v52 =	vld [tilespmem:s23+$0x9C00]  }
0xf3: {  	(v2sf) =	vpush v1, $0x8;
	v63 =	vld [tilespmem:s23+$0x9C10]  }
0xf4: {  	v5 =	vadd.f32 v48, v5;
	v23 =	vld [tilespmem:s23+$0x9C20]  }
0xf5: {  	[tilespmem:$0x1FDA0] =	vst v22;
	s25 =	spop (v2sf);
	v24 =	vld [tilespmem:s23+$0x9C30]  }
0xf6: {  	s24 =	sand.u32 $0x380, s25;
	v5 =	vadd.f32 v60, v5;
	v60 =	vld [tilespmem:$0x1FDA0]  }
0xf7: {  	(v2sf) =	vpush v0, $0x8;
	v62 =	vld [tilespmem:s24+$0xDC00]  }
0xf8: {  	v42 =	vld [tilespmem:s24+$0xDC10]  }
0xf9: {  	s25 =	spop (v2sf);
	v46 =	vld [tilespmem:s24+$0xDC20]  }
0xfa: {  	v25 =	vld [tilespmem:s24+$0xDC30];
	s23 =	sand.u32 $0x380, s25  }
0xfb: {  	(v2sf) =	vpush v1, $0x9;
	v58 =	vld [tilespmem:s23+$0xA000]  }
0xfc: {  	s25 =	spop (v2sf);
	(v2sf) =	vpush v0, $0x9;
	v43 =	vld [tilespmem:s23+$0xA010]  }
0xfd: {  	v26 =	vld [tilespmem:s23+$0xA020]  }
0xfe: {  	s24 =	sand.u32 $0x380, s25;
	v27 =	vld [tilespmem:s23+$0xA030]  }
0xff: {  	v39 =	vld [tilespmem:s24+$0xE000]  }
0x100: {  	v40 =	vld [tilespmem:s24+$0xE010]  }
0x101: {  	v44 =	vld [tilespmem:s24+$0xE020]  }
0x102: {  	v53 =	vld [tilespmem:s24+$0xE030];
	[tilespmem:$0x1FDB0] =	vst v23;
	s25 =	spop (v2sf)  }
0x103: {  	v42 =	vmul.f32 v42, v63;
	v63 =	vld [tilespmem:$0x1FDB0];
	(v2sf) =	vpush v1, $0xA;
	s23 =	sand.u32 $0x380, s25  }
0x104: {  	[tilespmem:$0x1FDE0] =	vst v26;
	v26 =	vld [tilespmem:s23+$0xA400]  }
0x105: {  	v23 =	vld [tilespmem:s23+$0xA410]  }
0x106: {  	s25 =	spop (v2sf);
	v36 =	vld [tilespmem:s23+$0xA420]  }
0x107: {  	(v2sf) =	vpush v0, $0xA;
	s24 =	sand.u32 $0x380, s25;
	v54 =	vld [tilespmem:s23+$0xA430]  }
0x108: {  	[tilespmem:$0x1FDC0] =	vst v24;
	v24 =	vld [tilespmem:s24+$0xE400]  }
0x109: {  	v20 =	vld [tilespmem:s24+$0xE410]  }
0x10a: {  	s25 =	spop (v2sf);
	(v2sf) =	vpush v1, $0xB;
	v35 =	vld [tilespmem:s24+$0xE420]  }
0x10b: {  	s23 =	sand.u32 $0x380, s25;
	s25 =	spop (v2sf);
	v41 =	vld [tilespmem:s24+$0xE430];
	(v2sf) =	vpush v0, $0xB  }
0x10c: {  	v29 =	vld [tilespmem:s23+$0xA800]  }
0x10d: {  	[tilespmem:$0x1FDD0] =	vst v25;
	v25 =	vld [tilespmem:s23+$0xA810]  }
0x10e: {  	v34 =	vld [tilespmem:s23+$0xA820]  }
0x10f: {  	s24 =	sand.u32 $0x380, s25;
	v47 =	vld [tilespmem:s23+$0xA830]  }
0x110: {  	[tilespmem:$0x1FDF0] =	vst v27;
	v27 =	vld [tilespmem:s24+$0xE800]  }
0x111: {  	[tilespmem:$0x1FD90] =	vst v21;
	v21 =	vld [tilespmem:s24+$0xE810]  }
0x112: {  	v32 =	vld [tilespmem:s24+$0xE820];
	s25 =	spop (v2sf)  }
0x113: {  	v59 =	vld [tilespmem:s24+$0xE830];
	(v2sf) =	vpush v1, $0xC;
	s23 =	sand.u32 $0x380, s25  }
0x114: {  	v22 =	vld [tilespmem:s23+$0xAC00]  }
0x115: {  	[tilespmem:$0x1FD70] =	vst v19;
	v19 =	vld [tilespmem:s23+$0xAC10]  }
0x116: {  	s25 =	spop (v2sf);
	v33 =	vld [tilespmem:s23+$0xAC20]  }
0x117: {  	s24 =	sand.u32 $0x380, s25;
	v37 =	vld [tilespmem:s23+$0xAC30]  }
0x118: {  	[tilespmem:$0x1FD60] =	vst v18;
	(v2sf) =	vpush v0, $0xC;
	v18 =	vld [tilespmem:s24+$0xEC00]  }
0x119: {  	s25 =	spop (v2sf);
	(v2sf) =	vpush v1, $0xD;
	v16 =	vld [tilespmem:s24+$0xEC10]  }
0x11a: {  	v31 =	vld [tilespmem:s24+$0xEC20];
	s23 =	sand.u32 $0x380, s25;
	s25 =	spop (v2sf);
	(v2sf) =	vpush v0, $0xD  }
0x11b: {  	v30 =	vld [tilespmem:s24+$0xEC30]  }
0x11c: {  	v13 =	vld [tilespmem:s23+$0xB000]  }
0x11d: {  	[tilespmem:$0x1FD30] =	vst v14;
	v14 =	vld [tilespmem:s23+$0xB010]  }
0x11e: {  	[tilespmem:$0x1FD50] =	vst v17;
	v17 =	vld [tilespmem:s23+$0xB020]  }
0x11f: {  	s24 =	sand.u32 $0x380, s25;
	v28 =	vld [tilespmem:s23+$0xB030]  }
0x120: {  	v12 =	vld [tilespmem:s24+$0xF000]  }
0x121: {  	v11 =	vld [tilespmem:s24+$0xF010]  }
0x122: {  	v15 =	vld [tilespmem:s24+$0xF020];
	s25 =	spop (v2sf)  }
0x123: {  	v56 =	vld [tilespmem:s24+$0xF030];
	s23 =	sand.u32 $0x380, s25  }
0x124: {  	v10 =	vld [tilespmem:s23+$0xB400]  }
0x125: {  	v49 =	vld [tilespmem:s23+$0xB410]  }
0x126: {  	(v2sf) =	vpush v1, $0xE;
	v8 =	vld [tilespmem:s23+$0xB420]  }
0x127: {  	s25 =	spop (v2sf);
	(v2sf) =	vpush v0, $0xE;
	v48 =	vld [tilespmem:s23+$0xB430]  }
0x128: {  	v57 =	vmul.f32 v57, v3;
	s24 =	sand.u32 $0x380, s25;
	s25 =	spop (v2sf);
	(v2sf) =	vpush v1, $0xF;
	v1 =	vld [tilespmem:$0x1FD60]  }
0x129: {  	v52 =	vmul.f32 v62, v52;
	s23 =	sand.u32 $0x380, s25;
	s25 =	spop (v2sf);
	(v2sf) =	vpush v0, $0xF;
	v0 =	vld [tilespmem:$0x1FD50]  }
0x12a: {  	v55 =	vadd.f32 v57, v55;
	v57 =	vld [tilespmem:$0x1FD30]  }
0x12b: {  	v62 =	vld [tilespmem:$0x1FDC0];
	v42 =	vadd.f32 v42, v52;
	v46 =	vmul.f32 v46, v63  }
0x12c: {  	v63 =	vld [tilespmem:$0x1FDD0]  }
0x12d: {  	v42 =	vadd.f32 v46, v42;
	v46 =	vld [tilespmem:$0x1FDE0]  }
0x12e: {  	v0 =	vmul.f32 v1, v0;
	v1 =	vld [tilespmem:$0x1FD70]  }
0x12f: {  	v9 =	vld [tilespmem:s24+$0xF400]  }
0x130: {  	v50 =	vld [tilespmem:s24+$0xF410]  }
0x131: {  	v6 =	vld [tilespmem:s24+$0xF420]  }
0x132: {  	v7 =	vld [tilespmem:s24+$0xF430]  }
0x133: {  	v3 =	vld [tilespmem:s23+$0xB800];
	v51 =	vmul.f32 v51, v1  }
0x134: {  	v52 =	vld [tilespmem:s23+$0xB830]  }
0x135: {  	v57 =	vmul.f32 v61, v57;
	s25 =	sand.u32 $0x380, s25;
	v38 =	vadd.f32 v51, v38;
	v51 =	vld [tilespmem:$0x1FD90]  }
0x136: {  	v61 =	vld [tilespmem:s25+$0xF800]  }
0x137: {  	v55 =	vadd.f32 v57, v55;
	v57 =	vld [tilespmem:s25+$0xF810]  }
0x138: {  	v40 =	vmul.f32 v40, v43;
	v43 =	vld [tilespmem:s25+$0xF820]  }
0x139: {  	v39 =	vmul.f32 v39, v58;
	v1 =	vld [tilespmem:s23+$0xB810]  }
0x13a: {  	v51 =	vmul.f32 v60, v51;
	v60 =	vld [tilespmem:s23+$0xB820];
	s23 =	spop (v2sf)  }
0x13b: {  	v39 =	vadd.f32 v40, v39;
	v40 =	vmul.f32 v44, v46;
	v20 =	vmul.f32 v20, v23;
	v23 =	vld [tilespmem:s25+$0xF830];
	s23 =	sand.u32 $0x380, s23  }
0x13c: {  	v27 =	vmul.f32 v27, v29;
	v21 =	vmul.f32 v21, v25;
	v44 =	vld [tilespmem:s23+$0xBC00]  }
0x13d: {  	v24 =	vmul.f32 v24, v26;
	v38 =	vadd.f32 v51, v38;
	v51 =	vld [tilespmem:$0x1FDF0]  }
0x13e: {  	v26 =	vmul.f32 v63, v62;
	v63 =	vmul.f32 v32, v34;
	v21 =	vadd.f32 v21, v27;
	v25 =	vld [tilespmem:s23+$0xBC10]  }
0x13f: {  	v58 =	vadd.f32 v40, v39;
	v62 =	vmul.f32 v41, v54;
	v20 =	vadd.f32 v20, v24;
	s25 =	spop (v2sf);
	v32 =	vld [tilespmem:s23+$0xBC20]  }
0x140: {  	v34 =	vmul.f32 v59, v47;
	v21 =	vadd.f32 v63, v21;
	v16 =	vmul.f32 v16, v19;
	s24 =	sand.u32 $0x380, s25;
	v19 =	vld [tilespmem:s23+$0xBC30]  }
0x141: {  	v18 =	vmul.f32 v18, v22;
	v0 =	vadd.f32 v0, v55;
	v55 =	vmul.f32 v35, v36;
	v35 =	vld [tilespmem:s24+$0xFC00]  }
0x142: {  	v26 =	vadd.f32 v26, v42;
	v12 =	vmul.f32 v12, v13;
	v11 =	vmul.f32 v11, v14;
	v29 =	vld [tilespmem:s24+$0xFC10]  }
0x143: {  	(xrf2) =	vadd.scan.msk.f32 $0xffff, v4;
	v4 =	vadd.f32 v34, v21;
	v40 =	vmul.f32 v31, v33;
	v39 =	vadd.f32 v16, v18;
	s25 =	spop (v2sf);
	v27 =	vld [tilespmem:s24+$0xFC20]  }
0x144: {  	v42 =	vmul.f32 v30, v37;
	v54 =	vmul.f32 v56, v28;
	v11 =	vadd.f32 v11, v12;
	v41 =	vld [tilespmem:s24+$0xFC30];
	s23 =	sand.u32 $0x380, s25  }
0x145: {  	(xrf2) =	vadd.scan.msk.f32 $0xffff, v2;
	v14 =	vadd.f32 v40, v39;
	v9 =	vmul.f32 v9, v10;
	v50 =	vmul.f32 v50, v49;
	s25 =	spop (v2sf);
	v47 =	vld [tilespmem:s23+$0xC000]  }
0x146: {  	(xrf2) =	vadd.scan.msk.f32 $0xffff, v45;
	v3 =	vmul.f32 v61, v3;
	v20 =	vadd.f32 v55, v20;
	v1 =	vmul.f32 v57, v1;
	s24 =	sand.u32 $0x380, s25;
	v55 =	vld [tilespmem:s23+$0xC010]  }
0x147: {  	(xrf2) =	vadd.scan.msk.f32 $0xffff, v5;
	v56 =	vadd.f32 v42, v14;
	v6 =	vmul.f32 v6, v8;
	v59 =	vld [tilespmem:s24+$0x10010];
	v46 =	vmul.f32 v53, v51  }
0x148: {  	v7 =	vmul.f32 v7, v48;
	(xrf2) =	vadd.scan.msk.f32 $0xffff, v0;
	v20 =	vadd.f32 v62, v20;
	v1 =	vadd.f32 v1, v3;
	v51 =	vld [tilespmem:s24+$0x10000]  }
0x149: {  	(xrf2) =	vadd.scan.msk.f32 $0xffff, v38;
	v62 =	vld [tilespmem:s23+$0xC020];
	v24 =	vmul.f32 v43, v60;
	v36 =	vadd.f32 v46, v58;
	v46 =	vmul.f32 v15, v17  }
0x14a: {  	(xrf2) =	vadd.scan.msk.f32 $0xffff, v26;
	v22 =	vld [tilespmem:s24+$0x10020];
	v63 =	vmul.f32 v35, v44;
	v21 =	vmul.f32 v29, v25;
	v58 =	vadd.f32 v50, v9  }
0x14b: {  	v26 =	vmul.f32 v23, v52;
	v28 =	vld [tilespmem:s24+$0x10030];
	v1 =	vadd.f32 v24, v1;
	v53 =	vadd.f32 v46, v11;
	(xrf2) =	vadd.scan.msk.f32 $0xffff, v36  }
0x14c: {  	v25 =	vld [tilespmem:s23+$0xC030];
	v27 =	vmul.f32 v27, v32;
	v2 =	vadd.f32 v6, v58;
	v6 =	vadd.f32 v21, v63;
	(xrf2) =	vadd.scan.msk.f32 $0xffff, v20  }
0x14d: {  	v30 =	vmul.f32 v59, v55;
	v29 =	vmul.f32 v51, v47;
	v5 =	vadd.f32 v54, v53;
	(xrf2) =	vadd.scan.msk.f32 $0xffff, v4  }
0x14e: {  	v31, _, _ =	vpop (xrf2);
	v34 =	vmul.f32 v41, v19;
	v32 =	vadd.f32 v7, v2;
	v33 =	vadd.f32 v27, v6;
	(xrf2) =	vadd.scan.msk.f32 $0xffff, v56  }
0x14f: {  	v35, _, _ =	vpop (xrf2);
	v1 =	vadd.f32 v26, v1;
	v36 =	vmul.f32 v22, v62;
	v3 =	vadd.f32 v30, v29;
	(xrf2) =	vadd.scan.msk.f32 $0xffff, v5  }
0x150: {  	v38 =	vbroadcast v31, $0xF;
	v37, _, _ =	vpop (xrf2);
	v7 =	vbroadcast v35, $0xF;
	v2 =	vadd.f32 v34, v33;
	(xrf2) =	vadd.scan.msk.f32 $0xffff, v32  }
0x151: {  	v39, _, _ =	vpop (xrf2);
	v42 =	vbroadcast v37, $0xF;
	v41 =	vmul.f32 v28, v25;
	v40 =	vadd.f32 v36, v3;
	(xrf2) =	vadd.scan.msk.f32 $0xffff, v1  }
0x152: {  	v43 =	vbroadcast v39, $0xF;
	v44, _, _ =	vpop (xrf2);
	v0 =	vsel vm0, v38, v7;
	(xrf2) =	vadd.scan.msk.f32 $0xffff, v2  }
0x153: {  	v46 =	vbroadcast v44, $0xF;
	v45, _, _ =	vpop (xrf2);
	v0 =	vsel vm1, v0, v42;
	v1 =	vadd.f32 v41, v40  }
0x154: {  	v47, _, _ =	vpop (xrf2);
	v0 =	vsel vm2, v0, v43;
	v2 =	vbroadcast v45, $0xF  }
0x155: {  	v3 =	vbroadcast v47, $0xF;
	v0 =	vsel vm3, v0, v46;
	(xrf2) =	vadd.scan.msk.f32 $0xffff, v1;
	v48, _, _ =	vpop (xrf2)  }
0x156: {  	v0 =	vsel vm4, v0, v2;
	v49, _, _ =	vpop (xrf2);
	v50 =	vbroadcast v48, $0xF  }
0x157: {  	v0 =	vsel vm5, v0, v3;
	v51, _, _ =	vpop (xrf2);
	v1 =	vbroadcast v49, $0xF  }
0x158: {  	v52, _, _ =	vpop (xrf2);
	v0 =	vsel vm6, v0, v50;
	v53 =	vbroadcast v51, $0xF  }
0x159: {  	v54, _, _ =	vpop (xrf2);
	v0 =	vsel vm7, v0, v1;
	v55 =	vbroadcast v52, $0xF  }
0x15a: {  	v56, _, _ =	vpop (xrf2);
	v0 =	vsel vm8, v0, v53;
	v57 =	vbroadcast v54, $0xF  }
0x15b: {  	s21 =	sadd.s32 $0x80, s21;
	v58, _, _ =	vpop (xrf2);
	v0 =	vsel vm9, v0, v55;
	v59 =	vbroadcast v56, $0xF  }
0x15c: {  	p0 =	sne.s32 s21, $0x800;
	v60, _, _ =	vpop (xrf2);
	v0 =	vsel vm10, v0, v57;
	v61 =	vbroadcast v58, $0xF  }
.Ltmp3:
0x15d: {  	v0 =	vsel vm11, v0, v59;
	v62 =	vbroadcast v60, $0xF;
	(pc) =	sbr.rel @!p0 .LBB2_5-.Ltmp3, $4  }
0x15e: {  	v0 =	vsel vm12, v0, v61  }
0x15f: {  	v63, _, _ =	vpop (xrf2);
	v0 =	vsel vm13, v0, v62  }
0x160: {  	v0 =	vsel vm14, v0, v63  }
0x161: {  	[tilespmem:s22+$0x10410] =	vst v0  }
.LBB2_2:
0x162: {  	s22 =	sshra.s32 s21, $0x2  }
0x163: {  	v0 =	vld [tilespmem:s22+$0x10];
	_ =	sdelay $0x3  }
0x164: {  	v2 =	vld [tilespmem:s22+$0x210]  }
0x165: {  	v1 =	vshll.u32 v0, $0x4  }
0x166: {  	(v2sf) =	vpush v1, $0x0;
	_ =	sdelay $0x2  }
0x167: {  	v42 =	vshll.u32 v2, $0x4  }
0x168: {  	(v2sf) =	vpush v42, $0x0;
	_ =	sdelay $0x1  }
0x169: {  	(v2sf) =	vpush v1, $0x1;
	_ =	sdelay $0x3  }
0x16a: {  	(v2sf) =	vpush v42, $0x1;
	_ =	sdelay $0x4  }
0x16b: {  	s23 =	spop (v2sf);
	(v2sf) =	vpush v1, $0x2  }
0x16c: {  	s23 =	sand.u32 $0xFFFFF80, s23  }
0x16d: {  	s24 =	simm.s32 $0x8400;
	s23 =	sadd.s32 s3, s23  }
0x16e: {  	[tilespmem:s24], [sflag:$0x2] =	stream.linear.gather [hbm4b:s23+s1], $0x400, $0x38;
	[tilespmem:$0x10600] =	vst v63  }
0x16f: {  	s24 =	spop (v2sf);
	(v2sf) =	vpush v42, $0x2;
	_ =	sdelay $0x1  }
0x170: {  	s23 =	sand.u32 $0xFFFFF80, s24;
	s24 =	spop (v2sf);
	(v2sf) =	vpush v1, $0x3;
	_ =	sdelay $0x1  }
0x171: {  	s25 =	simm.s32 $0xC400;
	s23 =	sadd.s32 s4, s23  }
0x172: {  	[tilespmem:s25], [sflag:$0x2] =	stream.linear.gather [hbm4b:s23+s1], $0x400, $0x38;
	[tilespmem:$0x10600] =	vst v63  }
0x173: {  	s23 =	sand.u32 $0xFFFFF80, s24;
	s24 =	spop (v2sf);
	(v2sf) =	vpush v42, $0x3;
	_ =	sdelay $0x2  }
0x174: {  	s25 =	simm.s32 $0x8800;
	s23 =	sadd.s32 s3, s23  }
0x175: {  	[tilespmem:s25], [sflag:$0x2] =	stream.linear.gather [hbm4b:s23+s1], $0x400, $0x38;
	[tilespmem:$0x10600] =	vst v63  }
0x176: {  	s23 =	sand.u32 $0xFFFFF80, s24;
	s24 =	spop (v2sf);
	(v2sf) =	vpush v1, $0x4  }
0x177: {  	s25 =	simm.s32 $0xC800;
	s23 =	sadd.s32 s4, s23  }
0x178: {  	[tilespmem:s25], [sflag:$0x2] =	stream.linear.gather [hbm4b:s23+s1], $0x400, $0x38;
	[tilespmem:$0x10600] =	vst v63  }
0x179: {  	s23 =	sand.u32 $0xFFFFF80, s24  }
0x17a: {  	s25 =	simm.s32 $0x8C00;
	s23 =	sadd.s32 s3, s23;
	s24 =	spop (v2sf);
	(v2sf) =	vpush v42, $0x4  }
0x17b: {  	[tilespmem:s25], [sflag:$0x2] =	stream.linear.gather [hbm4b:s23+s1], $0x400, $0x38;
	[tilespmem:$0x10600] =	vst v63  }
0x17c: {  	s23 =	sand.u32 $0xFFFFF80, s24;
	s24 =	spop (v2sf);
	(v2sf) =	vpush v1, $0x5  }
0x17d: {  	s25 =	simm.s32 $0xCC00;
	s23 =	sadd.s32 s4, s23  }
0x17e: {  	[tilespmem:s25], [sflag:$0x2] =	stream.linear.gather [hbm4b:s23+s1], $0x400, $0x38;
	[tilespmem:$0x10600] =	vst v63  }
0x17f: {  	s23 =	sand.u32 $0xFFFFF80, s24  }
0x180: {  	s25 =	simm.s32 $0x9000;
	s24 =	spop (v2sf);
	s23 =	sadd.s32 s3, s23  }
0x181: {  	(v2sf) =	vpush v42, $0x5;
	[tilespmem:s25], [sflag:$0x2] =	stream.linear.gather [hbm4b:s23+s1], $0x400, $0x38;
	[tilespmem:$0x10600] =	vst v63  }
0x182: {  	s23 =	sand.u32 $0xFFFFF80, s24  }
0x183: {  	s25 =	simm.s32 $0xD000;
	s23 =	sadd.s32 s4, s23  }
0x184: {  	[tilespmem:s25], [sflag:$0x2] =	stream.linear.gather [hbm4b:s23+s1], $0x400, $0x38;
	[tilespmem:$0x10600] =	vst v63  }
0x185: {  	s24 =	spop (v2sf);
	(v2sf) =	vpush v1, $0x6  }
0x186: {  	s23 =	sand.u32 $0xFFFFF80, s24  }
0x187: {  	s25 =	simm.s32 $0x9400;
	s23 =	sadd.s32 s3, s23  }
0x188: {  	[tilespmem:s25], [sflag:$0x2] =	stream.linear.gather [hbm4b:s23+s1], $0x400, $0x38;
	[tilespmem:$0x10600] =	vst v63  }
0x189: {  	s24 =	spop (v2sf);
	(v2sf) =	vpush v42, $0x6  }
0x18a: {  	s23 =	sand.u32 $0xFFFFF80, s24  }
0x18b: {  	s25 =	simm.s32 $0xD400;
	s24 =	spop (v2sf);
	(v2sf) =	vpush v1, $0x7;
	s23 =	sadd.s32 s4, s23  }
0x18c: {  	[tilespmem:s25], [sflag:$0x2] =	stream.linear.gather [hbm4b:s23+s1], $0x400, $0x38;
	[tilespmem:$0x10600] =	vst v63  }
0x18d: {  	s23 =	sand.u32 $0xFFFFF80, s24  }
0x18e: {  	s25 =	simm.s32 $0x9800;
	s23 =	sadd.s32 s3, s23  }
0x18f: {  	[tilespmem:s25], [sflag:$0x2] =	stream.linear.gather [hbm4b:s23+s1], $0x400, $0x38;
	[tilespmem:$0x10600] =	vst v63  }
0x190: {  	s25 =	spop (v2sf);
	(v2sf) =	vpush v42, $0x7  }
0x191: {  	s23 =	sand.u32 $0xFFFFF80, s25  }
0x192: {  	s23 =	sadd.s32 s4, s23  }
0x193: {  	[tilespmem:s26], [sflag:$0x2] =	stream.linear.gather [hbm4b:s23+s1], $0x400, $0x38;
	[tilespmem:$0x10600] =	vst v63  }
0x194: {  	s24 =	spop (v2sf);
	(v2sf) =	vpush v1, $0x8  }
0x195: {  	s23 =	sand.u32 $0xFFFFF80, s24  }
0x196: {  	s23 =	sadd.s32 s3, s23  }
0x197: {  	[tilespmem:s28], [sflag:$0x2] =	stream.linear.gather [hbm4b:s23+s1], $0x400, $0x38;
	[tilespmem:$0x10600] =	vst v63  }
0x198: {  	s25 =	spop (v2sf);
	(v2sf) =	vpush v42, $0x8  }
0x199: {  	s23 =	sand.u32 $0xFFFFF80, s25  }
0x19a: {  	s24 =	spop (v2sf);
	(v2sf) =	vpush v1, $0x9;
	s23 =	sadd.s32 s4, s23  }
0x19b: {  	[tilespmem:s29], [sflag:$0x2] =	stream.linear.gather [hbm4b:s23+s1], $0x400, $0x38;
	[tilespmem:$0x10600] =	vst v63  }
0x19c: {  	s23 =	sand.u32 $0xFFFFF80, s24  }
0x19d: {  	s23 =	sadd.s32 s3, s23  }
0x19e: {  	[tilespmem:s30], [sflag:$0x2] =	stream.linear.gather [hbm4b:s23+s1], $0x400, $0x38;
	[tilespmem:$0x10600] =	vst v63  }
0x19f: {  	s25 =	spop (v2sf);
	(v2sf) =	vpush v42, $0x9  }
0x1a0: {  	s23 =	sand.u32 $0xFFFFF80, s25  }
0x1a1: {  	s23 =	sadd.s32 s4, s23  }
0x1a2: {  	[tilespmem:s31], [sflag:$0x2] =	stream.linear.gather [hbm4b:s23+s1], $0x400, $0x38;
	[tilespmem:$0x10600] =	vst v63  }
0x1a3: {  	s24 =	spop (v2sf);
	(v2sf) =	vpush v1, $0xA  }
0x1a4: {  	s23 =	sand.u32 $0xFFFFF80, s24  }
0x1a5: {  	s23 =	sadd.s32 s3, s23  }
0x1a6: {  	[tilespmem:s0], [sflag:$0x2] =	stream.linear.gather [hbm4b:s23+s1], $0x400, $0x38;
	[tilespmem:$0x10600] =	vst v63  }
0x1a7: {  	s25 =	spop (v2sf);
	(v2sf) =	vpush v42, $0xA  }
0x1a8: {  	s23 =	sand.u32 $0xFFFFF80, s25  }
0x1a9: {  	s24 =	spop (v2sf);
	(v2sf) =	vpush v1, $0xB;
	s23 =	sadd.s32 s4, s23  }
0x1aa: {  	[tilespmem:s2], [sflag:$0x2] =	stream.linear.gather [hbm4b:s23+s1], $0x400, $0x38;
	[tilespmem:$0x10600] =	vst v63  }
0x1ab: {  	s23 =	sand.u32 $0xFFFFF80, s24  }
0x1ac: {  	s23 =	sadd.s32 s3, s23  }
0x1ad: {  	[tilespmem:s10], [sflag:$0x2] =	stream.linear.gather [hbm4b:s23+s1], $0x400, $0x38;
	[tilespmem:$0x10600] =	vst v63  }
0x1ae: {  	s25 =	spop (v2sf);
	(v2sf) =	vpush v42, $0xB  }
0x1af: {  	s23 =	sand.u32 $0xFFFFF80, s25  }
0x1b0: {  	s23 =	sadd.s32 s4, s23  }
0x1b1: {  	[tilespmem:s5], [sflag:$0x2] =	stream.linear.gather [hbm4b:s23+s1], $0x400, $0x38;
	[tilespmem:$0x10600] =	vst v63  }
0x1b2: {  	s24 =	spop (v2sf);
	(v2sf) =	vpush v1, $0xC  }
0x1b3: {  	s23 =	sand.u32 $0xFFFFF80, s24  }
0x1b4: {  	s23 =	sadd.s32 s3, s23  }
0x1b5: {  	[tilespmem:s6], [sflag:$0x2] =	stream.linear.gather [hbm4b:s23+s1], $0x400, $0x38;
	[tilespmem:$0x10600] =	vst v63  }
0x1b6: {  	s25 =	spop (v2sf);
	(v2sf) =	vpush v42, $0xC  }
0x1b7: {  	s23 =	sand.u32 $0xFFFFF80, s25  }
0x1b8: {  	s24 =	spop (v2sf);
	(v2sf) =	vpush v1, $0xD;
	s23 =	sadd.s32 s4, s23  }
0x1b9: {  	[tilespmem:s7], [sflag:$0x2] =	stream.linear.gather [hbm4b:s23+s1], $0x400, $0x38;
	[tilespmem:$0x10600] =	vst v63  }
0x1ba: {  	s23 =	sand.u32 $0xFFFFF80, s24  }
0x1bb: {  	s23 =	sadd.s32 s3, s23  }
0x1bc: {  	[tilespmem:s8], [sflag:$0x2] =	stream.linear.gather [hbm4b:s23+s1], $0x400, $0x38;
	[tilespmem:$0x10600] =	vst v63  }
0x1bd: {  	s25 =	spop (v2sf);
	(v2sf) =	vpush v42, $0xD  }
0x1be: {  	s23 =	sand.u32 $0xFFFFF80, s25  }
0x1bf: {  	s23 =	sadd.s32 s4, s23  }
0x1c0: {  	[tilespmem:s9], [sflag:$0x2] =	stream.linear.gather [hbm4b:s23+s1], $0x400, $0x38;
	[tilespmem:$0x10600] =	vst v63  }
0x1c1: {  	s24 =	spop (v2sf);
	(v2sf) =	vpush v1, $0xE  }
0x1c2: {  	s23 =	sand.u32 $0xFFFFF80, s24  }
0x1c3: {  	s23 =	sadd.s32 s3, s23  }
0x1c4: {  	[tilespmem:s11], [sflag:$0x2] =	stream.linear.gather [hbm4b:s23+s1], $0x400, $0x38;
	[tilespmem:$0x10600] =	vst v63  }
0x1c5: {  	s25 =	spop (v2sf);
	(v2sf) =	vpush v42, $0xE  }
0x1c6: {  	s23 =	sand.u32 $0xFFFFF80, s25  }
0x1c7: {  	s24 =	spop (v2sf);
	(v2sf) =	vpush v1, $0xF;
	s23 =	sadd.s32 s4, s23  }
0x1c8: {  	[tilespmem:s12], [sflag:$0x2] =	stream.linear.gather [hbm4b:s23+s1], $0x400, $0x38;
	[tilespmem:$0x10600] =	vst v63  }
0x1c9: {  	s23 =	sand.u32 $0xFFFFF80, s24  }
0x1ca: {  	s23 =	sadd.s32 s3, s23  }
0x1cb: {  	[tilespmem:s13], [sflag:$0x2] =	stream.linear.gather [hbm4b:s23+s1], $0x400, $0x38;
	[tilespmem:$0x10600] =	vst v63  }
0x1cc: {  	s25 =	spop (v2sf);
	(v2sf) =	vpush v42, $0xF  }
0x1cd: {  	s23 =	sand.u32 $0xFFFFF80, s25  }
0x1ce: {  	s23 =	sadd.s32 s4, s23  }
0x1cf: {  	[tilespmem:s14], [sflag:$0x2] =	stream.linear.gather [hbm4b:s23+s1], $0x400, $0x38;
	[tilespmem:$0x10600] =	vst v63  }
0x1d0: {  	s24 =	spop (v2sf)  }
0x1d1: {  	s23 =	sand.u32 $0xFFFFF80, s24  }
0x1d2: {  	s23 =	sadd.s32 s3, s23  }
0x1d3: {  	[tilespmem:s15], [sflag:$0x2] =	stream.linear.gather [hbm4b:s23+s1], $0x400, $0x38;
	[tilespmem:$0x10600] =	vst v63  }
0x1d4: {  	s25 =	spop (v2sf)  }
0x1d5: {  	s23 =	sand.u32 $0xFFFFF80, s25  }
0x1d6: {  	s24 =	spop (v2sf);
	s23 =	sadd.s32 s4, s23  }
0x1d7: {  	[tilespmem:s16], [sflag:$0x2] =	stream.linear.gather [hbm4b:s23+s1], $0x400, $0x38;
	[tilespmem:$0x10600] =	vst v63  }
0x1d8: {  	s23 =	sand.u32 $0xFFFFF80, s24  }
0x1d9: {  	s23 =	sadd.s32 s3, s23  }
0x1da: {  	[tilespmem:s17], [sflag:$0x2] =	stream.linear.gather [hbm4b:s23+s1], $0x400, $0x38;
	[tilespmem:$0x10600] =	vst v63  }
0x1db: {  	s25 =	spop (v2sf)  }
0x1dc: {  	s23 =	sand.u32 $0xFFFFF80, s25  }
0x1dd: {  	s23 =	sadd.s32 s4, s23  }
0x1de: {  	[tilespmem:s18], [sflag:$0x2] =	stream.linear.gather [hbm4b:s23+s1], $0x400, $0x38;
	[tilespmem:$0x10600] =	vst v63  }
0x1df: {  	_ =	swait.ge [sflag:s19], $0x4000  }
0x1e0: {  	[sflag:s19] =	ssyncset.done $0x0  }
0x1e1: {  	[sflag:s19] =	ssyncadd.s32 $0xFFFFC000  }
0x1e2: {  	_ =	swait.ge [sflag:s19], $0x4000  }
0x1e3: {  	[sflag:s19] =	ssyncset.done $0x0  }
0x1e4: {  	[sflag:s19] =	ssyncadd.s32 $0xFFFFC000  }
0x1e5: {  	v43 =	vld [tilespmem:s22+$0x0];
	_ =	sdelay $0x3  }
0x1e6: {  	v44 =	vld [tilespmem:s22+$0x200]  }
0x1e7: {  	v1 =	vshll.u32 v43, $0x7  }
0x1e8: {  	(v2sf) =	vpush v1, $0x0;
	_ =	sdelay $0x2  }
0x1e9: {  	v0 =	vshll.u32 v44, $0x7  }
0x1ea: {  	(v2sf) =	vpush v0, $0x0;
	_ =	sdelay $0x3  }
0x1eb: {  	(v2sf) =	vpush v1, $0x1  }
0x1ec: {  	(v2sf) =	vpush v0, $0x1;
	_ =	sdelay $0x5  }
0x1ed: {  	s24 =	spop (v2sf)  }
0x1ee: {  	s23 =	sand.u32 $0x380, s24  }
0x1ef: {  	v3 =	vld [tilespmem:s23+$0x400]  }
0x1f0: {  	v5 =	vld [tilespmem:s23+$0x410]  }
0x1f1: {  	s25 =	spop (v2sf);
	v10 =	vld [tilespmem:s23+$0x420]  }
0x1f2: {  	s24 =	sand.u32 $0x380, s25;
	v6 =	vld [tilespmem:s23+$0x430]  }
0x1f3: {  	(v2sf) =	vpush v1, $0x2;
	v4 =	vld [tilespmem:s24+$0x4400]  }
0x1f4: {  	v15 =	vld [tilespmem:s24+$0x4410]  }
0x1f5: {  	s25 =	spop (v2sf);
	v28 =	vld [tilespmem:s24+$0x4420]  }
0x1f6: {  	v8 =	vld [tilespmem:s24+$0x4430];
	s23 =	sand.u32 $0x380, s25;
	s25 =	spop (v2sf)  }
0x1f7: {  	(v2sf) =	vpush v0, $0x2;
	v45 =	vld [tilespmem:s23+$0x800];
	s24 =	sand.u32 $0x380, s25  }
0x1f8: {  	v46 =	vld [tilespmem:s24+$0x4800];
	_ =	sdelay $0x1  }
0x1f9: {  	v47 =	vld [tilespmem:s23+$0x810]  }
0x1fa: {  	(v2sf) =	vpush v1, $0x3;
	v9 =	vld [tilespmem:s23+$0x820]  }
0x1fb: {  	v48 =	vld [tilespmem:s24+$0x4810];
	[tilespmem:$0x1FE00] =	vst v45  }
0x1fc: {  	v2 =	vmul.f32 v15, v5;
	v5 =	vmul.f32 v28, v10;
	[tilespmem:$0x1FE10] =	vst v46;
	v28 =	vld [tilespmem:$0x1FE00]  }
0x1fd: {  	v10 =	vld [tilespmem:$0x1FE10]  }
0x1fe: {  	(v2sf) =	vpush v0, $0x3;
	v7 =	vld [tilespmem:s23+$0x830]  }
0x1ff: {  	v49 =	vld [tilespmem:s24+$0x4820];
	v3 =	vmul.f32 v4, v3  }
0x200: {  	v50 =	vld [tilespmem:s24+$0x4830];
	[tilespmem:$0x1FE20] =	vst v47  }
0x201: {  	[tilespmem:$0x1FE30] =	vst v48;
	v4 =	vadd.f32 v2, v3;
	v2 =	vld [tilespmem:$0x1FE20];
	s25 =	spop (v2sf)  }
0x202: {  	s23 =	sand.u32 $0x380, s25;
	v3 =	vmul.f32 v10, v28;
	v28 =	vld [tilespmem:$0x1FE30]  }
0x203: {  	v45 =	vld [tilespmem:s23+$0xC00]  }
0x204: {  	v56 =	vld [tilespmem:s23+$0xC10]  }
0x205: {  	s25 =	spop (v2sf);
	v51 =	vld [tilespmem:s23+$0xC20]  }
0x206: {  	s24 =	sand.u32 $0x380, s25;
	v53 =	vld [tilespmem:s23+$0xC30]  }
0x207: {  	(v2sf) =	vpush v1, $0x4;
	v55 =	vld [tilespmem:s24+$0x4C00]  }
0x208: {  	v57 =	vld [tilespmem:s24+$0x4C10]  }
0x209: {  	s25 =	spop (v2sf);
	v52 =	vld [tilespmem:s24+$0x4C20]  }
0x20a: {  	v54 =	vld [tilespmem:s24+$0x4C30];
	s23 =	sand.u32 $0x380, s25  }
0x20b: {  	v58 =	vld [tilespmem:s23+$0x1000]  }
0x20c: {  	[tilespmem:$0x1FE40] =	vst v49;
	(v2sf) =	vpush v0, $0x4;
	v49 =	vld [tilespmem:s23+$0x1010]  }
0x20d: {  	s25 =	spop (v2sf);
	v59 =	vld [tilespmem:s23+$0x1020]  }
0x20e: {  	s24 =	sand.u32 $0x380, s25;
	v61 =	vld [tilespmem:s23+$0x1030]  }
0x20f: {  	v48 =	vld [tilespmem:s24+$0x5000];
	v45 =	vmul.f32 v55, v45  }
0x210: {  	[tilespmem:$0x1FE50] =	vst v51;
	v55 =	vmul.f32 v57, v56;
	v57 =	vmul.f32 v8, v6;
	v8 =	vld [tilespmem:$0x1FE40]  }
0x211: {  	(v2sf) =	vpush v1, $0x5;
	[tilespmem:$0x1FE60] =	vst v52;
	v6 =	vld [tilespmem:$0x1FE50]  }
0x212: {  	v45 =	vadd.f32 v55, v45;
	v55 =	vld [tilespmem:$0x1FE60]  }
0x213: {  	[tilespmem:$0x1FE80] =	vst v50;
	v50 =	vld [tilespmem:s24+$0x5010]  }
0x214: {  	v60 =	vld [tilespmem:s24+$0x5020];
	v2 =	vmul.f32 v28, v2  }
0x215: {  	(v2sf) =	vpush v0, $0x5;
	v62 =	vld [tilespmem:s24+$0x5030];
	[tilespmem:$0x1FE70] =	vst v58  }
0x216: {  	[tilespmem:$0x1FE90] =	vst v53;
	v3 =	vadd.f32 v2, v3;
	v2 =	vmul.f32 v8, v9;
	v8 =	vld [tilespmem:$0x1FE70];
	s25 =	spop (v2sf)  }
0x217: {  	v55 =	vmul.f32 v55, v6;
	v6 =	vld [tilespmem:$0x1FE90];
	s23 =	sand.u32 $0x380, s25  }
0x218: {  	v63 =	vld [tilespmem:s23+$0x1400]  }
0x219: {  	v12 =	vld [tilespmem:s23+$0x1410]  }
0x21a: {  	v14 =	vld [tilespmem:s23+$0x1420]  }
0x21b: {  	[tilespmem:$0x1FEA0] =	vst v54;
	s25 =	spop (v2sf);
	v17 =	vld [tilespmem:s23+$0x1430]  }
0x21c: {  	s24 =	sand.u32 $0x380, s25;
	v45 =	vadd.f32 v55, v45;
	v55 =	vld [tilespmem:$0x1FEA0]  }
0x21d: {  	v11 =	vld [tilespmem:s24+$0x5400]  }
0x21e: {  	v13 =	vld [tilespmem:s24+$0x5410]  }
0x21f: {  	v16 =	vld [tilespmem:s24+$0x5420]  }
0x220: {  	s25 =	spop (v2sf);
	v18 =	vld [tilespmem:s24+$0x5430]  }
0x221: {  	v4 =	vadd.f32 v5, v4;
	s23 =	sand.u32 $0x380, s25;
	v5 =	vmul.f32 v48, v8;
	v48 =	vmul.f32 v50, v49;
	v50 =	vld [tilespmem:$0x1FE80]  }
0x222: {  	v51 =	vld [tilespmem:s23+$0x1800]  }
0x223: {  	[tilespmem:$0x1FF10] =	vst v61;
	(v2sf) =	vpush v1, $0x6;
	v61 =	vld [tilespmem:s23+$0x1810]  }
0x224: {  	s25 =	spop (v2sf);
	v19 =	vld [tilespmem:s23+$0x1820]  }
0x225: {  	s24 =	sand.u32 $0x380, s25;
	v21 =	vld [tilespmem:s23+$0x1830]  }
0x226: {  	[tilespmem:$0x1FEC0] =	vst v60;
	v60 =	vld [tilespmem:s24+$0x5800]  }
0x227: {  	v38 =	vld [tilespmem:s24+$0x5810]  }
0x228: {  	(v2sf) =	vpush v0, $0x6;
	v20 =	vld [tilespmem:s24+$0x5820]  }
0x229: {  	v22 =	vld [tilespmem:s24+$0x5830]  }
0x22a: {  	v5 =	vadd.f32 v48, v5;
	v48 =	vld [tilespmem:$0x1FEC0];
	[tilespmem:$0x1FED0] =	vst v63;
	v55 =	vmul.f32 v55, v6  }
0x22b: {  	v4 =	vadd.f32 v57, v4;
	[tilespmem:$0x1FEE0] =	vst v11;
	v57 =	vld [tilespmem:$0x1FED0]  }
0x22c: {  	(v2sf) =	vpush v1, $0x7;
	v45 =	vadd.f32 v55, v45;
	v55 =	vld [tilespmem:$0x1FEE0]  }
0x22d: {  	[tilespmem:$0x1FF20] =	vst v62;
	v51 =	vmul.f32 v60, v51;
	v60 =	vld [tilespmem:$0x1FF10]  }
0x22e: {  	[tilespmem:$0x1FEB0] =	vst v59;
	v2 =	vadd.f32 v2, v3;
	v3 =	vmul.f32 v50, v7;
	v38 =	vmul.f32 v38, v61;
	v61 =	vld [tilespmem:$0x1FF20]  }
0x22f: {  	(v2sf) =	vpush v0, $0x7;
	[tilespmem:$0x1FEF0] =	vst v12;
	v6 =	vld [tilespmem:$0x1FEB0]  }
0x230: {  	[tilespmem:$0x1FF80] =	vst v20;
	v2 =	vadd.f32 v3, v2;
	v3 =	vld [tilespmem:$0x1FEF0]  }
0x231: {  	[tilespmem:$0x1FF00] =	vst v13;
	v38 =	vadd.f32 v38, v51;
	v51 =	vld [tilespmem:$0x1FF80]  }
0x232: {  	[tilespmem:$0x1FF40] =	vst v16;
	v55 =	vmul.f32 v55, v57;
	v57 =	vld [tilespmem:$0x1FF00];
	s25 =	spop (v2sf)  }
0x233: {  	v60 =	vmul.f32 v61, v60;
	v61 =	vld [tilespmem:$0x1FF40];
	s23 =	sand.u32 $0x380, s25  }
0x234: {  	v48 =	vmul.f32 v48, v6;
	v52 =	vld [tilespmem:s23+$0x1C00]  }
0x235: {  	(v2sf) =	vpush v1, $0x8;
	v63 =	vld [tilespmem:s23+$0x1C10]  }
0x236: {  	v5 =	vadd.f32 v48, v5;
	v23 =	vld [tilespmem:s23+$0x1C20]  }
0x237: {  	[tilespmem:$0x1FFA0] =	vst v22;
	s25 =	spop (v2sf);
	v24 =	vld [tilespmem:s23+$0x1C30]  }
0x238: {  	s24 =	sand.u32 $0x380, s25;
	v5 =	vadd.f32 v60, v5;
	v60 =	vld [tilespmem:$0x1FFA0]  }
0x239: {  	(v2sf) =	vpush v0, $0x8;
	v62 =	vld [tilespmem:s24+$0x5C00]  }
0x23a: {  	v42 =	vld [tilespmem:s24+$0x5C10]  }
0x23b: {  	s25 =	spop (v2sf);
	v46 =	vld [tilespmem:s24+$0x5C20]  }
0x23c: {  	v25 =	vld [tilespmem:s24+$0x5C30];
	s23 =	sand.u32 $0x380, s25  }
0x23d: {  	(v2sf) =	vpush v1, $0x9;
	v58 =	vld [tilespmem:s23+$0x2000]  }
0x23e: {  	s25 =	spop (v2sf);
	(v2sf) =	vpush v0, $0x9;
	v43 =	vld [tilespmem:s23+$0x2010]  }
0x23f: {  	v26 =	vld [tilespmem:s23+$0x2020]  }
0x240: {  	s24 =	sand.u32 $0x380, s25;
	v27 =	vld [tilespmem:s23+$0x2030]  }
0x241: {  	v39 =	vld [tilespmem:s24+$0x6000]  }
0x242: {  	v40 =	vld [tilespmem:s24+$0x6010]  }
0x243: {  	v44 =	vld [tilespmem:s24+$0x6020]  }
0x244: {  	v53 =	vld [tilespmem:s24+$0x6030];
	[tilespmem:$0x1FFB0] =	vst v23;
	s25 =	spop (v2sf)  }
0x245: {  	v42 =	vmul.f32 v42, v63;
	v63 =	vld [tilespmem:$0x1FFB0];
	(v2sf) =	vpush v1, $0xA;
	s23 =	sand.u32 $0x380, s25  }
0x246: {  	[tilespmem:$0x1FFE0] =	vst v26;
	v26 =	vld [tilespmem:s23+$0x2400]  }
0x247: {  	v23 =	vld [tilespmem:s23+$0x2410]  }
0x248: {  	s25 =	spop (v2sf);
	v36 =	vld [tilespmem:s23+$0x2420]  }
0x249: {  	(v2sf) =	vpush v0, $0xA;
	s24 =	sand.u32 $0x380, s25;
	v54 =	vld [tilespmem:s23+$0x2430]  }
0x24a: {  	[tilespmem:$0x1FFC0] =	vst v24;
	v24 =	vld [tilespmem:s24+$0x6400]  }
0x24b: {  	v20 =	vld [tilespmem:s24+$0x6410]  }
0x24c: {  	s25 =	spop (v2sf);
	(v2sf) =	vpush v1, $0xB;
	v35 =	vld [tilespmem:s24+$0x6420]  }
0x24d: {  	s23 =	sand.u32 $0x380, s25;
	s25 =	spop (v2sf);
	v41 =	vld [tilespmem:s24+$0x6430];
	(v2sf) =	vpush v0, $0xB  }
0x24e: {  	v29 =	vld [tilespmem:s23+$0x2800]  }
0x24f: {  	[tilespmem:$0x1FFD0] =	vst v25;
	v25 =	vld [tilespmem:s23+$0x2810]  }
0x250: {  	v34 =	vld [tilespmem:s23+$0x2820]  }
0x251: {  	s24 =	sand.u32 $0x380, s25;
	v47 =	vld [tilespmem:s23+$0x2830]  }
0x252: {  	[tilespmem:$0x1FFF0] =	vst v27;
	v27 =	vld [tilespmem:s24+$0x6800]  }
0x253: {  	[tilespmem:$0x1FF90] =	vst v21;
	v21 =	vld [tilespmem:s24+$0x6810]  }
0x254: {  	v32 =	vld [tilespmem:s24+$0x6820];
	s25 =	spop (v2sf)  }
0x255: {  	v59 =	vld [tilespmem:s24+$0x6830];
	(v2sf) =	vpush v1, $0xC;
	s23 =	sand.u32 $0x380, s25  }
0x256: {  	v22 =	vld [tilespmem:s23+$0x2C00]  }
0x257: {  	[tilespmem:$0x1FF70] =	vst v19;
	v19 =	vld [tilespmem:s23+$0x2C10]  }
0x258: {  	s25 =	spop (v2sf);
	v33 =	vld [tilespmem:s23+$0x2C20]  }
0x259: {  	s24 =	sand.u32 $0x380, s25;
	v37 =	vld [tilespmem:s23+$0x2C30]  }
0x25a: {  	[tilespmem:$0x1FF60] =	vst v18;
	(v2sf) =	vpush v0, $0xC;
	v18 =	vld [tilespmem:s24+$0x6C00]  }
0x25b: {  	s25 =	spop (v2sf);
	(v2sf) =	vpush v1, $0xD;
	v16 =	vld [tilespmem:s24+$0x6C10]  }
0x25c: {  	v31 =	vld [tilespmem:s24+$0x6C20];
	s23 =	sand.u32 $0x380, s25;
	s25 =	spop (v2sf);
	(v2sf) =	vpush v0, $0xD  }
0x25d: {  	v30 =	vld [tilespmem:s24+$0x6C30]  }
0x25e: {  	v13 =	vld [tilespmem:s23+$0x3000]  }
0x25f: {  	[tilespmem:$0x1FF30] =	vst v14;
	v14 =	vld [tilespmem:s23+$0x3010]  }
0x260: {  	[tilespmem:$0x1FF50] =	vst v17;
	v17 =	vld [tilespmem:s23+$0x3020]  }
0x261: {  	s24 =	sand.u32 $0x380, s25;
	v28 =	vld [tilespmem:s23+$0x3030]  }
0x262: {  	v12 =	vld [tilespmem:s24+$0x7000]  }
0x263: {  	v11 =	vld [tilespmem:s24+$0x7010]  }
0x264: {  	v15 =	vld [tilespmem:s24+$0x7020];
	s25 =	spop (v2sf)  }
0x265: {  	v56 =	vld [tilespmem:s24+$0x7030];
	s23 =	sand.u32 $0x380, s25  }
0x266: {  	v10 =	vld [tilespmem:s23+$0x3400]  }
0x267: {  	v49 =	vld [tilespmem:s23+$0x3410]  }
0x268: {  	(v2sf) =	vpush v1, $0xE;
	v7 =	vld [tilespmem:s23+$0x3420]  }
0x269: {  	s25 =	spop (v2sf);
	(v2sf) =	vpush v0, $0xE;
	v48 =	vld [tilespmem:s23+$0x3430]  }
0x26a: {  	v57 =	vmul.f32 v57, v3;
	s24 =	sand.u32 $0x380, s25;
	s25 =	spop (v2sf);
	(v2sf) =	vpush v1, $0xF;
	v1 =	vld [tilespmem:$0x1FF60]  }
0x26b: {  	v52 =	vmul.f32 v62, v52;
	s23 =	sand.u32 $0x380, s25;
	s25 =	spop (v2sf);
	(v2sf) =	vpush v0, $0xF;
	v0 =	vld [tilespmem:$0x1FF50]  }
0x26c: {  	v55 =	vadd.f32 v57, v55;
	v57 =	vld [tilespmem:$0x1FF30]  }
0x26d: {  	v62 =	vld [tilespmem:$0x1FFC0];
	v42 =	vadd.f32 v42, v52;
	v46 =	vmul.f32 v46, v63  }
0x26e: {  	v63 =	vld [tilespmem:$0x1FFD0]  }
0x26f: {  	v42 =	vadd.f32 v46, v42;
	v46 =	vld [tilespmem:$0x1FFE0]  }
0x270: {  	v0 =	vmul.f32 v1, v0;
	v1 =	vld [tilespmem:$0x1FF70]  }
0x271: {  	v9 =	vld [tilespmem:s24+$0x7400]  }
0x272: {  	v50 =	vld [tilespmem:s24+$0x7410]  }
0x273: {  	v6 =	vld [tilespmem:s24+$0x7420]  }
0x274: {  	v8 =	vld [tilespmem:s24+$0x7430]  }
0x275: {  	v3 =	vld [tilespmem:s23+$0x3800];
	v51 =	vmul.f32 v51, v1  }
0x276: {  	v52 =	vld [tilespmem:s23+$0x3830]  }
0x277: {  	v57 =	vmul.f32 v61, v57;
	s25 =	sand.u32 $0x380, s25;
	v38 =	vadd.f32 v51, v38;
	v51 =	vld [tilespmem:$0x1FF90]  }
0x278: {  	v61 =	vld [tilespmem:s25+$0x7800]  }
0x279: {  	v55 =	vadd.f32 v57, v55;
	v57 =	vld [tilespmem:s25+$0x7810]  }
0x27a: {  	v40 =	vmul.f32 v40, v43;
	v43 =	vld [tilespmem:s25+$0x7820]  }
0x27b: {  	v39 =	vmul.f32 v39, v58;
	v1 =	vld [tilespmem:s23+$0x3810]  }
0x27c: {  	v51 =	vmul.f32 v60, v51;
	v60 =	vld [tilespmem:s23+$0x3820];
	s23 =	spop (v2sf)  }
0x27d: {  	v39 =	vadd.f32 v40, v39;
	v40 =	vmul.f32 v44, v46;
	v20 =	vmul.f32 v20, v23;
	v23 =	vld [tilespmem:s25+$0x7830];
	s23 =	sand.u32 $0x380, s23  }
0x27e: {  	v27 =	vmul.f32 v27, v29;
	v21 =	vmul.f32 v21, v25;
	v44 =	vld [tilespmem:s23+$0x3C00]  }
0x27f: {  	v24 =	vmul.f32 v24, v26;
	v38 =	vadd.f32 v51, v38;
	v51 =	vld [tilespmem:$0x1FFF0]  }
0x280: {  	v26 =	vmul.f32 v63, v62;
	v63 =	vmul.f32 v32, v34;
	v21 =	vadd.f32 v21, v27;
	v25 =	vld [tilespmem:s23+$0x3C10]  }
0x281: {  	v58 =	vmul.f32 v41, v54;
	v20 =	vadd.f32 v20, v24;
	v27 =	vmul.f32 v59, v47;
	s25 =	spop (v2sf);
	v32 =	vld [tilespmem:s23+$0x3C20]  }
0x282: {  	v21 =	vadd.f32 v63, v21;
	v18 =	vmul.f32 v18, v22;
	v16 =	vmul.f32 v16, v19;
	s24 =	sand.u32 $0x380, s25;
	v19 =	vld [tilespmem:s23+$0x3C30]  }
0x283: {  	v26 =	vadd.f32 v26, v42;
	v41 =	vmul.f32 v30, v37;
	v12 =	vmul.f32 v12, v13;
	v62 =	vld [tilespmem:s24+$0x7C10]  }
0x284: {  	(xrf2) =	vadd.scan.msk.f32 $0xffff, v4;
	v4 =	vadd.f32 v27, v21;
	v11 =	vmul.f32 v11, v14;
	v42 =	vmul.f32 v15, v17;
	s25 =	spop (v2sf);
	v13 =	vld [tilespmem:s24+$0x7C20]  }
0x285: {  	v9 =	vmul.f32 v9, v10;
	v0 =	vadd.f32 v0, v55;
	v55 =	vadd.f32 v40, v39;
	v40 =	vld [tilespmem:s24+$0x7C30];
	s23 =	sand.u32 $0x380, s25;
	s25 =	spop (v2sf)  }
0x286: {  	v11 =	vadd.f32 v11, v12;
	v46 =	vmul.f32 v53, v51;
	v53 =	vmul.f32 v35, v36;
	v35 =	vld [tilespmem:s24+$0x7C00];
	s24 =	sand.u32 $0x380, s25  }
0x287: {  	(xrf2) =	vadd.scan.msk.f32 $0xffff, v2;
	v34 =	vadd.f32 v16, v18;
	v47 =	vmul.f32 v50, v49;
	v6 =	vmul.f32 v6, v7;
	v49 =	vld [tilespmem:s24+$0x8000]  }
0x288: {  	(xrf2) =	vadd.scan.msk.f32 $0xffff, v45;
	v50 =	vadd.f32 v42, v11;
	v39 =	vmul.f32 v31, v33;
	v51 =	vmul.f32 v56, v28;
	v56 =	vld [tilespmem:s24+$0x8010]  }
0x289: {  	(xrf2) =	vadd.scan.msk.f32 $0xffff, v5;
	v3 =	vmul.f32 v61, v3;
	v1 =	vmul.f32 v57, v1;
	v36 =	vadd.f32 v46, v55;
	v46 =	vld [tilespmem:s23+$0x4000]  }
0x28a: {  	v8 =	vmul.f32 v8, v48;
	v14 =	vadd.f32 v39, v34;
	(xrf2) =	vadd.scan.msk.f32 $0xffff, v0;
	v20 =	vadd.f32 v53, v20;
	v53 =	vld [tilespmem:s23+$0x4010]  }
0x28b: {  	v1 =	vadd.f32 v1, v3;
	(xrf2) =	vadd.scan.msk.f32 $0xffff, v38;
	v24 =	vmul.f32 v43, v60;
	v61 =	vmul.f32 v62, v25;
	v62 =	vld [tilespmem:s24+$0x8020]  }
0x28c: {  	(xrf2) =	vadd.scan.msk.f32 $0xffff, v26;
	v55 =	vadd.f32 v47, v9;
	v20 =	vadd.f32 v58, v20;
	v58 =	vld [tilespmem:s23+$0x4020];
	v59 =	vmul.f32 v35, v44  }
0x28d: {  	v54 =	vadd.f32 v41, v14;
	v63 =	vld [tilespmem:s23+$0x4030];
	v26 =	vmul.f32 v23, v52;
	v1 =	vadd.f32 v24, v1;
	(xrf2) =	vadd.scan.msk.f32 $0xffff, v36  }
0x28e: {  	v25 =	vld [tilespmem:s24+$0x8030];
	v27 =	vmul.f32 v13, v32;
	v2 =	vadd.f32 v6, v55;
	(xrf2) =	vadd.scan.msk.f32 $0xffff, v20;
	v6 =	vadd.f32 v61, v59  }
0x28f: {  	v5 =	vadd.f32 v51, v50;
	(xrf2) =	vadd.scan.msk.f32 $0xffff, v4;
	v28 =	vmul.f32 v49, v46;
	v29 =	vmul.f32 v56, v53  }
0x290: {  	v30, _, _ =	vpop (xrf2);
	v33 =	vmul.f32 v40, v19;
	v31 =	vadd.f32 v8, v2;
	(xrf2) =	vadd.scan.msk.f32 $0xffff, v54;
	v32 =	vadd.f32 v27, v6  }
0x291: {  	v34, _, _ =	vpop (xrf2);
	v1 =	vadd.f32 v26, v1;
	(xrf2) =	vadd.scan.msk.f32 $0xffff, v5;
	v3 =	vadd.f32 v29, v28;
	v35 =	vmul.f32 v62, v58  }
0x292: {  	v37 =	vbroadcast v30, $0xF;
	v38 =	vbroadcast v34, $0xF;
	v36, _, _ =	vpop (xrf2);
	(xrf2) =	vadd.scan.msk.f32 $0xffff, v31;
	v2 =	vadd.f32 v33, v32  }
0x293: {  	v41 =	vmul.f32 v25, v63;
	v39, _, _ =	vpop (xrf2);
	v42 =	vbroadcast v36, $0xF;
	(xrf2) =	vadd.scan.msk.f32 $0xffff, v1;
	v40 =	vadd.f32 v35, v3  }
0x294: {  	v0 =	vsel vm0, v37, v38;
	v43 =	vbroadcast v39, $0xF;
	v44, _, _ =	vpop (xrf2);
	(xrf2) =	vadd.scan.msk.f32 $0xffff, v2  }
0x295: {  	v45, _, _ =	vpop (xrf2);
	v0 =	vsel vm1, v0, v42;
	v46 =	vbroadcast v44, $0xF;
	v1 =	vadd.f32 v41, v40  }
0x296: {  	v47, _, _ =	vpop (xrf2);
	v0 =	vsel vm2, v0, v43;
	v2 =	vbroadcast v45, $0xF  }
0x297: {  	v0 =	vsel vm3, v0, v46;
	v3 =	vbroadcast v47, $0xF;
	v48, _, _ =	vpop (xrf2);
	(xrf2) =	vadd.scan.msk.f32 $0xffff, v1  }
0x298: {  	v0 =	vsel vm4, v0, v2;
	v50 =	vbroadcast v48, $0xF;
	v49, _, _ =	vpop (xrf2)  }
0x299: {  	v0 =	vsel vm5, v0, v3;
	v51, _, _ =	vpop (xrf2);
	v1 =	vbroadcast v49, $0xF  }
0x29a: {  	v0 =	vsel vm6, v0, v50;
	v52, _, _ =	vpop (xrf2);
	v53 =	vbroadcast v51, $0xF  }
0x29b: {  	v54, _, _ =	vpop (xrf2);
	v0 =	vsel vm7, v0, v1;
	v55 =	vbroadcast v52, $0xF  }
0x29c: {  	v56, _, _ =	vpop (xrf2);
	v0 =	vsel vm8, v0, v53;
	v57 =	vbroadcast v54, $0xF  }
0x29d: {  	v58, _, _ =	vpop (xrf2);
	v0 =	vsel vm9, v0, v55;
	v59 =	vbroadcast v56, $0xF  }
0x29e: {  	p0 =	seq.s32 s21, $0x780;
	v0 =	vsel vm10, v0, v57;
	v61 =	vbroadcast v58, $0xF;
	v60, _, _ =	vpop (xrf2)  }
.Ltmp4:
0x29f: {  	v0 =	vsel vm11, v0, v59;
	v62 =	vbroadcast v60, $0xF;
	(pc) =	sbr.rel @p0 .LBB2_4-.Ltmp4, $4  }
0x2a0: {  	v0 =	vsel vm12, v0, v61  }
0x2a1: {  	v63, _, _ =	vpop (xrf2);
	v0 =	vsel vm13, v0, v62  }
0x2a2: {  	v0 =	vsel vm14, v0, v63  }
0x2a3: {  	[tilespmem:s22+$0x10400] =	vst v0  }
0x2a4: {  	v0 =	vld [tilespmem:s22+$0x20];
	_ =	sdelay $0x3  }
0x2a5: {  	v2 =	vld [tilespmem:s22+$0x220]  }
0x2a6: {  	v1 =	vshll.u32 v0, $0x4  }
0x2a7: {  	(v2sf) =	vpush v1, $0x0;
	_ =	sdelay $0x2  }
0x2a8: {  	v63 =	vshll.u32 v2, $0x4  }
0x2a9: {  	(v2sf) =	vpush v63, $0x0;
	_ =	sdelay $0x1  }
0x2aa: {  	(v2sf) =	vpush v1, $0x1;
	_ =	sdelay $0x2  }
0x2ab: {  	(v2sf) =	vpush v63, $0x1;
	_ =	sdelay $0x5  }
0x2ac: {  	s23 =	spop (v2sf);
	(v2sf) =	vpush v1, $0x2  }
0x2ad: {  	s23 =	sand.u32 $0xFFFFF80, s23  }
0x2ae: {  	s24 =	simm.s32 $0x400;
	s23 =	sadd.s32 s3, s23  }
0x2af: {  	[tilespmem:s24], [sflag:$0x1] =	stream.linear.gather [hbm4b:s23+s1], $0x400, $0x38;
	[tilespmem:$0x10600] =	vst v63  }
0x2b0: {  	s24 =	spop (v2sf);
	(v2sf) =	vpush v63, $0x2;
	_ =	sdelay $0x1  }
0x2b1: {  	s23 =	sand.u32 $0xFFFFF80, s24;
	s24 =	spop (v2sf);
	(v2sf) =	vpush v1, $0x3  }
0x2b2: {  	s25 =	simm.s32 $0x4400;
	s23 =	sadd.s32 s4, s23  }
0x2b3: {  	[tilespmem:s25], [sflag:$0x1] =	stream.linear.gather [hbm4b:s23+s1], $0x400, $0x38;
	[tilespmem:$0x10600] =	vst v63  }
0x2b4: {  	s23 =	sand.u32 $0xFFFFF80, s24;
	s24 =	spop (v2sf);
	(v2sf) =	vpush v63, $0x3;
	_ =	sdelay $0x3  }
0x2b5: {  	s25 =	simm.s32 $0x800;
	s23 =	sadd.s32 s3, s23  }
0x2b6: {  	[tilespmem:s25], [sflag:$0x1] =	stream.linear.gather [hbm4b:s23+s1], $0x400, $0x38;
	[tilespmem:$0x10600] =	vst v63  }
0x2b7: {  	s23 =	sand.u32 $0xFFFFF80, s24;
	s24 =	spop (v2sf);
	(v2sf) =	vpush v1, $0x4  }
0x2b8: {  	s25 =	simm.s32 $0x4800;
	s23 =	sadd.s32 s4, s23  }
0x2b9: {  	[tilespmem:s25], [sflag:$0x1] =	stream.linear.gather [hbm4b:s23+s1], $0x400, $0x38;
	[tilespmem:$0x10600] =	vst v63  }
0x2ba: {  	s23 =	sand.u32 $0xFFFFF80, s24  }
0x2bb: {  	s25 =	simm.s32 $0xC00;
	s23 =	sadd.s32 s3, s23;
	s24 =	spop (v2sf);
	(v2sf) =	vpush v63, $0x4  }
0x2bc: {  	[tilespmem:s25], [sflag:$0x1] =	stream.linear.gather [hbm4b:s23+s1], $0x400, $0x38;
	[tilespmem:$0x10600] =	vst v63  }
0x2bd: {  	s23 =	sand.u32 $0xFFFFF80, s24;
	s24 =	spop (v2sf);
	(v2sf) =	vpush v1, $0x5  }
0x2be: {  	s25 =	simm.s32 $0x4C00;
	s23 =	sadd.s32 s4, s23  }
0x2bf: {  	[tilespmem:s25], [sflag:$0x1] =	stream.linear.gather [hbm4b:s23+s1], $0x400, $0x38;
	[tilespmem:$0x10600] =	vst v63  }
0x2c0: {  	s23 =	sand.u32 $0xFFFFF80, s24;
	s24 =	spop (v2sf);
	(v2sf) =	vpush v63, $0x5;
	_ =	sdelay $0x3  }
0x2c1: {  	s25 =	simm.s32 $0x1000;
	s23 =	sadd.s32 s3, s23  }
0x2c2: {  	[tilespmem:s25], [sflag:$0x1] =	stream.linear.gather [hbm4b:s23+s1], $0x400, $0x38;
	[tilespmem:$0x10600] =	vst v63  }
0x2c3: {  	s23 =	sand.u32 $0xFFFFF80, s24;
	s24 =	spop (v2sf);
	(v2sf) =	vpush v1, $0x6  }
0x2c4: {  	s25 =	simm.s32 $0x5000;
	s23 =	sadd.s32 s4, s23  }
0x2c5: {  	[tilespmem:s25], [sflag:$0x1] =	stream.linear.gather [hbm4b:s23+s1], $0x400, $0x38;
	[tilespmem:$0x10600] =	vst v63  }
0x2c6: {  	s23 =	sand.u32 $0xFFFFF80, s24  }
0x2c7: {  	s25 =	simm.s32 $0x1400;
	s23 =	sadd.s32 s3, s23;
	s24 =	spop (v2sf);
	(v2sf) =	vpush v63, $0x6  }
0x2c8: {  	[tilespmem:s25], [sflag:$0x1] =	stream.linear.gather [hbm4b:s23+s1], $0x400, $0x38;
	[tilespmem:$0x10600] =	vst v63  }
0x2c9: {  	s23 =	sand.u32 $0xFFFFF80, s24;
	s24 =	spop (v2sf);
	(v2sf) =	vpush v1, $0x7  }
0x2ca: {  	s25 =	simm.s32 $0x5400;
	s23 =	sadd.s32 s4, s23  }
0x2cb: {  	[tilespmem:s25], [sflag:$0x1] =	stream.linear.gather [hbm4b:s23+s1], $0x400, $0x38;
	[tilespmem:$0x10600] =	vst v63  }
0x2cc: {  	s23 =	sand.u32 $0xFFFFF80, s24;
	s24 =	spop (v2sf);
	(v2sf) =	vpush v63, $0x7;
	_ =	sdelay $0x3  }
0x2cd: {  	s25 =	simm.s32 $0x1800;
	s23 =	sadd.s32 s3, s23  }
0x2ce: {  	[tilespmem:s25], [sflag:$0x1] =	stream.linear.gather [hbm4b:s23+s1], $0x400, $0x38;
	[tilespmem:$0x10600] =	vst v63  }
0x2cf: {  	s23 =	sand.u32 $0xFFFFF80, s24;
	s24 =	spop (v2sf);
	(v2sf) =	vpush v1, $0x8  }
0x2d0: {  	s25 =	simm.s32 $0x5800;
	s23 =	sadd.s32 s4, s23  }
0x2d1: {  	[tilespmem:s25], [sflag:$0x1] =	stream.linear.gather [hbm4b:s23+s1], $0x400, $0x38;
	[tilespmem:$0x10600] =	vst v63  }
0x2d2: {  	s23 =	sand.u32 $0xFFFFF80, s24  }
0x2d3: {  	s25 =	simm.s32 $0x1C00;
	s23 =	sadd.s32 s3, s23;
	s24 =	spop (v2sf);
	(v2sf) =	vpush v63, $0x8  }
0x2d4: {  	[tilespmem:s25], [sflag:$0x1] =	stream.linear.gather [hbm4b:s23+s1], $0x400, $0x38;
	[tilespmem:$0x10600] =	vst v63  }
0x2d5: {  	s23 =	sand.u32 $0xFFFFF80, s24;
	s24 =	spop (v2sf);
	(v2sf) =	vpush v1, $0x9  }
0x2d6: {  	s25 =	simm.s32 $0x5C00;
	s23 =	sadd.s32 s4, s23  }
0x2d7: {  	[tilespmem:s25], [sflag:$0x1] =	stream.linear.gather [hbm4b:s23+s1], $0x400, $0x38;
	[tilespmem:$0x10600] =	vst v63  }
0x2d8: {  	s23 =	sand.u32 $0xFFFFF80, s24;
	s24 =	spop (v2sf);
	(v2sf) =	vpush v63, $0x9;
	_ =	sdelay $0x3  }
0x2d9: {  	s25 =	simm.s32 $0x2000;
	s23 =	sadd.s32 s3, s23  }
0x2da: {  	[tilespmem:s25], [sflag:$0x1] =	stream.linear.gather [hbm4b:s23+s1], $0x400, $0x38;
	[tilespmem:$0x10600] =	vst v63  }
0x2db: {  	s23 =	sand.u32 $0xFFFFF80, s24;
	s24 =	spop (v2sf);
	(v2sf) =	vpush v1, $0xA  }
0x2dc: {  	s25 =	simm.s32 $0x6000;
	s23 =	sadd.s32 s4, s23  }
0x2dd: {  	[tilespmem:s25], [sflag:$0x1] =	stream.linear.gather [hbm4b:s23+s1], $0x400, $0x38;
	[tilespmem:$0x10600] =	vst v63  }
0x2de: {  	s23 =	sand.u32 $0xFFFFF80, s24  }
0x2df: {  	s25 =	simm.s32 $0x2400;
	s23 =	sadd.s32 s3, s23;
	s24 =	spop (v2sf);
	(v2sf) =	vpush v63, $0xA  }
0x2e0: {  	[tilespmem:s25], [sflag:$0x1] =	stream.linear.gather [hbm4b:s23+s1], $0x400, $0x38;
	[tilespmem:$0x10600] =	vst v63  }
0x2e1: {  	s23 =	sand.u32 $0xFFFFF80, s24;
	s24 =	spop (v2sf);
	(v2sf) =	vpush v1, $0xB  }
0x2e2: {  	s25 =	simm.s32 $0x6400;
	s23 =	sadd.s32 s4, s23  }
0x2e3: {  	[tilespmem:s25], [sflag:$0x1] =	stream.linear.gather [hbm4b:s23+s1], $0x400, $0x38;
	[tilespmem:$0x10600] =	vst v63  }
0x2e4: {  	s23 =	sand.u32 $0xFFFFF80, s24;
	s24 =	spop (v2sf);
	(v2sf) =	vpush v63, $0xB;
	_ =	sdelay $0x3  }
0x2e5: {  	s25 =	simm.s32 $0x2800;
	s23 =	sadd.s32 s3, s23  }
0x2e6: {  	[tilespmem:s25], [sflag:$0x1] =	stream.linear.gather [hbm4b:s23+s1], $0x400, $0x38;
	[tilespmem:$0x10600] =	vst v63  }
0x2e7: {  	s23 =	sand.u32 $0xFFFFF80, s24;
	s24 =	spop (v2sf);
	(v2sf) =	vpush v1, $0xC  }
0x2e8: {  	s25 =	simm.s32 $0x6800;
	s23 =	sadd.s32 s4, s23  }
0x2e9: {  	[tilespmem:s25], [sflag:$0x1] =	stream.linear.gather [hbm4b:s23+s1], $0x400, $0x38;
	[tilespmem:$0x10600] =	vst v63  }
0x2ea: {  	s23 =	sand.u32 $0xFFFFF80, s24  }
0x2eb: {  	s25 =	simm.s32 $0x2C00;
	s23 =	sadd.s32 s3, s23;
	s24 =	spop (v2sf);
	(v2sf) =	vpush v63, $0xC  }
0x2ec: {  	[tilespmem:s25], [sflag:$0x1] =	stream.linear.gather [hbm4b:s23+s1], $0x400, $0x38;
	[tilespmem:$0x10600] =	vst v63  }
0x2ed: {  	s23 =	sand.u32 $0xFFFFF80, s24;
	s24 =	spop (v2sf);
	(v2sf) =	vpush v1, $0xD  }
0x2ee: {  	s25 =	simm.s32 $0x6C00;
	s23 =	sadd.s32 s4, s23  }
0x2ef: {  	[tilespmem:s25], [sflag:$0x1] =	stream.linear.gather [hbm4b:s23+s1], $0x400, $0x38;
	[tilespmem:$0x10600] =	vst v63  }
0x2f0: {  	s23 =	sand.u32 $0xFFFFF80, s24;
	s24 =	spop (v2sf);
	(v2sf) =	vpush v63, $0xD;
	_ =	sdelay $0x3  }
0x2f1: {  	s25 =	simm.s32 $0x3000;
	s23 =	sadd.s32 s3, s23  }
0x2f2: {  	[tilespmem:s25], [sflag:$0x1] =	stream.linear.gather [hbm4b:s23+s1], $0x400, $0x38;
	[tilespmem:$0x10600] =	vst v63  }
0x2f3: {  	s23 =	sand.u32 $0xFFFFF80, s24;
	s24 =	spop (v2sf);
	(v2sf) =	vpush v1, $0xE  }
0x2f4: {  	s25 =	simm.s32 $0x7000;
	s23 =	sadd.s32 s4, s23  }
0x2f5: {  	[tilespmem:s25], [sflag:$0x1] =	stream.linear.gather [hbm4b:s23+s1], $0x400, $0x38;
	[tilespmem:$0x10600] =	vst v63  }
0x2f6: {  	s23 =	sand.u32 $0xFFFFF80, s24  }
0x2f7: {  	s25 =	simm.s32 $0x3400;
	s23 =	sadd.s32 s3, s23;
	s24 =	spop (v2sf);
	(v2sf) =	vpush v63, $0xE  }
0x2f8: {  	[tilespmem:s25], [sflag:$0x1] =	stream.linear.gather [hbm4b:s23+s1], $0x400, $0x38;
	[tilespmem:$0x10600] =	vst v63  }
0x2f9: {  	s23 =	sand.u32 $0xFFFFF80, s24;
	s24 =	spop (v2sf);
	(v2sf) =	vpush v1, $0xF  }
0x2fa: {  	s25 =	simm.s32 $0x7400;
	s23 =	sadd.s32 s4, s23  }
0x2fb: {  	[tilespmem:s25], [sflag:$0x1] =	stream.linear.gather [hbm4b:s23+s1], $0x400, $0x38;
	[tilespmem:$0x10600] =	vst v63  }
0x2fc: {  	s23 =	sand.u32 $0xFFFFF80, s24;
	s24 =	spop (v2sf);
	(v2sf) =	vpush v63, $0xF  }
0x2fd: {  	s25 =	simm.s32 $0x3800;
	s23 =	sadd.s32 s3, s23  }
0x2fe: {  	[tilespmem:s25], [sflag:$0x1] =	stream.linear.gather [hbm4b:s23+s1], $0x400, $0x38;
	[tilespmem:$0x10600] =	vst v63  }
0x2ff: {  	s23 =	sand.u32 $0xFFFFF80, s24  }
0x300: {  	s25 =	simm.s32 $0x7800;
	s23 =	sadd.s32 s4, s23  }
0x301: {  	[tilespmem:s25], [sflag:$0x1] =	stream.linear.gather [hbm4b:s23+s1], $0x400, $0x38;
	[tilespmem:$0x10600] =	vst v63  }
0x302: {  	s24 =	spop (v2sf)  }
0x303: {  	s23 =	sand.u32 $0xFFFFF80, s24  }
0x304: {  	s25 =	simm.s32 $0x3C00;
	s23 =	sadd.s32 s3, s23  }
0x305: {  	[tilespmem:s25], [sflag:$0x1] =	stream.linear.gather [hbm4b:s23+s1], $0x400, $0x38;
	[tilespmem:$0x10600] =	vst v63  }
0x306: {  	s24 =	spop (v2sf)  }
0x307: {  	s23 =	sand.u32 $0xFFFFF80, s24  }
0x308: {  	s25 =	simm.s32 $0x7C00;
	s24 =	spop (v2sf);
	s23 =	sadd.s32 s4, s23  }
0x309: {  	[tilespmem:s25], [sflag:$0x1] =	stream.linear.gather [hbm4b:s23+s1], $0x400, $0x38;
	[tilespmem:$0x10600] =	vst v63  }
0x30a: {  	s23 =	sand.u32 $0xFFFFF80, s24;
	s25 =	simm.s32 $0x4000  }
.Ltmp5:
0x30b: {  	s24 =	spop (v2sf);
	s23 =	sadd.s32 s3, s23;
	(pc) =	sbr.rel .LBB2_4-.Ltmp5, $4  }
0x30c: {  	[tilespmem:s25], [sflag:$0x1] =	stream.linear.gather [hbm4b:s23+s1], $0x400, $0x38;
	[tilespmem:$0x10600] =	vst v63  }
0x30d: {  	s23 =	sand.u32 $0xFFFFF80, s24  }
0x30e: {  	s25 =	simm.s32 $0x8000;
	s23 =	sadd.s32 s4, s23  }
0x30f: {  	[tilespmem:s25], [sflag:$0x1] =	stream.linear.gather [hbm4b:s23+s1], $0x400, $0x38;
	[tilespmem:$0x10600] =	vst v63  }
.LBB2_6:
0x310: {  	_ =	sfence.sel $0x180000  }
0x311: {  	[bflag:$0x0] =	sbarrier.arrive $0xFFFF  }
0x312: {  	_ =	strace $0x90000047  }
0x313: {  	s0 =	stileid.u32;
	[bflag:$0x2] =	sbarrier.arrive $0xFFFF  }
0x314: {  	p0 =	sne.s32 s0, $0x0;
	s0 =	rddreg [dreg:$0x4]  }
0x315: {  	s0 =	sadd.s32 @!p0 $0x100000, s0  }
0x316: {  	[sflag:s0] =	ssyncadd.tile.s32 @!p0 $0x1;
	_ =	shalt  }
.Lfunc_end2:
_tile_overlayer_lowered:
.L_overlay_start_2:
0x317: {  	(tag) =	ssettag $0x2  }
0x318: {  	s0 =	rddreg [dreg:$0x0];
	s2 =	stileid.u32  }
0x319: {  	s1 =	rddreg [dreg:$0x1];
	p0 =	sne.s32 s2, $0x0  }
0x31a: {  	s3 =	rddreg [dreg:$0x2];
	[bflag:$0x3] =	sbarrier.arrive $0xFFFF;
	s2 =	simm.s32 @!p0 $0x1C03  }
0x31b: {  	[timem:s3], [sflag:s2] =	dma.local @!p0 [hbm:s0], s1  }
0x31c: {  	s0 =	simm.s32 @!p0 $0x3  }
0x31d: {  	_ =	swait.ge @!p0 [sflag:s0], s1  }
0x31e: {  	s1 =	ssub.s32 @!p0 $0x0, s1;
	[sflag:s0] =	ssyncset.done @!p0 $0x0  }
0x31f: {  	[sflag:s0] =	ssyncadd.s32 @!p0 s1  }
0x320: {  	[bflag:$0x3] =	sbarrier.arrive $0xFFFF  }
0x321: {  	_ =	shalt  }

</sc_bundles>
